<compile_context>
chip_gen: v7x
topology: tpu7x:2x2x1
jax: 0.10.2.dev20260603
libtpu: 0.0.44.dev20260713+nightly
codegen_flags: <defaults>
</compile_context>

<pallas_src>
import functools

import jax
import jax.numpy as jnp
from jax import lax
from jax.experimental import pallas as pl
from jax.experimental.pallas import tpu as pltpu
from jax.experimental.pallas import tpu_sc as plsc

N_NODES = 3_000_000
E_EDGES = 3_200_000
NGRAM = 5

CN = 1_536_000
DUMP = 8_192
ACC = CN + DUMP
ZSLICE = ACC // 16
BLKE = 5_120
NBLK = E_EDGES // BLKE
NBQ, NBR = divmod(NBLK, 16)
NBS = NBQ + 1
WB = CN // 16

DEDGE = 64_000
DGRID = E_EDGES // DEDGE


def _data_body(w_ref, f_ref, v_ref, o_ref):
    s = jnp.sum(f_ref[...] * w_ref[...], axis=0, keepdims=True)
    o_ref[0] = s * v_ref[0]


def _compute_data(features, values, a0_weight):
    ft = features.T
    v3d = values.reshape(DGRID, 1, DEDGE)
    out = pl.pallas_call(
        _data_body,
        grid=(DGRID,),
        in_specs=[
            pl.BlockSpec((NGRAM, 1), lambda i: (0, 0)),
            pl.BlockSpec((NGRAM, DEDGE), lambda i: (0, i)),
            pl.BlockSpec((1, 1, DEDGE), lambda i: (i, 0, 0)),
        ],
        out_specs=pl.BlockSpec((1, 1, DEDGE), lambda i: (i, 0, 0)),
        out_shape=jax.ShapeDtypeStruct((DGRID, 1, DEDGE), jnp.float32),
    )(a0_weight.reshape(NGRAM, 1), ft, v3d)
    return out.reshape(E_EDGES)


def _sc_scatter_body(rows_hbm, cols_hbm, data_hbm, zeros_hbm,
                     ind_hbm, mem3_hbm, acc, nbufa, dbufa, nbufb, dbufb,
                     ibuf, wsem, sema, semb):
    c = lax.axis_index("c")
    s = lax.axis_index("s")
    nb = jnp.where(s < NBR, NBQ + 1, NBQ)
    start = s * NBQ + jnp.minimum(s, NBR)

    def scan(src_hbm, p, ind_row):
        def fire(i, nbuf, dbuf, sem):
            base = jnp.where(i < nb, start + i, 0) * BLKE
            pltpu.async_copy(src_hbm.at[pl.ds(base, BLKE)], nbuf, sem)
            pltpu.async_copy(data_hbm.at[pl.ds(base, BLKE)], dbuf, sem)

        def proc(i, nbuf, dbuf, sem):
            pltpu.make_async_copy(
                src_hbm.at[pl.ds(0, BLKE)], nbuf, sem).wait()
            pltpu.make_async_copy(
                data_hbm.at[pl.ds(0, BLKE)], dbuf, sem).wait()
            valid = i < nb
            base = jnp.where(valid, start + i, 0) * BLKE
            vbias = jnp.where(valid, 0, 1 << 24)
            if p == 0:
                pltpu.sync_copy(nbuf, ind_hbm.at[ind_row, pl.ds(base, BLKE)])

            def chunk(cj, carry2):
                for u in range(16):
                    off = cj * 256 + u * 16
                    r = nbuf[pl.ds(off, 16)]
                    if p == 0:
                        rr = r + vbias
                        sel = rr < CN
                        loc = rr
                    else:
                        rr = r - vbias
                        sel = rr >= CN
                        loc = rr - CN
                    ibuf[pl.ds(off, 16)] = jnp.where(
                        sel, loc, CN + jnp.bitwise_and(rr, DUMP - 1))
                return carry2
            lax.fori_loop(0, BLKE // 256, chunk, 0)
            pltpu.sync_copy(dbuf, acc.at[ibuf], add=True)

        fire(0, nbufa, dbufa, sema)

        def body2(h, carry):
            i0 = 2 * h
            fire(i0 + 1, nbufb, dbufb, semb)
            proc(i0, nbufa, dbufa, sema)

            @pl.when(h < NBS // 2 - 1)
            def _():
                fire(i0 + 2, nbufa, dbufa, sema)

            proc(i0 + 1, nbufb, dbufb, semb)
            return carry
        lax.fori_loop(0, NBS // 2, body2, 0)

    for p in range(2):
        pltpu.sync_copy(zeros_hbm, acc.at[pl.ds(s * ZSLICE, ZSLICE)])
        plsc.subcore_barrier()

        @pl.when(c == 0)
        def _():
            scan(rows_hbm, p, 0)

        @pl.when(c == 1)
        def _():
            scan(cols_hbm, p, 1)

        plsc.subcore_barrier()

        gbase = p * (CN // 128) + s * (WB // 128)

        def wb(g, carry):
            pltpu.async_copy(acc.at[pl.ds(s * WB + g * 128, 128)],
                             mem3_hbm.at[gbase + g, c], wsem)
            return carry
        lax.fori_loop(0, WB // 128, wb, 0)
        pltpu.make_async_copy(data_hbm.at[pl.ds(0, WB)],
                              acc.at[pl.ds(s * WB, WB)], wsem).wait()

        plsc.subcore_barrier()


_sc_scatter = functools.partial(
    pl.kernel,
    out_type=(jax.ShapeDtypeStruct((2, E_EDGES), jnp.int32),
              jax.ShapeDtypeStruct((2 * CN // 128, 2, 128), jnp.float32)),
    mesh=plsc.VectorSubcoreMesh(core_axis_name="c", subcore_axis_name="s"),
    scratch_types=[
        pltpu.VMEM_SHARED((ACC,), jnp.float32),
        pltpu.VMEM((BLKE,), jnp.int32),
        pltpu.VMEM((BLKE,), jnp.float32),
        pltpu.VMEM((BLKE,), jnp.int32),
        pltpu.VMEM((BLKE,), jnp.float32),
        pltpu.VMEM((BLKE,), jnp.int32),
        pltpu.SemaphoreType.DMA,
        pltpu.SemaphoreType.DMA,
        pltpu.SemaphoreType.DMA,
    ],
)(_sc_scatter_body)


def kernel(values, features, rows, cols, a0_weight):
    data = _compute_data(features, values, a0_weight)
    zeros = jnp.zeros((ZSLICE,), jnp.float32)
    indices, mem3 = _sc_scatter(rows, cols, data, zeros)
    mem = mem3.transpose(0, 2, 1).reshape(2 * CN, 2)[:N_NODES]
    return (indices, data, mem)

# --- scband reference (transcript-rebuilt; emitter-appended) ---
"""Pipeline reference for scband-bert4-eth-pr-data-46067819217007 (READ-ONLY COPY).

The authoritative reference and input builder live on the scoring server;
editing this copy changes nothing except your own understanding.
"""

import jax, jax.numpy as jnp
import numpy as np

NUM_NODES = 3000000
E = 3200000
NGRAM = 5

def setup_inputs(seed: int = 0) -> dict:
    key = jax.random.key(seed)
    k1, k2, k3, k4, k5 = jax.random.split(key, 5)
    values = jax.random.uniform(k1, (E,), dtype=jnp.float32)
    features = jax.random.normal(k2, (E, NGRAM), dtype=jnp.float32)
    rows = jax.random.randint(k3, (E,), 0, NUM_NODES, dtype=jnp.int32)
    cols = jax.random.randint(k4, (E,), 0, NUM_NODES, dtype=jnp.int32)
    a0_weight = jax.random.uniform(k5, (1, NGRAM), dtype=jnp.float32)
    return {"values": values, "features": features, "rows": rows, "cols": cols, "a0_weight": a0_weight}

def reference(values, features, rows, cols, a0_weight):
    # weighted_value = value * sum(a0_weight * features) per transaction (vectorized over all edges)
    data = values * jnp.sum(a0_weight * features, axis=-1)
    # COO indices of the sparse adjacency matrix (torch.sparse_coo_tensor indices)
    indices = jnp.stack([rows, cols])
    # scatter-add weighted values into per-node memory: col 0 = out-edge sums (by row id),
    # col 1 = in-edge sums (by col id). This is the coalescing/accumulation step of the
    # sparse adjacency construction expressed as a dense scatter into node memory.
    mem = jnp.zeros((NUM_NODES, 2), dtype=jnp.float32)
    mem = mem.at[rows, 0].add(data)
    mem = mem.at[cols, 1].add(data)
    return (indices, data, mem)

if __name__ == "__main__":
    import jax
    _d = setup_inputs()
    print(jax.jit(kernel)(*tuple(_d.values())))

</pallas_src>

<mosaic_0001>
#map = affine_map<(d0, d1) -> (0)>
#map1 = affine_map<(d0, d1) -> (0, 0)>
#map2 = affine_map<(d0, d1) -> (0, 0, 0)>
module attributes {stable_mosaic.version = 14 : i64} {
  func.func @_sc_scatter_body(%arg0: i32, %arg1: i32, %arg2: memref<3200000xi32, #tpu.memory_space<hbm>>, %arg3: memref<3200000xi32, #tpu.memory_space<hbm>>, %arg4: memref<3200000xf32, #tpu.memory_space<hbm>>, %arg5: memref<96512xf32, #tpu.memory_space<hbm>>, %arg6: memref<2x3200000xi32, #tpu.memory_space<hbm>>, %arg7: memref<24000x2x128xf32, #tpu.memory_space<hbm>>, %arg8: memref<1544192xf32, #tpu.memory_space<vmem_shared>>, %arg9: memref<5120xi32, #tpu.memory_space<vmem>>, %arg10: memref<5120xf32, #tpu.memory_space<vmem>>, %arg11: memref<5120xi32, #tpu.memory_space<vmem>>, %arg12: memref<5120xf32, #tpu.memory_space<vmem>>, %arg13: memref<5120xi32, #tpu.memory_space<vmem>>, %arg14: memref<!tpu.dma_semaphore, #tpu.memory_space<semaphore_mem>>, %arg15: memref<!tpu.dma_semaphore, #tpu.memory_space<semaphore_mem>>, %arg16: memref<!tpu.dma_semaphore, #tpu.memory_space<semaphore_mem>>) attributes {dimension_semantics = [#tpu.dimension_semantics<core_parallel>, #tpu.dimension_semantics<subcore_parallel>], iteration_bounds = array<i64: 2, 16>, scalar_prefetch = 0 : i64, scratch_operands = 9 : i64, tpu.core_type = #tpu.core_type<sc_vector_subcore>, window_params = [{transform_indices = #map}, {transform_indices = #map}, {transform_indices = #map}, {transform_indices = #map}, {transform_indices = #map1}, {transform_indices = #map2}]} {
    %lt3A = arith.constant 1 : i32
    %lt3A_0 = arith.cmpi slt, %arg1, %lt3A : i32
    %jit3A = arith.constant 40 : i32
    %jit3A_1 = arith.constant 39 : i32
    %select_n3A = arith.select %lt3A_0, %jit3A, %jit3A_1 : i32
    %mul3A = arith.constant 39 : i32
    %mul3A_2 = arith.muli %arg1, %mul3A : i32
    %min3A = arith.constant 1 : i32
    %min3A_3 = arith.minsi %arg1, %min3A : i32
    %add3A = arith.addi %mul3A_2, %min3A_3 : i32
    %mul3A_4 = arith.constant 96512 : i32
    %mul3A_5 = arith.muli %arg1, %mul3A_4 : i32
    "tpu.region"() ({
      %run_scoped3A = tpu.sem_alloc : memref<!tpu.dma_semaphore, #tpu.memory_space<semaphore_mem>>
      %dma_start3A = tpu.memref_slice %arg8[%mul3A_5] : memref<1544192xf32, #tpu.memory_space<vmem_shared>> -> memref<96512xf32, #tpu.memory_space<vmem_shared>>
      tpu.enqueue_dma source(%arg5 : memref<96512xf32, #tpu.memory_space<hbm>>) target(%dma_start3A : memref<96512xf32, #tpu.memory_space<vmem_shared>>) target_semaphore(%run_scoped3A : memref<!tpu.dma_semaphore, #tpu.memory_space<semaphore_mem>>)
      %dma_wait3A_58 = tpu.memref_slice %arg8[%mul3A_5] : memref<1544192xf32, #tpu.memory_space<vmem_shared>> -> memref<96512xf32, #tpu.memory_space<vmem_shared>>
      tpu.wait_dma2 semaphore(%run_scoped3A : memref<!tpu.dma_semaphore, #tpu.memory_space<semaphore_mem>>) src(%arg5 : memref<96512xf32, #tpu.memory_space<hbm>>) dst(%dma_wait3A_58 : memref<96512xf32, #tpu.memory_space<vmem_shared>>)
      tpu.yield
    }) : () -> ()
    %barrier3A = arith.constant 0 : index
    tpu.barrier barrier_id(%barrier3A)
    %eq3A = arith.constant 0 : i32
    %eq3A_6 = arith.cmpi eq, %arg0, %eq3A : i32
    %convert_element_type3A = arith.extui %eq3A_6 : i1 to i32
    %cond3A = arith.constant 0 : i32
    %cond3A_7 = arith.cmpi ne, %convert_element_type3A, %cond3A : i32
    scf.if %cond3A_7 {
      %gt3A = arith.constant 0 : i32
      %gt3A_58 = arith.cmpi sgt, %select_n3A, %gt3A : i32
      %add3A_59 = arith.constant 0 : i32
      %add3A_60 = arith.addi %add3A, %add3A_59 : i32
      %jit3A_61 = arith.constant 0 : i32
      %select_n3A_62 = arith.select %gt3A_58, %add3A_60, %jit3A_61 : i32
      %mul3A_63 = arith.constant 5120 : i32
      %mul3A_64 = arith.muli %select_n3A_62, %mul3A_63 : i32
      %dma_start3A = tpu.memref_slice %arg2[%mul3A_64] : memref<3200000xi32, #tpu.memory_space<hbm>> -> memref<5120xi32, #tpu.memory_space<hbm>>
      %dma_start3A_65 = tpu.memref_slice %arg2[%mul3A_64] : memref<3200000xi32, #tpu.memory_space<hbm>> -> memref<5120xi32, #tpu.memory_space<hbm>>
      tpu.enqueue_dma source(%dma_start3A_65 : memref<5120xi32, #tpu.memory_space<hbm>>) target(%arg9 : memref<5120xi32, #tpu.memory_space<vmem>>) target_semaphore(%arg15 : memref<!tpu.dma_semaphore, #tpu.memory_space<semaphore_mem>>)
      %dma_start3A_66 = tpu.memref_slice %arg4[%mul3A_64] : memref<3200000xf32, #tpu.memory_space<hbm>> -> memref<5120xf32, #tpu.memory_space<hbm>>
      %dma_start3A_67 = tpu.memref_slice %arg4[%mul3A_64] : memref<3200000xf32, #tpu.memory_space<hbm>> -> memref<5120xf32, #tpu.memory_space<hbm>>
      tpu.enqueue_dma source(%dma_start3A_67 : memref<5120xf32, #tpu.memory_space<hbm>>) target(%arg10 : memref<5120xf32, #tpu.memory_space<vmem>>) target_semaphore(%arg15 : memref<!tpu.dma_semaphore, #tpu.memory_space<semaphore_mem>>)
      %scan3A_68 = arith.constant 0 : i32
      %scan3A_69 = arith.constant 0 : i32
      %scan3A_70 = arith.constant 20 : i32
      %scan3A_71 = arith.addi %scan3A_69, %scan3A_70 : i32
      %scan3A_72 = arith.constant 1 : i32
      scf.for %scan3A_74 = %scan3A_69 to %scan3A_71 step %scan3A_72  : i32 {
        %mul3A_75 = arith.constant 2 : i32
        %mul3A_76 = arith.muli %mul3A_75, %scan3A_74 : i32
        %add3A_77 = arith.constant 1 : i32
        %add3A_78 = arith.addi %mul3A_76, %add3A_77 : i32
        %lt3A_79 = arith.cmpi slt, %add3A_78, %select_n3A : i32
        %add3A_80 = arith.addi %add3A, %add3A_78 : i32
        %jit3A_81 = arith.constant 0 : i32
        %select_n3A_82 = arith.select %lt3A_79, %add3A_80, %jit3A_81 : i32
        %mul3A_83 = arith.constant 5120 : i32
        %mul3A_84 = arith.muli %select_n3A_82, %mul3A_83 : i32
        %dma_start3A_85 = tpu.memref_slice %arg2[%mul3A_84] : memref<3200000xi32, #tpu.memory_space<hbm>> -> memref<5120xi32, #tpu.memory_space<hbm>>
        %dma_start3A_86 = tpu.memref_slice %arg2[%mul3A_84] : memref<3200000xi32, #tpu.memory_space<hbm>> -> memref<5120xi32, #tpu.memory_space<hbm>>
        tpu.enqueue_dma source(%dma_start3A_86 : memref<5120xi32, #tpu.memory_space<hbm>>) target(%arg11 : memref<5120xi32, #tpu.memory_space<vmem>>) target_semaphore(%arg16 : memref<!tpu.dma_semaphore, #tpu.memory_space<semaphore_mem>>)
        %dma_start3A_87 = tpu.memref_slice %arg4[%mul3A_84] : memref<3200000xf32, #tpu.memory_space<hbm>> -> memref<5120xf32, #tpu.memory_space<hbm>>
        %dma_start3A_88 = tpu.memref_slice %arg4[%mul3A_84] : memref<3200000xf32, #tpu.memory_space<hbm>> -> memref<5120xf32, #tpu.memory_space<hbm>>
        tpu.enqueue_dma source(%dma_start3A_88 : memref<5120xf32, #tpu.memory_space<hbm>>) target(%arg12 : memref<5120xf32, #tpu.memory_space<vmem>>) target_semaphore(%arg16 : memref<!tpu.dma_semaphore, #tpu.memory_space<semaphore_mem>>)
        %dma_wait3A_89 = arith.constant 0 : i32
        %dma_wait3A_90 = tpu.memref_slice %arg2[%dma_wait3A_89] : memref<3200000xi32, #tpu.memory_space<hbm>> -> memref<5120xi32, #tpu.memory_space<hbm>>
        %dma_wait3A_91 = arith.constant 0 : i32
        %dma_wait3A_92 = tpu.memref_slice %arg2[%dma_wait3A_91] : memref<3200000xi32, #tpu.memory_space<hbm>> -> memref<5120xi32, #tpu.memory_space<hbm>>
        tpu.wait_dma2 semaphore(%arg15 : memref<!tpu.dma_semaphore, #tpu.memory_space<semaphore_mem>>) src(%dma_wait3A_92 : memref<5120xi32, #tpu.memory_space<hbm>>) dst(%arg9 : memref<5120xi32, #tpu.memory_space<vmem>>)
        %dma_wait3A_93 = arith.constant 0 : i32
        %dma_wait3A_94 = tpu.memref_slice %arg4[%dma_wait3A_93] : memref<3200000xf32, #tpu.memory_space<hbm>> -> memref<5120xf32, #tpu.memory_space<hbm>>
        %dma_wait3A_95 = arith.constant 0 : i32
        %dma_wait3A_96 = tpu.memref_slice %arg4[%dma_wait3A_95] : memref<3200000xf32, #tpu.memory_space<hbm>> -> memref<5120xf32, #tpu.memory_space<hbm>>
        tpu.wait_dma2 semaphore(%arg15 : memref<!tpu.dma_semaphore, #tpu.memory_space<semaphore_mem>>) src(%dma_wait3A_96 : memref<5120xf32, #tpu.memory_space<hbm>>) dst(%arg10 : memref<5120xf32, #tpu.memory_space<vmem>>)
        %lt3A_97 = arith.cmpi slt, %mul3A_76, %select_n3A : i32
        %add3A_98 = arith.addi %add3A, %mul3A_76 : i32
        %jit3A_99 = arith.constant 0 : i32
        %select_n3A_100 = arith.select %lt3A_97, %add3A_98, %jit3A_99 : i32
        %mul3A_101 = arith.constant 5120 : i32
        %mul3A_102 = arith.muli %select_n3A_100, %mul3A_101 : i32
        %jit3A_103 = arith.constant 0 : i32
        %jit3A_104 = arith.constant 16777216 : i32
        %select_n3A_105 = arith.select %lt3A_97, %jit3A_103, %jit3A_104 : i32
        %run_scoped3A = arith.constant 0 : i32
        "tpu.region"() ({
          %run_scoped3A_143 = tpu.sem_alloc : memref<!tpu.dma_semaphore, #tpu.memory_space<semaphore_mem>>
          %dma_start3A_144 = tpu.memref_slice %arg6[%run_scoped3A, %mul3A_102] : memref<2x3200000xi32, #tpu.memory_space<hbm>> -> memref<1x5120xi32, #tpu.memory_space<hbm>>
          %dma_start3A_145 = tpu.memref_squeeze %dma_start3A_144 : memref<1x5120xi32, #tpu.memory_space<hbm>> -> memref<5120xi32, #tpu.memory_space<hbm>>
          %dma_start3A_146 = tpu.memref_slice %arg6[%run_scoped3A, %mul3A_102] : memref<2x3200000xi32, #tpu.memory_space<hbm>> -> memref<1x5120xi32, #tpu.memory_space<hbm>>
          %dma_start3A_147 = tpu.memref_squeeze %dma_start3A_146 : memref<1x5120xi32, #tpu.memory_space<hbm>> -> memref<5120xi32, #tpu.memory_space<hbm>>
          tpu.enqueue_dma source(%arg9 : memref<5120xi32, #tpu.memory_space<vmem>>) target(%dma_start3A_147 : memref<5120xi32, #tpu.memory_space<hbm>>) target_semaphore(%run_scoped3A_143 : memref<!tpu.dma_semaphore, #tpu.memory_space<semaphore_mem>>)
          %dma_wait3A_148 = tpu.memref_slice %arg6[%run_scoped3A, %mul3A_102] : memref<2x3200000xi32, #tpu.memory_space<hbm>> -> memref<1x5120xi32, #tpu.memory_space<hbm>>
          %dma_wait3A_149 = tpu.memref_squeeze %dma_wait3A_148 : memref<1x5120xi32, #tpu.memory_space<hbm>> -> memref<5120xi32, #tpu.memory_space<hbm>>
          %dma_wait3A_150 = tpu.memref_slice %arg6[%run_scoped3A, %mul3A_102] : memref<2x3200000xi32, #tpu.memory_space<hbm>> -> memref<1x5120xi32, #tpu.memory_space<hbm>>
          %dma_wait3A_151 = tpu.memref_squeeze %dma_wait3A_150 : memref<1x5120xi32, #tpu.memory_space<hbm>> -> memref<5120xi32, #tpu.memory_space<hbm>>
          tpu.wait_dma2 semaphore(%run_scoped3A_143 : memref<!tpu.dma_semaphore, #tpu.memory_space<semaphore_mem>>) src(%arg9 : memref<5120xi32, #tpu.memory_space<vmem>>) dst(%dma_wait3A_151 : memref<5120xi32, #tpu.memory_space<hbm>>)
          tpu.yield
        }) : () -> ()
        %scan3A_106 = arith.constant 0 : i32
        %scan3A_107 = arith.constant 0 : i32
        %scan3A_108 = arith.constant 20 : i32
        %scan3A_109 = arith.addi %scan3A_107, %scan3A_108 : i32
        %scan3A_110 = arith.constant 1 : i32
        scf.for %scan3A_143 = %scan3A_107 to %scan3A_109 step %scan3A_110  : i32 {
          %mul3A_144 = arith.constant 256 : i32
          %mul3A_145 = arith.muli %scan3A_143, %mul3A_144 : i32
          %add3A_146 = arith.constant 0 : i32
          %add3A_147 = arith.addi %mul3A_145, %add3A_146 : i32
          %get3A = arith.index_cast %add3A_147 : i32 to index
          %get3A_148 = tpu.vector_load %arg9[%get3A] {strides = array<i32>} : memref<5120xi32, #tpu.memory_space<vmem>>, vector<16xi32>,
          %get3A_149 = vector.shape_cast %get3A_148 : vector<16xi32> to vector<16xi32>
          %add3A_150 = vector.broadcast %select_n3A_105 : i32 to vector<16xi32>
          %add3A_151 = arith.addi %get3A_149, %add3A_150 : vector<16xi32>
          %lt3A_152 = arith.constant 1536000 : i32
          %lt3A_153 = vector.broadcast %lt3A_152 : i32 to vector<16xi32>
          %lt3A_154 = arith.cmpi slt, %add3A_151, %lt3A_153 : vector<16xi32>
          %and3A = arith.constant 8191 : i32
          %and3A_155 = vector.broadcast %and3A : i32 to vector<16xi32>
          %and3A_156 = arith.andi %add3A_151, %and3A_155 : vector<16xi32>
          %add3A_157 = arith.constant 1536000 : i32
          %add3A_158 = vector.broadcast %add3A_157 : i32 to vector<16xi32>
          %add3A_159 = arith.addi %add3A_158, %and3A_156 : vector<16xi32>
          %select_n3A_160 = arith.select %lt3A_154, %add3A_151, %add3A_159 : vector<16xi1>, vector<16xi32>
          %swap3A = arith.index_cast %add3A_147 : i32 to index
          %swap3A_161 = tpu.vector_load %arg13[%swap3A] {strides = array<i32>} : memref<5120xi32, #tpu.memory_space<vmem>>, vector<16xi32>,
          %swap3A_162 = vector.shape_cast %swap3A_161 : vector<16xi32> to vector<16xi32>
          %swap3A_163 = vector.shape_cast %select_n3A_160 : vector<16xi32> to vector<16xi32>
          tpu.vector_store %arg13[%swap3A], %swap3A_163 {strides = array<i32>} : memref<5120xi32, #tpu.memory_space<vmem>>, vector<16xi32>,
          %mul3A_164 = arith.constant 256 : i32
          %mul3A_165 = arith.muli %scan3A_143, %mul3A_164 : i32
          %add3A_166 = arith.constant 16 : i32
          %add3A_167 = arith.addi %mul3A_165, %add3A_166 : i32
          %get3A_168 = arith.index_cast %add3A_167 : i32 to index
          %get3A_169 = tpu.vector_load %arg9[%get3A_168] {strides = array<i32>} : memref<5120xi32, #tpu.memory_space<vmem>>, vector<16xi32>,
          %get3A_170 = vector.shape_cast %get3A_169 : vector<16xi32> to vector<16xi32>
          %add3A_171 = vector.broadcast %select_n3A_105 : i32 to vector<16xi32>
          %add3A_172 = arith.addi %get3A_170, %add3A_171 : vector<16xi32>
          %lt3A_173 = arith.constant 1536000 : i32
          %lt3A_174 = vector.broadcast %lt3A_173 : i32 to vector<16xi32>
          %lt3A_175 = arith.cmpi slt, %add3A_172, %lt3A_174 : vector<16xi32>
          %and3A_176 = arith.constant 8191 : i32
          %and3A_177 = vector.broadcast %and3A_176 : i32 to vector<16xi32>
          %and3A_178 = arith.andi %add3A_172, %and3A_177 : vector<16xi32>
          %add3A_179 = arith.constant 1536000 : i32
          %add3A_180 = vector.broadcast %add3A_179 : i32 to vector<16xi32>
          %add3A_181 = arith.addi %add3A_180, %and3A_178 : vector<16xi32>
          %select_n3A_182 = arith.select %lt3A_175, %add3A_172, %add3A_181 : vector<16xi1>, vector<16xi32>
          %swap3A_183 = arith.index_cast %add3A_167 : i32 to index
          %swap3A_184 = tpu.vector_load %arg13[%swap3A_183] {strides = array<i32>} : memref<5120xi32, #tpu.memory_space<vmem>>, vector<16xi32>,
          %swap3A_185 = vector.shape_cast %swap3A_184 : vector<16xi32> to vector<16xi32>
          %swap3A_186 = vector.shape_cast %select_n3A_182 : vector<16xi32> to vector<16xi32>
          tpu.vector_store %arg13[%swap3A_183], %swap3A_186 {strides = array<i32>} : memref<5120xi32, #tpu.memory_space<vmem>>, vector<16xi32>,
          %mul3A_187 = arith.constant 256 : i32
          %mul3A_188 = arith.muli %scan3A_143, %mul3A_187 : i32
          %add3A_189 = arith.constant 32 : i32
          %add3A_190 = arith.addi %mul3A_188, %add3A_189 : i32
          %get3A_191 = arith.index_cast %add3A_190 : i32 to index
          %get3A_192 = tpu.vector_load %arg9[%get3A_191] {strides = array<i32>} : memref<5120xi32, #tpu.memory_space<vmem>>, vector<16xi32>,
          %get3A_193 = vector.shape_cast %get3A_192 : vector<16xi32> to vector<16xi32>
          %add3A_194 = vector.broadcast %select_n3A_105 : i32 to vector<16xi32>
          %add3A_195 = arith.addi %get3A_193, %add3A_194 : vector<16xi32>
          %lt3A_196 = arith.constant 1536000 : i32
          %lt3A_197 = vector.broadcast %lt3A_196 : i32 to vector<16xi32>
          %lt3A_198 = arith.cmpi slt, %add3A_195, %lt3A_197 : vector<16xi32>
          %and3A_199 = arith.constant 8191 : i32
          %and3A_200 = vector.broadcast %and3A_199 : i32 to vector<16xi32>
          %and3A_201 = arith.andi %add3A_195, %and3A_200 : vector<16xi32>
          %add3A_202 = arith.constant 1536000 : i32
          %add3A_203 = vector.broadcast %add3A_202 : i32 to vector<16xi32>
          %add3A_204 = arith.addi %add3A_203, %and3A_201 : vector<16xi32>
          %select_n3A_205 = arith.select %lt3A_198, %add3A_195, %add3A_204 : vector<16xi1>, vector<16xi32>
          %swap3A_206 = arith.index_cast %add3A_190 : i32 to index
          %swap3A_207 = tpu.vector_load %arg13[%swap3A_206] {strides = array<i32>} : memref<5120xi32, #tpu.memory_space<vmem>>, vector<16xi32>,
          %swap3A_208 = vector.shape_cast %swap3A_207 : vector<16xi32> to vector<16xi32>
          %swap3A_209 = vector.shape_cast %select_n3A_205 : vector<16xi32> to vector<16xi32>
          tpu.vector_store %arg13[%swap3A_206], %swap3A_209 {strides = array<i32>} : memref<5120xi32, #tpu.memory_space<vmem>>, vector<16xi32>,
          %mul3A_210 = arith.constant 256 : i32
          %mul3A_211 = arith.muli %scan3A_143, %mul3A_210 : i32
          %add3A_212 = arith.constant 48 : i32
          %add3A_213 = arith.addi %mul3A_211, %add3A_212 : i32
          %get3A_214 = arith.index_cast %add3A_213 : i32 to index
          %get3A_215 = tpu.vector_load %arg9[%get3A_214] {strides = array<i32>} : memref<5120xi32, #tpu.memory_space<vmem>>, vector<16xi32>,
          %get3A_216 = vector.shape_cast %get3A_215 : vector<16xi32> to vector<16xi32>
          %add3A_217 = vector.broadcast %select_n3A_105 : i32 to vector<16xi32>
          %add3A_218 = arith.addi %get3A_216, %add3A_217 : vector<16xi32>
          %lt3A_219 = arith.constant 1536000 : i32
          %lt3A_220 = vector.broadcast %lt3A_219 : i32 to vector<16xi32>
          %lt3A_221 = arith.cmpi slt, %add3A_218, %lt3A_220 : vector<16xi32>
          %and3A_222 = arith.constant 8191 : i32
          %and3A_223 = vector.broadcast %and3A_222 : i32 to vector<16xi32>
          %and3A_224 = arith.andi %add3A_218, %and3A_223 : vector<16xi32>
          %add3A_225 = arith.constant 1536000 : i32
          %add3A_226 = vector.broadcast %add3A_225 : i32 to vector<16xi32>
          %add3A_227 = arith.addi %add3A_226, %and3A_224 : vector<16xi32>
          %select_n3A_228 = arith.select %lt3A_221, %add3A_218, %add3A_227 : vector<16xi1>, vector<16xi32>
          %swap3A_229 = arith.index_cast %add3A_213 : i32 to index
          %swap3A_230 = tpu.vector_load %arg13[%swap3A_229] {strides = array<i32>} : memref<5120xi32, #tpu.memory_space<vmem>>, vector<16xi32>,
          %swap3A_231 = vector.shape_cast %swap3A_230 : vector<16xi32> to vector<16xi32>
          %swap3A_232 = vector.shape_cast %select_n3A_228 : vector<16xi32> to vector<16xi32>
          tpu.vector_store %arg13[%swap3A_229], %swap3A_232 {strides = array<i32>} : memref<5120xi32, #tpu.memory_space<vmem>>, vector<16xi32>,
          %mul3A_233 = arith.constant 256 : i32
          %mul3A_234 = arith.muli %scan3A_143, %mul3A_233 : i32
          %add3A_235 = arith.constant 64 : i32
          %add3A_236 = arith.addi %mul3A_234, %add3A_235 : i32
          %get3A_237 = arith.index_cast %add3A_236 : i32 to index
          %get3A_238 = tpu.vector_load %arg9[%get3A_237] {strides = array<i32>} : memref<5120xi32, #tpu.memory_space<vmem>>, vector<16xi32>,
          %get3A_239 = vector.shape_cast %get3A_238 : vector<16xi32> to vector<16xi32>
          %add3A_240 = vector.broadcast %select_n3A_105 : i32 to vector<16xi32>
          %add3A_241 = arith.addi %get3A_239, %add3A_240 : vector<16xi32>
          %lt3A_242 = arith.constant 1536000 : i32
          %lt3A_243 = vector.broadcast %lt3A_242 : i32 to vector<16xi32>
          %lt3A_244 = arith.cmpi slt, %add3A_241, %lt3A_243 : vector<16xi32>
          %and3A_245 = arith.constant 8191 : i32
          %and3A_246 = vector.broadcast %and3A_245 : i32 to vector<16xi32>
          %and3A_247 = arith.andi %add3A_241, %and3A_246 : vector<16xi32>
          %add3A_248 = arith.constant 1536000 : i32
          %add3A_249 = vector.broadcast %add3A_248 : i32 to vector<16xi32>
          %add3A_250 = arith.addi %add3A_249, %and3A_247 : vector<16xi32>
          %select_n3A_251 = arith.select %lt3A_244, %add3A_241, %add3A_250 : vector<16xi1>, vector<16xi32>
          %swap3A_252 = arith.index_cast %add3A_236 : i32 to index
          %swap3A_253 = tpu.vector_load %arg13[%swap3A_252] {strides = array<i32>} : memref<5120xi32, #tpu.memory_space<vmem>>, vector<16xi32>,
          %swap3A_254 = vector.shape_cast %swap3A_253 : vector<16xi32> to vector<16xi32>
          %swap3A_255 = vector.shape_cast %select_n3A_251 : vector<16xi32> to vector<16xi32>
          tpu.vector_store %arg13[%swap3A_252], %swap3A_255 {strides = array<i32>} : memref<5120xi32, #tpu.memory_space<vmem>>, vector<16xi32>,
          %mul3A_256 = arith.constant 256 : i32
          %mul3A_257 = arith.muli %scan3A_143, %mul3A_256 : i32
          %add3A_258 = arith.constant 80 : i32
          %add3A_259 = arith.addi %mul3A_257, %add3A_258 : i32
          %get3A_260 = arith.index_cast %add3A_259 : i32 to index
          %get3A_261 = tpu.vector_load %arg9[%get3A_260] {strides = array<i32>} : memref<5120xi32, #tpu.memory_space<vmem>>, vector<16xi32>,
          %get3A_262 = vector.shape_cast %get3A_261 : vector<16xi32> to vector<16xi32>
          %add3A_263 = vector.broadcast %select_n3A_105 : i32 to vector<16xi32>
          %add3A_264 = arith.addi %get3A_262, %add3A_263 : vector<16xi32>
          %lt3A_265 = arith.constant 1536000 : i32
          %lt3A_266 = vector.broadcast %lt3A_265 : i32 to vector<16xi32>
          %lt3A_267 = arith.cmpi slt, %add3A_264, %lt3A_266 : vector<16xi32>
          %and3A_268 = arith.constant 8191 : i32
          %and3A_269 = vector.broadcast %and3A_268 : i32 to vector<16xi32>
          %and3A_270 = arith.andi %add3A_264, %and3A_269 : vector<16xi32>
          %add3A_271 = arith.constant 1536000 : i32
          %add3A_272 = vector.broadcast %add3A_271 : i32 to vector<16xi32>
          %add3A_273 = arith.addi %add3A_272, %and3A_270 : vector<16xi32>
          %select_n3A_274 = arith.select %lt3A_267, %add3A_264, %add3A_273 : vector<16xi1>, vector<16xi32>
          %swap3A_275 = arith.index_cast %add3A_259 : i32 to index
          %swap3A_276 = tpu.vector_load %arg13[%swap3A_275] {strides = array<i32>} : memref<5120xi32, #tpu.memory_space<vmem>>, vector<16xi32>,
          %swap3A_277 = vector.shape_cast %swap3A_276 : vector<16xi32> to vector<16xi32>
          %swap3A_278 = vector.shape_cast %select_n3A_274 : vector<16xi32> to vector<16xi32>
          tpu.vector_store %arg13[%swap3A_275], %swap3A_278 {strides = array<i32>} : memref<5120xi32, #tpu.memory_space<vmem>>, vector<16xi32>,
          %mul3A_279 = arith.constant 256 : i32
          %mul3A_280 = arith.muli %scan3A_143, %mul3A_279 : i32
          %add3A_281 = arith.constant 96 : i32
          %add3A_282 = arith.addi %mul3A_280, %add3A_281 : i32
          %get3A_283 = arith.index_cast %add3A_282 : i32 to index
          %get3A_284 = tpu.vector_load %arg9[%get3A_283] {strides = array<i32>} : memref<5120xi32, #tpu.memory_space<vmem>>, vector<16xi32>,
          %get3A_285 = vector.shape_cast %get3A_284 : vector<16xi32> to vector<16xi32>
          %add3A_286 = vector.broadcast %select_n3A_105 : i32 to vector<16xi32>
          %add3A_287 = arith.addi %get3A_285, %add3A_286 : vector<16xi32>
          %lt3A_288 = arith.constant 1536000 : i32
          %lt3A_289 = vector.broadcast %lt3A_288 : i32 to vector<16xi32>
          %lt3A_290 = arith.cmpi slt, %add3A_287, %lt3A_289 : vector<16xi32>
          %and3A_291 = arith.constant 8191 : i32
          %and3A_292 = vector.broadcast %and3A_291 : i32 to vector<16xi32>
          %and3A_293 = arith.andi %add3A_287, %and3A_292 : vector<16xi32>
          %add3A_294 = arith.constant 1536000 : i32
          %add3A_295 = vector.broadcast %add3A_294 : i32 to vector<16xi32>
          %add3A_296 = arith.addi %add3A_295, %and3A_293 : vector<16xi32>
          %select_n3A_297 = arith.select %lt3A_290, %add3A_287, %add3A_296 : vector<16xi1>, vector<16xi32>
          %swap3A_298 = arith.index_cast %add3A_282 : i32 to index
          %swap3A_299 = tpu.vector_load %arg13[%swap3A_298] {strides = array<i32>} : memref<5120xi32, #tpu.memory_space<vmem>>, vector<16xi32>,
          %swap3A_300 = vector.shape_cast %swap3A_299 : vector<16xi32> to vector<16xi32>
          %swap3A_301 = vector.shape_cast %select_n3A_297 : vector<16xi32> to vector<16xi32>
          tpu.vector_store %arg13[%swap3A_298], %swap3A_301 {strides = array<i32>} : memref<5120xi32, #tpu.memory_space<vmem>>, vector<16xi32>,
          %mul3A_302 = arith.constant 256 : i32
          %mul3A_303 = arith.muli %scan3A_143, %mul3A_302 : i32
          %add3A_304 = arith.constant 112 : i32
          %add3A_305 = arith.addi %mul3A_303, %add3A_304 : i32
          %get3A_306 = arith.index_cast %add3A_305 : i32 to index
          %get3A_307 = tpu.vector_load %arg9[%get3A_306] {strides = array<i32>} : memref<5120xi32, #tpu.memory_space<vmem>>, vector<16xi32>,
          %get3A_308 = vector.shape_cast %get3A_307 : vector<16xi32> to vector<16xi32>
          %add3A_309 = vector.broadcast %select_n3A_105 : i32 to vector<16xi32>
          %add3A_310 = arith.addi %get3A_308, %add3A_309 : vector<16xi32>
          %lt3A_311 = arith.constant 1536000 : i32
          %lt3A_312 = vector.broadcast %lt3A_311 : i32 to vector<16xi32>
          %lt3A_313 = arith.cmpi slt, %add3A_310, %lt3A_312 : vector<16xi32>
          %and3A_314 = arith.constant 8191 : i32
          %and3A_315 = vector.broadcast %and3A_314 : i32 to vector<16xi32>
          %and3A_316 = arith.andi %add3A_310, %and3A_315 : vector<16xi32>
          %add3A_317 = arith.constant 1536000 : i32
          %add3A_318 = vector.broadcast %add3A_317 : i32 to vector<16xi32>
          %add3A_319 = arith.addi %add3A_318, %and3A_316 : vector<16xi32>
          %select_n3A_320 = arith.select %lt3A_313, %add3A_310, %add3A_319 : vector<16xi1>, vector<16xi32>
          %swap3A_321 = arith.index_cast %add3A_305 : i32 to index
          %swap3A_322 = tpu.vector_load %arg13[%swap3A_321] {strides = array<i32>} : memref<5120xi32, #tpu.memory_space<vmem>>, vector<16xi32>,
          %swap3A_323 = vector.shape_cast %swap3A_322 : vector<16xi32> to vector<16xi32>
          %swap3A_324 = vector.shape_cast %select_n3A_320 : vector<16xi32> to vector<16xi32>
          tpu.vector_store %arg13[%swap3A_321], %swap3A_324 {strides = array<i32>} : memref<5120xi32, #tpu.memory_space<vmem>>, vector<16xi32>,
          %mul3A_325 = arith.constant 256 : i32
          %mul3A_326 = arith.muli %scan3A_143, %mul3A_325 : i32
          %add3A_327 = arith.constant 128 : i32
          %add3A_328 = arith.addi %mul3A_326, %add3A_327 : i32
          %get3A_329 = arith.index_cast %add3A_328 : i32 to index
          %get3A_330 = tpu.vector_load %arg9[%get3A_329] {strides = array<i32>} : memref<5120xi32, #tpu.memory_space<vmem>>, vector<16xi32>,
          %get3A_331 = vector.shape_cast %get3A_330 : vector<16xi32> to vector<16xi32>
          %add3A_332 = vector.broadcast %select_n3A_105 : i32 to vector<16xi32>
          %add3A_333 = arith.addi %get3A_331, %add3A_332 : vector<16xi32>
          %lt3A_334 = arith.constant 1536000 : i32
          %lt3A_335 = vector.broadcast %lt3A_334 : i32 to vector<16xi32>
          %lt3A_336 = arith.cmpi slt, %add3A_333, %lt3A_335 : vector<16xi32>
          %and3A_337 = arith.constant 8191 : i32
          %and3A_338 = vector.broadcast %and3A_337 : i32 to vector<16xi32>
          %and3A_339 = arith.andi %add3A_333, %and3A_338 : vector<16xi32>
          %add3A_340 = arith.constant 1536000 : i32
          %add3A_341 = vector.broadcast %add3A_340 : i32 to vector<16xi32>
          %add3A_342 = arith.addi %add3A_341, %and3A_339 : vector<16xi32>
          %select_n3A_343 = arith.select %lt3A_336, %add3A_333, %add3A_342 : vector<16xi1>, vector<16xi32>
          %swap3A_344 = arith.index_cast %add3A_328 : i32 to index
          %swap3A_345 = tpu.vector_load %arg13[%swap3A_344] {strides = array<i32>} : memref<5120xi32, #tpu.memory_space<vmem>>, vector<16xi32>,
          %swap3A_346 = vector.shape_cast %swap3A_345 : vector<16xi32> to vector<16xi32>
          %swap3A_347 = vector.shape_cast %select_n3A_343 : vector<16xi32> to vector<16xi32>
          tpu.vector_store %arg13[%swap3A_344], %swap3A_347 {strides = array<i32>} : memref<5120xi32, #tpu.memory_space<vmem>>, vector<16xi32>,
          %mul3A_348 = arith.constant 256 : i32
          %mul3A_349 = arith.muli %scan3A_143, %mul3A_348 : i32
          %add3A_350 = arith.constant 144 : i32
          %add3A_351 = arith.addi %mul3A_349, %add3A_350 : i32
          %get3A_352 = arith.index_cast %add3A_351 : i32 to index
          %get3A_353 = tpu.vector_load %arg9[%get3A_352] {strides = array<i32>} : memref<5120xi32, #tpu.memory_space<vmem>>, vector<16xi32>,
          %get3A_354 = vector.shape_cast %get3A_353 : vector<16xi32> to vector<16xi32>
          %add3A_355 = vector.broadcast %select_n3A_105 : i32 to vector<16xi32>
          %add3A_356 = arith.addi %get3A_354, %add3A_355 : vector<16xi32>
          %lt3A_357 = arith.constant 1536000 : i32
          %lt3A_358 = vector.broadcast %lt3A_357 : i32 to vector<16xi32>
          %lt3A_359 = arith.cmpi slt, %add3A_356, %lt3A_358 : vector<16xi32>
          %and3A_360 = arith.constant 8191 : i32
          %and3A_361 = vector.broadcast %and3A_360 : i32 to vector<16xi32>
          %and3A_362 = arith.andi %add3A_356, %and3A_361 : vector<16xi32>
          %add3A_363 = arith.constant 1536000 : i32
          %add3A_364 = vector.broadcast %add3A_363 : i32 to vector<16xi32>
          %add3A_365 = arith.addi %add3A_364, %and3A_362 : vector<16xi32>
          %select_n3A_366 = arith.select %lt3A_359, %add3A_356, %add3A_365 : vector<16xi1>, vector<16xi32>
          %swap3A_367 = arith.index_cast %add3A_351 : i32 to index
          %swap3A_368 = tpu.vector_load %arg13[%swap3A_367] {strides = array<i32>} : memref<5120xi32, #tpu.memory_space<vmem>>, vector<16xi32>,
          %swap3A_369 = vector.shape_cast %swap3A_368 : vector<16xi32> to vector<16xi32>
          %swap3A_370 = vector.shape_cast %select_n3A_366 : vector<16xi32> to vector<16xi32>
          tpu.vector_store %arg13[%swap3A_367], %swap3A_370 {strides = array<i32>} : memref<5120xi32, #tpu.memory_space<vmem>>, vector<16xi32>,
          %mul3A_371 = arith.constant 256 : i32
          %mul3A_372 = arith.muli %scan3A_143, %mul3A_371 : i32
          %add3A_373 = arith.constant 160 : i32
          %add3A_374 = arith.addi %mul3A_372, %add3A_373 : i32
          %get3A_375 = arith.index_cast %add3A_374 : i32 to index
          %get3A_376 = tpu.vector_load %arg9[%get3A_375] {strides = array<i32>} : memref<5120xi32, #tpu.memory_space<vmem>>, vector<16xi32>,
          %get3A_377 = vector.shape_cast %get3A_376 : vector<16xi32> to vector<16xi32>
          %add3A_378 = vector.broadcast %select_n3A_105 : i32 to vector<16xi32>
          %add3A_379 = arith.addi %get3A_377, %add3A_378 : vector<16xi32>
          %lt3A_380 = arith.constant 1536000 : i32
          %lt3A_381 = vector.broadcast %lt3A_380 : i32 to vector<16xi32>
          %lt3A_382 = arith.cmpi slt, %add3A_379, %lt3A_381 : vector<16xi32>
          %and3A_383 = arith.constant 8191 : i32
          %and3A_384 = vector.broadcast %and3A_383 : i32 to vector<16xi32>
          %and3A_385 = arith.andi %add3A_379, %and3A_384 : vector<16xi32>
          %add3A_386 = arith.constant 1536000 : i32
          %add3A_387 = vector.broadcast %add3A_386 : i32 to vector<16xi32>
          %add3A_388 = arith.addi %add3A_387, %and3A_385 : vector<16xi32>
          %select_n3A_389 = arith.select %lt3A_382, %add3A_379, %add3A_388 : vector<16xi1>, vector<16xi32>
          %swap3A_390 = arith.index_cast %add3A_374 : i32 to index
          %swap3A_391 = tpu.vector_load %arg13[%swap3A_390] {strides = array<i32>} : memref<5120xi32, #tpu.memory_space<vmem>>, vector<16xi32>,
          %swap3A_392 = vector.shape_cast %swap3A_391 : vector<16xi32> to vector<16xi32>
          %swap3A_393 = vector.shape_cast %select_n3A_389 : vector<16xi32> to vector<16xi32>
          tpu.vector_store %arg13[%swap3A_390], %swap3A_393 {strides = array<i32>} : memref<5120xi32, #tpu.memory_space<vmem>>, vector<16xi32>,
          %mul3A_394 = arith.constant 256 : i32
          %mul3A_395 = arith.muli %scan3A_143, %mul3A_394 : i32
          %add3A_396 = arith.constant 176 : i32
          %add3A_397 = arith.addi %mul3A_395, %add3A_396 : i32
          %get3A_398 = arith.index_cast %add3A_397 : i32 to index
          %get3A_399 = tpu.vector_load %arg9[%get3A_398] {strides = array<i32>} : memref<5120xi32, #tpu.memory_space<vmem>>, vector<16xi32>,
          %get3A_400 = vector.shape_cast %get3A_399 : vector<16xi32> to vector<16xi32>
          %add3A_401 = vector.broadcast %select_n3A_105 : i32 to vector<16xi32>
          %add3A_402 = arith.addi %get3A_400, %add3A_401 : vector<16xi32>
          %lt3A_403 = arith.constant 1536000 : i32
          %lt3A_404 = vector.broadcast %lt3A_403 : i32 to vector<16xi32>
          %lt3A_405 = arith.cmpi slt, %add3A_402, %lt3A_404 : vector<16xi32>
          %and3A_406 = arith.constant 8191 : i32
          %and3A_407 = vector.broadcast %and3A_406 : i32 to vector<16xi32>
          %and3A_408 = arith.andi %add3A_402, %and3A_407 : vector<16xi32>
          %add3A_409 = arith.constant 1536000 : i32
          %add3A_410 = vector.broadcast %add3A_409 : i32 to vector<16xi32>
          %add3A_411 = arith.addi %add3A_410, %and3A_408 : vector<16xi32>
          %select_n3A_412 = arith.select %lt3A_405, %add3A_402, %add3A_411 : vector<16xi1>, vector<16xi32>
          %swap3A_413 = arith.index_cast %add3A_397 : i32 to index
          %swap3A_414 = tpu.vector_load %arg13[%swap3A_413] {strides = array<i32>} : memref<5120xi32, #tpu.memory_space<vmem>>, vector<16xi32>,
          %swap3A_415 = vector.shape_cast %swap3A_414 : vector<16xi32> to vector<16xi32>
          %swap3A_416 = vector.shape_cast %select_n3A_412 : vector<16xi32> to vector<16xi32>
          tpu.vector_store %arg13[%swap3A_413], %swap3A_416 {strides = array<i32>} : memref<5120xi32, #tpu.memory_space<vmem>>, vector<16xi32>,
          %mul3A_417 = arith.constant 256 : i32
          %mul3A_418 = arith.muli %scan3A_143, %mul3A_417 : i32
          %add3A_419 = arith.constant 192 : i32
          %add3A_420 = arith.addi %mul3A_418, %add3A_419 : i32
          %get3A_421 = arith.index_cast %add3A_420 : i32 to index
          %get3A_422 = tpu.vector_load %arg9[%get3A_421] {strides = array<i32>} : memref<5120xi32, #tpu.memory_space<vmem>>, vector<16xi32>,
          %get3A_423 = vector.shape_cast %get3A_422 : vector<16xi32> to vector<16xi32>
          %add3A_424 = vector.broadcast %select_n3A_105 : i32 to vector<16xi32>
          %add3A_425 = arith.addi %get3A_423, %add3A_424 : vector<16xi32>
          %lt3A_426 = arith.constant 1536000 : i32
          %lt3A_427 = vector.broadcast %lt3A_426 : i32 to vector<16xi32>
          %lt3A_428 = arith.cmpi slt, %add3A_425, %lt3A_427 : vector<16xi32>
          %and3A_429 = arith.constant 8191 : i32
          %and3A_430 = vector.broadcast %and3A_429 : i32 to vector<16xi32>
          %and3A_431 = arith.andi %add3A_425, %and3A_430 : vector<16xi32>
          %add3A_432 = arith.constant 1536000 : i32
          %add3A_433 = vector.broadcast %add3A_432 : i32 to vector<16xi32>
          %add3A_434 = arith.addi %add3A_433, %and3A_431 : vector<16xi32>
          %select_n3A_435 = arith.select %lt3A_428, %add3A_425, %add3A_434 : vector<16xi1>, vector<16xi32>
          %swap3A_436 = arith.index_cast %add3A_420 : i32 to index
          %swap3A_437 = tpu.vector_load %arg13[%swap3A_436] {strides = array<i32>} : memref<5120xi32, #tpu.memory_space<vmem>>, vector<16xi32>,
          %swap3A_438 = vector.shape_cast %swap3A_437 : vector<16xi32> to vector<16xi32>
          %swap3A_439 = vector.shape_cast %select_n3A_435 : vector<16xi32> to vector<16xi32>
          tpu.vector_store %arg13[%swap3A_436], %swap3A_439 {strides = array<i32>} : memref<5120xi32, #tpu.memory_space<vmem>>, vector<16xi32>,
          %mul3A_440 = arith.constant 256 : i32
          %mul3A_441 = arith.muli %scan3A_143, %mul3A_440 : i32
          %add3A_442 = arith.constant 208 : i32
          %add3A_443 = arith.addi %mul3A_441, %add3A_442 : i32
          %get3A_444 = arith.index_cast %add3A_443 : i32 to index
          %get3A_445 = tpu.vector_load %arg9[%get3A_444] {strides = array<i32>} : memref<5120xi32, #tpu.memory_space<vmem>>, vector<16xi32>,
          %get3A_446 = vector.shape_cast %get3A_445 : vector<16xi32> to vector<16xi32>
          %add3A_447 = vector.broadcast %select_n3A_105 : i32 to vector<16xi32>
          %add3A_448 = arith.addi %get3A_446, %add3A_447 : vector<16xi32>
          %lt3A_449 = arith.constant 1536000 : i32
          %lt3A_450 = vector.broadcast %lt3A_449 : i32 to vector<16xi32>
          %lt3A_451 = arith.cmpi slt, %add3A_448, %lt3A_450 : vector<16xi32>
          %and3A_452 = arith.constant 8191 : i32
          %and3A_453 = vector.broadcast %and3A_452 : i32 to vector<16xi32>
          %and3A_454 = arith.andi %add3A_448, %and3A_453 : vector<16xi32>
          %add3A_455 = arith.constant 1536000 : i32
          %add3A_456 = vector.broadcast %add3A_455 : i32 to vector<16xi32>
          %add3A_457 = arith.addi %add3A_456, %and3A_454 : vector<16xi32>
          %select_n3A_458 = arith.select %lt3A_451, %add3A_448, %add3A_457 : vector<16xi1>, vector<16xi32>
          %swap3A_459 = arith.index_cast %add3A_443 : i32 to index
          %swap3A_460 = tpu.vector_load %arg13[%swap3A_459] {strides = array<i32>} : memref<5120xi32, #tpu.memory_space<vmem>>, vector<16xi32>,
          %swap3A_461 = vector.shape_cast %swap3A_460 : vector<16xi32> to vector<16xi32>
          %swap3A_462 = vector.shape_cast %select_n3A_458 : vector<16xi32> to vector<16xi32>
          tpu.vector_store %arg13[%swap3A_459], %swap3A_462 {strides = array<i32>} : memref<5120xi32, #tpu.memory_space<vmem>>, vector<16xi32>,
          %mul3A_463 = arith.constant 256 : i32
          %mul3A_464 = arith.muli %scan3A_143, %mul3A_463 : i32
          %add3A_465 = arith.constant 224 : i32
          %add3A_466 = arith.addi %mul3A_464, %add3A_465 : i32
          %get3A_467 = arith.index_cast %add3A_466 : i32 to index
          %get3A_468 = tpu.vector_load %arg9[%get3A_467] {strides = array<i32>} : memref<5120xi32, #tpu.memory_space<vmem>>, vector<16xi32>,
          %get3A_469 = vector.shape_cast %get3A_468 : vector<16xi32> to vector<16xi32>
          %add3A_470 = vector.broadcast %select_n3A_105 : i32 to vector<16xi32>
          %add3A_471 = arith.addi %get3A_469, %add3A_470 : vector<16xi32>
          %lt3A_472 = arith.constant 1536000 : i32
          %lt3A_473 = vector.broadcast %lt3A_472 : i32 to vector<16xi32>
          %lt3A_474 = arith.cmpi slt, %add3A_471, %lt3A_473 : vector<16xi32>
          %and3A_475 = arith.constant 8191 : i32
          %and3A_476 = vector.broadcast %and3A_475 : i32 to vector<16xi32>
          %and3A_477 = arith.andi %add3A_471, %and3A_476 : vector<16xi32>
          %add3A_478 = arith.constant 1536000 : i32
          %add3A_479 = vector.broadcast %add3A_478 : i32 to vector<16xi32>
          %add3A_480 = arith.addi %add3A_479, %and3A_477 : vector<16xi32>
          %select_n3A_481 = arith.select %lt3A_474, %add3A_471, %add3A_480 : vector<16xi1>, vector<16xi32>
          %swap3A_482 = arith.index_cast %add3A_466 : i32 to index
          %swap3A_483 = tpu.vector_load %arg13[%swap3A_482] {strides = array<i32>} : memref<5120xi32, #tpu.memory_space<vmem>>, vector<16xi32>,
          %swap3A_484 = vector.shape_cast %swap3A_483 : vector<16xi32> to vector<16xi32>
          %swap3A_485 = vector.shape_cast %select_n3A_481 : vector<16xi32> to vector<16xi32>
          tpu.vector_store %arg13[%swap3A_482], %swap3A_485 {strides = array<i32>} : memref<5120xi32, #tpu.memory_space<vmem>>, vector<16xi32>,
          %mul3A_486 = arith.constant 256 : i32
          %mul3A_487 = arith.muli %scan3A_143, %mul3A_486 : i32
          %add3A_488 = arith.constant 240 : i32
          %add3A_489 = arith.addi %mul3A_487, %add3A_488 : i32
          %get3A_490 = arith.index_cast %add3A_489 : i32 to index
          %get3A_491 = tpu.vector_load %arg9[%get3A_490] {strides = array<i32>} : memref<5120xi32, #tpu.memory_space<vmem>>, vector<16xi32>,
          %get3A_492 = vector.shape_cast %get3A_491 : vector<16xi32> to vector<16xi32>
          %add3A_493 = vector.broadcast %select_n3A_105 : i32 to vector<16xi32>
          %add3A_494 = arith.addi %get3A_492, %add3A_493 : vector<16xi32>
          %lt3A_495 = arith.constant 1536000 : i32
          %lt3A_496 = vector.broadcast %lt3A_495 : i32 to vector<16xi32>
          %lt3A_497 = arith.cmpi slt, %add3A_494, %lt3A_496 : vector<16xi32>
          %and3A_498 = arith.constant 8191 : i32
          %and3A_499 = vector.broadcast %and3A_498 : i32 to vector<16xi32>
          %and3A_500 = arith.andi %add3A_494, %and3A_499 : vector<16xi32>
          %add3A_501 = arith.constant 1536000 : i32
          %add3A_502 = vector.broadcast %add3A_501 : i32 to vector<16xi32>
          %add3A_503 = arith.addi %add3A_502, %and3A_500 : vector<16xi32>
          %select_n3A_504 = arith.select %lt3A_497, %add3A_494, %add3A_503 : vector<16xi1>, vector<16xi32>
          %swap3A_505 = arith.index_cast %add3A_489 : i32 to index
          %swap3A_506 = tpu.vector_load %arg13[%swap3A_505] {strides = array<i32>} : memref<5120xi32, #tpu.memory_space<vmem>>, vector<16xi32>,
          %swap3A_507 = vector.shape_cast %swap3A_506 : vector<16xi32> to vector<16xi32>
          %swap3A_508 = vector.shape_cast %select_n3A_504 : vector<16xi32> to vector<16xi32>
          tpu.vector_store %arg13[%swap3A_505], %swap3A_508 {strides = array<i32>} : memref<5120xi32, #tpu.memory_space<vmem>>, vector<16xi32>,
        }
        %scan3A_111 = arith.constant 20 : i32
        "tpu.region"() ({
          %run_scoped3A_143 = tpu.sem_alloc : memref<!tpu.dma_semaphore, #tpu.memory_space<semaphore_mem>>
          %dma_start3A_144 = arith.constant 0 : i32
          %dma_start3A_145 = tpu.memref_slice %arg8[%dma_start3A_144] : memref<1544192xf32, #tpu.memory_space<vmem_shared>> -> memref<1544192xf32, #tpu.memory_space<vmem_shared>>
          tpu.enqueue_indirect_dma source(%arg10 : memref<5120xf32, #tpu.memory_space<vmem>>) target(%dma_start3A_145 : memref<1544192xf32, #tpu.memory_space<vmem_shared>>) offsets(%arg13 : memref<5120xi32, #tpu.memory_space<vmem>>) semaphore(%run_scoped3A_143 : memref<!tpu.dma_semaphore, #tpu.memory_space<semaphore_mem>>) {add = true}
          %dma_wait3A_146 = arith.constant 0 : i32
          %dma_wait3A_147 = tpu.memref_slice %arg8[%dma_wait3A_146] : memref<1544192xf32, #tpu.memory_space<vmem_shared>> -> memref<1544192xf32, #tpu.memory_space<vmem_shared>>
          tpu.wait_indirect_dma semaphore(%run_scoped3A_143 : memref<!tpu.dma_semaphore, #tpu.memory_space<semaphore_mem>>) src(%arg10 : memref<5120xf32, #tpu.memory_space<vmem>>) dst(%dma_wait3A_147 : memref<1544192xf32, #tpu.memory_space<vmem_shared>>)
          tpu.yield
        }) : () -> ()
        %lt3A_112 = arith.constant 19 : i32
        %lt3A_113 = arith.cmpi slt, %scan3A_74, %lt3A_112 : i32
        %convert_element_type3A_114 = arith.extui %lt3A_113 : i1 to i32
        %cond3A_115 = arith.constant 0 : i32
        %cond3A_116 = arith.cmpi ne, %convert_element_type3A_114, %cond3A_115 : i32
        scf.if %cond3A_116 {
          %add3A_143 = arith.constant 2 : i32
          %add3A_144 = arith.addi %mul3A_76, %add3A_143 : i32
          %lt3A_145 = arith.cmpi slt, %add3A_144, %select_n3A : i32
          %add3A_146 = arith.addi %add3A, %add3A_144 : i32
          %jit3A_147 = arith.constant 0 : i32
          %select_n3A_148 = arith.select %lt3A_145, %add3A_146, %jit3A_147 : i32
          %mul3A_149 = arith.constant 5120 : i32
          %mul3A_150 = arith.muli %select_n3A_148, %mul3A_149 : i32
          %dma_start3A_151 = tpu.memref_slice %arg2[%mul3A_150] : memref<3200000xi32, #tpu.memory_space<hbm>> -> memref<5120xi32, #tpu.memory_space<hbm>>
          %dma_start3A_152 = tpu.memref_slice %arg2[%mul3A_150] : memref<3200000xi32, #tpu.memory_space<hbm>> -> memref<5120xi32, #tpu.memory_space<hbm>>
          tpu.enqueue_dma source(%dma_start3A_152 : memref<5120xi32, #tpu.memory_space<hbm>>) target(%arg9 : memref<5120xi32, #tpu.memory_space<vmem>>) target_semaphore(%arg15 : memref<!tpu.dma_semaphore, #tpu.memory_space<semaphore_mem>>)
          %dma_start3A_153 = tpu.memref_slice %arg4[%mul3A_150] : memref<3200000xf32, #tpu.memory_space<hbm>> -> memref<5120xf32, #tpu.memory_space<hbm>>
          %dma_start3A_154 = tpu.memref_slice %arg4[%mul3A_150] : memref<3200000xf32, #tpu.memory_space<hbm>> -> memref<5120xf32, #tpu.memory_space<hbm>>
          tpu.enqueue_dma source(%dma_start3A_154 : memref<5120xf32, #tpu.memory_space<hbm>>) target(%arg10 : memref<5120xf32, #tpu.memory_space<vmem>>) target_semaphore(%arg15 : memref<!tpu.dma_semaphore, #tpu.memory_space<semaphore_mem>>)
        } else {
        }
        %add3A_117 = arith.constant 1 : i32
        %add3A_118 = arith.addi %mul3A_76, %add3A_117 : i32
        %dma_wait3A_119 = arith.constant 0 : i32
        %dma_wait3A_120 = tpu.memref_slice %arg2[%dma_wait3A_119] : memref<3200000xi32, #tpu.memory_space<hbm>> -> memref<5120xi32, #tpu.memory_space<hbm>>
        %dma_wait3A_121 = arith.constant 0 : i32
        %dma_wait3A_122 = tpu.memref_slice %arg2[%dma_wait3A_121] : memref<3200000xi32, #tpu.memory_space<hbm>> -> memref<5120xi32, #tpu.memory_space<hbm>>
        tpu.wait_dma2 semaphore(%arg16 : memref<!tpu.dma_semaphore, #tpu.memory_space<semaphore_mem>>) src(%dma_wait3A_122 : memref<5120xi32, #tpu.memory_space<hbm>>) dst(%arg11 : memref<5120xi32, #tpu.memory_space<vmem>>)
        %dma_wait3A_123 = arith.constant 0 : i32
        %dma_wait3A_124 = tpu.memref_slice %arg4[%dma_wait3A_123] : memref<3200000xf32, #tpu.memory_space<hbm>> -> memref<5120xf32, #tpu.memory_space<hbm>>
        %dma_wait3A_125 = arith.constant 0 : i32
        %dma_wait3A_126 = tpu.memref_slice %arg4[%dma_wait3A_125] : memref<3200000xf32, #tpu.memory_space<hbm>> -> memref<5120xf32, #tpu.memory_space<hbm>>
        tpu.wait_dma2 semaphore(%arg16 : memref<!tpu.dma_semaphore, #tpu.memory_space<semaphore_mem>>) src(%dma_wait3A_126 : memref<5120xf32, #tpu.memory_space<hbm>>) dst(%arg12 : memref<5120xf32, #tpu.memory_space<vmem>>)
        %lt3A_127 = arith.cmpi slt, %add3A_118, %select_n3A : i32
        %add3A_128 = arith.addi %add3A, %add3A_118 : i32
        %jit3A_129 = arith.constant 0 : i32
        %select_n3A_130 = arith.select %lt3A_127, %add3A_128, %jit3A_129 : i32
        %mul3A_131 = arith.constant 5120 : i32
        %mul3A_132 = arith.muli %select_n3A_130, %mul3A_131 : i32
        %jit3A_133 = arith.constant 0 : i32
        %jit3A_134 = arith.constant 16777216 : i32
        %select_n3A_135 = arith.select %lt3A_127, %jit3A_133, %jit3A_134 : i32
        %run_scoped3A_136 = arith.constant 0 : i32
        "tpu.region"() ({
          %run_scoped3A_143 = tpu.sem_alloc : memref<!tpu.dma_semaphore, #tpu.memory_space<semaphore_mem>>
          %dma_start3A_144 = tpu.memref_slice %arg6[%run_scoped3A_136, %mul3A_132] : memref<2x3200000xi32, #tpu.memory_space<hbm>> -> memref<1x5120xi32, #tpu.memory_space<hbm>>
          %dma_start3A_145 = tpu.memref_squeeze %dma_start3A_144 : memref<1x5120xi32, #tpu.memory_space<hbm>> -> memref<5120xi32, #tpu.memory_space<hbm>>
          %dma_start3A_146 = tpu.memref_slice %arg6[%run_scoped3A_136, %mul3A_132] : memref<2x3200000xi32, #tpu.memory_space<hbm>> -> memref<1x5120xi32, #tpu.memory_space<hbm>>
          %dma_start3A_147 = tpu.memref_squeeze %dma_start3A_146 : memref<1x5120xi32, #tpu.memory_space<hbm>> -> memref<5120xi32, #tpu.memory_space<hbm>>
          tpu.enqueue_dma source(%arg11 : memref<5120xi32, #tpu.memory_space<vmem>>) target(%dma_start3A_147 : memref<5120xi32, #tpu.memory_space<hbm>>) target_semaphore(%run_scoped3A_143 : memref<!tpu.dma_semaphore, #tpu.memory_space<semaphore_mem>>)
          %dma_wait3A_148 = tpu.memref_slice %arg6[%run_scoped3A_136, %mul3A_132] : memref<2x3200000xi32, #tpu.memory_space<hbm>> -> memref<1x5120xi32, #tpu.memory_space<hbm>>
          %dma_wait3A_149 = tpu.memref_squeeze %dma_wait3A_148 : memref<1x5120xi32, #tpu.memory_space<hbm>> -> memref<5120xi32, #tpu.memory_space<hbm>>
          %dma_wait3A_150 = tpu.memref_slice %arg6[%run_scoped3A_136, %mul3A_132] : memref<2x3200000xi32, #tpu.memory_space<hbm>> -> memref<1x5120xi32, #tpu.memory_space<hbm>>
          %dma_wait3A_151 = tpu.memref_squeeze %dma_wait3A_150 : memref<1x5120xi32, #tpu.memory_space<hbm>> -> memref<5120xi32, #tpu.memory_space<hbm>>
          tpu.wait_dma2 semaphore(%run_scoped3A_143 : memref<!tpu.dma_semaphore, #tpu.memory_space<semaphore_mem>>) src(%arg11 : memref<5120xi32, #tpu.memory_space<vmem>>) dst(%dma_wait3A_151 : memref<5120xi32, #tpu.memory_space<hbm>>)
          tpu.yield
        }) : () -> ()
        %scan3A_137 = arith.constant 0 : i32
        %scan3A_138 = arith.constant 0 : i32
        %scan3A_139 = arith.constant 20 : i32
        %scan3A_140 = arith.addi %scan3A_138, %scan3A_139 : i32
        %scan3A_141 = arith.constant 1 : i32
        scf.for %scan3A_143 = %scan3A_138 to %scan3A_140 step %scan3A_141  : i32 {
          %mul3A_144 = arith.constant 256 : i32
          %mul3A_145 = arith.muli %scan3A_143, %mul3A_144 : i32
          %add3A_146 = arith.constant 0 : i32
          %add3A_147 = arith.addi %mul3A_145, %add3A_146 : i32
          %get3A = arith.index_cast %add3A_147 : i32 to index
          %get3A_148 = tpu.vector_load %arg11[%get3A] {strides = array<i32>} : memref<5120xi32, #tpu.memory_space<vmem>>, vector<16xi32>,
          %get3A_149 = vector.shape_cast %get3A_148 : vector<16xi32> to vector<16xi32>
          %add3A_150 = vector.broadcast %select_n3A_135 : i32 to vector<16xi32>
          %add3A_151 = arith.addi %get3A_149, %add3A_150 : vector<16xi32>
          %lt3A_152 = arith.constant 1536000 : i32
          %lt3A_153 = vector.broadcast %lt3A_152 : i32 to vector<16xi32>
          %lt3A_154 = arith.cmpi slt, %add3A_151, %lt3A_153 : vector<16xi32>
          %and3A = arith.constant 8191 : i32
          %and3A_155 = vector.broadcast %and3A : i32 to vector<16xi32>
          %and3A_156 = arith.andi %add3A_151, %and3A_155 : vector<16xi32>
          %add3A_157 = arith.constant 1536000 : i32
          %add3A_158 = vector.broadcast %add3A_157 : i32 to vector<16xi32>
          %add3A_159 = arith.addi %add3A_158, %and3A_156 : vector<16xi32>
          %select_n3A_160 = arith.select %lt3A_154, %add3A_151, %add3A_159 : vector<16xi1>, vector<16xi32>
          %swap3A = arith.index_cast %add3A_147 : i32 to index
          %swap3A_161 = tpu.vector_load %arg13[%swap3A] {strides = array<i32>} : memref<5120xi32, #tpu.memory_space<vmem>>, vector<16xi32>,
          %swap3A_162 = vector.shape_cast %swap3A_161 : vector<16xi32> to vector<16xi32>
          %swap3A_163 = vector.shape_cast %select_n3A_160 : vector<16xi32> to vector<16xi32>
          tpu.vector_store %arg13[%swap3A], %swap3A_163 {strides = array<i32>} : memref<5120xi32, #tpu.memory_space<vmem>>, vector<16xi32>,
          %mul3A_164 = arith.constant 256 : i32
          %mul3A_165 = arith.muli %scan3A_143, %mul3A_164 : i32
          %add3A_166 = arith.constant 16 : i32
          %add3A_167 = arith.addi %mul3A_165, %add3A_166 : i32
          %get3A_168 = arith.index_cast %add3A_167 : i32 to index
          %get3A_169 = tpu.vector_load %arg11[%get3A_168] {strides = array<i32>} : memref<5120xi32, #tpu.memory_space<vmem>>, vector<16xi32>,
          %get3A_170 = vector.shape_cast %get3A_169 : vector<16xi32> to vector<16xi32>
          %add3A_171 = vector.broadcast %select_n3A_135 : i32 to vector<16xi32>
          %add3A_172 = arith.addi %get3A_170, %add3A_171 : vector<16xi32>
          %lt3A_173 = arith.constant 1536000 : i32
          %lt3A_174 = vector.broadcast %lt3A_173 : i32 to vector<16xi32>
          %lt3A_175 = arith.cmpi slt, %add3A_172, %lt3A_174 : vector<16xi32>
          %and3A_176 = arith.constant 8191 : i32
          %and3A_177 = vector.broadcast %and3A_176 : i32 to vector<16xi32>
          %and3A_178 = arith.andi %add3A_172, %and3A_177 : vector<16xi32>
          %add3A_179 = arith.constant 1536000 : i32
          %add3A_180 = vector.broadcast %add3A_179 : i32 to vector<16xi32>
          %add3A_181 = arith.addi %add3A_180, %and3A_178 : vector<16xi32>
          %select_n3A_182 = arith.select %lt3A_175, %add3A_172, %add3A_181 : vector<16xi1>, vector<16xi32>
          %swap3A_183 = arith.index_cast %add3A_167 : i32 to index
          %swap3A_184 = tpu.vector_load %arg13[%swap3A_183] {strides = array<i32>} : memref<5120xi32, #tpu.memory_space<vmem>>, vector<16xi32>,
          %swap3A_185 = vector.shape_cast %swap3A_184 : vector<16xi32> to vector<16xi32>
          %swap3A_186 = vector.shape_cast %select_n3A_182 : vector<16xi32> to vector<16xi32>
          tpu.vector_store %arg13[%swap3A_183], %swap3A_186 {strides = array<i32>} : memref<5120xi32, #tpu.memory_space<vmem>>, vector<16xi32>,
          %mul3A_187 = arith.constant 256 : i32
          %mul3A_188 = arith.muli %scan3A_143, %mul3A_187 : i32
          %add3A_189 = arith.constant 32 : i32
          %add3A_190 = arith.addi %mul3A_188, %add3A_189 : i32
          %get3A_191 = arith.index_cast %add3A_190 : i32 to index
          %get3A_192 = tpu.vector_load %arg11[%get3A_191] {strides = array<i32>} : memref<5120xi32, #tpu.memory_space<vmem>>, vector<16xi32>,
          %get3A_193 = vector.shape_cast %get3A_192 : vector<16xi32> to vector<16xi32>
          %add3A_194 = vector.broadcast %select_n3A_135 : i32 to vector<16xi32>
          %add3A_195 = arith.addi %get3A_193, %add3A_194 : vector<16xi32>
          %lt3A_196 = arith.constant 1536000 : i32
          %lt3A_197 = vector.broadcast %lt3A_196 : i32 to vector<16xi32>
          %lt3A_198 = arith.cmpi slt, %add3A_195, %lt3A_197 : vector<16xi32>
          %and3A_199 = arith.constant 8191 : i32
          %and3A_200 = vector.broadcast %and3A_199 : i32 to vector<16xi32>
          %and3A_201 = arith.andi %add3A_195, %and3A_200 : vector<16xi32>
          %add3A_202 = arith.constant 1536000 : i32
          %add3A_203 = vector.broadcast %add3A_202 : i32 to vector<16xi32>
          %add3A_204 = arith.addi %add3A_203, %and3A_201 : vector<16xi32>
          %select_n3A_205 = arith.select %lt3A_198, %add3A_195, %add3A_204 : vector<16xi1>, vector<16xi32>
          %swap3A_206 = arith.index_cast %add3A_190 : i32 to index
          %swap3A_207 = tpu.vector_load %arg13[%swap3A_206] {strides = array<i32>} : memref<5120xi32, #tpu.memory_space<vmem>>, vector<16xi32>,
          %swap3A_208 = vector.shape_cast %swap3A_207 : vector<16xi32> to vector<16xi32>
          %swap3A_209 = vector.shape_cast %select_n3A_205 : vector<16xi32> to vector<16xi32>
          tpu.vector_store %arg13[%swap3A_206], %swap3A_209 {strides = array<i32>} : memref<5120xi32, #tpu.memory_space<vmem>>, vector<16xi32>,
          %mul3A_210 = arith.constant 256 : i32
          %mul3A_211 = arith.muli %scan3A_143, %mul3A_210 : i32
          %add3A_212 = arith.constant 48 : i32
          %add3A_213 = arith.addi %mul3A_211, %add3A_212 : i32
          %get3A_214 = arith.index_cast %add3A_213 : i32 to index
          %get3A_215 = tpu.vector_load %arg11[%get3A_214] {strides = array<i32>} : memref<5120xi32, #tpu.memory_space<vmem>>, vector<16xi32>,
          %get3A_216 = vector.shape_cast %get3A_215 : vector<16xi32> to vector<16xi32>
          %add3A_217 = vector.broadcast %select_n3A_135 : i32 to vector<16xi32>
          %add3A_218 = arith.addi %get3A_216, %add3A_217 : vector<16xi32>
          %lt3A_219 = arith.constant 1536000 : i32
          %lt3A_220 = vector.broadcast %lt3A_219 : i32 to vector<16xi32>
          %lt3A_221 = arith.cmpi slt, %add3A_218, %lt3A_220 : vector<16xi32>
          %and3A_222 = arith.constant 8191 : i32
          %and3A_223 = vector.broadcast %and3A_222 : i32 to vector<16xi32>
          %and3A_224 = arith.andi %add3A_218, %and3A_223 : vector<16xi32>
          %add3A_225 = arith.constant 1536000 : i32
          %add3A_226 = vector.broadcast %add3A_225 : i32 to vector<16xi32>
          %add3A_227 = arith.addi %add3A_226, %and3A_224 : vector<16xi32>
          %select_n3A_228 = arith.select %lt3A_221, %add3A_218, %add3A_227 : vector<16xi1>, vector<16xi32>
          %swap3A_229 = arith.index_cast %add3A_213 : i32 to index
          %swap3A_230 = tpu.vector_load %arg13[%swap3A_229] {strides = array<i32>} : memref<5120xi32, #tpu.memory_space<vmem>>, vector<16xi32>,
          %swap3A_231 = vector.shape_cast %swap3A_230 : vector<16xi32> to vector<16xi32>
          %swap3A_232 = vector.shape_cast %select_n3A_228 : vector<16xi32> to vector<16xi32>
          tpu.vector_store %arg13[%swap3A_229], %swap3A_232 {strides = array<i32>} : memref<5120xi32, #tpu.memory_space<vmem>>, vector<16xi32>,
          %mul3A_233 = arith.constant 256 : i32
          %mul3A_234 = arith.muli %scan3A_143, %mul3A_233 : i32
          %add3A_235 = arith.constant 64 : i32
          %add3A_236 = arith.addi %mul3A_234, %add3A_235 : i32
          %get3A_237 = arith.index_cast %add3A_236 : i32 to index
          %get3A_238 = tpu.vector_load %arg11[%get3A_237] {strides = array<i32>} : memref<5120xi32, #tpu.memory_space<vmem>>, vector<16xi32>,
          %get3A_239 = vector.shape_cast %get3A_238 : vector<16xi32> to vector<16xi32>
          %add3A_240 = vector.broadcast %select_n3A_135 : i32 to vector<16xi32>
          %add3A_241 = arith.addi %get3A_239, %add3A_240 : vector<16xi32>
          %lt3A_242 = arith.constant 1536000 : i32
          %lt3A_243 = vector.broadcast %lt3A_242 : i32 to vector<16xi32>
          %lt3A_244 = arith.cmpi slt, %add3A_241, %lt3A_243 : vector<16xi32>
          %and3A_245 = arith.constant 8191 : i32
          %and3A_246 = vector.broadcast %and3A_245 : i32 to vector<16xi32>
          %and3A_247 = arith.andi %add3A_241, %and3A_246 : vector<16xi32>
          %add3A_248 = arith.constant 1536000 : i32
          %add3A_249 = vector.broadcast %add3A_248 : i32 to vector<16xi32>
          %add3A_250 = arith.addi %add3A_249, %and3A_247 : vector<16xi32>
          %select_n3A_251 = arith.select %lt3A_244, %add3A_241, %add3A_250 : vector<16xi1>, vector<16xi32>
          %swap3A_252 = arith.index_cast %add3A_236 : i32 to index
          %swap3A_253 = tpu.vector_load %arg13[%swap3A_252] {strides = array<i32>} : memref<5120xi32, #tpu.memory_space<vmem>>, vector<16xi32>,
          %swap3A_254 = vector.shape_cast %swap3A_253 : vector<16xi32> to vector<16xi32>
          %swap3A_255 = vector.shape_cast %select_n3A_251 : vector<16xi32> to vector<16xi32>
          tpu.vector_store %arg13[%swap3A_252], %swap3A_255 {strides = array<i32>} : memref<5120xi32, #tpu.memory_space<vmem>>, vector<16xi32>,
          %mul3A_256 = arith.constant 256 : i32
          %mul3A_257 = arith.muli %scan3A_143, %mul3A_256 : i32
          %add3A_258 = arith.constant 80 : i32
          %add3A_259 = arith.addi %mul3A_257, %add3A_258 : i32
          %get3A_260 = arith.index_cast %add3A_259 : i32 to index
          %get3A_261 = tpu.vector_load %arg11[%get3A_260] {strides = array<i32>} : memref<5120xi32, #tpu.memory_space<vmem>>, vector<16xi32>,
          %get3A_262 = vector.shape_cast %get3A_261 : vector<16xi32> to vector<16xi32>
          %add3A_263 = vector.broadcast %select_n3A_135 : i32 to vector<16xi32>
          %add3A_264 = arith.addi %get3A_262, %add3A_263 : vector<16xi32>
          %lt3A_265 = arith.constant 1536000 : i32
          %lt3A_266 = vector.broadcast %lt3A_265 : i32 to vector<16xi32>
          %lt3A_267 = arith.cmpi slt, %add3A_264, %lt3A_266 : vector<16xi32>
          %and3A_268 = arith.constant 8191 : i32
          %and3A_269 = vector.broadcast %and3A_268 : i32 to vector<16xi32>
          %and3A_270 = arith.andi %add3A_264, %and3A_269 : vector<16xi32>
          %add3A_271 = arith.constant 1536000 : i32
          %add3A_272 = vector.broadcast %add3A_271 : i32 to vector<16xi32>
          %add3A_273 = arith.addi %add3A_272, %and3A_270 : vector<16xi32>
          %select_n3A_274 = arith.select %lt3A_267, %add3A_264, %add3A_273 : vector<16xi1>, vector<16xi32>
          %swap3A_275 = arith.index_cast %add3A_259 : i32 to index
          %swap3A_276 = tpu.vector_load %arg13[%swap3A_275] {strides = array<i32>} : memref<5120xi32, #tpu.memory_space<vmem>>, vector<16xi32>,
          %swap3A_277 = vector.shape_cast %swap3A_276 : vector<16xi32> to vector<16xi32>
          %swap3A_278 = vector.shape_cast %select_n3A_274 : vector<16xi32> to vector<16xi32>
          tpu.vector_store %arg13[%swap3A_275], %swap3A_278 {strides = array<i32>} : memref<5120xi32, #tpu.memory_space<vmem>>, vector<16xi32>,
          %mul3A_279 = arith.constant 256 : i32
          %mul3A_280 = arith.muli %scan3A_143, %mul3A_279 : i32
          %add3A_281 = arith.constant 96 : i32
          %add3A_282 = arith.addi %mul3A_280, %add3A_281 : i32
          %get3A_283 = arith.index_cast %add3A_282 : i32 to index
          %get3A_284 = tpu.vector_load %arg11[%get3A_283] {strides = array<i32>} : memref<5120xi32, #tpu.memory_space<vmem>>, vector<16xi32>,
          %get3A_285 = vector.shape_cast %get3A_284 : vector<16xi32> to vector<16xi32>
          %add3A_286 = vector.broadcast %select_n3A_135 : i32 to vector<16xi32>
          %add3A_287 = arith.addi %get3A_285, %add3A_286 : vector<16xi32>
          %lt3A_288 = arith.constant 1536000 : i32
          %lt3A_289 = vector.broadcast %lt3A_288 : i32 to vector<16xi32>
          %lt3A_290 = arith.cmpi slt, %add3A_287, %lt3A_289 : vector<16xi32>
          %and3A_291 = arith.constant 8191 : i32
          %and3A_292 = vector.broadcast %and3A_291 : i32 to vector<16xi32>
          %and3A_293 = arith.andi %add3A_287, %and3A_292 : vector<16xi32>
          %add3A_294 = arith.constant 1536000 : i32
          %add3A_295 = vector.broadcast %add3A_294 : i32 to vector<16xi32>
          %add3A_296 = arith.addi %add3A_295, %and3A_293 : vector<16xi32>
          %select_n3A_297 = arith.select %lt3A_290, %add3A_287, %add3A_296 : vector<16xi1>, vector<16xi32>
          %swap3A_298 = arith.index_cast %add3A_282 : i32 to index
          %swap3A_299 = tpu.vector_load %arg13[%swap3A_298] {strides = array<i32>} : memref<5120xi32, #tpu.memory_space<vmem>>, vector<16xi32>,
          %swap3A_300 = vector.shape_cast %swap3A_299 : vector<16xi32> to vector<16xi32>
          %swap3A_301 = vector.shape_cast %select_n3A_297 : vector<16xi32> to vector<16xi32>
          tpu.vector_store %arg13[%swap3A_298], %swap3A_301 {strides = array<i32>} : memref<5120xi32, #tpu.memory_space<vmem>>, vector<16xi32>,
          %mul3A_302 = arith.constant 256 : i32
          %mul3A_303 = arith.muli %scan3A_143, %mul3A_302 : i32
          %add3A_304 = arith.constant 112 : i32
          %add3A_305 = arith.addi %mul3A_303, %add3A_304 : i32
          %get3A_306 = arith.index_cast %add3A_305 : i32 to index
          %get3A_307 = tpu.vector_load %arg11[%get3A_306] {strides = array<i32>} : memref<5120xi32, #tpu.memory_space<vmem>>, vector<16xi32>,
          %get3A_308 = vector.shape_cast %get3A_307 : vector<16xi32> to vector<16xi32>
          %add3A_309 = vector.broadcast %select_n3A_135 : i32 to vector<16xi32>
          %add3A_310 = arith.addi %get3A_308, %add3A_309 : vector<16xi32>
          %lt3A_311 = arith.constant 1536000 : i32
          %lt3A_312 = vector.broadcast %lt3A_311 : i32 to vector<16xi32>
          %lt3A_313 = arith.cmpi slt, %add3A_310, %lt3A_312 : vector<16xi32>
          %and3A_314 = arith.constant 8191 : i32
          %and3A_315 = vector.broadcast %and3A_314 : i32 to vector<16xi32>
          %and3A_316 = arith.andi %add3A_310, %and3A_315 : vector<16xi32>
          %add3A_317 = arith.constant 1536000 : i32
          %add3A_318 = vector.broadcast %add3A_317 : i32 to vector<16xi32>
          %add3A_319 = arith.addi %add3A_318, %and3A_316 : vector<16xi32>
          %select_n3A_320 = arith.select %lt3A_313, %add3A_310, %add3A_319 : vector<16xi1>, vector<16xi32>
          %swap3A_321 = arith.index_cast %add3A_305 : i32 to index
          %swap3A_322 = tpu.vector_load %arg13[%swap3A_321] {strides = array<i32>} : memref<5120xi32, #tpu.memory_space<vmem>>, vector<16xi32>,
          %swap3A_323 = vector.shape_cast %swap3A_322 : vector<16xi32> to vector<16xi32>
          %swap3A_324 = vector.shape_cast %select_n3A_320 : vector<16xi32> to vector<16xi32>
          tpu.vector_store %arg13[%swap3A_321], %swap3A_324 {strides = array<i32>} : memref<5120xi32, #tpu.memory_space<vmem>>, vector<16xi32>,
          %mul3A_325 = arith.constant 256 : i32
          %mul3A_326 = arith.muli %scan3A_143, %mul3A_325 : i32
          %add3A_327 = arith.constant 128 : i32
          %add3A_328 = arith.addi %mul3A_326, %add3A_327 : i32
          %get3A_329 = arith.index_cast %add3A_328 : i32 to index
          %get3A_330 = tpu.vector_load %arg11[%get3A_329] {strides = array<i32>} : memref<5120xi32, #tpu.memory_space<vmem>>, vector<16xi32>,
          %get3A_331 = vector.shape_cast %get3A_330 : vector<16xi32> to vector<16xi32>
          %add3A_332 = vector.broadcast %select_n3A_135 : i32 to vector<16xi32>
          %add3A_333 = arith.addi %get3A_331, %add3A_332 : vector<16xi32>
          %lt3A_334 = arith.constant 1536000 : i32
          %lt3A_335 = vector.broadcast %lt3A_334 : i32 to vector<16xi32>
          %lt3A_336 = arith.cmpi slt, %add3A_333, %lt3A_335 : vector<16xi32>
          %and3A_337 = arith.constant 8191 : i32
          %and3A_338 = vector.broadcast %and3A_337 : i32 to vector<16xi32>
          %and3A_339 = arith.andi %add3A_333, %and3A_338 : vector<16xi32>
          %add3A_340 = arith.constant 1536000 : i32
          %add3A_341 = vector.broadcast %add3A_340 : i32 to vector<16xi32>
          %add3A_342 = arith.addi %add3A_341, %and3A_339 : vector<16xi32>
          %select_n3A_343 = arith.select %lt3A_336, %add3A_333, %add3A_342 : vector<16xi1>, vector<16xi32>
          %swap3A_344 = arith.index_cast %add3A_328 : i32 to index
          %swap3A_345 = tpu.vector_load %arg13[%swap3A_344] {strides = array<i32>} : memref<5120xi32, #tpu.memory_space<vmem>>, vector<16xi32>,
          %swap3A_346 = vector.shape_cast %swap3A_345 : vector<16xi32> to vector<16xi32>
          %swap3A_347 = vector.shape_cast %select_n3A_343 : vector<16xi32> to vector<16xi32>
          tpu.vector_store %arg13[%swap3A_344], %swap3A_347 {strides = array<i32>} : memref<5120xi32, #tpu.memory_space<vmem>>, vector<16xi32>,
          %mul3A_348 = arith.constant 256 : i32
          %mul3A_349 = arith.muli %scan3A_143, %mul3A_348 : i32
          %add3A_350 = arith.constant 144 : i32
          %add3A_351 = arith.addi %mul3A_349, %add3A_350 : i32
          %get3A_352 = arith.index_cast %add3A_351 : i32 to index
          %get3A_353 = tpu.vector_load %arg11[%get3A_352] {strides = array<i32>} : memref<5120xi32, #tpu.memory_space<vmem>>, vector<16xi32>,
          %get3A_354 = vector.shape_cast %get3A_353 : vector<16xi32> to vector<16xi32>
          %add3A_355 = vector.broadcast %select_n3A_135 : i32 to vector<16xi32>
          %add3A_356 = arith.addi %get3A_354, %add3A_355 : vector<16xi32>
          %lt3A_357 = arith.constant 1536000 : i32
          %lt3A_358 = vector.broadcast %lt3A_357 : i32 to vector<16xi32>
          %lt3A_359 = arith.cmpi slt, %add3A_356, %lt3A_358 : vector<16xi32>
          %and3A_360 = arith.constant 8191 : i32
          %and3A_361 = vector.broadcast %and3A_360 : i32 to vector<16xi32>
          %and3A_362 = arith.andi %add3A_356, %and3A_361 : vector<16xi32>
          %add3A_363 = arith.constant 1536000 : i32
          %add3A_364 = vector.broadcast %add3A_363 : i32 to vector<16xi32>
          %add3A_365 = arith.addi %add3A_364, %and3A_362 : vector<16xi32>
          %select_n3A_366 = arith.select %lt3A_359, %add3A_356, %add3A_365 : vector<16xi1>, vector<16xi32>
          %swap3A_367 = arith.index_cast %add3A_351 : i32 to index
          %swap3A_368 = tpu.vector_load %arg13[%swap3A_367] {strides = array<i32>} : memref<5120xi32, #tpu.memory_space<vmem>>, vector<16xi32>,
          %swap3A_369 = vector.shape_cast %swap3A_368 : vector<16xi32> to vector<16xi32>
          %swap3A_370 = vector.shape_cast %select_n3A_366 : vector<16xi32> to vector<16xi32>
          tpu.vector_store %arg13[%swap3A_367], %swap3A_370 {strides = array<i32>} : memref<5120xi32, #tpu.memory_space<vmem>>, vector<16xi32>,
          %mul3A_371 = arith.constant 256 : i32
          %mul3A_372 = arith.muli %scan3A_143, %mul3A_371 : i32
          %add3A_373 = arith.constant 160 : i32
          %add3A_374 = arith.addi %mul3A_372, %add3A_373 : i32
          %get3A_375 = arith.index_cast %add3A_374 : i32 to index
          %get3A_376 = tpu.vector_load %arg11[%get3A_375] {strides = array<i32>} : memref<5120xi32, #tpu.memory_space<vmem>>, vector<16xi32>,
          %get3A_377 = vector.shape_cast %get3A_376 : vector<16xi32> to vector<16xi32>
          %add3A_378 = vector.broadcast %select_n3A_135 : i32 to vector<16xi32>
          %add3A_379 = arith.addi %get3A_377, %add3A_378 : vector<16xi32>
          %lt3A_380 = arith.constant 1536000 : i32
          %lt3A_381 = vector.broadcast %lt3A_380 : i32 to vector<16xi32>
          %lt3A_382 = arith.cmpi slt, %add3A_379, %lt3A_381 : vector<16xi32>
          %and3A_383 = arith.constant 8191 : i32
          %and3A_384 = vector.broadcast %and3A_383 : i32 to vector<16xi32>
          %and3A_385 = arith.andi %add3A_379, %and3A_384 : vector<16xi32>
          %add3A_386 = arith.constant 1536000 : i32
          %add3A_387 = vector.broadcast %add3A_386 : i32 to vector<16xi32>
          %add3A_388 = arith.addi %add3A_387, %and3A_385 : vector<16xi32>
          %select_n3A_389 = arith.select %lt3A_382, %add3A_379, %add3A_388 : vector<16xi1>, vector<16xi32>
          %swap3A_390 = arith.index_cast %add3A_374 : i32 to index
          %swap3A_391 = tpu.vector_load %arg13[%swap3A_390] {strides = array<i32>} : memref<5120xi32, #tpu.memory_space<vmem>>, vector<16xi32>,
          %swap3A_392 = vector.shape_cast %swap3A_391 : vector<16xi32> to vector<16xi32>
          %swap3A_393 = vector.shape_cast %select_n3A_389 : vector<16xi32> to vector<16xi32>
          tpu.vector_store %arg13[%swap3A_390], %swap3A_393 {strides = array<i32>} : memref<5120xi32, #tpu.memory_space<vmem>>, vector<16xi32>,
          %mul3A_394 = arith.constant 256 : i32
          %mul3A_395 = arith.muli %scan3A_143, %mul3A_394 : i32
          %add3A_396 = arith.constant 176 : i32
          %add3A_397 = arith.addi %mul3A_395, %add3A_396 : i32
          %get3A_398 = arith.index_cast %add3A_397 : i32 to index
          %get3A_399 = tpu.vector_load %arg11[%get3A_398] {strides = array<i32>} : memref<5120xi32, #tpu.memory_space<vmem>>, vector<16xi32>,
          %get3A_400 = vector.shape_cast %get3A_399 : vector<16xi32> to vector<16xi32>
          %add3A_401 = vector.broadcast %select_n3A_135 : i32 to vector<16xi32>
          %add3A_402 = arith.addi %get3A_400, %add3A_401 : vector<16xi32>
          %lt3A_403 = arith.constant 1536000 : i32
          %lt3A_404 = vector.broadcast %lt3A_403 : i32 to vector<16xi32>
          %lt3A_405 = arith.cmpi slt, %add3A_402, %lt3A_404 : vector<16xi32>
          %and3A_406 = arith.constant 8191 : i32
          %and3A_407 = vector.broadcast %and3A_406 : i32 to vector<16xi32>
          %and3A_408 = arith.andi %add3A_402, %and3A_407 : vector<16xi32>
          %add3A_409 = arith.constant 1536000 : i32
          %add3A_410 = vector.broadcast %add3A_409 : i32 to vector<16xi32>
          %add3A_411 = arith.addi %add3A_410, %and3A_408 : vector<16xi32>
          %select_n3A_412 = arith.select %lt3A_405, %add3A_402, %add3A_411 : vector<16xi1>, vector<16xi32>
          %swap3A_413 = arith.index_cast %add3A_397 : i32 to index
          %swap3A_414 = tpu.vector_load %arg13[%swap3A_413] {strides = array<i32>} : memref<5120xi32, #tpu.memory_space<vmem>>, vector<16xi32>,
          %swap3A_415 = vector.shape_cast %swap3A_414 : vector<16xi32> to vector<16xi32>
          %swap3A_416 = vector.shape_cast %select_n3A_412 : vector<16xi32> to vector<16xi32>
          tpu.vector_store %arg13[%swap3A_413], %swap3A_416 {strides = array<i32>} : memref<5120xi32, #tpu.memory_space<vmem>>, vector<16xi32>,
          %mul3A_417 = arith.constant 256 : i32
          %mul3A_418 = arith.muli %scan3A_143, %mul3A_417 : i32
          %add3A_419 = arith.constant 192 : i32
          %add3A_420 = arith.addi %mul3A_418, %add3A_419 : i32
          %get3A_421 = arith.index_cast %add3A_420 : i32 to index
          %get3A_422 = tpu.vector_load %arg11[%get3A_421] {strides = array<i32>} : memref<5120xi32, #tpu.memory_space<vmem>>, vector<16xi32>,
          %get3A_423 = vector.shape_cast %get3A_422 : vector<16xi32> to vector<16xi32>
          %add3A_424 = vector.broadcast %select_n3A_135 : i32 to vector<16xi32>
          %add3A_425 = arith.addi %get3A_423, %add3A_424 : vector<16xi32>
          %lt3A_426 = arith.constant 1536000 : i32
          %lt3A_427 = vector.broadcast %lt3A_426 : i32 to vector<16xi32>
          %lt3A_428 = arith.cmpi slt, %add3A_425, %lt3A_427 : vector<16xi32>
          %and3A_429 = arith.constant 8191 : i32
          %and3A_430 = vector.broadcast %and3A_429 : i32 to vector<16xi32>
          %and3A_431 = arith.andi %add3A_425, %and3A_430 : vector<16xi32>
          %add3A_432 = arith.constant 1536000 : i32
          %add3A_433 = vector.broadcast %add3A_432 : i32 to vector<16xi32>
          %add3A_434 = arith.addi %add3A_433, %and3A_431 : vector<16xi32>
          %select_n3A_435 = arith.select %lt3A_428, %add3A_425, %add3A_434 : vector<16xi1>, vector<16xi32>
          %swap3A_436 = arith.index_cast %add3A_420 : i32 to index
          %swap3A_437 = tpu.vector_load %arg13[%swap3A_436] {strides = array<i32>} : memref<5120xi32, #tpu.memory_space<vmem>>, vector<16xi32>,
          %swap3A_438 = vector.shape_cast %swap3A_437 : vector<16xi32> to vector<16xi32>
          %swap3A_439 = vector.shape_cast %select_n3A_435 : vector<16xi32> to vector<16xi32>
          tpu.vector_store %arg13[%swap3A_436], %swap3A_439 {strides = array<i32>} : memref<5120xi32, #tpu.memory_space<vmem>>, vector<16xi32>,
          %mul3A_440 = arith.constant 256 : i32
          %mul3A_441 = arith.muli %scan3A_143, %mul3A_440 : i32
          %add3A_442 = arith.constant 208 : i32
          %add3A_443 = arith.addi %mul3A_441, %add3A_442 : i32
          %get3A_444 = arith.index_cast %add3A_443 : i32 to index
          %get3A_445 = tpu.vector_load %arg11[%get3A_444] {strides = array<i32>} : memref<5120xi32, #tpu.memory_space<vmem>>, vector<16xi32>,
          %get3A_446 = vector.shape_cast %get3A_445 : vector<16xi32> to vector<16xi32>
          %add3A_447 = vector.broadcast %select_n3A_135 : i32 to vector<16xi32>
          %add3A_448 = arith.addi %get3A_446, %add3A_447 : vector<16xi32>
          %lt3A_449 = arith.constant 1536000 : i32
          %lt3A_450 = vector.broadcast %lt3A_449 : i32 to vector<16xi32>
          %lt3A_451 = arith.cmpi slt, %add3A_448, %lt3A_450 : vector<16xi32>
          %and3A_452 = arith.constant 8191 : i32
          %and3A_453 = vector.broadcast %and3A_452 : i32 to vector<16xi32>
          %and3A_454 = arith.andi %add3A_448, %and3A_453 : vector<16xi32>
          %add3A_455 = arith.constant 1536000 : i32
          %add3A_456 = vector.broadcast %add3A_455 : i32 to vector<16xi32>
          %add3A_457 = arith.addi %add3A_456, %and3A_454 : vector<16xi32>
          %select_n3A_458 = arith.select %lt3A_451, %add3A_448, %add3A_457 : vector<16xi1>, vector<16xi32>
          %swap3A_459 = arith.index_cast %add3A_443 : i32 to index
          %swap3A_460 = tpu.vector_load %arg13[%swap3A_459] {strides = array<i32>} : memref<5120xi32, #tpu.memory_space<vmem>>, vector<16xi32>,
          %swap3A_461 = vector.shape_cast %swap3A_460 : vector<16xi32> to vector<16xi32>
          %swap3A_462 = vector.shape_cast %select_n3A_458 : vector<16xi32> to vector<16xi32>
          tpu.vector_store %arg13[%swap3A_459], %swap3A_462 {strides = array<i32>} : memref<5120xi32, #tpu.memory_space<vmem>>, vector<16xi32>,
          %mul3A_463 = arith.constant 256 : i32
          %mul3A_464 = arith.muli %scan3A_143, %mul3A_463 : i32
          %add3A_465 = arith.constant 224 : i32
          %add3A_466 = arith.addi %mul3A_464, %add3A_465 : i32
          %get3A_467 = arith.index_cast %add3A_466 : i32 to index
          %get3A_468 = tpu.vector_load %arg11[%get3A_467] {strides = array<i32>} : memref<5120xi32, #tpu.memory_space<vmem>>, vector<16xi32>,
          %get3A_469 = vector.shape_cast %get3A_468 : vector<16xi32> to vector<16xi32>
          %add3A_470 = vector.broadcast %select_n3A_135 : i32 to vector<16xi32>
          %add3A_471 = arith.addi %get3A_469, %add3A_470 : vector<16xi32>
          %lt3A_472 = arith.constant 1536000 : i32
          %lt3A_473 = vector.broadcast %lt3A_472 : i32 to vector<16xi32>
          %lt3A_474 = arith.cmpi slt, %add3A_471, %lt3A_473 : vector<16xi32>
          %and3A_475 = arith.constant 8191 : i32
          %and3A_476 = vector.broadcast %and3A_475 : i32 to vector<16xi32>
          %and3A_477 = arith.andi %add3A_471, %and3A_476 : vector<16xi32>
          %add3A_478 = arith.constant 1536000 : i32
          %add3A_479 = vector.broadcast %add3A_478 : i32 to vector<16xi32>
          %add3A_480 = arith.addi %add3A_479, %and3A_477 : vector<16xi32>
          %select_n3A_481 = arith.select %lt3A_474, %add3A_471, %add3A_480 : vector<16xi1>, vector<16xi32>
          %swap3A_482 = arith.index_cast %add3A_466 : i32 to index
          %swap3A_483 = tpu.vector_load %arg13[%swap3A_482] {strides = array<i32>} : memref<5120xi32, #tpu.memory_space<vmem>>, vector<16xi32>,
          %swap3A_484 = vector.shape_cast %swap3A_483 : vector<16xi32> to vector<16xi32>
          %swap3A_485 = vector.shape_cast %select_n3A_481 : vector<16xi32> to vector<16xi32>
          tpu.vector_store %arg13[%swap3A_482], %swap3A_485 {strides = array<i32>} : memref<5120xi32, #tpu.memory_space<vmem>>, vector<16xi32>,
          %mul3A_486 = arith.constant 256 : i32
          %mul3A_487 = arith.muli %scan3A_143, %mul3A_486 : i32
          %add3A_488 = arith.constant 240 : i32
          %add3A_489 = arith.addi %mul3A_487, %add3A_488 : i32
          %get3A_490 = arith.index_cast %add3A_489 : i32 to index
          %get3A_491 = tpu.vector_load %arg11[%get3A_490] {strides = array<i32>} : memref<5120xi32, #tpu.memory_space<vmem>>, vector<16xi32>,
          %get3A_492 = vector.shape_cast %get3A_491 : vector<16xi32> to vector<16xi32>
          %add3A_493 = vector.broadcast %select_n3A_135 : i32 to vector<16xi32>
          %add3A_494 = arith.addi %get3A_492, %add3A_493 : vector<16xi32>
          %lt3A_495 = arith.constant 1536000 : i32
          %lt3A_496 = vector.broadcast %lt3A_495 : i32 to vector<16xi32>
          %lt3A_497 = arith.cmpi slt, %add3A_494, %lt3A_496 : vector<16xi32>
          %and3A_498 = arith.constant 8191 : i32
          %and3A_499 = vector.broadcast %and3A_498 : i32 to vector<16xi32>
          %and3A_500 = arith.andi %add3A_494, %and3A_499 : vector<16xi32>
          %add3A_501 = arith.constant 1536000 : i32
          %add3A_502 = vector.broadcast %add3A_501 : i32 to vector<16xi32>
          %add3A_503 = arith.addi %add3A_502, %and3A_500 : vector<16xi32>
          %select_n3A_504 = arith.select %lt3A_497, %add3A_494, %add3A_503 : vector<16xi1>, vector<16xi32>
          %swap3A_505 = arith.index_cast %add3A_489 : i32 to index
          %swap3A_506 = tpu.vector_load %arg13[%swap3A_505] {strides = array<i32>} : memref<5120xi32, #tpu.memory_space<vmem>>, vector<16xi32>,
          %swap3A_507 = vector.shape_cast %swap3A_506 : vector<16xi32> to vector<16xi32>
          %swap3A_508 = vector.shape_cast %select_n3A_504 : vector<16xi32> to vector<16xi32>
          tpu.vector_store %arg13[%swap3A_505], %swap3A_508 {strides = array<i32>} : memref<5120xi32, #tpu.memory_space<vmem>>, vector<16xi32>,
        }
        %scan3A_142 = arith.constant 20 : i32
        "tpu.region"() ({
          %run_scoped3A_143 = tpu.sem_alloc : memref<!tpu.dma_semaphore, #tpu.memory_space<semaphore_mem>>
          %dma_start3A_144 = arith.constant 0 : i32
          %dma_start3A_145 = tpu.memref_slice %arg8[%dma_start3A_144] : memref<1544192xf32, #tpu.memory_space<vmem_shared>> -> memref<1544192xf32, #tpu.memory_space<vmem_shared>>
          tpu.enqueue_indirect_dma source(%arg12 : memref<5120xf32, #tpu.memory_space<vmem>>) target(%dma_start3A_145 : memref<1544192xf32, #tpu.memory_space<vmem_shared>>) offsets(%arg13 : memref<5120xi32, #tpu.memory_space<vmem>>) semaphore(%run_scoped3A_143 : memref<!tpu.dma_semaphore, #tpu.memory_space<semaphore_mem>>) {add = true}
          %dma_wait3A_146 = arith.constant 0 : i32
          %dma_wait3A_147 = tpu.memref_slice %arg8[%dma_wait3A_146] : memref<1544192xf32, #tpu.memory_space<vmem_shared>> -> memref<1544192xf32, #tpu.memory_space<vmem_shared>>
          tpu.wait_indirect_dma semaphore(%run_scoped3A_143 : memref<!tpu.dma_semaphore, #tpu.memory_space<semaphore_mem>>) src(%arg12 : memref<5120xf32, #tpu.memory_space<vmem>>) dst(%dma_wait3A_147 : memref<1544192xf32, #tpu.memory_space<vmem_shared>>)
          tpu.yield
        }) : () -> ()
      }
      %scan3A_73 = arith.constant 20 : i32
    } else {
    }
    %eq3A_8 = arith.constant 1 : i32
    %eq3A_9 = arith.cmpi eq, %arg0, %eq3A_8 : i32
    %convert_element_type3A_10 = arith.extui %eq3A_9 : i1 to i32
    %cond3A_11 = arith.constant 0 : i32
    %cond3A_12 = arith.cmpi ne, %convert_element_type3A_10, %cond3A_11 : i32
    scf.if %cond3A_12 {
      %gt3A = arith.constant 0 : i32
      %gt3A_58 = arith.cmpi sgt, %select_n3A, %gt3A : i32
      %add3A_59 = arith.constant 0 : i32
      %add3A_60 = arith.addi %add3A, %add3A_59 : i32
      %jit3A_61 = arith.constant 0 : i32
      %select_n3A_62 = arith.select %gt3A_58, %add3A_60, %jit3A_61 : i32
      %mul3A_63 = arith.constant 5120 : i32
      %mul3A_64 = arith.muli %select_n3A_62, %mul3A_63 : i32
      %dma_start3A = tpu.memref_slice %arg3[%mul3A_64] : memref<3200000xi32, #tpu.memory_space<hbm>> -> memref<5120xi32, #tpu.memory_space<hbm>>
      %dma_start3A_65 = tpu.memref_slice %arg3[%mul3A_64] : memref<3200000xi32, #tpu.memory_space<hbm>> -> memref<5120xi32, #tpu.memory_space<hbm>>
      tpu.enqueue_dma source(%dma_start3A_65 : memref<5120xi32, #tpu.memory_space<hbm>>) target(%arg9 : memref<5120xi32, #tpu.memory_space<vmem>>) target_semaphore(%arg15 : memref<!tpu.dma_semaphore, #tpu.memory_space<semaphore_mem>>)
      %dma_start3A_66 = tpu.memref_slice %arg4[%mul3A_64] : memref<3200000xf32, #tpu.memory_space<hbm>> -> memref<5120xf32, #tpu.memory_space<hbm>>
      %dma_start3A_67 = tpu.memref_slice %arg4[%mul3A_64] : memref<3200000xf32, #tpu.memory_space<hbm>> -> memref<5120xf32, #tpu.memory_space<hbm>>
      tpu.enqueue_dma source(%dma_start3A_67 : memref<5120xf32, #tpu.memory_space<hbm>>) target(%arg10 : memref<5120xf32, #tpu.memory_space<vmem>>) target_semaphore(%arg15 : memref<!tpu.dma_semaphore, #tpu.memory_space<semaphore_mem>>)
      %scan3A_68 = arith.constant 0 : i32
      %scan3A_69 = arith.constant 0 : i32
      %scan3A_70 = arith.constant 20 : i32
      %scan3A_71 = arith.addi %scan3A_69, %scan3A_70 : i32
      %scan3A_72 = arith.constant 1 : i32
      scf.for %scan3A_74 = %scan3A_69 to %scan3A_71 step %scan3A_72  : i32 {
        %mul3A_75 = arith.constant 2 : i32
        %mul3A_76 = arith.muli %mul3A_75, %scan3A_74 : i32
        %add3A_77 = arith.constant 1 : i32
        %add3A_78 = arith.addi %mul3A_76, %add3A_77 : i32
        %lt3A_79 = arith.cmpi slt, %add3A_78, %select_n3A : i32
        %add3A_80 = arith.addi %add3A, %add3A_78 : i32
        %jit3A_81 = arith.constant 0 : i32
        %select_n3A_82 = arith.select %lt3A_79, %add3A_80, %jit3A_81 : i32
        %mul3A_83 = arith.constant 5120 : i32
        %mul3A_84 = arith.muli %select_n3A_82, %mul3A_83 : i32
        %dma_start3A_85 = tpu.memref_slice %arg3[%mul3A_84] : memref<3200000xi32, #tpu.memory_space<hbm>> -> memref<5120xi32, #tpu.memory_space<hbm>>
        %dma_start3A_86 = tpu.memref_slice %arg3[%mul3A_84] : memref<3200000xi32, #tpu.memory_space<hbm>> -> memref<5120xi32, #tpu.memory_space<hbm>>
        tpu.enqueue_dma source(%dma_start3A_86 : memref<5120xi32, #tpu.memory_space<hbm>>) target(%arg11 : memref<5120xi32, #tpu.memory_space<vmem>>) target_semaphore(%arg16 : memref<!tpu.dma_semaphore, #tpu.memory_space<semaphore_mem>>)
        %dma_start3A_87 = tpu.memref_slice %arg4[%mul3A_84] : memref<3200000xf32, #tpu.memory_space<hbm>> -> memref<5120xf32, #tpu.memory_space<hbm>>
        %dma_start3A_88 = tpu.memref_slice %arg4[%mul3A_84] : memref<3200000xf32, #tpu.memory_space<hbm>> -> memref<5120xf32, #tpu.memory_space<hbm>>
        tpu.enqueue_dma source(%dma_start3A_88 : memref<5120xf32, #tpu.memory_space<hbm>>) target(%arg12 : memref<5120xf32, #tpu.memory_space<vmem>>) target_semaphore(%arg16 : memref<!tpu.dma_semaphore, #tpu.memory_space<semaphore_mem>>)
        %dma_wait3A_89 = arith.constant 0 : i32
        %dma_wait3A_90 = tpu.memref_slice %arg3[%dma_wait3A_89] : memref<3200000xi32, #tpu.memory_space<hbm>> -> memref<5120xi32, #tpu.memory_space<hbm>>
        %dma_wait3A_91 = arith.constant 0 : i32
        %dma_wait3A_92 = tpu.memref_slice %arg3[%dma_wait3A_91] : memref<3200000xi32, #tpu.memory_space<hbm>> -> memref<5120xi32, #tpu.memory_space<hbm>>
        tpu.wait_dma2 semaphore(%arg15 : memref<!tpu.dma_semaphore, #tpu.memory_space<semaphore_mem>>) src(%dma_wait3A_92 : memref<5120xi32, #tpu.memory_space<hbm>>) dst(%arg9 : memref<5120xi32, #tpu.memory_space<vmem>>)
        %dma_wait3A_93 = arith.constant 0 : i32
        %dma_wait3A_94 = tpu.memref_slice %arg4[%dma_wait3A_93] : memref<3200000xf32, #tpu.memory_space<hbm>> -> memref<5120xf32, #tpu.memory_space<hbm>>
        %dma_wait3A_95 = arith.constant 0 : i32
        %dma_wait3A_96 = tpu.memref_slice %arg4[%dma_wait3A_95] : memref<3200000xf32, #tpu.memory_space<hbm>> -> memref<5120xf32, #tpu.memory_space<hbm>>
        tpu.wait_dma2 semaphore(%arg15 : memref<!tpu.dma_semaphore, #tpu.memory_space<semaphore_mem>>) src(%dma_wait3A_96 : memref<5120xf32, #tpu.memory_space<hbm>>) dst(%arg10 : memref<5120xf32, #tpu.memory_space<vmem>>)
        %lt3A_97 = arith.cmpi slt, %mul3A_76, %select_n3A : i32
        %add3A_98 = arith.addi %add3A, %mul3A_76 : i32
        %jit3A_99 = arith.constant 0 : i32
        %select_n3A_100 = arith.select %lt3A_97, %add3A_98, %jit3A_99 : i32
        %mul3A_101 = arith.constant 5120 : i32
        %mul3A_102 = arith.muli %select_n3A_100, %mul3A_101 : i32
        %jit3A_103 = arith.constant 0 : i32
        %jit3A_104 = arith.constant 16777216 : i32
        %select_n3A_105 = arith.select %lt3A_97, %jit3A_103, %jit3A_104 : i32
        %run_scoped3A = arith.constant 1 : i32
        "tpu.region"() ({
          %run_scoped3A_143 = tpu.sem_alloc : memref<!tpu.dma_semaphore, #tpu.memory_space<semaphore_mem>>
          %dma_start3A_144 = tpu.memref_slice %arg6[%run_scoped3A, %mul3A_102] : memref<2x3200000xi32, #tpu.memory_space<hbm>> -> memref<1x5120xi32, #tpu.memory_space<hbm>>
          %dma_start3A_145 = tpu.memref_squeeze %dma_start3A_144 : memref<1x5120xi32, #tpu.memory_space<hbm>> -> memref<5120xi32, #tpu.memory_space<hbm>>
          %dma_start3A_146 = tpu.memref_slice %arg6[%run_scoped3A, %mul3A_102] : memref<2x3200000xi32, #tpu.memory_space<hbm>> -> memref<1x5120xi32, #tpu.memory_space<hbm>>
          %dma_start3A_147 = tpu.memref_squeeze %dma_start3A_146 : memref<1x5120xi32, #tpu.memory_space<hbm>> -> memref<5120xi32, #tpu.memory_space<hbm>>
          tpu.enqueue_dma source(%arg9 : memref<5120xi32, #tpu.memory_space<vmem>>) target(%dma_start3A_147 : memref<5120xi32, #tpu.memory_space<hbm>>) target_semaphore(%run_scoped3A_143 : memref<!tpu.dma_semaphore, #tpu.memory_space<semaphore_mem>>)
          %dma_wait3A_148 = tpu.memref_slice %arg6[%run_scoped3A, %mul3A_102] : memref<2x3200000xi32, #tpu.memory_space<hbm>> -> memref<1x5120xi32, #tpu.memory_space<hbm>>
          %dma_wait3A_149 = tpu.memref_squeeze %dma_wait3A_148 : memref<1x5120xi32, #tpu.memory_space<hbm>> -> memref<5120xi32, #tpu.memory_space<hbm>>
          %dma_wait3A_150 = tpu.memref_slice %arg6[%run_scoped3A, %mul3A_102] : memref<2x3200000xi32, #tpu.memory_space<hbm>> -> memref<1x5120xi32, #tpu.memory_space<hbm>>
          %dma_wait3A_151 = tpu.memref_squeeze %dma_wait3A_150 : memref<1x5120xi32, #tpu.memory_space<hbm>> -> memref<5120xi32, #tpu.memory_space<hbm>>
          tpu.wait_dma2 semaphore(%run_scoped3A_143 : memref<!tpu.dma_semaphore, #tpu.memory_space<semaphore_mem>>) src(%arg9 : memref<5120xi32, #tpu.memory_space<vmem>>) dst(%dma_wait3A_151 : memref<5120xi32, #tpu.memory_space<hbm>>)
          tpu.yield
        }) : () -> ()
        %scan3A_106 = arith.constant 0 : i32
        %scan3A_107 = arith.constant 0 : i32
        %scan3A_108 = arith.constant 20 : i32
        %scan3A_109 = arith.addi %scan3A_107, %scan3A_108 : i32
        %scan3A_110 = arith.constant 1 : i32
        scf.for %scan3A_143 = %scan3A_107 to %scan3A_109 step %scan3A_110  : i32 {
          %mul3A_144 = arith.constant 256 : i32
          %mul3A_145 = arith.muli %scan3A_143, %mul3A_144 : i32
          %add3A_146 = arith.constant 0 : i32
          %add3A_147 = arith.addi %mul3A_145, %add3A_146 : i32
          %get3A = arith.index_cast %add3A_147 : i32 to index
          %get3A_148 = tpu.vector_load %arg9[%get3A] {strides = array<i32>} : memref<5120xi32, #tpu.memory_space<vmem>>, vector<16xi32>,
          %get3A_149 = vector.shape_cast %get3A_148 : vector<16xi32> to vector<16xi32>
          %add3A_150 = vector.broadcast %select_n3A_105 : i32 to vector<16xi32>
          %add3A_151 = arith.addi %get3A_149, %add3A_150 : vector<16xi32>
          %lt3A_152 = arith.constant 1536000 : i32
          %lt3A_153 = vector.broadcast %lt3A_152 : i32 to vector<16xi32>
          %lt3A_154 = arith.cmpi slt, %add3A_151, %lt3A_153 : vector<16xi32>
          %and3A = arith.constant 8191 : i32
          %and3A_155 = vector.broadcast %and3A : i32 to vector<16xi32>
          %and3A_156 = arith.andi %add3A_151, %and3A_155 : vector<16xi32>
          %add3A_157 = arith.constant 1536000 : i32
          %add3A_158 = vector.broadcast %add3A_157 : i32 to vector<16xi32>
          %add3A_159 = arith.addi %add3A_158, %and3A_156 : vector<16xi32>
          %select_n3A_160 = arith.select %lt3A_154, %add3A_151, %add3A_159 : vector<16xi1>, vector<16xi32>
          %swap3A = arith.index_cast %add3A_147 : i32 to index
          %swap3A_161 = tpu.vector_load %arg13[%swap3A] {strides = array<i32>} : memref<5120xi32, #tpu.memory_space<vmem>>, vector<16xi32>,
          %swap3A_162 = vector.shape_cast %swap3A_161 : vector<16xi32> to vector<16xi32>
          %swap3A_163 = vector.shape_cast %select_n3A_160 : vector<16xi32> to vector<16xi32>
          tpu.vector_store %arg13[%swap3A], %swap3A_163 {strides = array<i32>} : memref<5120xi32, #tpu.memory_space<vmem>>, vector<16xi32>,
          %mul3A_164 = arith.constant 256 : i32
          %mul3A_165 = arith.muli %scan3A_143, %mul3A_164 : i32
          %add3A_166 = arith.constant 16 : i32
          %add3A_167 = arith.addi %mul3A_165, %add3A_166 : i32
          %get3A_168 = arith.index_cast %add3A_167 : i32 to index
          %get3A_169 = tpu.vector_load %arg9[%get3A_168] {strides = array<i32>} : memref<5120xi32, #tpu.memory_space<vmem>>, vector<16xi32>,
          %get3A_170 = vector.shape_cast %get3A_169 : vector<16xi32> to vector<16xi32>
          %add3A_171 = vector.broadcast %select_n3A_105 : i32 to vector<16xi32>
          %add3A_172 = arith.addi %get3A_170, %add3A_171 : vector<16xi32>
          %lt3A_173 = arith.constant 1536000 : i32
          %lt3A_174 = vector.broadcast %lt3A_173 : i32 to vector<16xi32>
          %lt3A_175 = arith.cmpi slt, %add3A_172, %lt3A_174 : vector<16xi32>
          %and3A_176 = arith.constant 8191 : i32
          %and3A_177 = vector.broadcast %and3A_176 : i32 to vector<16xi32>
          %and3A_178 = arith.andi %add3A_172, %and3A_177 : vector<16xi32>
          %add3A_179 = arith.constant 1536000 : i32
          %add3A_180 = vector.broadcast %add3A_179 : i32 to vector<16xi32>
          %add3A_181 = arith.addi %add3A_180, %and3A_178 : vector<16xi32>
          %select_n3A_182 = arith.select %lt3A_175, %add3A_172, %add3A_181 : vector<16xi1>, vector<16xi32>
          %swap3A_183 = arith.index_cast %add3A_167 : i32 to index
          %swap3A_184 = tpu.vector_load %arg13[%swap3A_183] {strides = array<i32>} : memref<5120xi32, #tpu.memory_space<vmem>>, vector<16xi32>,
          %swap3A_185 = vector.shape_cast %swap3A_184 : vector<16xi32> to vector<16xi32>
          %swap3A_186 = vector.shape_cast %select_n3A_182 : vector<16xi32> to vector<16xi32>
          tpu.vector_store %arg13[%swap3A_183], %swap3A_186 {strides = array<i32>} : memref<5120xi32, #tpu.memory_space<vmem>>, vector<16xi32>,
          %mul3A_187 = arith.constant 256 : i32
          %mul3A_188 = arith.muli %scan3A_143, %mul3A_187 : i32
          %add3A_189 = arith.constant 32 : i32
          %add3A_190 = arith.addi %mul3A_188, %add3A_189 : i32
          %get3A_191 = arith.index_cast %add3A_190 : i32 to index
          %get3A_192 = tpu.vector_load %arg9[%get3A_191] {strides = array<i32>} : memref<5120xi32, #tpu.memory_space<vmem>>, vector<16xi32>,
          %get3A_193 = vector.shape_cast %get3A_192 : vector<16xi32> to vector<16xi32>
          %add3A_194 = vector.broadcast %select_n3A_105 : i32 to vector<16xi32>
          %add3A_195 = arith.addi %get3A_193, %add3A_194 : vector<16xi32>
          %lt3A_196 = arith.constant 1536000 : i32
          %lt3A_197 = vector.broadcast %lt3A_196 : i32 to vector<16xi32>
          %lt3A_198 = arith.cmpi slt, %add3A_195, %lt3A_197 : vector<16xi32>
          %and3A_199 = arith.constant 8191 : i32
          %and3A_200 = vector.broadcast %and3A_199 : i32 to vector<16xi32>
          %and3A_201 = arith.andi %add3A_195, %and3A_200 : vector<16xi32>
          %add3A_202 = arith.constant 1536000 : i32
          %add3A_203 = vector.broadcast %add3A_202 : i32 to vector<16xi32>
          %add3A_204 = arith.addi %add3A_203, %and3A_201 : vector<16xi32>
          %select_n3A_205 = arith.select %lt3A_198, %add3A_195, %add3A_204 : vector<16xi1>, vector<16xi32>
          %swap3A_206 = arith.index_cast %add3A_190 : i32 to index
          %swap3A_207 = tpu.vector_load %arg13[%swap3A_206] {strides = array<i32>} : memref<5120xi32, #tpu.memory_space<vmem>>, vector<16xi32>,
          %swap3A_208 = vector.shape_cast %swap3A_207 : vector<16xi32> to vector<16xi32>
          %swap3A_209 = vector.shape_cast %select_n3A_205 : vector<16xi32> to vector<16xi32>
          tpu.vector_store %arg13[%swap3A_206], %swap3A_209 {strides = array<i32>} : memref<5120xi32, #tpu.memory_space<vmem>>, vector<16xi32>,
          %mul3A_210 = arith.constant 256 : i32
          %mul3A_211 = arith.muli %scan3A_143, %mul3A_210 : i32
          %add3A_212 = arith.constant 48 : i32
          %add3A_213 = arith.addi %mul3A_211, %add3A_212 : i32
          %get3A_214 = arith.index_cast %add3A_213 : i32 to index
          %get3A_215 = tpu.vector_load %arg9[%get3A_214] {strides = array<i32>} : memref<5120xi32, #tpu.memory_space<vmem>>, vector<16xi32>,
          %get3A_216 = vector.shape_cast %get3A_215 : vector<16xi32> to vector<16xi32>
          %add3A_217 = vector.broadcast %select_n3A_105 : i32 to vector<16xi32>
          %add3A_218 = arith.addi %get3A_216, %add3A_217 : vector<16xi32>
          %lt3A_219 = arith.constant 1536000 : i32
          %lt3A_220 = vector.broadcast %lt3A_219 : i32 to vector<16xi32>
          %lt3A_221 = arith.cmpi slt, %add3A_218, %lt3A_220 : vector<16xi32>
          %and3A_222 = arith.constant 8191 : i32
          %and3A_223 = vector.broadcast %and3A_222 : i32 to vector<16xi32>
          %and3A_224 = arith.andi %add3A_218, %and3A_223 : vector<16xi32>
          %add3A_225 = arith.constant 1536000 : i32
          %add3A_226 = vector.broadcast %add3A_225 : i32 to vector<16xi32>
          %add3A_227 = arith.addi %add3A_226, %and3A_224 : vector<16xi32>
          %select_n3A_228 = arith.select %lt3A_221, %add3A_218, %add3A_227 : vector<16xi1>, vector<16xi32>
          %swap3A_229 = arith.index_cast %add3A_213 : i32 to index
          %swap3A_230 = tpu.vector_load %arg13[%swap3A_229] {strides = array<i32>} : memref<5120xi32, #tpu.memory_space<vmem>>, vector<16xi32>,
          %swap3A_231 = vector.shape_cast %swap3A_230 : vector<16xi32> to vector<16xi32>
          %swap3A_232 = vector.shape_cast %select_n3A_228 : vector<16xi32> to vector<16xi32>
          tpu.vector_store %arg13[%swap3A_229], %swap3A_232 {strides = array<i32>} : memref<5120xi32, #tpu.memory_space<vmem>>, vector<16xi32>,
          %mul3A_233 = arith.constant 256 : i32
          %mul3A_234 = arith.muli %scan3A_143, %mul3A_233 : i32
          %add3A_235 = arith.constant 64 : i32
          %add3A_236 = arith.addi %mul3A_234, %add3A_235 : i32
          %get3A_237 = arith.index_cast %add3A_236 : i32 to index
          %get3A_238 = tpu.vector_load %arg9[%get3A_237] {strides = array<i32>} : memref<5120xi32, #tpu.memory_space<vmem>>, vector<16xi32>,
          %get3A_239 = vector.shape_cast %get3A_238 : vector<16xi32> to vector<16xi32>
          %add3A_240 = vector.broadcast %select_n3A_105 : i32 to vector<16xi32>
          %add3A_241 = arith.addi %get3A_239, %add3A_240 : vector<16xi32>
          %lt3A_242 = arith.constant 1536000 : i32
          %lt3A_243 = vector.broadcast %lt3A_242 : i32 to vector<16xi32>
          %lt3A_244 = arith.cmpi slt, %add3A_241, %lt3A_243 : vector<16xi32>
          %and3A_245 = arith.constant 8191 : i32
          %and3A_246 = vector.broadcast %and3A_245 : i32 to vector<16xi32>
          %and3A_247 = arith.andi %add3A_241, %and3A_246 : vector<16xi32>
          %add3A_248 = arith.constant 1536000 : i32
          %add3A_249 = vector.broadcast %add3A_248 : i32 to vector<16xi32>
          %add3A_250 = arith.addi %add3A_249, %and3A_247 : vector<16xi32>
          %select_n3A_251 = arith.select %lt3A_244, %add3A_241, %add3A_250 : vector<16xi1>, vector<16xi32>
          %swap3A_252 = arith.index_cast %add3A_236 : i32 to index
          %swap3A_253 = tpu.vector_load %arg13[%swap3A_252] {strides = array<i32>} : memref<5120xi32, #tpu.memory_space<vmem>>, vector<16xi32>,
          %swap3A_254 = vector.shape_cast %swap3A_253 : vector<16xi32> to vector<16xi32>
          %swap3A_255 = vector.shape_cast %select_n3A_251 : vector<16xi32> to vector<16xi32>
          tpu.vector_store %arg13[%swap3A_252], %swap3A_255 {strides = array<i32>} : memref<5120xi32, #tpu.memory_space<vmem>>, vector<16xi32>,
          %mul3A_256 = arith.constant 256 : i32
          %mul3A_257 = arith.muli %scan3A_143, %mul3A_256 : i32
          %add3A_258 = arith.constant 80 : i32
          %add3A_259 = arith.addi %mul3A_257, %add3A_258 : i32
          %get3A_260 = arith.index_cast %add3A_259 : i32 to index
          %get3A_261 = tpu.vector_load %arg9[%get3A_260] {strides = array<i32>} : memref<5120xi32, #tpu.memory_space<vmem>>, vector<16xi32>,
          %get3A_262 = vector.shape_cast %get3A_261 : vector<16xi32> to vector<16xi32>
          %add3A_263 = vector.broadcast %select_n3A_105 : i32 to vector<16xi32>
          %add3A_264 = arith.addi %get3A_262, %add3A_263 : vector<16xi32>
          %lt3A_265 = arith.constant 1536000 : i32
          %lt3A_266 = vector.broadcast %lt3A_265 : i32 to vector<16xi32>
          %lt3A_267 = arith.cmpi slt, %add3A_264, %lt3A_266 : vector<16xi32>
          %and3A_268 = arith.constant 8191 : i32
          %and3A_269 = vector.broadcast %and3A_268 : i32 to vector<16xi32>
          %and3A_270 = arith.andi %add3A_264, %and3A_269 : vector<16xi32>
          %add3A_271 = arith.constant 1536000 : i32
          %add3A_272 = vector.broadcast %add3A_271 : i32 to vector<16xi32>
          %add3A_273 = arith.addi %add3A_272, %and3A_270 : vector<16xi32>
          %select_n3A_274 = arith.select %lt3A_267, %add3A_264, %add3A_273 : vector<16xi1>, vector<16xi32>
          %swap3A_275 = arith.index_cast %add3A_259 : i32 to index
          %swap3A_276 = tpu.vector_load %arg13[%swap3A_275] {strides = array<i32>} : memref<5120xi32, #tpu.memory_space<vmem>>, vector<16xi32>,
          %swap3A_277 = vector.shape_cast %swap3A_276 : vector<16xi32> to vector<16xi32>
          %swap3A_278 = vector.shape_cast %select_n3A_274 : vector<16xi32> to vector<16xi32>
          tpu.vector_store %arg13[%swap3A_275], %swap3A_278 {strides = array<i32>} : memref<5120xi32, #tpu.memory_space<vmem>>, vector<16xi32>,
          %mul3A_279 = arith.constant 256 : i32
          %mul3A_280 = arith.muli %scan3A_143, %mul3A_279 : i32
          %add3A_281 = arith.constant 96 : i32
          %add3A_282 = arith.addi %mul3A_280, %add3A_281 : i32
          %get3A_283 = arith.index_cast %add3A_282 : i32 to index
          %get3A_284 = tpu.vector_load %arg9[%get3A_283] {strides = array<i32>} : memref<5120xi32, #tpu.memory_space<vmem>>, vector<16xi32>,
          %get3A_285 = vector.shape_cast %get3A_284 : vector<16xi32> to vector<16xi32>
          %add3A_286 = vector.broadcast %select_n3A_105 : i32 to vector<16xi32>
          %add3A_287 = arith.addi %get3A_285, %add3A_286 : vector<16xi32>
          %lt3A_288 = arith.constant 1536000 : i32
          %lt3A_289 = vector.broadcast %lt3A_288 : i32 to vector<16xi32>
          %lt3A_290 = arith.cmpi slt, %add3A_287, %lt3A_289 : vector<16xi32>
          %and3A_291 = arith.constant 8191 : i32
          %and3A_292 = vector.broadcast %and3A_291 : i32 to vector<16xi32>
          %and3A_293 = arith.andi %add3A_287, %and3A_292 : vector<16xi32>
          %add3A_294 = arith.constant 1536000 : i32
          %add3A_295 = vector.broadcast %add3A_294 : i32 to vector<16xi32>
          %add3A_296 = arith.addi %add3A_295, %and3A_293 : vector<16xi32>
          %select_n3A_297 = arith.select %lt3A_290, %add3A_287, %add3A_296 : vector<16xi1>, vector<16xi32>
          %swap3A_298 = arith.index_cast %add3A_282 : i32 to index
          %swap3A_299 = tpu.vector_load %arg13[%swap3A_298] {strides = array<i32>} : memref<5120xi32, #tpu.memory_space<vmem>>, vector<16xi32>,
          %swap3A_300 = vector.shape_cast %swap3A_299 : vector<16xi32> to vector<16xi32>
          %swap3A_301 = vector.shape_cast %select_n3A_297 : vector<16xi32> to vector<16xi32>
          tpu.vector_store %arg13[%swap3A_298], %swap3A_301 {strides = array<i32>} : memref<5120xi32, #tpu.memory_space<vmem>>, vector<16xi32>,
          %mul3A_302 = arith.constant 256 : i32
          %mul3A_303 = arith.muli %scan3A_143, %mul3A_302 : i32
          %add3A_304 = arith.constant 112 : i32
          %add3A_305 = arith.addi %mul3A_303, %add3A_304 : i32
          %get3A_306 = arith.index_cast %add3A_305 : i32 to index
          %get3A_307 = tpu.vector_load %arg9[%get3A_306] {strides = array<i32>} : memref<5120xi32, #tpu.memory_space<vmem>>, vector<16xi32>,
          %get3A_308 = vector.shape_cast %get3A_307 : vector<16xi32> to vector<16xi32>
          %add3A_309 = vector.broadcast %select_n3A_105 : i32 to vector<16xi32>
          %add3A_310 = arith.addi %get3A_308, %add3A_309 : vector<16xi32>
          %lt3A_311 = arith.constant 1536000 : i32
          %lt3A_312 = vector.broadcast %lt3A_311 : i32 to vector<16xi32>
          %lt3A_313 = arith.cmpi slt, %add3A_310, %lt3A_312 : vector<16xi32>
          %and3A_314 = arith.constant 8191 : i32
          %and3A_315 = vector.broadcast %and3A_314 : i32 to vector<16xi32>
          %and3A_316 = arith.andi %add3A_310, %and3A_315 : vector<16xi32>
          %add3A_317 = arith.constant 1536000 : i32
          %add3A_318 = vector.broadcast %add3A_317 : i32 to vector<16xi32>
          %add3A_319 = arith.addi %add3A_318, %and3A_316 : vector<16xi32>
          %select_n3A_320 = arith.select %lt3A_313, %add3A_310, %add3A_319 : vector<16xi1>, vector<16xi32>
          %swap3A_321 = arith.index_cast %add3A_305 : i32 to index
          %swap3A_322 = tpu.vector_load %arg13[%swap3A_321] {strides = array<i32>} : memref<5120xi32, #tpu.memory_space<vmem>>, vector<16xi32>,
          %swap3A_323 = vector.shape_cast %swap3A_322 : vector<16xi32> to vector<16xi32>
          %swap3A_324 = vector.shape_cast %select_n3A_320 : vector<16xi32> to vector<16xi32>
          tpu.vector_store %arg13[%swap3A_321], %swap3A_324 {strides = array<i32>} : memref<5120xi32, #tpu.memory_space<vmem>>, vector<16xi32>,
          %mul3A_325 = arith.constant 256 : i32
          %mul3A_326 = arith.muli %scan3A_143, %mul3A_325 : i32
          %add3A_327 = arith.constant 128 : i32
          %add3A_328 = arith.addi %mul3A_326, %add3A_327 : i32
          %get3A_329 = arith.index_cast %add3A_328 : i32 to index
          %get3A_330 = tpu.vector_load %arg9[%get3A_329] {strides = array<i32>} : memref<5120xi32, #tpu.memory_space<vmem>>, vector<16xi32>,
          %get3A_331 = vector.shape_cast %get3A_330 : vector<16xi32> to vector<16xi32>
          %add3A_332 = vector.broadcast %select_n3A_105 : i32 to vector<16xi32>
          %add3A_333 = arith.addi %get3A_331, %add3A_332 : vector<16xi32>
          %lt3A_334 = arith.constant 1536000 : i32
          %lt3A_335 = vector.broadcast %lt3A_334 : i32 to vector<16xi32>
          %lt3A_336 = arith.cmpi slt, %add3A_333, %lt3A_335 : vector<16xi32>
          %and3A_337 = arith.constant 8191 : i32
          %and3A_338 = vector.broadcast %and3A_337 : i32 to vector<16xi32>
          %and3A_339 = arith.andi %add3A_333, %and3A_338 : vector<16xi32>
          %add3A_340 = arith.constant 1536000 : i32
          %add3A_341 = vector.broadcast %add3A_340 : i32 to vector<16xi32>
          %add3A_342 = arith.addi %add3A_341, %and3A_339 : vector<16xi32>
          %select_n3A_343 = arith.select %lt3A_336, %add3A_333, %add3A_342 : vector<16xi1>, vector<16xi32>
          %swap3A_344 = arith.index_cast %add3A_328 : i32 to index
          %swap3A_345 = tpu.vector_load %arg13[%swap3A_344] {strides = array<i32>} : memref<5120xi32, #tpu.memory_space<vmem>>, vector<16xi32>,
          %swap3A_346 = vector.shape_cast %swap3A_345 : vector<16xi32> to vector<16xi32>
          %swap3A_347 = vector.shape_cast %select_n3A_343 : vector<16xi32> to vector<16xi32>
          tpu.vector_store %arg13[%swap3A_344], %swap3A_347 {strides = array<i32>} : memref<5120xi32, #tpu.memory_space<vmem>>, vector<16xi32>,
          %mul3A_348 = arith.constant 256 : i32
          %mul3A_349 = arith.muli %scan3A_143, %mul3A_348 : i32
          %add3A_350 = arith.constant 144 : i32
          %add3A_351 = arith.addi %mul3A_349, %add3A_350 : i32
          %get3A_352 = arith.index_cast %add3A_351 : i32 to index
          %get3A_353 = tpu.vector_load %arg9[%get3A_352] {strides = array<i32>} : memref<5120xi32, #tpu.memory_space<vmem>>, vector<16xi32>,
          %get3A_354 = vector.shape_cast %get3A_353 : vector<16xi32> to vector<16xi32>
          %add3A_355 = vector.broadcast %select_n3A_105 : i32 to vector<16xi32>
          %add3A_356 = arith.addi %get3A_354, %add3A_355 : vector<16xi32>
          %lt3A_357 = arith.constant 1536000 : i32
          %lt3A_358 = vector.broadcast %lt3A_357 : i32 to vector<16xi32>
          %lt3A_359 = arith.cmpi slt, %add3A_356, %lt3A_358 : vector<16xi32>
          %and3A_360 = arith.constant 8191 : i32
          %and3A_361 = vector.broadcast %and3A_360 : i32 to vector<16xi32>
          %and3A_362 = arith.andi %add3A_356, %and3A_361 : vector<16xi32>
          %add3A_363 = arith.constant 1536000 : i32
          %add3A_364 = vector.broadcast %add3A_363 : i32 to vector<16xi32>
          %add3A_365 = arith.addi %add3A_364, %and3A_362 : vector<16xi32>
          %select_n3A_366 = arith.select %lt3A_359, %add3A_356, %add3A_365 : vector<16xi1>, vector<16xi32>
          %swap3A_367 = arith.index_cast %add3A_351 : i32 to index
          %swap3A_368 = tpu.vector_load %arg13[%swap3A_367] {strides = array<i32>} : memref<5120xi32, #tpu.memory_space<vmem>>, vector<16xi32>,
          %swap3A_369 = vector.shape_cast %swap3A_368 : vector<16xi32> to vector<16xi32>
          %swap3A_370 = vector.shape_cast %select_n3A_366 : vector<16xi32> to vector<16xi32>
          tpu.vector_store %arg13[%swap3A_367], %swap3A_370 {strides = array<i32>} : memref<5120xi32, #tpu.memory_space<vmem>>, vector<16xi32>,
          %mul3A_371 = arith.constant 256 : i32
          %mul3A_372 = arith.muli %scan3A_143, %mul3A_371 : i32
          %add3A_373 = arith.constant 160 : i32
          %add3A_374 = arith.addi %mul3A_372, %add3A_373 : i32
          %get3A_375 = arith.index_cast %add3A_374 : i32 to index
          %get3A_376 = tpu.vector_load %arg9[%get3A_375] {strides = array<i32>} : memref<5120xi32, #tpu.memory_space<vmem>>, vector<16xi32>,
          %get3A_377 = vector.shape_cast %get3A_376 : vector<16xi32> to vector<16xi32>
          %add3A_378 = vector.broadcast %select_n3A_105 : i32 to vector<16xi32>
          %add3A_379 = arith.addi %get3A_377, %add3A_378 : vector<16xi32>
          %lt3A_380 = arith.constant 1536000 : i32
          %lt3A_381 = vector.broadcast %lt3A_380 : i32 to vector<16xi32>
          %lt3A_382 = arith.cmpi slt, %add3A_379, %lt3A_381 : vector<16xi32>
          %and3A_383 = arith.constant 8191 : i32
          %and3A_384 = vector.broadcast %and3A_383 : i32 to vector<16xi32>
          %and3A_385 = arith.andi %add3A_379, %and3A_384 : vector<16xi32>
          %add3A_386 = arith.constant 1536000 : i32
          %add3A_387 = vector.broadcast %add3A_386 : i32 to vector<16xi32>
          %add3A_388 = arith.addi %add3A_387, %and3A_385 : vector<16xi32>
          %select_n3A_389 = arith.select %lt3A_382, %add3A_379, %add3A_388 : vector<16xi1>, vector<16xi32>
          %swap3A_390 = arith.index_cast %add3A_374 : i32 to index
          %swap3A_391 = tpu.vector_load %arg13[%swap3A_390] {strides = array<i32>} : memref<5120xi32, #tpu.memory_space<vmem>>, vector<16xi32>,
          %swap3A_392 = vector.shape_cast %swap3A_391 : vector<16xi32> to vector<16xi32>
          %swap3A_393 = vector.shape_cast %select_n3A_389 : vector<16xi32> to vector<16xi32>
          tpu.vector_store %arg13[%swap3A_390], %swap3A_393 {strides = array<i32>} : memref<5120xi32, #tpu.memory_space<vmem>>, vector<16xi32>,
          %mul3A_394 = arith.constant 256 : i32
          %mul3A_395 = arith.muli %scan3A_143, %mul3A_394 : i32
          %add3A_396 = arith.constant 176 : i32
          %add3A_397 = arith.addi %mul3A_395, %add3A_396 : i32
          %get3A_398 = arith.index_cast %add3A_397 : i32 to index
          %get3A_399 = tpu.vector_load %arg9[%get3A_398] {strides = array<i32>} : memref<5120xi32, #tpu.memory_space<vmem>>, vector<16xi32>,
          %get3A_400 = vector.shape_cast %get3A_399 : vector<16xi32> to vector<16xi32>
          %add3A_401 = vector.broadcast %select_n3A_105 : i32 to vector<16xi32>
          %add3A_402 = arith.addi %get3A_400, %add3A_401 : vector<16xi32>
          %lt3A_403 = arith.constant 1536000 : i32
          %lt3A_404 = vector.broadcast %lt3A_403 : i32 to vector<16xi32>
          %lt3A_405 = arith.cmpi slt, %add3A_402, %lt3A_404 : vector<16xi32>
          %and3A_406 = arith.constant 8191 : i32
          %and3A_407 = vector.broadcast %and3A_406 : i32 to vector<16xi32>
          %and3A_408 = arith.andi %add3A_402, %and3A_407 : vector<16xi32>
          %add3A_409 = arith.constant 1536000 : i32
          %add3A_410 = vector.broadcast %add3A_409 : i32 to vector<16xi32>
          %add3A_411 = arith.addi %add3A_410, %and3A_408 : vector<16xi32>
          %select_n3A_412 = arith.select %lt3A_405, %add3A_402, %add3A_411 : vector<16xi1>, vector<16xi32>
          %swap3A_413 = arith.index_cast %add3A_397 : i32 to index
          %swap3A_414 = tpu.vector_load %arg13[%swap3A_413] {strides = array<i32>} : memref<5120xi32, #tpu.memory_space<vmem>>, vector<16xi32>,
          %swap3A_415 = vector.shape_cast %swap3A_414 : vector<16xi32> to vector<16xi32>
          %swap3A_416 = vector.shape_cast %select_n3A_412 : vector<16xi32> to vector<16xi32>
          tpu.vector_store %arg13[%swap3A_413], %swap3A_416 {strides = array<i32>} : memref<5120xi32, #tpu.memory_space<vmem>>, vector<16xi32>,
          %mul3A_417 = arith.constant 256 : i32
          %mul3A_418 = arith.muli %scan3A_143, %mul3A_417 : i32
          %add3A_419 = arith.constant 192 : i32
          %add3A_420 = arith.addi %mul3A_418, %add3A_419 : i32
          %get3A_421 = arith.index_cast %add3A_420 : i32 to index
          %get3A_422 = tpu.vector_load %arg9[%get3A_421] {strides = array<i32>} : memref<5120xi32, #tpu.memory_space<vmem>>, vector<16xi32>,
          %get3A_423 = vector.shape_cast %get3A_422 : vector<16xi32> to vector<16xi32>
          %add3A_424 = vector.broadcast %select_n3A_105 : i32 to vector<16xi32>
          %add3A_425 = arith.addi %get3A_423, %add3A_424 : vector<16xi32>
          %lt3A_426 = arith.constant 1536000 : i32
          %lt3A_427 = vector.broadcast %lt3A_426 : i32 to vector<16xi32>
          %lt3A_428 = arith.cmpi slt, %add3A_425, %lt3A_427 : vector<16xi32>
          %and3A_429 = arith.constant 8191 : i32
          %and3A_430 = vector.broadcast %and3A_429 : i32 to vector<16xi32>
          %and3A_431 = arith.andi %add3A_425, %and3A_430 : vector<16xi32>
          %add3A_432 = arith.constant 1536000 : i32
          %add3A_433 = vector.broadcast %add3A_432 : i32 to vector<16xi32>
          %add3A_434 = arith.addi %add3A_433, %and3A_431 : vector<16xi32>
          %select_n3A_435 = arith.select %lt3A_428, %add3A_425, %add3A_434 : vector<16xi1>, vector<16xi32>
          %swap3A_436 = arith.index_cast %add3A_420 : i32 to index
          %swap3A_437 = tpu.vector_load %arg13[%swap3A_436] {strides = array<i32>} : memref<5120xi32, #tpu.memory_space<vmem>>, vector<16xi32>,
          %swap3A_438 = vector.shape_cast %swap3A_437 : vector<16xi32> to vector<16xi32>
          %swap3A_439 = vector.shape_cast %select_n3A_435 : vector<16xi32> to vector<16xi32>
          tpu.vector_store %arg13[%swap3A_436], %swap3A_439 {strides = array<i32>} : memref<5120xi32, #tpu.memory_space<vmem>>, vector<16xi32>,
          %mul3A_440 = arith.constant 256 : i32
          %mul3A_441 = arith.muli %scan3A_143, %mul3A_440 : i32
          %add3A_442 = arith.constant 208 : i32
          %add3A_443 = arith.addi %mul3A_441, %add3A_442 : i32
          %get3A_444 = arith.index_cast %add3A_443 : i32 to index
          %get3A_445 = tpu.vector_load %arg9[%get3A_444] {strides = array<i32>} : memref<5120xi32, #tpu.memory_space<vmem>>, vector<16xi32>,
          %get3A_446 = vector.shape_cast %get3A_445 : vector<16xi32> to vector<16xi32>
          %add3A_447 = vector.broadcast %select_n3A_105 : i32 to vector<16xi32>
          %add3A_448 = arith.addi %get3A_446, %add3A_447 : vector<16xi32>
          %lt3A_449 = arith.constant 1536000 : i32
          %lt3A_450 = vector.broadcast %lt3A_449 : i32 to vector<16xi32>
          %lt3A_451 = arith.cmpi slt, %add3A_448, %lt3A_450 : vector<16xi32>
          %and3A_452 = arith.constant 8191 : i32
          %and3A_453 = vector.broadcast %and3A_452 : i32 to vector<16xi32>
          %and3A_454 = arith.andi %add3A_448, %and3A_453 : vector<16xi32>
          %add3A_455 = arith.constant 1536000 : i32
          %add3A_456 = vector.broadcast %add3A_455 : i32 to vector<16xi32>
          %add3A_457 = arith.addi %add3A_456, %and3A_454 : vector<16xi32>
          %select_n3A_458 = arith.select %lt3A_451, %add3A_448, %add3A_457 : vector<16xi1>, vector<16xi32>
          %swap3A_459 = arith.index_cast %add3A_443 : i32 to index
          %swap3A_460 = tpu.vector_load %arg13[%swap3A_459] {strides = array<i32>} : memref<5120xi32, #tpu.memory_space<vmem>>, vector<16xi32>,
          %swap3A_461 = vector.shape_cast %swap3A_460 : vector<16xi32> to vector<16xi32>
          %swap3A_462 = vector.shape_cast %select_n3A_458 : vector<16xi32> to vector<16xi32>
          tpu.vector_store %arg13[%swap3A_459], %swap3A_462 {strides = array<i32>} : memref<5120xi32, #tpu.memory_space<vmem>>, vector<16xi32>,
          %mul3A_463 = arith.constant 256 : i32
          %mul3A_464 = arith.muli %scan3A_143, %mul3A_463 : i32
          %add3A_465 = arith.constant 224 : i32
          %add3A_466 = arith.addi %mul3A_464, %add3A_465 : i32
          %get3A_467 = arith.index_cast %add3A_466 : i32 to index
          %get3A_468 = tpu.vector_load %arg9[%get3A_467] {strides = array<i32>} : memref<5120xi32, #tpu.memory_space<vmem>>, vector<16xi32>,
          %get3A_469 = vector.shape_cast %get3A_468 : vector<16xi32> to vector<16xi32>
          %add3A_470 = vector.broadcast %select_n3A_105 : i32 to vector<16xi32>
          %add3A_471 = arith.addi %get3A_469, %add3A_470 : vector<16xi32>
          %lt3A_472 = arith.constant 1536000 : i32
          %lt3A_473 = vector.broadcast %lt3A_472 : i32 to vector<16xi32>
          %lt3A_474 = arith.cmpi slt, %add3A_471, %lt3A_473 : vector<16xi32>
          %and3A_475 = arith.constant 8191 : i32
          %and3A_476 = vector.broadcast %and3A_475 : i32 to vector<16xi32>
          %and3A_477 = arith.andi %add3A_471, %and3A_476 : vector<16xi32>
          %add3A_478 = arith.constant 1536000 : i32
          %add3A_479 = vector.broadcast %add3A_478 : i32 to vector<16xi32>
          %add3A_480 = arith.addi %add3A_479, %and3A_477 : vector<16xi32>
          %select_n3A_481 = arith.select %lt3A_474, %add3A_471, %add3A_480 : vector<16xi1>, vector<16xi32>
          %swap3A_482 = arith.index_cast %add3A_466 : i32 to index
          %swap3A_483 = tpu.vector_load %arg13[%swap3A_482] {strides = array<i32>} : memref<5120xi32, #tpu.memory_space<vmem>>, vector<16xi32>,
          %swap3A_484 = vector.shape_cast %swap3A_483 : vector<16xi32> to vector<16xi32>
          %swap3A_485 = vector.shape_cast %select_n3A_481 : vector<16xi32> to vector<16xi32>
          tpu.vector_store %arg13[%swap3A_482], %swap3A_485 {strides = array<i32>} : memref<5120xi32, #tpu.memory_space<vmem>>, vector<16xi32>,
          %mul3A_486 = arith.constant 256 : i32
          %mul3A_487 = arith.muli %scan3A_143, %mul3A_486 : i32
          %add3A_488 = arith.constant 240 : i32
          %add3A_489 = arith.addi %mul3A_487, %add3A_488 : i32
          %get3A_490 = arith.index_cast %add3A_489 : i32 to index
          %get3A_491 = tpu.vector_load %arg9[%get3A_490] {strides = array<i32>} : memref<5120xi32, #tpu.memory_space<vmem>>, vector<16xi32>,
          %get3A_492 = vector.shape_cast %get3A_491 : vector<16xi32> to vector<16xi32>
          %add3A_493 = vector.broadcast %select_n3A_105 : i32 to vector<16xi32>
          %add3A_494 = arith.addi %get3A_492, %add3A_493 : vector<16xi32>
          %lt3A_495 = arith.constant 1536000 : i32
          %lt3A_496 = vector.broadcast %lt3A_495 : i32 to vector<16xi32>
          %lt3A_497 = arith.cmpi slt, %add3A_494, %lt3A_496 : vector<16xi32>
          %and3A_498 = arith.constant 8191 : i32
          %and3A_499 = vector.broadcast %and3A_498 : i32 to vector<16xi32>
          %and3A_500 = arith.andi %add3A_494, %and3A_499 : vector<16xi32>
          %add3A_501 = arith.constant 1536000 : i32
          %add3A_502 = vector.broadcast %add3A_501 : i32 to vector<16xi32>
          %add3A_503 = arith.addi %add3A_502, %and3A_500 : vector<16xi32>
          %select_n3A_504 = arith.select %lt3A_497, %add3A_494, %add3A_503 : vector<16xi1>, vector<16xi32>
          %swap3A_505 = arith.index_cast %add3A_489 : i32 to index
          %swap3A_506 = tpu.vector_load %arg13[%swap3A_505] {strides = array<i32>} : memref<5120xi32, #tpu.memory_space<vmem>>, vector<16xi32>,
          %swap3A_507 = vector.shape_cast %swap3A_506 : vector<16xi32> to vector<16xi32>
          %swap3A_508 = vector.shape_cast %select_n3A_504 : vector<16xi32> to vector<16xi32>
          tpu.vector_store %arg13[%swap3A_505], %swap3A_508 {strides = array<i32>} : memref<5120xi32, #tpu.memory_space<vmem>>, vector<16xi32>,
        }
        %scan3A_111 = arith.constant 20 : i32
        "tpu.region"() ({
          %run_scoped3A_143 = tpu.sem_alloc : memref<!tpu.dma_semaphore, #tpu.memory_space<semaphore_mem>>
          %dma_start3A_144 = arith.constant 0 : i32
          %dma_start3A_145 = tpu.memref_slice %arg8[%dma_start3A_144] : memref<1544192xf32, #tpu.memory_space<vmem_shared>> -> memref<1544192xf32, #tpu.memory_space<vmem_shared>>
          tpu.enqueue_indirect_dma source(%arg10 : memref<5120xf32, #tpu.memory_space<vmem>>) target(%dma_start3A_145 : memref<1544192xf32, #tpu.memory_space<vmem_shared>>) offsets(%arg13 : memref<5120xi32, #tpu.memory_space<vmem>>) semaphore(%run_scoped3A_143 : memref<!tpu.dma_semaphore, #tpu.memory_space<semaphore_mem>>) {add = true}
          %dma_wait3A_146 = arith.constant 0 : i32
          %dma_wait3A_147 = tpu.memref_slice %arg8[%dma_wait3A_146] : memref<1544192xf32, #tpu.memory_space<vmem_shared>> -> memref<1544192xf32, #tpu.memory_space<vmem_shared>>
          tpu.wait_indirect_dma semaphore(%run_scoped3A_143 : memref<!tpu.dma_semaphore, #tpu.memory_space<semaphore_mem>>) src(%arg10 : memref<5120xf32, #tpu.memory_space<vmem>>) dst(%dma_wait3A_147 : memref<1544192xf32, #tpu.memory_space<vmem_shared>>)
          tpu.yield
        }) : () -> ()
        %lt3A_112 = arith.constant 19 : i32
        %lt3A_113 = arith.cmpi slt, %scan3A_74, %lt3A_112 : i32
        %convert_element_type3A_114 = arith.extui %lt3A_113 : i1 to i32
        %cond3A_115 = arith.constant 0 : i32
        %cond3A_116 = arith.cmpi ne, %convert_element_type3A_114, %cond3A_115 : i32
        scf.if %cond3A_116 {
          %add3A_143 = arith.constant 2 : i32
          %add3A_144 = arith.addi %mul3A_76, %add3A_143 : i32
          %lt3A_145 = arith.cmpi slt, %add3A_144, %select_n3A : i32
          %add3A_146 = arith.addi %add3A, %add3A_144 : i32
          %jit3A_147 = arith.constant 0 : i32
          %select_n3A_148 = arith.select %lt3A_145, %add3A_146, %jit3A_147 : i32
          %mul3A_149 = arith.constant 5120 : i32
          %mul3A_150 = arith.muli %select_n3A_148, %mul3A_149 : i32
          %dma_start3A_151 = tpu.memref_slice %arg3[%mul3A_150] : memref<3200000xi32, #tpu.memory_space<hbm>> -> memref<5120xi32, #tpu.memory_space<hbm>>
          %dma_start3A_152 = tpu.memref_slice %arg3[%mul3A_150] : memref<3200000xi32, #tpu.memory_space<hbm>> -> memref<5120xi32, #tpu.memory_space<hbm>>
          tpu.enqueue_dma source(%dma_start3A_152 : memref<5120xi32, #tpu.memory_space<hbm>>) target(%arg9 : memref<5120xi32, #tpu.memory_space<vmem>>) target_semaphore(%arg15 : memref<!tpu.dma_semaphore, #tpu.memory_space<semaphore_mem>>)
          %dma_start3A_153 = tpu.memref_slice %arg4[%mul3A_150] : memref<3200000xf32, #tpu.memory_space<hbm>> -> memref<5120xf32, #tpu.memory_space<hbm>>
          %dma_start3A_154 = tpu.memref_slice %arg4[%mul3A_150] : memref<3200000xf32, #tpu.memory_space<hbm>> -> memref<5120xf32, #tpu.memory_space<hbm>>
          tpu.enqueue_dma source(%dma_start3A_154 : memref<5120xf32, #tpu.memory_space<hbm>>) target(%arg10 : memref<5120xf32, #tpu.memory_space<vmem>>) target_semaphore(%arg15 : memref<!tpu.dma_semaphore, #tpu.memory_space<semaphore_mem>>)
        } else {
        }
        %add3A_117 = arith.constant 1 : i32
        %add3A_118 = arith.addi %mul3A_76, %add3A_117 : i32
        %dma_wait3A_119 = arith.constant 0 : i32
        %dma_wait3A_120 = tpu.memref_slice %arg3[%dma_wait3A_119] : memref<3200000xi32, #tpu.memory_space<hbm>> -> memref<5120xi32, #tpu.memory_space<hbm>>
        %dma_wait3A_121 = arith.constant 0 : i32
        %dma_wait3A_122 = tpu.memref_slice %arg3[%dma_wait3A_121] : memref<3200000xi32, #tpu.memory_space<hbm>> -> memref<5120xi32, #tpu.memory_space<hbm>>
        tpu.wait_dma2 semaphore(%arg16 : memref<!tpu.dma_semaphore, #tpu.memory_space<semaphore_mem>>) src(%dma_wait3A_122 : memref<5120xi32, #tpu.memory_space<hbm>>) dst(%arg11 : memref<5120xi32, #tpu.memory_space<vmem>>)
        %dma_wait3A_123 = arith.constant 0 : i32
        %dma_wait3A_124 = tpu.memref_slice %arg4[%dma_wait3A_123] : memref<3200000xf32, #tpu.memory_space<hbm>> -> memref<5120xf32, #tpu.memory_space<hbm>>
        %dma_wait3A_125 = arith.constant 0 : i32
        %dma_wait3A_126 = tpu.memref_slice %arg4[%dma_wait3A_125] : memref<3200000xf32, #tpu.memory_space<hbm>> -> memref<5120xf32, #tpu.memory_space<hbm>>
        tpu.wait_dma2 semaphore(%arg16 : memref<!tpu.dma_semaphore, #tpu.memory_space<semaphore_mem>>) src(%dma_wait3A_126 : memref<5120xf32, #tpu.memory_space<hbm>>) dst(%arg12 : memref<5120xf32, #tpu.memory_space<vmem>>)
        %lt3A_127 = arith.cmpi slt, %add3A_118, %select_n3A : i32
        %add3A_128 = arith.addi %add3A, %add3A_118 : i32
        %jit3A_129 = arith.constant 0 : i32
        %select_n3A_130 = arith.select %lt3A_127, %add3A_128, %jit3A_129 : i32
        %mul3A_131 = arith.constant 5120 : i32
        %mul3A_132 = arith.muli %select_n3A_130, %mul3A_131 : i32
        %jit3A_133 = arith.constant 0 : i32
        %jit3A_134 = arith.constant 16777216 : i32
        %select_n3A_135 = arith.select %lt3A_127, %jit3A_133, %jit3A_134 : i32
        %run_scoped3A_136 = arith.constant 1 : i32
        "tpu.region"() ({
          %run_scoped3A_143 = tpu.sem_alloc : memref<!tpu.dma_semaphore, #tpu.memory_space<semaphore_mem>>
          %dma_start3A_144 = tpu.memref_slice %arg6[%run_scoped3A_136, %mul3A_132] : memref<2x3200000xi32, #tpu.memory_space<hbm>> -> memref<1x5120xi32, #tpu.memory_space<hbm>>
          %dma_start3A_145 = tpu.memref_squeeze %dma_start3A_144 : memref<1x5120xi32, #tpu.memory_space<hbm>> -> memref<5120xi32, #tpu.memory_space<hbm>>
          %dma_start3A_146 = tpu.memref_slice %arg6[%run_scoped3A_136, %mul3A_132] : memref<2x3200000xi32, #tpu.memory_space<hbm>> -> memref<1x5120xi32, #tpu.memory_space<hbm>>
          %dma_start3A_147 = tpu.memref_squeeze %dma_start3A_146 : memref<1x5120xi32, #tpu.memory_space<hbm>> -> memref<5120xi32, #tpu.memory_space<hbm>>
          tpu.enqueue_dma source(%arg11 : memref<5120xi32, #tpu.memory_space<vmem>>) target(%dma_start3A_147 : memref<5120xi32, #tpu.memory_space<hbm>>) target_semaphore(%run_scoped3A_143 : memref<!tpu.dma_semaphore, #tpu.memory_space<semaphore_mem>>)
          %dma_wait3A_148 = tpu.memref_slice %arg6[%run_scoped3A_136, %mul3A_132] : memref<2x3200000xi32, #tpu.memory_space<hbm>> -> memref<1x5120xi32, #tpu.memory_space<hbm>>
          %dma_wait3A_149 = tpu.memref_squeeze %dma_wait3A_148 : memref<1x5120xi32, #tpu.memory_space<hbm>> -> memref<5120xi32, #tpu.memory_space<hbm>>
          %dma_wait3A_150 = tpu.memref_slice %arg6[%run_scoped3A_136, %mul3A_132] : memref<2x3200000xi32, #tpu.memory_space<hbm>> -> memref<1x5120xi32, #tpu.memory_space<hbm>>
          %dma_wait3A_151 = tpu.memref_squeeze %dma_wait3A_150 : memref<1x5120xi32, #tpu.memory_space<hbm>> -> memref<5120xi32, #tpu.memory_space<hbm>>
          tpu.wait_dma2 semaphore(%run_scoped3A_143 : memref<!tpu.dma_semaphore, #tpu.memory_space<semaphore_mem>>) src(%arg11 : memref<5120xi32, #tpu.memory_space<vmem>>) dst(%dma_wait3A_151 : memref<5120xi32, #tpu.memory_space<hbm>>)
          tpu.yield
        }) : () -> ()
        %scan3A_137 = arith.constant 0 : i32
        %scan3A_138 = arith.constant 0 : i32
        %scan3A_139 = arith.constant 20 : i32
        %scan3A_140 = arith.addi %scan3A_138, %scan3A_139 : i32
        %scan3A_141 = arith.constant 1 : i32
        scf.for %scan3A_143 = %scan3A_138 to %scan3A_140 step %scan3A_141  : i32 {
          %mul3A_144 = arith.constant 256 : i32
          %mul3A_145 = arith.muli %scan3A_143, %mul3A_144 : i32
          %add3A_146 = arith.constant 0 : i32
          %add3A_147 = arith.addi %mul3A_145, %add3A_146 : i32
          %get3A = arith.index_cast %add3A_147 : i32 to index
          %get3A_148 = tpu.vector_load %arg11[%get3A] {strides = array<i32>} : memref<5120xi32, #tpu.memory_space<vmem>>, vector<16xi32>,
          %get3A_149 = vector.shape_cast %get3A_148 : vector<16xi32> to vector<16xi32>
          %add3A_150 = vector.broadcast %select_n3A_135 : i32 to vector<16xi32>
          %add3A_151 = arith.addi %get3A_149, %add3A_150 : vector<16xi32>
          %lt3A_152 = arith.constant 1536000 : i32
          %lt3A_153 = vector.broadcast %lt3A_152 : i32 to vector<16xi32>
          %lt3A_154 = arith.cmpi slt, %add3A_151, %lt3A_153 : vector<16xi32>
          %and3A = arith.constant 8191 : i32
          %and3A_155 = vector.broadcast %and3A : i32 to vector<16xi32>
          %and3A_156 = arith.andi %add3A_151, %and3A_155 : vector<16xi32>
          %add3A_157 = arith.constant 1536000 : i32
          %add3A_158 = vector.broadcast %add3A_157 : i32 to vector<16xi32>
          %add3A_159 = arith.addi %add3A_158, %and3A_156 : vector<16xi32>
          %select_n3A_160 = arith.select %lt3A_154, %add3A_151, %add3A_159 : vector<16xi1>, vector<16xi32>
          %swap3A = arith.index_cast %add3A_147 : i32 to index
          %swap3A_161 = tpu.vector_load %arg13[%swap3A] {strides = array<i32>} : memref<5120xi32, #tpu.memory_space<vmem>>, vector<16xi32>,
          %swap3A_162 = vector.shape_cast %swap3A_161 : vector<16xi32> to vector<16xi32>
          %swap3A_163 = vector.shape_cast %select_n3A_160 : vector<16xi32> to vector<16xi32>
          tpu.vector_store %arg13[%swap3A], %swap3A_163 {strides = array<i32>} : memref<5120xi32, #tpu.memory_space<vmem>>, vector<16xi32>,
          %mul3A_164 = arith.constant 256 : i32
          %mul3A_165 = arith.muli %scan3A_143, %mul3A_164 : i32
          %add3A_166 = arith.constant 16 : i32
          %add3A_167 = arith.addi %mul3A_165, %add3A_166 : i32
          %get3A_168 = arith.index_cast %add3A_167 : i32 to index
          %get3A_169 = tpu.vector_load %arg11[%get3A_168] {strides = array<i32>} : memref<5120xi32, #tpu.memory_space<vmem>>, vector<16xi32>,
          %get3A_170 = vector.shape_cast %get3A_169 : vector<16xi32> to vector<16xi32>
          %add3A_171 = vector.broadcast %select_n3A_135 : i32 to vector<16xi32>
          %add3A_172 = arith.addi %get3A_170, %add3A_171 : vector<16xi32>
          %lt3A_173 = arith.constant 1536000 : i32
          %lt3A_174 = vector.broadcast %lt3A_173 : i32 to vector<16xi32>
          %lt3A_175 = arith.cmpi slt, %add3A_172, %lt3A_174 : vector<16xi32>
          %and3A_176 = arith.constant 8191 : i32
          %and3A_177 = vector.broadcast %and3A_176 : i32 to vector<16xi32>
          %and3A_178 = arith.andi %add3A_172, %and3A_177 : vector<16xi32>
          %add3A_179 = arith.constant 1536000 : i32
          %add3A_180 = vector.broadcast %add3A_179 : i32 to vector<16xi32>
          %add3A_181 = arith.addi %add3A_180, %and3A_178 : vector<16xi32>
          %select_n3A_182 = arith.select %lt3A_175, %add3A_172, %add3A_181 : vector<16xi1>, vector<16xi32>
          %swap3A_183 = arith.index_cast %add3A_167 : i32 to index
          %swap3A_184 = tpu.vector_load %arg13[%swap3A_183] {strides = array<i32>} : memref<5120xi32, #tpu.memory_space<vmem>>, vector<16xi32>,
          %swap3A_185 = vector.shape_cast %swap3A_184 : vector<16xi32> to vector<16xi32>
          %swap3A_186 = vector.shape_cast %select_n3A_182 : vector<16xi32> to vector<16xi32>
          tpu.vector_store %arg13[%swap3A_183], %swap3A_186 {strides = array<i32>} : memref<5120xi32, #tpu.memory_space<vmem>>, vector<16xi32>,
          %mul3A_187 = arith.constant 256 : i32
          %mul3A_188 = arith.muli %scan3A_143, %mul3A_187 : i32
          %add3A_189 = arith.constant 32 : i32
          %add3A_190 = arith.addi %mul3A_188, %add3A_189 : i32
          %get3A_191 = arith.index_cast %add3A_190 : i32 to index
          %get3A_192 = tpu.vector_load %arg11[%get3A_191] {strides = array<i32>} : memref<5120xi32, #tpu.memory_space<vmem>>, vector<16xi32>,
          %get3A_193 = vector.shape_cast %get3A_192 : vector<16xi32> to vector<16xi32>
          %add3A_194 = vector.broadcast %select_n3A_135 : i32 to vector<16xi32>
          %add3A_195 = arith.addi %get3A_193, %add3A_194 : vector<16xi32>
          %lt3A_196 = arith.constant 1536000 : i32
          %lt3A_197 = vector.broadcast %lt3A_196 : i32 to vector<16xi32>
          %lt3A_198 = arith.cmpi slt, %add3A_195, %lt3A_197 : vector<16xi32>
          %and3A_199 = arith.constant 8191 : i32
          %and3A_200 = vector.broadcast %and3A_199 : i32 to vector<16xi32>
          %and3A_201 = arith.andi %add3A_195, %and3A_200 : vector<16xi32>
          %add3A_202 = arith.constant 1536000 : i32
          %add3A_203 = vector.broadcast %add3A_202 : i32 to vector<16xi32>
          %add3A_204 = arith.addi %add3A_203, %and3A_201 : vector<16xi32>
          %select_n3A_205 = arith.select %lt3A_198, %add3A_195, %add3A_204 : vector<16xi1>, vector<16xi32>
          %swap3A_206 = arith.index_cast %add3A_190 : i32 to index
          %swap3A_207 = tpu.vector_load %arg13[%swap3A_206] {strides = array<i32>} : memref<5120xi32, #tpu.memory_space<vmem>>, vector<16xi32>,
          %swap3A_208 = vector.shape_cast %swap3A_207 : vector<16xi32> to vector<16xi32>
          %swap3A_209 = vector.shape_cast %select_n3A_205 : vector<16xi32> to vector<16xi32>
          tpu.vector_store %arg13[%swap3A_206], %swap3A_209 {strides = array<i32>} : memref<5120xi32, #tpu.memory_space<vmem>>, vector<16xi32>,
          %mul3A_210 = arith.constant 256 : i32
          %mul3A_211 = arith.muli %scan3A_143, %mul3A_210 : i32
          %add3A_212 = arith.constant 48 : i32
          %add3A_213 = arith.addi %mul3A_211, %add3A_212 : i32
          %get3A_214 = arith.index_cast %add3A_213 : i32 to index
          %get3A_215 = tpu.vector_load %arg11[%get3A_214] {strides = array<i32>} : memref<5120xi32, #tpu.memory_space<vmem>>, vector<16xi32>,
          %get3A_216 = vector.shape_cast %get3A_215 : vector<16xi32> to vector<16xi32>
          %add3A_217 = vector.broadcast %select_n3A_135 : i32 to vector<16xi32>
          %add3A_218 = arith.addi %get3A_216, %add3A_217 : vector<16xi32>
          %lt3A_219 = arith.constant 1536000 : i32
          %lt3A_220 = vector.broadcast %lt3A_219 : i32 to vector<16xi32>
          %lt3A_221 = arith.cmpi slt, %add3A_218, %lt3A_220 : vector<16xi32>
          %and3A_222 = arith.constant 8191 : i32
          %and3A_223 = vector.broadcast %and3A_222 : i32 to vector<16xi32>
          %and3A_224 = arith.andi %add3A_218, %and3A_223 : vector<16xi32>
          %add3A_225 = arith.constant 1536000 : i32
          %add3A_226 = vector.broadcast %add3A_225 : i32 to vector<16xi32>
          %add3A_227 = arith.addi %add3A_226, %and3A_224 : vector<16xi32>
          %select_n3A_228 = arith.select %lt3A_221, %add3A_218, %add3A_227 : vector<16xi1>, vector<16xi32>
          %swap3A_229 = arith.index_cast %add3A_213 : i32 to index
          %swap3A_230 = tpu.vector_load %arg13[%swap3A_229] {strides = array<i32>} : memref<5120xi32, #tpu.memory_space<vmem>>, vector<16xi32>,
          %swap3A_231 = vector.shape_cast %swap3A_230 : vector<16xi32> to vector<16xi32>
          %swap3A_232 = vector.shape_cast %select_n3A_228 : vector<16xi32> to vector<16xi32>
          tpu.vector_store %arg13[%swap3A_229], %swap3A_232 {strides = array<i32>} : memref<5120xi32, #tpu.memory_space<vmem>>, vector<16xi32>,
          %mul3A_233 = arith.constant 256 : i32
          %mul3A_234 = arith.muli %scan3A_143, %mul3A_233 : i32
          %add3A_235 = arith.constant 64 : i32
          %add3A_236 = arith.addi %mul3A_234, %add3A_235 : i32
          %get3A_237 = arith.index_cast %add3A_236 : i32 to index
          %get3A_238 = tpu.vector_load %arg11[%get3A_237] {strides = array<i32>} : memref<5120xi32, #tpu.memory_space<vmem>>, vector<16xi32>,
          %get3A_239 = vector.shape_cast %get3A_238 : vector<16xi32> to vector<16xi32>
          %add3A_240 = vector.broadcast %select_n3A_135 : i32 to vector<16xi32>
          %add3A_241 = arith.addi %get3A_239, %add3A_240 : vector<16xi32>
          %lt3A_242 = arith.constant 1536000 : i32
          %lt3A_243 = vector.broadcast %lt3A_242 : i32 to vector<16xi32>
          %lt3A_244 = arith.cmpi slt, %add3A_241, %lt3A_243 : vector<16xi32>
          %and3A_245 = arith.constant 8191 : i32
          %and3A_246 = vector.broadcast %and3A_245 : i32 to vector<16xi32>
          %and3A_247 = arith.andi %add3A_241, %and3A_246 : vector<16xi32>
          %add3A_248 = arith.constant 1536000 : i32
          %add3A_249 = vector.broadcast %add3A_248 : i32 to vector<16xi32>
          %add3A_250 = arith.addi %add3A_249, %and3A_247 : vector<16xi32>
          %select_n3A_251 = arith.select %lt3A_244, %add3A_241, %add3A_250 : vector<16xi1>, vector<16xi32>
          %swap3A_252 = arith.index_cast %add3A_236 : i32 to index
          %swap3A_253 = tpu.vector_load %arg13[%swap3A_252] {strides = array<i32>} : memref<5120xi32, #tpu.memory_space<vmem>>, vector<16xi32>,
          %swap3A_254 = vector.shape_cast %swap3A_253 : vector<16xi32> to vector<16xi32>
          %swap3A_255 = vector.shape_cast %select_n3A_251 : vector<16xi32> to vector<16xi32>
          tpu.vector_store %arg13[%swap3A_252], %swap3A_255 {strides = array<i32>} : memref<5120xi32, #tpu.memory_space<vmem>>, vector<16xi32>,
          %mul3A_256 = arith.constant 256 : i32
          %mul3A_257 = arith.muli %scan3A_143, %mul3A_256 : i32
          %add3A_258 = arith.constant 80 : i32
          %add3A_259 = arith.addi %mul3A_257, %add3A_258 : i32
          %get3A_260 = arith.index_cast %add3A_259 : i32 to index
          %get3A_261 = tpu.vector_load %arg11[%get3A_260] {strides = array<i32>} : memref<5120xi32, #tpu.memory_space<vmem>>, vector<16xi32>,
          %get3A_262 = vector.shape_cast %get3A_261 : vector<16xi32> to vector<16xi32>
          %add3A_263 = vector.broadcast %select_n3A_135 : i32 to vector<16xi32>
          %add3A_264 = arith.addi %get3A_262, %add3A_263 : vector<16xi32>
          %lt3A_265 = arith.constant 1536000 : i32
          %lt3A_266 = vector.broadcast %lt3A_265 : i32 to vector<16xi32>
          %lt3A_267 = arith.cmpi slt, %add3A_264, %lt3A_266 : vector<16xi32>
          %and3A_268 = arith.constant 8191 : i32
          %and3A_269 = vector.broadcast %and3A_268 : i32 to vector<16xi32>
          %and3A_270 = arith.andi %add3A_264, %and3A_269 : vector<16xi32>
          %add3A_271 = arith.constant 1536000 : i32
          %add3A_272 = vector.broadcast %add3A_271 : i32 to vector<16xi32>
          %add3A_273 = arith.addi %add3A_272, %and3A_270 : vector<16xi32>
          %select_n3A_274 = arith.select %lt3A_267, %add3A_264, %add3A_273 : vector<16xi1>, vector<16xi32>
          %swap3A_275 = arith.index_cast %add3A_259 : i32 to index
          %swap3A_276 = tpu.vector_load %arg13[%swap3A_275] {strides = array<i32>} : memref<5120xi32, #tpu.memory_space<vmem>>, vector<16xi32>,
          %swap3A_277 = vector.shape_cast %swap3A_276 : vector<16xi32> to vector<16xi32>
          %swap3A_278 = vector.shape_cast %select_n3A_274 : vector<16xi32> to vector<16xi32>
          tpu.vector_store %arg13[%swap3A_275], %swap3A_278 {strides = array<i32>} : memref<5120xi32, #tpu.memory_space<vmem>>, vector<16xi32>,
          %mul3A_279 = arith.constant 256 : i32
          %mul3A_280 = arith.muli %scan3A_143, %mul3A_279 : i32
          %add3A_281 = arith.constant 96 : i32
          %add3A_282 = arith.addi %mul3A_280, %add3A_281 : i32
          %get3A_283 = arith.index_cast %add3A_282 : i32 to index
          %get3A_284 = tpu.vector_load %arg11[%get3A_283] {strides = array<i32>} : memref<5120xi32, #tpu.memory_space<vmem>>, vector<16xi32>,
          %get3A_285 = vector.shape_cast %get3A_284 : vector<16xi32> to vector<16xi32>
          %add3A_286 = vector.broadcast %select_n3A_135 : i32 to vector<16xi32>
          %add3A_287 = arith.addi %get3A_285, %add3A_286 : vector<16xi32>
          %lt3A_288 = arith.constant 1536000 : i32
          %lt3A_289 = vector.broadcast %lt3A_288 : i32 to vector<16xi32>
          %lt3A_290 = arith.cmpi slt, %add3A_287, %lt3A_289 : vector<16xi32>
          %and3A_291 = arith.constant 8191 : i32
          %and3A_292 = vector.broadcast %and3A_291 : i32 to vector<16xi32>
          %and3A_293 = arith.andi %add3A_287, %and3A_292 : vector<16xi32>
          %add3A_294 = arith.constant 1536000 : i32
          %add3A_295 = vector.broadcast %add3A_294 : i32 to vector<16xi32>
          %add3A_296 = arith.addi %add3A_295, %and3A_293 : vector<16xi32>
          %select_n3A_297 = arith.select %lt3A_290, %add3A_287, %add3A_296 : vector<16xi1>, vector<16xi32>
          %swap3A_298 = arith.index_cast %add3A_282 : i32 to index
          %swap3A_299 = tpu.vector_load %arg13[%swap3A_298] {strides = array<i32>} : memref<5120xi32, #tpu.memory_space<vmem>>, vector<16xi32>,
          %swap3A_300 = vector.shape_cast %swap3A_299 : vector<16xi32> to vector<16xi32>
          %swap3A_301 = vector.shape_cast %select_n3A_297 : vector<16xi32> to vector<16xi32>
          tpu.vector_store %arg13[%swap3A_298], %swap3A_301 {strides = array<i32>} : memref<5120xi32, #tpu.memory_space<vmem>>, vector<16xi32>,
          %mul3A_302 = arith.constant 256 : i32
          %mul3A_303 = arith.muli %scan3A_143, %mul3A_302 : i32
          %add3A_304 = arith.constant 112 : i32
          %add3A_305 = arith.addi %mul3A_303, %add3A_304 : i32
          %get3A_306 = arith.index_cast %add3A_305 : i32 to index
          %get3A_307 = tpu.vector_load %arg11[%get3A_306] {strides = array<i32>} : memref<5120xi32, #tpu.memory_space<vmem>>, vector<16xi32>,
          %get3A_308 = vector.shape_cast %get3A_307 : vector<16xi32> to vector<16xi32>
          %add3A_309 = vector.broadcast %select_n3A_135 : i32 to vector<16xi32>
          %add3A_310 = arith.addi %get3A_308, %add3A_309 : vector<16xi32>
          %lt3A_311 = arith.constant 1536000 : i32
          %lt3A_312 = vector.broadcast %lt3A_311 : i32 to vector<16xi32>
          %lt3A_313 = arith.cmpi slt, %add3A_310, %lt3A_312 : vector<16xi32>
          %and3A_314 = arith.constant 8191 : i32
          %and3A_315 = vector.broadcast %and3A_314 : i32 to vector<16xi32>
          %and3A_316 = arith.andi %add3A_310, %and3A_315 : vector<16xi32>
          %add3A_317 = arith.constant 1536000 : i32
          %add3A_318 = vector.broadcast %add3A_317 : i32 to vector<16xi32>
          %add3A_319 = arith.addi %add3A_318, %and3A_316 : vector<16xi32>
          %select_n3A_320 = arith.select %lt3A_313, %add3A_310, %add3A_319 : vector<16xi1>, vector<16xi32>
          %swap3A_321 = arith.index_cast %add3A_305 : i32 to index
          %swap3A_322 = tpu.vector_load %arg13[%swap3A_321] {strides = array<i32>} : memref<5120xi32, #tpu.memory_space<vmem>>, vector<16xi32>,
          %swap3A_323 = vector.shape_cast %swap3A_322 : vector<16xi32> to vector<16xi32>
          %swap3A_324 = vector.shape_cast %select_n3A_320 : vector<16xi32> to vector<16xi32>
          tpu.vector_store %arg13[%swap3A_321], %swap3A_324 {strides = array<i32>} : memref<5120xi32, #tpu.memory_space<vmem>>, vector<16xi32>,
          %mul3A_325 = arith.constant 256 : i32
          %mul3A_326 = arith.muli %scan3A_143, %mul3A_325 : i32
          %add3A_327 = arith.constant 128 : i32
          %add3A_328 = arith.addi %mul3A_326, %add3A_327 : i32
          %get3A_329 = arith.index_cast %add3A_328 : i32 to index
          %get3A_330 = tpu.vector_load %arg11[%get3A_329] {strides = array<i32>} : memref<5120xi32, #tpu.memory_space<vmem>>, vector<16xi32>,
          %get3A_331 = vector.shape_cast %get3A_330 : vector<16xi32> to vector<16xi32>
          %add3A_332 = vector.broadcast %select_n3A_135 : i32 to vector<16xi32>
          %add3A_333 = arith.addi %get3A_331, %add3A_332 : vector<16xi32>
          %lt3A_334 = arith.constant 1536000 : i32
          %lt3A_335 = vector.broadcast %lt3A_334 : i32 to vector<16xi32>
          %lt3A_336 = arith.cmpi slt, %add3A_333, %lt3A_335 : vector<16xi32>
          %and3A_337 = arith.constant 8191 : i32
          %and3A_338 = vector.broadcast %and3A_337 : i32 to vector<16xi32>
          %and3A_339 = arith.andi %add3A_333, %and3A_338 : vector<16xi32>
          %add3A_340 = arith.constant 1536000 : i32
          %add3A_341 = vector.broadcast %add3A_340 : i32 to vector<16xi32>
          %add3A_342 = arith.addi %add3A_341, %and3A_339 : vector<16xi32>
          %select_n3A_343 = arith.select %lt3A_336, %add3A_333, %add3A_342 : vector<16xi1>, vector<16xi32>
          %swap3A_344 = arith.index_cast %add3A_328 : i32 to index
          %swap3A_345 = tpu.vector_load %arg13[%swap3A_344] {strides = array<i32>} : memref<5120xi32, #tpu.memory_space<vmem>>, vector<16xi32>,
          %swap3A_346 = vector.shape_cast %swap3A_345 : vector<16xi32> to vector<16xi32>
          %swap3A_347 = vector.shape_cast %select_n3A_343 : vector<16xi32> to vector<16xi32>
          tpu.vector_store %arg13[%swap3A_344], %swap3A_347 {strides = array<i32>} : memref<5120xi32, #tpu.memory_space<vmem>>, vector<16xi32>,
          %mul3A_348 = arith.constant 256 : i32
          %mul3A_349 = arith.muli %scan3A_143, %mul3A_348 : i32
          %add3A_350 = arith.constant 144 : i32
          %add3A_351 = arith.addi %mul3A_349, %add3A_350 : i32
          %get3A_352 = arith.index_cast %add3A_351 : i32 to index
          %get3A_353 = tpu.vector_load %arg11[%get3A_352] {strides = array<i32>} : memref<5120xi32, #tpu.memory_space<vmem>>, vector<16xi32>,
          %get3A_354 = vector.shape_cast %get3A_353 : vector<16xi32> to vector<16xi32>
          %add3A_355 = vector.broadcast %select_n3A_135 : i32 to vector<16xi32>
          %add3A_356 = arith.addi %get3A_354, %add3A_355 : vector<16xi32>
          %lt3A_357 = arith.constant 1536000 : i32
          %lt3A_358 = vector.broadcast %lt3A_357 : i32 to vector<16xi32>
          %lt3A_359 = arith.cmpi slt, %add3A_356, %lt3A_358 : vector<16xi32>
          %and3A_360 = arith.constant 8191 : i32
          %and3A_361 = vector.broadcast %and3A_360 : i32 to vector<16xi32>
          %and3A_362 = arith.andi %add3A_356, %and3A_361 : vector<16xi32>
          %add3A_363 = arith.constant 1536000 : i32
          %add3A_364 = vector.broadcast %add3A_363 : i32 to vector<16xi32>
          %add3A_365 = arith.addi %add3A_364, %and3A_362 : vector<16xi32>
          %select_n3A_366 = arith.select %lt3A_359, %add3A_356, %add3A_365 : vector<16xi1>, vector<16xi32>
          %swap3A_367 = arith.index_cast %add3A_351 : i32 to index
          %swap3A_368 = tpu.vector_load %arg13[%swap3A_367] {strides = array<i32>} : memref<5120xi32, #tpu.memory_space<vmem>>, vector<16xi32>,
          %swap3A_369 = vector.shape_cast %swap3A_368 : vector<16xi32> to vector<16xi32>
          %swap3A_370 = vector.shape_cast %select_n3A_366 : vector<16xi32> to vector<16xi32>
          tpu.vector_store %arg13[%swap3A_367], %swap3A_370 {strides = array<i32>} : memref<5120xi32, #tpu.memory_space<vmem>>, vector<16xi32>,
          %mul3A_371 = arith.constant 256 : i32
          %mul3A_372 = arith.muli %scan3A_143, %mul3A_371 : i32
          %add3A_373 = arith.constant 160 : i32
          %add3A_374 = arith.addi %mul3A_372, %add3A_373 : i32
          %get3A_375 = arith.index_cast %add3A_374 : i32 to index
          %get3A_376 = tpu.vector_load %arg11[%get3A_375] {strides = array<i32>} : memref<5120xi32, #tpu.memory_space<vmem>>, vector<16xi32>,
          %get3A_377 = vector.shape_cast %get3A_376 : vector<16xi32> to vector<16xi32>
          %add3A_378 = vector.broadcast %select_n3A_135 : i32 to vector<16xi32>
          %add3A_379 = arith.addi %get3A_377, %add3A_378 : vector<16xi32>
          %lt3A_380 = arith.constant 1536000 : i32
          %lt3A_381 = vector.broadcast %lt3A_380 : i32 to vector<16xi32>
          %lt3A_382 = arith.cmpi slt, %add3A_379, %lt3A_381 : vector<16xi32>
          %and3A_383 = arith.constant 8191 : i32
          %and3A_384 = vector.broadcast %and3A_383 : i32 to vector<16xi32>
          %and3A_385 = arith.andi %add3A_379, %and3A_384 : vector<16xi32>
          %add3A_386 = arith.constant 1536000 : i32
          %add3A_387 = vector.broadcast %add3A_386 : i32 to vector<16xi32>
          %add3A_388 = arith.addi %add3A_387, %and3A_385 : vector<16xi32>
          %select_n3A_389 = arith.select %lt3A_382, %add3A_379, %add3A_388 : vector<16xi1>, vector<16xi32>
          %swap3A_390 = arith.index_cast %add3A_374 : i32 to index
          %swap3A_391 = tpu.vector_load %arg13[%swap3A_390] {strides = array<i32>} : memref<5120xi32, #tpu.memory_space<vmem>>, vector<16xi32>,
          %swap3A_392 = vector.shape_cast %swap3A_391 : vector<16xi32> to vector<16xi32>
          %swap3A_393 = vector.shape_cast %select_n3A_389 : vector<16xi32> to vector<16xi32>
          tpu.vector_store %arg13[%swap3A_390], %swap3A_393 {strides = array<i32>} : memref<5120xi32, #tpu.memory_space<vmem>>, vector<16xi32>,
          %mul3A_394 = arith.constant 256 : i32
          %mul3A_395 = arith.muli %scan3A_143, %mul3A_394 : i32
          %add3A_396 = arith.constant 176 : i32
          %add3A_397 = arith.addi %mul3A_395, %add3A_396 : i32
          %get3A_398 = arith.index_cast %add3A_397 : i32 to index
          %get3A_399 = tpu.vector_load %arg11[%get3A_398] {strides = array<i32>} : memref<5120xi32, #tpu.memory_space<vmem>>, vector<16xi32>,
          %get3A_400 = vector.shape_cast %get3A_399 : vector<16xi32> to vector<16xi32>
          %add3A_401 = vector.broadcast %select_n3A_135 : i32 to vector<16xi32>
          %add3A_402 = arith.addi %get3A_400, %add3A_401 : vector<16xi32>
          %lt3A_403 = arith.constant 1536000 : i32
          %lt3A_404 = vector.broadcast %lt3A_403 : i32 to vector<16xi32>
          %lt3A_405 = arith.cmpi slt, %add3A_402, %lt3A_404 : vector<16xi32>
          %and3A_406 = arith.constant 8191 : i32
          %and3A_407 = vector.broadcast %and3A_406 : i32 to vector<16xi32>
          %and3A_408 = arith.andi %add3A_402, %and3A_407 : vector<16xi32>
          %add3A_409 = arith.constant 1536000 : i32
          %add3A_410 = vector.broadcast %add3A_409 : i32 to vector<16xi32>
          %add3A_411 = arith.addi %add3A_410, %and3A_408 : vector<16xi32>
          %select_n3A_412 = arith.select %lt3A_405, %add3A_402, %add3A_411 : vector<16xi1>, vector<16xi32>
          %swap3A_413 = arith.index_cast %add3A_397 : i32 to index
          %swap3A_414 = tpu.vector_load %arg13[%swap3A_413] {strides = array<i32>} : memref<5120xi32, #tpu.memory_space<vmem>>, vector<16xi32>,
          %swap3A_415 = vector.shape_cast %swap3A_414 : vector<16xi32> to vector<16xi32>
          %swap3A_416 = vector.shape_cast %select_n3A_412 : vector<16xi32> to vector<16xi32>
          tpu.vector_store %arg13[%swap3A_413], %swap3A_416 {strides = array<i32>} : memref<5120xi32, #tpu.memory_space<vmem>>, vector<16xi32>,
          %mul3A_417 = arith.constant 256 : i32
          %mul3A_418 = arith.muli %scan3A_143, %mul3A_417 : i32
          %add3A_419 = arith.constant 192 : i32
          %add3A_420 = arith.addi %mul3A_418, %add3A_419 : i32
          %get3A_421 = arith.index_cast %add3A_420 : i32 to index
          %get3A_422 = tpu.vector_load %arg11[%get3A_421] {strides = array<i32>} : memref<5120xi32, #tpu.memory_space<vmem>>, vector<16xi32>,
          %get3A_423 = vector.shape_cast %get3A_422 : vector<16xi32> to vector<16xi32>
          %add3A_424 = vector.broadcast %select_n3A_135 : i32 to vector<16xi32>
          %add3A_425 = arith.addi %get3A_423, %add3A_424 : vector<16xi32>
          %lt3A_426 = arith.constant 1536000 : i32
          %lt3A_427 = vector.broadcast %lt3A_426 : i32 to vector<16xi32>
          %lt3A_428 = arith.cmpi slt, %add3A_425, %lt3A_427 : vector<16xi32>
          %and3A_429 = arith.constant 8191 : i32
          %and3A_430 = vector.broadcast %and3A_429 : i32 to vector<16xi32>
          %and3A_431 = arith.andi %add3A_425, %and3A_430 : vector<16xi32>
          %add3A_432 = arith.constant 1536000 : i32
          %add3A_433 = vector.broadcast %add3A_432 : i32 to vector<16xi32>
          %add3A_434 = arith.addi %add3A_433, %and3A_431 : vector<16xi32>
          %select_n3A_435 = arith.select %lt3A_428, %add3A_425, %add3A_434 : vector<16xi1>, vector<16xi32>
          %swap3A_436 = arith.index_cast %add3A_420 : i32 to index
          %swap3A_437 = tpu.vector_load %arg13[%swap3A_436] {strides = array<i32>} : memref<5120xi32, #tpu.memory_space<vmem>>, vector<16xi32>,
          %swap3A_438 = vector.shape_cast %swap3A_437 : vector<16xi32> to vector<16xi32>
          %swap3A_439 = vector.shape_cast %select_n3A_435 : vector<16xi32> to vector<16xi32>
          tpu.vector_store %arg13[%swap3A_436], %swap3A_439 {strides = array<i32>} : memref<5120xi32, #tpu.memory_space<vmem>>, vector<16xi32>,
          %mul3A_440 = arith.constant 256 : i32
          %mul3A_441 = arith.muli %scan3A_143, %mul3A_440 : i32
          %add3A_442 = arith.constant 208 : i32
          %add3A_443 = arith.addi %mul3A_441, %add3A_442 : i32
          %get3A_444 = arith.index_cast %add3A_443 : i32 to index
          %get3A_445 = tpu.vector_load %arg11[%get3A_444] {strides = array<i32>} : memref<5120xi32, #tpu.memory_space<vmem>>, vector<16xi32>,
          %get3A_446 = vector.shape_cast %get3A_445 : vector<16xi32> to vector<16xi32>
          %add3A_447 = vector.broadcast %select_n3A_135 : i32 to vector<16xi32>
          %add3A_448 = arith.addi %get3A_446, %add3A_447 : vector<16xi32>
          %lt3A_449 = arith.constant 1536000 : i32
          %lt3A_450 = vector.broadcast %lt3A_449 : i32 to vector<16xi32>
          %lt3A_451 = arith.cmpi slt, %add3A_448, %lt3A_450 : vector<16xi32>
          %and3A_452 = arith.constant 8191 : i32
          %and3A_453 = vector.broadcast %and3A_452 : i32 to vector<16xi32>
          %and3A_454 = arith.andi %add3A_448, %and3A_453 : vector<16xi32>
          %add3A_455 = arith.constant 1536000 : i32
          %add3A_456 = vector.broadcast %add3A_455 : i32 to vector<16xi32>
          %add3A_457 = arith.addi %add3A_456, %and3A_454 : vector<16xi32>
          %select_n3A_458 = arith.select %lt3A_451, %add3A_448, %add3A_457 : vector<16xi1>, vector<16xi32>
          %swap3A_459 = arith.index_cast %add3A_443 : i32 to index
          %swap3A_460 = tpu.vector_load %arg13[%swap3A_459] {strides = array<i32>} : memref<5120xi32, #tpu.memory_space<vmem>>, vector<16xi32>,
          %swap3A_461 = vector.shape_cast %swap3A_460 : vector<16xi32> to vector<16xi32>
          %swap3A_462 = vector.shape_cast %select_n3A_458 : vector<16xi32> to vector<16xi32>
          tpu.vector_store %arg13[%swap3A_459], %swap3A_462 {strides = array<i32>} : memref<5120xi32, #tpu.memory_space<vmem>>, vector<16xi32>,
          %mul3A_463 = arith.constant 256 : i32
          %mul3A_464 = arith.muli %scan3A_143, %mul3A_463 : i32
          %add3A_465 = arith.constant 224 : i32
          %add3A_466 = arith.addi %mul3A_464, %add3A_465 : i32
          %get3A_467 = arith.index_cast %add3A_466 : i32 to index
          %get3A_468 = tpu.vector_load %arg11[%get3A_467] {strides = array<i32>} : memref<5120xi32, #tpu.memory_space<vmem>>, vector<16xi32>,
          %get3A_469 = vector.shape_cast %get3A_468 : vector<16xi32> to vector<16xi32>
          %add3A_470 = vector.broadcast %select_n3A_135 : i32 to vector<16xi32>
          %add3A_471 = arith.addi %get3A_469, %add3A_470 : vector<16xi32>
          %lt3A_472 = arith.constant 1536000 : i32
          %lt3A_473 = vector.broadcast %lt3A_472 : i32 to vector<16xi32>
          %lt3A_474 = arith.cmpi slt, %add3A_471, %lt3A_473 : vector<16xi32>
          %and3A_475 = arith.constant 8191 : i32
          %and3A_476 = vector.broadcast %and3A_475 : i32 to vector<16xi32>
          %and3A_477 = arith.andi %add3A_471, %and3A_476 : vector<16xi32>
          %add3A_478 = arith.constant 1536000 : i32
          %add3A_479 = vector.broadcast %add3A_478 : i32 to vector<16xi32>
          %add3A_480 = arith.addi %add3A_479, %and3A_477 : vector<16xi32>
          %select_n3A_481 = arith.select %lt3A_474, %add3A_471, %add3A_480 : vector<16xi1>, vector<16xi32>
          %swap3A_482 = arith.index_cast %add3A_466 : i32 to index
          %swap3A_483 = tpu.vector_load %arg13[%swap3A_482] {strides = array<i32>} : memref<5120xi32, #tpu.memory_space<vmem>>, vector<16xi32>,
          %swap3A_484 = vector.shape_cast %swap3A_483 : vector<16xi32> to vector<16xi32>
          %swap3A_485 = vector.shape_cast %select_n3A_481 : vector<16xi32> to vector<16xi32>
          tpu.vector_store %arg13[%swap3A_482], %swap3A_485 {strides = array<i32>} : memref<5120xi32, #tpu.memory_space<vmem>>, vector<16xi32>,
          %mul3A_486 = arith.constant 256 : i32
          %mul3A_487 = arith.muli %scan3A_143, %mul3A_486 : i32
          %add3A_488 = arith.constant 240 : i32
          %add3A_489 = arith.addi %mul3A_487, %add3A_488 : i32
          %get3A_490 = arith.index_cast %add3A_489 : i32 to index
          %get3A_491 = tpu.vector_load %arg11[%get3A_490] {strides = array<i32>} : memref<5120xi32, #tpu.memory_space<vmem>>, vector<16xi32>,
          %get3A_492 = vector.shape_cast %get3A_491 : vector<16xi32> to vector<16xi32>
          %add3A_493 = vector.broadcast %select_n3A_135 : i32 to vector<16xi32>
          %add3A_494 = arith.addi %get3A_492, %add3A_493 : vector<16xi32>
          %lt3A_495 = arith.constant 1536000 : i32
          %lt3A_496 = vector.broadcast %lt3A_495 : i32 to vector<16xi32>
          %lt3A_497 = arith.cmpi slt, %add3A_494, %lt3A_496 : vector<16xi32>
          %and3A_498 = arith.constant 8191 : i32
          %and3A_499 = vector.broadcast %and3A_498 : i32 to vector<16xi32>
          %and3A_500 = arith.andi %add3A_494, %and3A_499 : vector<16xi32>
          %add3A_501 = arith.constant 1536000 : i32
          %add3A_502 = vector.broadcast %add3A_501 : i32 to vector<16xi32>
          %add3A_503 = arith.addi %add3A_502, %and3A_500 : vector<16xi32>
          %select_n3A_504 = arith.select %lt3A_497, %add3A_494, %add3A_503 : vector<16xi1>, vector<16xi32>
          %swap3A_505 = arith.index_cast %add3A_489 : i32 to index
          %swap3A_506 = tpu.vector_load %arg13[%swap3A_505] {strides = array<i32>} : memref<5120xi32, #tpu.memory_space<vmem>>, vector<16xi32>,
          %swap3A_507 = vector.shape_cast %swap3A_506 : vector<16xi32> to vector<16xi32>
          %swap3A_508 = vector.shape_cast %select_n3A_504 : vector<16xi32> to vector<16xi32>
          tpu.vector_store %arg13[%swap3A_505], %swap3A_508 {strides = array<i32>} : memref<5120xi32, #tpu.memory_space<vmem>>, vector<16xi32>,
        }
        %scan3A_142 = arith.constant 20 : i32
        "tpu.region"() ({
          %run_scoped3A_143 = tpu.sem_alloc : memref<!tpu.dma_semaphore, #tpu.memory_space<semaphore_mem>>
          %dma_start3A_144 = arith.constant 0 : i32
          %dma_start3A_145 = tpu.memref_slice %arg8[%dma_start3A_144] : memref<1544192xf32, #tpu.memory_space<vmem_shared>> -> memref<1544192xf32, #tpu.memory_space<vmem_shared>>
          tpu.enqueue_indirect_dma source(%arg12 : memref<5120xf32, #tpu.memory_space<vmem>>) target(%dma_start3A_145 : memref<1544192xf32, #tpu.memory_space<vmem_shared>>) offsets(%arg13 : memref<5120xi32, #tpu.memory_space<vmem>>) semaphore(%run_scoped3A_143 : memref<!tpu.dma_semaphore, #tpu.memory_space<semaphore_mem>>) {add = true}
          %dma_wait3A_146 = arith.constant 0 : i32
          %dma_wait3A_147 = tpu.memref_slice %arg8[%dma_wait3A_146] : memref<1544192xf32, #tpu.memory_space<vmem_shared>> -> memref<1544192xf32, #tpu.memory_space<vmem_shared>>
          tpu.wait_indirect_dma semaphore(%run_scoped3A_143 : memref<!tpu.dma_semaphore, #tpu.memory_space<semaphore_mem>>) src(%arg12 : memref<5120xf32, #tpu.memory_space<vmem>>) dst(%dma_wait3A_147 : memref<1544192xf32, #tpu.memory_space<vmem_shared>>)
          tpu.yield
        }) : () -> ()
      }
      %scan3A_73 = arith.constant 20 : i32
    } else {
    }
    %barrier3A_13 = arith.constant 0 : index
    tpu.barrier barrier_id(%barrier3A_13)
    %mul3A_14 = arith.constant 750 : i32
    %mul3A_15 = arith.muli %arg1, %mul3A_14 : i32
    %add3A_16 = arith.constant 0 : i32
    %add3A_17 = arith.addi %add3A_16, %mul3A_15 : i32
    %scan3A = arith.constant 0 : i32
    %scan3A_18 = arith.constant 0 : i32
    %scan3A_19 = arith.constant 750 : i32
    %scan3A_20 = arith.addi %scan3A_18, %scan3A_19 : i32
    %scan3A_21 = arith.constant 1 : i32
    scf.for %scan3A_58 = %scan3A_18 to %scan3A_20 step %scan3A_21  : i32 {
      %mul3A_59 = arith.constant 96000 : i32
      %mul3A_60 = arith.muli %arg1, %mul3A_59 : i32
      %mul3A_61 = arith.constant 128 : i32
      %mul3A_62 = arith.muli %scan3A_58, %mul3A_61 : i32
      %add3A_63 = arith.addi %mul3A_60, %mul3A_62 : i32
      %add3A_64 = arith.addi %add3A_17, %scan3A_58 : i32
      %dma_start3A = arith.constant 0 : i32
      %dma_start3A_65 = tpu.memref_slice %arg7[%add3A_64, %arg0, %dma_start3A] : memref<24000x2x128xf32, #tpu.memory_space<hbm>> -> memref<1x1x128xf32, #tpu.memory_space<hbm>>
      %dma_start3A_66 = tpu.memref_squeeze %dma_start3A_65 : memref<1x1x128xf32, #tpu.memory_space<hbm>> -> memref<128xf32, #tpu.memory_space<hbm>>
      %dma_start3A_67 = tpu.memref_slice %arg8[%add3A_63] : memref<1544192xf32, #tpu.memory_space<vmem_shared>> -> memref<128xf32, #tpu.memory_space<vmem_shared>>
      tpu.enqueue_dma source(%dma_start3A_67 : memref<128xf32, #tpu.memory_space<vmem_shared>>) target(%dma_start3A_66 : memref<128xf32, #tpu.memory_space<hbm>>) target_semaphore(%arg14 : memref<!tpu.dma_semaphore, #tpu.memory_space<semaphore_mem>>)
    }
    %scan3A_22 = arith.constant 750 : i32
    %mul3A_23 = arith.constant 96000 : i32
    %mul3A_24 = arith.muli %arg1, %mul3A_23 : i32
    %dma_wait3A = tpu.memref_slice %arg8[%mul3A_24] : memref<1544192xf32, #tpu.memory_space<vmem_shared>> -> memref<96000xf32, #tpu.memory_space<vmem_shared>>
    %dma_wait3A_25 = arith.constant 0 : i32
    %dma_wait3A_26 = tpu.memref_slice %arg4[%dma_wait3A_25] : memref<3200000xf32, #tpu.memory_space<hbm>> -> memref<96000xf32, #tpu.memory_space<hbm>>
    tpu.wait_dma2 semaphore(%arg14 : memref<!tpu.dma_semaphore, #tpu.memory_space<semaphore_mem>>) src(%dma_wait3A_26 : memref<96000xf32, #tpu.memory_space<hbm>>) dst(%dma_wait3A : memref<96000xf32, #tpu.memory_space<vmem_shared>>)
    %barrier3A_27 = arith.constant 0 : index
    tpu.barrier barrier_id(%barrier3A_27)
    %mul3A_28 = arith.constant 96512 : i32
    %mul3A_29 = arith.muli %arg1, %mul3A_28 : i32
    "tpu.region"() ({
      %run_scoped3A = tpu.sem_alloc : memref<!tpu.dma_semaphore, #tpu.memory_space<semaphore_mem>>
      %dma_start3A = tpu.memref_slice %arg8[%mul3A_29] : memref<1544192xf32, #tpu.memory_space<vmem_shared>> -> memref<96512xf32, #tpu.memory_space<vmem_shared>>
      tpu.enqueue_dma source(%arg5 : memref<96512xf32, #tpu.memory_space<hbm>>) target(%dma_start3A : memref<96512xf32, #tpu.memory_space<vmem_shared>>) target_semaphore(%run_scoped3A : memref<!tpu.dma_semaphore, #tpu.memory_space<semaphore_mem>>)
      %dma_wait3A_58 = tpu.memref_slice %arg8[%mul3A_29] : memref<1544192xf32, #tpu.memory_space<vmem_shared>> -> memref<96512xf32, #tpu.memory_space<vmem_shared>>
      tpu.wait_dma2 semaphore(%run_scoped3A : memref<!tpu.dma_semaphore, #tpu.memory_space<semaphore_mem>>) src(%arg5 : memref<96512xf32, #tpu.memory_space<hbm>>) dst(%dma_wait3A_58 : memref<96512xf32, #tpu.memory_space<vmem_shared>>)
      tpu.yield
    }) : () -> ()
    %barrier3A_30 = arith.constant 0 : index
    tpu.barrier barrier_id(%barrier3A_30)
    %eq3A_31 = arith.constant 0 : i32
    %eq3A_32 = arith.cmpi eq, %arg0, %eq3A_31 : i32
    %convert_element_type3A_33 = arith.extui %eq3A_32 : i1 to i32
    %cond3A_34 = arith.constant 0 : i32
    %cond3A_35 = arith.cmpi ne, %convert_element_type3A_33, %cond3A_34 : i32
    scf.if %cond3A_35 {
      %gt3A = arith.constant 0 : i32
      %gt3A_58 = arith.cmpi sgt, %select_n3A, %gt3A : i32
      %add3A_59 = arith.constant 0 : i32
      %add3A_60 = arith.addi %add3A, %add3A_59 : i32
      %jit3A_61 = arith.constant 0 : i32
      %select_n3A_62 = arith.select %gt3A_58, %add3A_60, %jit3A_61 : i32
      %mul3A_63 = arith.constant 5120 : i32
      %mul3A_64 = arith.muli %select_n3A_62, %mul3A_63 : i32
      %dma_start3A = tpu.memref_slice %arg2[%mul3A_64] : memref<3200000xi32, #tpu.memory_space<hbm>> -> memref<5120xi32, #tpu.memory_space<hbm>>
      %dma_start3A_65 = tpu.memref_slice %arg2[%mul3A_64] : memref<3200000xi32, #tpu.memory_space<hbm>> -> memref<5120xi32, #tpu.memory_space<hbm>>
      tpu.enqueue_dma source(%dma_start3A_65 : memref<5120xi32, #tpu.memory_space<hbm>>) target(%arg9 : memref<5120xi32, #tpu.memory_space<vmem>>) target_semaphore(%arg15 : memref<!tpu.dma_semaphore, #tpu.memory_space<semaphore_mem>>)
      %dma_start3A_66 = tpu.memref_slice %arg4[%mul3A_64] : memref<3200000xf32, #tpu.memory_space<hbm>> -> memref<5120xf32, #tpu.memory_space<hbm>>
      %dma_start3A_67 = tpu.memref_slice %arg4[%mul3A_64] : memref<3200000xf32, #tpu.memory_space<hbm>> -> memref<5120xf32, #tpu.memory_space<hbm>>
      tpu.enqueue_dma source(%dma_start3A_67 : memref<5120xf32, #tpu.memory_space<hbm>>) target(%arg10 : memref<5120xf32, #tpu.memory_space<vmem>>) target_semaphore(%arg15 : memref<!tpu.dma_semaphore, #tpu.memory_space<semaphore_mem>>)
      %scan3A_68 = arith.constant 0 : i32
      %scan3A_69 = arith.constant 0 : i32
      %scan3A_70 = arith.constant 20 : i32
      %scan3A_71 = arith.addi %scan3A_69, %scan3A_70 : i32
      %scan3A_72 = arith.constant 1 : i32
      scf.for %scan3A_74 = %scan3A_69 to %scan3A_71 step %scan3A_72  : i32 {
        %mul3A_75 = arith.constant 2 : i32
        %mul3A_76 = arith.muli %mul3A_75, %scan3A_74 : i32
        %add3A_77 = arith.constant 1 : i32
        %add3A_78 = arith.addi %mul3A_76, %add3A_77 : i32
        %lt3A_79 = arith.cmpi slt, %add3A_78, %select_n3A : i32
        %add3A_80 = arith.addi %add3A, %add3A_78 : i32
        %jit3A_81 = arith.constant 0 : i32
        %select_n3A_82 = arith.select %lt3A_79, %add3A_80, %jit3A_81 : i32
        %mul3A_83 = arith.constant 5120 : i32
        %mul3A_84 = arith.muli %select_n3A_82, %mul3A_83 : i32
        %dma_start3A_85 = tpu.memref_slice %arg2[%mul3A_84] : memref<3200000xi32, #tpu.memory_space<hbm>> -> memref<5120xi32, #tpu.memory_space<hbm>>
        %dma_start3A_86 = tpu.memref_slice %arg2[%mul3A_84] : memref<3200000xi32, #tpu.memory_space<hbm>> -> memref<5120xi32, #tpu.memory_space<hbm>>
        tpu.enqueue_dma source(%dma_start3A_86 : memref<5120xi32, #tpu.memory_space<hbm>>) target(%arg11 : memref<5120xi32, #tpu.memory_space<vmem>>) target_semaphore(%arg16 : memref<!tpu.dma_semaphore, #tpu.memory_space<semaphore_mem>>)
        %dma_start3A_87 = tpu.memref_slice %arg4[%mul3A_84] : memref<3200000xf32, #tpu.memory_space<hbm>> -> memref<5120xf32, #tpu.memory_space<hbm>>
        %dma_start3A_88 = tpu.memref_slice %arg4[%mul3A_84] : memref<3200000xf32, #tpu.memory_space<hbm>> -> memref<5120xf32, #tpu.memory_space<hbm>>
        tpu.enqueue_dma source(%dma_start3A_88 : memref<5120xf32, #tpu.memory_space<hbm>>) target(%arg12 : memref<5120xf32, #tpu.memory_space<vmem>>) target_semaphore(%arg16 : memref<!tpu.dma_semaphore, #tpu.memory_space<semaphore_mem>>)
        %dma_wait3A_89 = arith.constant 0 : i32
        %dma_wait3A_90 = tpu.memref_slice %arg2[%dma_wait3A_89] : memref<3200000xi32, #tpu.memory_space<hbm>> -> memref<5120xi32, #tpu.memory_space<hbm>>
        %dma_wait3A_91 = arith.constant 0 : i32
        %dma_wait3A_92 = tpu.memref_slice %arg2[%dma_wait3A_91] : memref<3200000xi32, #tpu.memory_space<hbm>> -> memref<5120xi32, #tpu.memory_space<hbm>>
        tpu.wait_dma2 semaphore(%arg15 : memref<!tpu.dma_semaphore, #tpu.memory_space<semaphore_mem>>) src(%dma_wait3A_92 : memref<5120xi32, #tpu.memory_space<hbm>>) dst(%arg9 : memref<5120xi32, #tpu.memory_space<vmem>>)
        %dma_wait3A_93 = arith.constant 0 : i32
        %dma_wait3A_94 = tpu.memref_slice %arg4[%dma_wait3A_93] : memref<3200000xf32, #tpu.memory_space<hbm>> -> memref<5120xf32, #tpu.memory_space<hbm>>
        %dma_wait3A_95 = arith.constant 0 : i32
        %dma_wait3A_96 = tpu.memref_slice %arg4[%dma_wait3A_95] : memref<3200000xf32, #tpu.memory_space<hbm>> -> memref<5120xf32, #tpu.memory_space<hbm>>
        tpu.wait_dma2 semaphore(%arg15 : memref<!tpu.dma_semaphore, #tpu.memory_space<semaphore_mem>>) src(%dma_wait3A_96 : memref<5120xf32, #tpu.memory_space<hbm>>) dst(%arg10 : memref<5120xf32, #tpu.memory_space<vmem>>)
        %lt3A_97 = arith.cmpi slt, %mul3A_76, %select_n3A : i32
        %add3A_98 = arith.addi %add3A, %mul3A_76 : i32
        %jit3A_99 = arith.constant 0 : i32
        %select_n3A_100 = arith.select %lt3A_97, %add3A_98, %jit3A_99 : i32
        %mul3A_101 = arith.constant 5120 : i32
        %mul3A_102 = arith.muli %select_n3A_100, %mul3A_101 : i32
        %jit3A_103 = arith.constant 0 : i32
        %jit3A_104 = arith.constant 16777216 : i32
        %select_n3A_105 = arith.select %lt3A_97, %jit3A_103, %jit3A_104 : i32
        %scan3A_106 = arith.constant 0 : i32
        %scan3A_107 = arith.constant 0 : i32
        %scan3A_108 = arith.constant 20 : i32
        %scan3A_109 = arith.addi %scan3A_107, %scan3A_108 : i32
        %scan3A_110 = arith.constant 1 : i32
        scf.for %scan3A_142 = %scan3A_107 to %scan3A_109 step %scan3A_110  : i32 {
          %mul3A_143 = arith.constant 256 : i32
          %mul3A_144 = arith.muli %scan3A_142, %mul3A_143 : i32
          %add3A_145 = arith.constant 0 : i32
          %add3A_146 = arith.addi %mul3A_144, %add3A_145 : i32
          %get3A = arith.index_cast %add3A_146 : i32 to index
          %get3A_147 = tpu.vector_load %arg9[%get3A] {strides = array<i32>} : memref<5120xi32, #tpu.memory_space<vmem>>, vector<16xi32>,
          %get3A_148 = vector.shape_cast %get3A_147 : vector<16xi32> to vector<16xi32>
          %sub3A = vector.broadcast %select_n3A_105 : i32 to vector<16xi32>
          %sub3A_149 = arith.subi %get3A_148, %sub3A : vector<16xi32>
          %ge3A = arith.constant 1536000 : i32
          %ge3A_150 = vector.broadcast %ge3A : i32 to vector<16xi32>
          %ge3A_151 = arith.cmpi sge, %sub3A_149, %ge3A_150 : vector<16xi32>
          %sub3A_152 = arith.constant 1536000 : i32
          %sub3A_153 = vector.broadcast %sub3A_152 : i32 to vector<16xi32>
          %sub3A_154 = arith.subi %sub3A_149, %sub3A_153 : vector<16xi32>
          %and3A = arith.constant 8191 : i32
          %and3A_155 = vector.broadcast %and3A : i32 to vector<16xi32>
          %and3A_156 = arith.andi %sub3A_149, %and3A_155 : vector<16xi32>
          %add3A_157 = arith.constant 1536000 : i32
          %add3A_158 = vector.broadcast %add3A_157 : i32 to vector<16xi32>
          %add3A_159 = arith.addi %add3A_158, %and3A_156 : vector<16xi32>
          %select_n3A_160 = arith.select %ge3A_151, %sub3A_154, %add3A_159 : vector<16xi1>, vector<16xi32>
          %swap3A = arith.index_cast %add3A_146 : i32 to index
          %swap3A_161 = tpu.vector_load %arg13[%swap3A] {strides = array<i32>} : memref<5120xi32, #tpu.memory_space<vmem>>, vector<16xi32>,
          %swap3A_162 = vector.shape_cast %swap3A_161 : vector<16xi32> to vector<16xi32>
          %swap3A_163 = vector.shape_cast %select_n3A_160 : vector<16xi32> to vector<16xi32>
          tpu.vector_store %arg13[%swap3A], %swap3A_163 {strides = array<i32>} : memref<5120xi32, #tpu.memory_space<vmem>>, vector<16xi32>,
          %mul3A_164 = arith.constant 256 : i32
          %mul3A_165 = arith.muli %scan3A_142, %mul3A_164 : i32
          %add3A_166 = arith.constant 16 : i32
          %add3A_167 = arith.addi %mul3A_165, %add3A_166 : i32
          %get3A_168 = arith.index_cast %add3A_167 : i32 to index
          %get3A_169 = tpu.vector_load %arg9[%get3A_168] {strides = array<i32>} : memref<5120xi32, #tpu.memory_space<vmem>>, vector<16xi32>,
          %get3A_170 = vector.shape_cast %get3A_169 : vector<16xi32> to vector<16xi32>
          %sub3A_171 = vector.broadcast %select_n3A_105 : i32 to vector<16xi32>
          %sub3A_172 = arith.subi %get3A_170, %sub3A_171 : vector<16xi32>
          %ge3A_173 = arith.constant 1536000 : i32
          %ge3A_174 = vector.broadcast %ge3A_173 : i32 to vector<16xi32>
          %ge3A_175 = arith.cmpi sge, %sub3A_172, %ge3A_174 : vector<16xi32>
          %sub3A_176 = arith.constant 1536000 : i32
          %sub3A_177 = vector.broadcast %sub3A_176 : i32 to vector<16xi32>
          %sub3A_178 = arith.subi %sub3A_172, %sub3A_177 : vector<16xi32>
          %and3A_179 = arith.constant 8191 : i32
          %and3A_180 = vector.broadcast %and3A_179 : i32 to vector<16xi32>
          %and3A_181 = arith.andi %sub3A_172, %and3A_180 : vector<16xi32>
          %add3A_182 = arith.constant 1536000 : i32
          %add3A_183 = vector.broadcast %add3A_182 : i32 to vector<16xi32>
          %add3A_184 = arith.addi %add3A_183, %and3A_181 : vector<16xi32>
          %select_n3A_185 = arith.select %ge3A_175, %sub3A_178, %add3A_184 : vector<16xi1>, vector<16xi32>
          %swap3A_186 = arith.index_cast %add3A_167 : i32 to index
          %swap3A_187 = tpu.vector_load %arg13[%swap3A_186] {strides = array<i32>} : memref<5120xi32, #tpu.memory_space<vmem>>, vector<16xi32>,
          %swap3A_188 = vector.shape_cast %swap3A_187 : vector<16xi32> to vector<16xi32>
          %swap3A_189 = vector.shape_cast %select_n3A_185 : vector<16xi32> to vector<16xi32>
          tpu.vector_store %arg13[%swap3A_186], %swap3A_189 {strides = array<i32>} : memref<5120xi32, #tpu.memory_space<vmem>>, vector<16xi32>,
          %mul3A_190 = arith.constant 256 : i32
          %mul3A_191 = arith.muli %scan3A_142, %mul3A_190 : i32
          %add3A_192 = arith.constant 32 : i32
          %add3A_193 = arith.addi %mul3A_191, %add3A_192 : i32
          %get3A_194 = arith.index_cast %add3A_193 : i32 to index
          %get3A_195 = tpu.vector_load %arg9[%get3A_194] {strides = array<i32>} : memref<5120xi32, #tpu.memory_space<vmem>>, vector<16xi32>,
          %get3A_196 = vector.shape_cast %get3A_195 : vector<16xi32> to vector<16xi32>
          %sub3A_197 = vector.broadcast %select_n3A_105 : i32 to vector<16xi32>
          %sub3A_198 = arith.subi %get3A_196, %sub3A_197 : vector<16xi32>
          %ge3A_199 = arith.constant 1536000 : i32
          %ge3A_200 = vector.broadcast %ge3A_199 : i32 to vector<16xi32>
          %ge3A_201 = arith.cmpi sge, %sub3A_198, %ge3A_200 : vector<16xi32>
          %sub3A_202 = arith.constant 1536000 : i32
          %sub3A_203 = vector.broadcast %sub3A_202 : i32 to vector<16xi32>
          %sub3A_204 = arith.subi %sub3A_198, %sub3A_203 : vector<16xi32>
          %and3A_205 = arith.constant 8191 : i32
          %and3A_206 = vector.broadcast %and3A_205 : i32 to vector<16xi32>
          %and3A_207 = arith.andi %sub3A_198, %and3A_206 : vector<16xi32>
          %add3A_208 = arith.constant 1536000 : i32
          %add3A_209 = vector.broadcast %add3A_208 : i32 to vector<16xi32>
          %add3A_210 = arith.addi %add3A_209, %and3A_207 : vector<16xi32>
          %select_n3A_211 = arith.select %ge3A_201, %sub3A_204, %add3A_210 : vector<16xi1>, vector<16xi32>
          %swap3A_212 = arith.index_cast %add3A_193 : i32 to index
          %swap3A_213 = tpu.vector_load %arg13[%swap3A_212] {strides = array<i32>} : memref<5120xi32, #tpu.memory_space<vmem>>, vector<16xi32>,
          %swap3A_214 = vector.shape_cast %swap3A_213 : vector<16xi32> to vector<16xi32>
          %swap3A_215 = vector.shape_cast %select_n3A_211 : vector<16xi32> to vector<16xi32>
          tpu.vector_store %arg13[%swap3A_212], %swap3A_215 {strides = array<i32>} : memref<5120xi32, #tpu.memory_space<vmem>>, vector<16xi32>,
          %mul3A_216 = arith.constant 256 : i32
          %mul3A_217 = arith.muli %scan3A_142, %mul3A_216 : i32
          %add3A_218 = arith.constant 48 : i32
          %add3A_219 = arith.addi %mul3A_217, %add3A_218 : i32
          %get3A_220 = arith.index_cast %add3A_219 : i32 to index
          %get3A_221 = tpu.vector_load %arg9[%get3A_220] {strides = array<i32>} : memref<5120xi32, #tpu.memory_space<vmem>>, vector<16xi32>,
          %get3A_222 = vector.shape_cast %get3A_221 : vector<16xi32> to vector<16xi32>
          %sub3A_223 = vector.broadcast %select_n3A_105 : i32 to vector<16xi32>
          %sub3A_224 = arith.subi %get3A_222, %sub3A_223 : vector<16xi32>
          %ge3A_225 = arith.constant 1536000 : i32
          %ge3A_226 = vector.broadcast %ge3A_225 : i32 to vector<16xi32>
          %ge3A_227 = arith.cmpi sge, %sub3A_224, %ge3A_226 : vector<16xi32>
          %sub3A_228 = arith.constant 1536000 : i32
          %sub3A_229 = vector.broadcast %sub3A_228 : i32 to vector<16xi32>
          %sub3A_230 = arith.subi %sub3A_224, %sub3A_229 : vector<16xi32>
          %and3A_231 = arith.constant 8191 : i32
          %and3A_232 = vector.broadcast %and3A_231 : i32 to vector<16xi32>
          %and3A_233 = arith.andi %sub3A_224, %and3A_232 : vector<16xi32>
          %add3A_234 = arith.constant 1536000 : i32
          %add3A_235 = vector.broadcast %add3A_234 : i32 to vector<16xi32>
          %add3A_236 = arith.addi %add3A_235, %and3A_233 : vector<16xi32>
          %select_n3A_237 = arith.select %ge3A_227, %sub3A_230, %add3A_236 : vector<16xi1>, vector<16xi32>
          %swap3A_238 = arith.index_cast %add3A_219 : i32 to index
          %swap3A_239 = tpu.vector_load %arg13[%swap3A_238] {strides = array<i32>} : memref<5120xi32, #tpu.memory_space<vmem>>, vector<16xi32>,
          %swap3A_240 = vector.shape_cast %swap3A_239 : vector<16xi32> to vector<16xi32>
          %swap3A_241 = vector.shape_cast %select_n3A_237 : vector<16xi32> to vector<16xi32>
          tpu.vector_store %arg13[%swap3A_238], %swap3A_241 {strides = array<i32>} : memref<5120xi32, #tpu.memory_space<vmem>>, vector<16xi32>,
          %mul3A_242 = arith.constant 256 : i32
          %mul3A_243 = arith.muli %scan3A_142, %mul3A_242 : i32
          %add3A_244 = arith.constant 64 : i32
          %add3A_245 = arith.addi %mul3A_243, %add3A_244 : i32
          %get3A_246 = arith.index_cast %add3A_245 : i32 to index
          %get3A_247 = tpu.vector_load %arg9[%get3A_246] {strides = array<i32>} : memref<5120xi32, #tpu.memory_space<vmem>>, vector<16xi32>,
          %get3A_248 = vector.shape_cast %get3A_247 : vector<16xi32> to vector<16xi32>
          %sub3A_249 = vector.broadcast %select_n3A_105 : i32 to vector<16xi32>
          %sub3A_250 = arith.subi %get3A_248, %sub3A_249 : vector<16xi32>
          %ge3A_251 = arith.constant 1536000 : i32
          %ge3A_252 = vector.broadcast %ge3A_251 : i32 to vector<16xi32>
          %ge3A_253 = arith.cmpi sge, %sub3A_250, %ge3A_252 : vector<16xi32>
          %sub3A_254 = arith.constant 1536000 : i32
          %sub3A_255 = vector.broadcast %sub3A_254 : i32 to vector<16xi32>
          %sub3A_256 = arith.subi %sub3A_250, %sub3A_255 : vector<16xi32>
          %and3A_257 = arith.constant 8191 : i32
          %and3A_258 = vector.broadcast %and3A_257 : i32 to vector<16xi32>
          %and3A_259 = arith.andi %sub3A_250, %and3A_258 : vector<16xi32>
          %add3A_260 = arith.constant 1536000 : i32
          %add3A_261 = vector.broadcast %add3A_260 : i32 to vector<16xi32>
          %add3A_262 = arith.addi %add3A_261, %and3A_259 : vector<16xi32>
          %select_n3A_263 = arith.select %ge3A_253, %sub3A_256, %add3A_262 : vector<16xi1>, vector<16xi32>
          %swap3A_264 = arith.index_cast %add3A_245 : i32 to index
          %swap3A_265 = tpu.vector_load %arg13[%swap3A_264] {strides = array<i32>} : memref<5120xi32, #tpu.memory_space<vmem>>, vector<16xi32>,
          %swap3A_266 = vector.shape_cast %swap3A_265 : vector<16xi32> to vector<16xi32>
          %swap3A_267 = vector.shape_cast %select_n3A_263 : vector<16xi32> to vector<16xi32>
          tpu.vector_store %arg13[%swap3A_264], %swap3A_267 {strides = array<i32>} : memref<5120xi32, #tpu.memory_space<vmem>>, vector<16xi32>,
          %mul3A_268 = arith.constant 256 : i32
          %mul3A_269 = arith.muli %scan3A_142, %mul3A_268 : i32
          %add3A_270 = arith.constant 80 : i32
          %add3A_271 = arith.addi %mul3A_269, %add3A_270 : i32
          %get3A_272 = arith.index_cast %add3A_271 : i32 to index
          %get3A_273 = tpu.vector_load %arg9[%get3A_272] {strides = array<i32>} : memref<5120xi32, #tpu.memory_space<vmem>>, vector<16xi32>,
          %get3A_274 = vector.shape_cast %get3A_273 : vector<16xi32> to vector<16xi32>
          %sub3A_275 = vector.broadcast %select_n3A_105 : i32 to vector<16xi32>
          %sub3A_276 = arith.subi %get3A_274, %sub3A_275 : vector<16xi32>
          %ge3A_277 = arith.constant 1536000 : i32
          %ge3A_278 = vector.broadcast %ge3A_277 : i32 to vector<16xi32>
          %ge3A_279 = arith.cmpi sge, %sub3A_276, %ge3A_278 : vector<16xi32>
          %sub3A_280 = arith.constant 1536000 : i32
          %sub3A_281 = vector.broadcast %sub3A_280 : i32 to vector<16xi32>
          %sub3A_282 = arith.subi %sub3A_276, %sub3A_281 : vector<16xi32>
          %and3A_283 = arith.constant 8191 : i32
          %and3A_284 = vector.broadcast %and3A_283 : i32 to vector<16xi32>
          %and3A_285 = arith.andi %sub3A_276, %and3A_284 : vector<16xi32>
          %add3A_286 = arith.constant 1536000 : i32
          %add3A_287 = vector.broadcast %add3A_286 : i32 to vector<16xi32>
          %add3A_288 = arith.addi %add3A_287, %and3A_285 : vector<16xi32>
          %select_n3A_289 = arith.select %ge3A_279, %sub3A_282, %add3A_288 : vector<16xi1>, vector<16xi32>
          %swap3A_290 = arith.index_cast %add3A_271 : i32 to index
          %swap3A_291 = tpu.vector_load %arg13[%swap3A_290] {strides = array<i32>} : memref<5120xi32, #tpu.memory_space<vmem>>, vector<16xi32>,
          %swap3A_292 = vector.shape_cast %swap3A_291 : vector<16xi32> to vector<16xi32>
          %swap3A_293 = vector.shape_cast %select_n3A_289 : vector<16xi32> to vector<16xi32>
          tpu.vector_store %arg13[%swap3A_290], %swap3A_293 {strides = array<i32>} : memref<5120xi32, #tpu.memory_space<vmem>>, vector<16xi32>,
          %mul3A_294 = arith.constant 256 : i32
          %mul3A_295 = arith.muli %scan3A_142, %mul3A_294 : i32
          %add3A_296 = arith.constant 96 : i32
          %add3A_297 = arith.addi %mul3A_295, %add3A_296 : i32
          %get3A_298 = arith.index_cast %add3A_297 : i32 to index
          %get3A_299 = tpu.vector_load %arg9[%get3A_298] {strides = array<i32>} : memref<5120xi32, #tpu.memory_space<vmem>>, vector<16xi32>,
          %get3A_300 = vector.shape_cast %get3A_299 : vector<16xi32> to vector<16xi32>
          %sub3A_301 = vector.broadcast %select_n3A_105 : i32 to vector<16xi32>
          %sub3A_302 = arith.subi %get3A_300, %sub3A_301 : vector<16xi32>
          %ge3A_303 = arith.constant 1536000 : i32
          %ge3A_304 = vector.broadcast %ge3A_303 : i32 to vector<16xi32>
          %ge3A_305 = arith.cmpi sge, %sub3A_302, %ge3A_304 : vector<16xi32>
          %sub3A_306 = arith.constant 1536000 : i32
          %sub3A_307 = vector.broadcast %sub3A_306 : i32 to vector<16xi32>
          %sub3A_308 = arith.subi %sub3A_302, %sub3A_307 : vector<16xi32>
          %and3A_309 = arith.constant 8191 : i32
          %and3A_310 = vector.broadcast %and3A_309 : i32 to vector<16xi32>
          %and3A_311 = arith.andi %sub3A_302, %and3A_310 : vector<16xi32>
          %add3A_312 = arith.constant 1536000 : i32
          %add3A_313 = vector.broadcast %add3A_312 : i32 to vector<16xi32>
          %add3A_314 = arith.addi %add3A_313, %and3A_311 : vector<16xi32>
          %select_n3A_315 = arith.select %ge3A_305, %sub3A_308, %add3A_314 : vector<16xi1>, vector<16xi32>
          %swap3A_316 = arith.index_cast %add3A_297 : i32 to index
          %swap3A_317 = tpu.vector_load %arg13[%swap3A_316] {strides = array<i32>} : memref<5120xi32, #tpu.memory_space<vmem>>, vector<16xi32>,
          %swap3A_318 = vector.shape_cast %swap3A_317 : vector<16xi32> to vector<16xi32>
          %swap3A_319 = vector.shape_cast %select_n3A_315 : vector<16xi32> to vector<16xi32>
          tpu.vector_store %arg13[%swap3A_316], %swap3A_319 {strides = array<i32>} : memref<5120xi32, #tpu.memory_space<vmem>>, vector<16xi32>,
          %mul3A_320 = arith.constant 256 : i32
          %mul3A_321 = arith.muli %scan3A_142, %mul3A_320 : i32
          %add3A_322 = arith.constant 112 : i32
          %add3A_323 = arith.addi %mul3A_321, %add3A_322 : i32
          %get3A_324 = arith.index_cast %add3A_323 : i32 to index
          %get3A_325 = tpu.vector_load %arg9[%get3A_324] {strides = array<i32>} : memref<5120xi32, #tpu.memory_space<vmem>>, vector<16xi32>,
          %get3A_326 = vector.shape_cast %get3A_325 : vector<16xi32> to vector<16xi32>
          %sub3A_327 = vector.broadcast %select_n3A_105 : i32 to vector<16xi32>
          %sub3A_328 = arith.subi %get3A_326, %sub3A_327 : vector<16xi32>
          %ge3A_329 = arith.constant 1536000 : i32
          %ge3A_330 = vector.broadcast %ge3A_329 : i32 to vector<16xi32>
          %ge3A_331 = arith.cmpi sge, %sub3A_328, %ge3A_330 : vector<16xi32>
          %sub3A_332 = arith.constant 1536000 : i32
          %sub3A_333 = vector.broadcast %sub3A_332 : i32 to vector<16xi32>
          %sub3A_334 = arith.subi %sub3A_328, %sub3A_333 : vector<16xi32>
          %and3A_335 = arith.constant 8191 : i32
          %and3A_336 = vector.broadcast %and3A_335 : i32 to vector<16xi32>
          %and3A_337 = arith.andi %sub3A_328, %and3A_336 : vector<16xi32>
          %add3A_338 = arith.constant 1536000 : i32
          %add3A_339 = vector.broadcast %add3A_338 : i32 to vector<16xi32>
          %add3A_340 = arith.addi %add3A_339, %and3A_337 : vector<16xi32>
          %select_n3A_341 = arith.select %ge3A_331, %sub3A_334, %add3A_340 : vector<16xi1>, vector<16xi32>
          %swap3A_342 = arith.index_cast %add3A_323 : i32 to index
          %swap3A_343 = tpu.vector_load %arg13[%swap3A_342] {strides = array<i32>} : memref<5120xi32, #tpu.memory_space<vmem>>, vector<16xi32>,
          %swap3A_344 = vector.shape_cast %swap3A_343 : vector<16xi32> to vector<16xi32>
          %swap3A_345 = vector.shape_cast %select_n3A_341 : vector<16xi32> to vector<16xi32>
          tpu.vector_store %arg13[%swap3A_342], %swap3A_345 {strides = array<i32>} : memref<5120xi32, #tpu.memory_space<vmem>>, vector<16xi32>,
          %mul3A_346 = arith.constant 256 : i32
          %mul3A_347 = arith.muli %scan3A_142, %mul3A_346 : i32
          %add3A_348 = arith.constant 128 : i32
          %add3A_349 = arith.addi %mul3A_347, %add3A_348 : i32
          %get3A_350 = arith.index_cast %add3A_349 : i32 to index
          %get3A_351 = tpu.vector_load %arg9[%get3A_350] {strides = array<i32>} : memref<5120xi32, #tpu.memory_space<vmem>>, vector<16xi32>,
          %get3A_352 = vector.shape_cast %get3A_351 : vector<16xi32> to vector<16xi32>
          %sub3A_353 = vector.broadcast %select_n3A_105 : i32 to vector<16xi32>
          %sub3A_354 = arith.subi %get3A_352, %sub3A_353 : vector<16xi32>
          %ge3A_355 = arith.constant 1536000 : i32
          %ge3A_356 = vector.broadcast %ge3A_355 : i32 to vector<16xi32>
          %ge3A_357 = arith.cmpi sge, %sub3A_354, %ge3A_356 : vector<16xi32>
          %sub3A_358 = arith.constant 1536000 : i32
          %sub3A_359 = vector.broadcast %sub3A_358 : i32 to vector<16xi32>
          %sub3A_360 = arith.subi %sub3A_354, %sub3A_359 : vector<16xi32>
          %and3A_361 = arith.constant 8191 : i32
          %and3A_362 = vector.broadcast %and3A_361 : i32 to vector<16xi32>
          %and3A_363 = arith.andi %sub3A_354, %and3A_362 : vector<16xi32>
          %add3A_364 = arith.constant 1536000 : i32
          %add3A_365 = vector.broadcast %add3A_364 : i32 to vector<16xi32>
          %add3A_366 = arith.addi %add3A_365, %and3A_363 : vector<16xi32>
          %select_n3A_367 = arith.select %ge3A_357, %sub3A_360, %add3A_366 : vector<16xi1>, vector<16xi32>
          %swap3A_368 = arith.index_cast %add3A_349 : i32 to index
          %swap3A_369 = tpu.vector_load %arg13[%swap3A_368] {strides = array<i32>} : memref<5120xi32, #tpu.memory_space<vmem>>, vector<16xi32>,
          %swap3A_370 = vector.shape_cast %swap3A_369 : vector<16xi32> to vector<16xi32>
          %swap3A_371 = vector.shape_cast %select_n3A_367 : vector<16xi32> to vector<16xi32>
          tpu.vector_store %arg13[%swap3A_368], %swap3A_371 {strides = array<i32>} : memref<5120xi32, #tpu.memory_space<vmem>>, vector<16xi32>,
          %mul3A_372 = arith.constant 256 : i32
          %mul3A_373 = arith.muli %scan3A_142, %mul3A_372 : i32
          %add3A_374 = arith.constant 144 : i32
          %add3A_375 = arith.addi %mul3A_373, %add3A_374 : i32
          %get3A_376 = arith.index_cast %add3A_375 : i32 to index
          %get3A_377 = tpu.vector_load %arg9[%get3A_376] {strides = array<i32>} : memref<5120xi32, #tpu.memory_space<vmem>>, vector<16xi32>,
          %get3A_378 = vector.shape_cast %get3A_377 : vector<16xi32> to vector<16xi32>
          %sub3A_379 = vector.broadcast %select_n3A_105 : i32 to vector<16xi32>
          %sub3A_380 = arith.subi %get3A_378, %sub3A_379 : vector<16xi32>
          %ge3A_381 = arith.constant 1536000 : i32
          %ge3A_382 = vector.broadcast %ge3A_381 : i32 to vector<16xi32>
          %ge3A_383 = arith.cmpi sge, %sub3A_380, %ge3A_382 : vector<16xi32>
          %sub3A_384 = arith.constant 1536000 : i32
          %sub3A_385 = vector.broadcast %sub3A_384 : i32 to vector<16xi32>
          %sub3A_386 = arith.subi %sub3A_380, %sub3A_385 : vector<16xi32>
          %and3A_387 = arith.constant 8191 : i32
          %and3A_388 = vector.broadcast %and3A_387 : i32 to vector<16xi32>
          %and3A_389 = arith.andi %sub3A_380, %and3A_388 : vector<16xi32>
          %add3A_390 = arith.constant 1536000 : i32
          %add3A_391 = vector.broadcast %add3A_390 : i32 to vector<16xi32>
          %add3A_392 = arith.addi %add3A_391, %and3A_389 : vector<16xi32>
          %select_n3A_393 = arith.select %ge3A_383, %sub3A_386, %add3A_392 : vector<16xi1>, vector<16xi32>
          %swap3A_394 = arith.index_cast %add3A_375 : i32 to index
          %swap3A_395 = tpu.vector_load %arg13[%swap3A_394] {strides = array<i32>} : memref<5120xi32, #tpu.memory_space<vmem>>, vector<16xi32>,
          %swap3A_396 = vector.shape_cast %swap3A_395 : vector<16xi32> to vector<16xi32>
          %swap3A_397 = vector.shape_cast %select_n3A_393 : vector<16xi32> to vector<16xi32>
          tpu.vector_store %arg13[%swap3A_394], %swap3A_397 {strides = array<i32>} : memref<5120xi32, #tpu.memory_space<vmem>>, vector<16xi32>,
          %mul3A_398 = arith.constant 256 : i32
          %mul3A_399 = arith.muli %scan3A_142, %mul3A_398 : i32
          %add3A_400 = arith.constant 160 : i32
          %add3A_401 = arith.addi %mul3A_399, %add3A_400 : i32
          %get3A_402 = arith.index_cast %add3A_401 : i32 to index
          %get3A_403 = tpu.vector_load %arg9[%get3A_402] {strides = array<i32>} : memref<5120xi32, #tpu.memory_space<vmem>>, vector<16xi32>,
          %get3A_404 = vector.shape_cast %get3A_403 : vector<16xi32> to vector<16xi32>
          %sub3A_405 = vector.broadcast %select_n3A_105 : i32 to vector<16xi32>
          %sub3A_406 = arith.subi %get3A_404, %sub3A_405 : vector<16xi32>
          %ge3A_407 = arith.constant 1536000 : i32
          %ge3A_408 = vector.broadcast %ge3A_407 : i32 to vector<16xi32>
          %ge3A_409 = arith.cmpi sge, %sub3A_406, %ge3A_408 : vector<16xi32>
          %sub3A_410 = arith.constant 1536000 : i32
          %sub3A_411 = vector.broadcast %sub3A_410 : i32 to vector<16xi32>
          %sub3A_412 = arith.subi %sub3A_406, %sub3A_411 : vector<16xi32>
          %and3A_413 = arith.constant 8191 : i32
          %and3A_414 = vector.broadcast %and3A_413 : i32 to vector<16xi32>
          %and3A_415 = arith.andi %sub3A_406, %and3A_414 : vector<16xi32>
          %add3A_416 = arith.constant 1536000 : i32
          %add3A_417 = vector.broadcast %add3A_416 : i32 to vector<16xi32>
          %add3A_418 = arith.addi %add3A_417, %and3A_415 : vector<16xi32>
          %select_n3A_419 = arith.select %ge3A_409, %sub3A_412, %add3A_418 : vector<16xi1>, vector<16xi32>
          %swap3A_420 = arith.index_cast %add3A_401 : i32 to index
          %swap3A_421 = tpu.vector_load %arg13[%swap3A_420] {strides = array<i32>} : memref<5120xi32, #tpu.memory_space<vmem>>, vector<16xi32>,
          %swap3A_422 = vector.shape_cast %swap3A_421 : vector<16xi32> to vector<16xi32>
          %swap3A_423 = vector.shape_cast %select_n3A_419 : vector<16xi32> to vector<16xi32>
          tpu.vector_store %arg13[%swap3A_420], %swap3A_423 {strides = array<i32>} : memref<5120xi32, #tpu.memory_space<vmem>>, vector<16xi32>,
          %mul3A_424 = arith.constant 256 : i32
          %mul3A_425 = arith.muli %scan3A_142, %mul3A_424 : i32
          %add3A_426 = arith.constant 176 : i32
          %add3A_427 = arith.addi %mul3A_425, %add3A_426 : i32
          %get3A_428 = arith.index_cast %add3A_427 : i32 to index
          %get3A_429 = tpu.vector_load %arg9[%get3A_428] {strides = array<i32>} : memref<5120xi32, #tpu.memory_space<vmem>>, vector<16xi32>,
          %get3A_430 = vector.shape_cast %get3A_429 : vector<16xi32> to vector<16xi32>
          %sub3A_431 = vector.broadcast %select_n3A_105 : i32 to vector<16xi32>
          %sub3A_432 = arith.subi %get3A_430, %sub3A_431 : vector<16xi32>
          %ge3A_433 = arith.constant 1536000 : i32
          %ge3A_434 = vector.broadcast %ge3A_433 : i32 to vector<16xi32>
          %ge3A_435 = arith.cmpi sge, %sub3A_432, %ge3A_434 : vector<16xi32>
          %sub3A_436 = arith.constant 1536000 : i32
          %sub3A_437 = vector.broadcast %sub3A_436 : i32 to vector<16xi32>
          %sub3A_438 = arith.subi %sub3A_432, %sub3A_437 : vector<16xi32>
          %and3A_439 = arith.constant 8191 : i32
          %and3A_440 = vector.broadcast %and3A_439 : i32 to vector<16xi32>
          %and3A_441 = arith.andi %sub3A_432, %and3A_440 : vector<16xi32>
          %add3A_442 = arith.constant 1536000 : i32
          %add3A_443 = vector.broadcast %add3A_442 : i32 to vector<16xi32>
          %add3A_444 = arith.addi %add3A_443, %and3A_441 : vector<16xi32>
          %select_n3A_445 = arith.select %ge3A_435, %sub3A_438, %add3A_444 : vector<16xi1>, vector<16xi32>
          %swap3A_446 = arith.index_cast %add3A_427 : i32 to index
          %swap3A_447 = tpu.vector_load %arg13[%swap3A_446] {strides = array<i32>} : memref<5120xi32, #tpu.memory_space<vmem>>, vector<16xi32>,
          %swap3A_448 = vector.shape_cast %swap3A_447 : vector<16xi32> to vector<16xi32>
          %swap3A_449 = vector.shape_cast %select_n3A_445 : vector<16xi32> to vector<16xi32>
          tpu.vector_store %arg13[%swap3A_446], %swap3A_449 {strides = array<i32>} : memref<5120xi32, #tpu.memory_space<vmem>>, vector<16xi32>,
          %mul3A_450 = arith.constant 256 : i32
          %mul3A_451 = arith.muli %scan3A_142, %mul3A_450 : i32
          %add3A_452 = arith.constant 192 : i32
          %add3A_453 = arith.addi %mul3A_451, %add3A_452 : i32
          %get3A_454 = arith.index_cast %add3A_453 : i32 to index
          %get3A_455 = tpu.vector_load %arg9[%get3A_454] {strides = array<i32>} : memref<5120xi32, #tpu.memory_space<vmem>>, vector<16xi32>,
          %get3A_456 = vector.shape_cast %get3A_455 : vector<16xi32> to vector<16xi32>
          %sub3A_457 = vector.broadcast %select_n3A_105 : i32 to vector<16xi32>
          %sub3A_458 = arith.subi %get3A_456, %sub3A_457 : vector<16xi32>
          %ge3A_459 = arith.constant 1536000 : i32
          %ge3A_460 = vector.broadcast %ge3A_459 : i32 to vector<16xi32>
          %ge3A_461 = arith.cmpi sge, %sub3A_458, %ge3A_460 : vector<16xi32>
          %sub3A_462 = arith.constant 1536000 : i32
          %sub3A_463 = vector.broadcast %sub3A_462 : i32 to vector<16xi32>
          %sub3A_464 = arith.subi %sub3A_458, %sub3A_463 : vector<16xi32>
          %and3A_465 = arith.constant 8191 : i32
          %and3A_466 = vector.broadcast %and3A_465 : i32 to vector<16xi32>
          %and3A_467 = arith.andi %sub3A_458, %and3A_466 : vector<16xi32>
          %add3A_468 = arith.constant 1536000 : i32
          %add3A_469 = vector.broadcast %add3A_468 : i32 to vector<16xi32>
          %add3A_470 = arith.addi %add3A_469, %and3A_467 : vector<16xi32>
          %select_n3A_471 = arith.select %ge3A_461, %sub3A_464, %add3A_470 : vector<16xi1>, vector<16xi32>
          %swap3A_472 = arith.index_cast %add3A_453 : i32 to index
          %swap3A_473 = tpu.vector_load %arg13[%swap3A_472] {strides = array<i32>} : memref<5120xi32, #tpu.memory_space<vmem>>, vector<16xi32>,
          %swap3A_474 = vector.shape_cast %swap3A_473 : vector<16xi32> to vector<16xi32>
          %swap3A_475 = vector.shape_cast %select_n3A_471 : vector<16xi32> to vector<16xi32>
          tpu.vector_store %arg13[%swap3A_472], %swap3A_475 {strides = array<i32>} : memref<5120xi32, #tpu.memory_space<vmem>>, vector<16xi32>,
          %mul3A_476 = arith.constant 256 : i32
          %mul3A_477 = arith.muli %scan3A_142, %mul3A_476 : i32
          %add3A_478 = arith.constant 208 : i32
          %add3A_479 = arith.addi %mul3A_477, %add3A_478 : i32
          %get3A_480 = arith.index_cast %add3A_479 : i32 to index
          %get3A_481 = tpu.vector_load %arg9[%get3A_480] {strides = array<i32>} : memref<5120xi32, #tpu.memory_space<vmem>>, vector<16xi32>,
          %get3A_482 = vector.shape_cast %get3A_481 : vector<16xi32> to vector<16xi32>
          %sub3A_483 = vector.broadcast %select_n3A_105 : i32 to vector<16xi32>
          %sub3A_484 = arith.subi %get3A_482, %sub3A_483 : vector<16xi32>
          %ge3A_485 = arith.constant 1536000 : i32
          %ge3A_486 = vector.broadcast %ge3A_485 : i32 to vector<16xi32>
          %ge3A_487 = arith.cmpi sge, %sub3A_484, %ge3A_486 : vector<16xi32>
          %sub3A_488 = arith.constant 1536000 : i32
          %sub3A_489 = vector.broadcast %sub3A_488 : i32 to vector<16xi32>
          %sub3A_490 = arith.subi %sub3A_484, %sub3A_489 : vector<16xi32>
          %and3A_491 = arith.constant 8191 : i32
          %and3A_492 = vector.broadcast %and3A_491 : i32 to vector<16xi32>
          %and3A_493 = arith.andi %sub3A_484, %and3A_492 : vector<16xi32>
          %add3A_494 = arith.constant 1536000 : i32
          %add3A_495 = vector.broadcast %add3A_494 : i32 to vector<16xi32>
          %add3A_496 = arith.addi %add3A_495, %and3A_493 : vector<16xi32>
          %select_n3A_497 = arith.select %ge3A_487, %sub3A_490, %add3A_496 : vector<16xi1>, vector<16xi32>
          %swap3A_498 = arith.index_cast %add3A_479 : i32 to index
          %swap3A_499 = tpu.vector_load %arg13[%swap3A_498] {strides = array<i32>} : memref<5120xi32, #tpu.memory_space<vmem>>, vector<16xi32>,
          %swap3A_500 = vector.shape_cast %swap3A_499 : vector<16xi32> to vector<16xi32>
          %swap3A_501 = vector.shape_cast %select_n3A_497 : vector<16xi32> to vector<16xi32>
          tpu.vector_store %arg13[%swap3A_498], %swap3A_501 {strides = array<i32>} : memref<5120xi32, #tpu.memory_space<vmem>>, vector<16xi32>,
          %mul3A_502 = arith.constant 256 : i32
          %mul3A_503 = arith.muli %scan3A_142, %mul3A_502 : i32
          %add3A_504 = arith.constant 224 : i32
          %add3A_505 = arith.addi %mul3A_503, %add3A_504 : i32
          %get3A_506 = arith.index_cast %add3A_505 : i32 to index
          %get3A_507 = tpu.vector_load %arg9[%get3A_506] {strides = array<i32>} : memref<5120xi32, #tpu.memory_space<vmem>>, vector<16xi32>,
          %get3A_508 = vector.shape_cast %get3A_507 : vector<16xi32> to vector<16xi32>
          %sub3A_509 = vector.broadcast %select_n3A_105 : i32 to vector<16xi32>
          %sub3A_510 = arith.subi %get3A_508, %sub3A_509 : vector<16xi32>
          %ge3A_511 = arith.constant 1536000 : i32
          %ge3A_512 = vector.broadcast %ge3A_511 : i32 to vector<16xi32>
          %ge3A_513 = arith.cmpi sge, %sub3A_510, %ge3A_512 : vector<16xi32>
          %sub3A_514 = arith.constant 1536000 : i32
          %sub3A_515 = vector.broadcast %sub3A_514 : i32 to vector<16xi32>
          %sub3A_516 = arith.subi %sub3A_510, %sub3A_515 : vector<16xi32>
          %and3A_517 = arith.constant 8191 : i32
          %and3A_518 = vector.broadcast %and3A_517 : i32 to vector<16xi32>
          %and3A_519 = arith.andi %sub3A_510, %and3A_518 : vector<16xi32>
          %add3A_520 = arith.constant 1536000 : i32
          %add3A_521 = vector.broadcast %add3A_520 : i32 to vector<16xi32>
          %add3A_522 = arith.addi %add3A_521, %and3A_519 : vector<16xi32>
          %select_n3A_523 = arith.select %ge3A_513, %sub3A_516, %add3A_522 : vector<16xi1>, vector<16xi32>
          %swap3A_524 = arith.index_cast %add3A_505 : i32 to index
          %swap3A_525 = tpu.vector_load %arg13[%swap3A_524] {strides = array<i32>} : memref<5120xi32, #tpu.memory_space<vmem>>, vector<16xi32>,
          %swap3A_526 = vector.shape_cast %swap3A_525 : vector<16xi32> to vector<16xi32>
          %swap3A_527 = vector.shape_cast %select_n3A_523 : vector<16xi32> to vector<16xi32>
          tpu.vector_store %arg13[%swap3A_524], %swap3A_527 {strides = array<i32>} : memref<5120xi32, #tpu.memory_space<vmem>>, vector<16xi32>,
          %mul3A_528 = arith.constant 256 : i32
          %mul3A_529 = arith.muli %scan3A_142, %mul3A_528 : i32
          %add3A_530 = arith.constant 240 : i32
          %add3A_531 = arith.addi %mul3A_529, %add3A_530 : i32
          %get3A_532 = arith.index_cast %add3A_531 : i32 to index
          %get3A_533 = tpu.vector_load %arg9[%get3A_532] {strides = array<i32>} : memref<5120xi32, #tpu.memory_space<vmem>>, vector<16xi32>,
          %get3A_534 = vector.shape_cast %get3A_533 : vector<16xi32> to vector<16xi32>
          %sub3A_535 = vector.broadcast %select_n3A_105 : i32 to vector<16xi32>
          %sub3A_536 = arith.subi %get3A_534, %sub3A_535 : vector<16xi32>
          %ge3A_537 = arith.constant 1536000 : i32
          %ge3A_538 = vector.broadcast %ge3A_537 : i32 to vector<16xi32>
          %ge3A_539 = arith.cmpi sge, %sub3A_536, %ge3A_538 : vector<16xi32>
          %sub3A_540 = arith.constant 1536000 : i32
          %sub3A_541 = vector.broadcast %sub3A_540 : i32 to vector<16xi32>
          %sub3A_542 = arith.subi %sub3A_536, %sub3A_541 : vector<16xi32>
          %and3A_543 = arith.constant 8191 : i32
          %and3A_544 = vector.broadcast %and3A_543 : i32 to vector<16xi32>
          %and3A_545 = arith.andi %sub3A_536, %and3A_544 : vector<16xi32>
          %add3A_546 = arith.constant 1536000 : i32
          %add3A_547 = vector.broadcast %add3A_546 : i32 to vector<16xi32>
          %add3A_548 = arith.addi %add3A_547, %and3A_545 : vector<16xi32>
          %select_n3A_549 = arith.select %ge3A_539, %sub3A_542, %add3A_548 : vector<16xi1>, vector<16xi32>
          %swap3A_550 = arith.index_cast %add3A_531 : i32 to index
          %swap3A_551 = tpu.vector_load %arg13[%swap3A_550] {strides = array<i32>} : memref<5120xi32, #tpu.memory_space<vmem>>, vector<16xi32>,
          %swap3A_552 = vector.shape_cast %swap3A_551 : vector<16xi32> to vector<16xi32>
          %swap3A_553 = vector.shape_cast %select_n3A_549 : vector<16xi32> to vector<16xi32>
          tpu.vector_store %arg13[%swap3A_550], %swap3A_553 {strides = array<i32>} : memref<5120xi32, #tpu.memory_space<vmem>>, vector<16xi32>,
        }
        %scan3A_111 = arith.constant 20 : i32
        "tpu.region"() ({
          %run_scoped3A = tpu.sem_alloc : memref<!tpu.dma_semaphore, #tpu.memory_space<semaphore_mem>>
          %dma_start3A_142 = arith.constant 0 : i32
          %dma_start3A_143 = tpu.memref_slice %arg8[%dma_start3A_142] : memref<1544192xf32, #tpu.memory_space<vmem_shared>> -> memref<1544192xf32, #tpu.memory_space<vmem_shared>>
          tpu.enqueue_indirect_dma source(%arg10 : memref<5120xf32, #tpu.memory_space<vmem>>) target(%dma_start3A_143 : memref<1544192xf32, #tpu.memory_space<vmem_shared>>) offsets(%arg13 : memref<5120xi32, #tpu.memory_space<vmem>>) semaphore(%run_scoped3A : memref<!tpu.dma_semaphore, #tpu.memory_space<semaphore_mem>>) {add = true}
          %dma_wait3A_144 = arith.constant 0 : i32
          %dma_wait3A_145 = tpu.memref_slice %arg8[%dma_wait3A_144] : memref<1544192xf32, #tpu.memory_space<vmem_shared>> -> memref<1544192xf32, #tpu.memory_space<vmem_shared>>
          tpu.wait_indirect_dma semaphore(%run_scoped3A : memref<!tpu.dma_semaphore, #tpu.memory_space<semaphore_mem>>) src(%arg10 : memref<5120xf32, #tpu.memory_space<vmem>>) dst(%dma_wait3A_145 : memref<1544192xf32, #tpu.memory_space<vmem_shared>>)
          tpu.yield
        }) : () -> ()
        %lt3A_112 = arith.constant 19 : i32
        %lt3A_113 = arith.cmpi slt, %scan3A_74, %lt3A_112 : i32
        %convert_element_type3A_114 = arith.extui %lt3A_113 : i1 to i32
        %cond3A_115 = arith.constant 0 : i32
        %cond3A_116 = arith.cmpi ne, %convert_element_type3A_114, %cond3A_115 : i32
        scf.if %cond3A_116 {
          %add3A_142 = arith.constant 2 : i32
          %add3A_143 = arith.addi %mul3A_76, %add3A_142 : i32
          %lt3A_144 = arith.cmpi slt, %add3A_143, %select_n3A : i32
          %add3A_145 = arith.addi %add3A, %add3A_143 : i32
          %jit3A_146 = arith.constant 0 : i32
          %select_n3A_147 = arith.select %lt3A_144, %add3A_145, %jit3A_146 : i32
          %mul3A_148 = arith.constant 5120 : i32
          %mul3A_149 = arith.muli %select_n3A_147, %mul3A_148 : i32
          %dma_start3A_150 = tpu.memref_slice %arg2[%mul3A_149] : memref<3200000xi32, #tpu.memory_space<hbm>> -> memref<5120xi32, #tpu.memory_space<hbm>>
          %dma_start3A_151 = tpu.memref_slice %arg2[%mul3A_149] : memref<3200000xi32, #tpu.memory_space<hbm>> -> memref<5120xi32, #tpu.memory_space<hbm>>
          tpu.enqueue_dma source(%dma_start3A_151 : memref<5120xi32, #tpu.memory_space<hbm>>) target(%arg9 : memref<5120xi32, #tpu.memory_space<vmem>>) target_semaphore(%arg15 : memref<!tpu.dma_semaphore, #tpu.memory_space<semaphore_mem>>)
          %dma_start3A_152 = tpu.memref_slice %arg4[%mul3A_149] : memref<3200000xf32, #tpu.memory_space<hbm>> -> memref<5120xf32, #tpu.memory_space<hbm>>
          %dma_start3A_153 = tpu.memref_slice %arg4[%mul3A_149] : memref<3200000xf32, #tpu.memory_space<hbm>> -> memref<5120xf32, #tpu.memory_space<hbm>>
          tpu.enqueue_dma source(%dma_start3A_153 : memref<5120xf32, #tpu.memory_space<hbm>>) target(%arg10 : memref<5120xf32, #tpu.memory_space<vmem>>) target_semaphore(%arg15 : memref<!tpu.dma_semaphore, #tpu.memory_space<semaphore_mem>>)
        } else {
        }
        %add3A_117 = arith.constant 1 : i32
        %add3A_118 = arith.addi %mul3A_76, %add3A_117 : i32
        %dma_wait3A_119 = arith.constant 0 : i32
        %dma_wait3A_120 = tpu.memref_slice %arg2[%dma_wait3A_119] : memref<3200000xi32, #tpu.memory_space<hbm>> -> memref<5120xi32, #tpu.memory_space<hbm>>
        %dma_wait3A_121 = arith.constant 0 : i32
        %dma_wait3A_122 = tpu.memref_slice %arg2[%dma_wait3A_121] : memref<3200000xi32, #tpu.memory_space<hbm>> -> memref<5120xi32, #tpu.memory_space<hbm>>
        tpu.wait_dma2 semaphore(%arg16 : memref<!tpu.dma_semaphore, #tpu.memory_space<semaphore_mem>>) src(%dma_wait3A_122 : memref<5120xi32, #tpu.memory_space<hbm>>) dst(%arg11 : memref<5120xi32, #tpu.memory_space<vmem>>)
        %dma_wait3A_123 = arith.constant 0 : i32
        %dma_wait3A_124 = tpu.memref_slice %arg4[%dma_wait3A_123] : memref<3200000xf32, #tpu.memory_space<hbm>> -> memref<5120xf32, #tpu.memory_space<hbm>>
        %dma_wait3A_125 = arith.constant 0 : i32
        %dma_wait3A_126 = tpu.memref_slice %arg4[%dma_wait3A_125] : memref<3200000xf32, #tpu.memory_space<hbm>> -> memref<5120xf32, #tpu.memory_space<hbm>>
        tpu.wait_dma2 semaphore(%arg16 : memref<!tpu.dma_semaphore, #tpu.memory_space<semaphore_mem>>) src(%dma_wait3A_126 : memref<5120xf32, #tpu.memory_space<hbm>>) dst(%arg12 : memref<5120xf32, #tpu.memory_space<vmem>>)
        %lt3A_127 = arith.cmpi slt, %add3A_118, %select_n3A : i32
        %add3A_128 = arith.addi %add3A, %add3A_118 : i32
        %jit3A_129 = arith.constant 0 : i32
        %select_n3A_130 = arith.select %lt3A_127, %add3A_128, %jit3A_129 : i32
        %mul3A_131 = arith.constant 5120 : i32
        %mul3A_132 = arith.muli %select_n3A_130, %mul3A_131 : i32
        %jit3A_133 = arith.constant 0 : i32
        %jit3A_134 = arith.constant 16777216 : i32
        %select_n3A_135 = arith.select %lt3A_127, %jit3A_133, %jit3A_134 : i32
        %scan3A_136 = arith.constant 0 : i32
        %scan3A_137 = arith.constant 0 : i32
        %scan3A_138 = arith.constant 20 : i32
        %scan3A_139 = arith.addi %scan3A_137, %scan3A_138 : i32
        %scan3A_140 = arith.constant 1 : i32
        scf.for %scan3A_142 = %scan3A_137 to %scan3A_139 step %scan3A_140  : i32 {
          %mul3A_143 = arith.constant 256 : i32
          %mul3A_144 = arith.muli %scan3A_142, %mul3A_143 : i32
          %add3A_145 = arith.constant 0 : i32
          %add3A_146 = arith.addi %mul3A_144, %add3A_145 : i32
          %get3A = arith.index_cast %add3A_146 : i32 to index
          %get3A_147 = tpu.vector_load %arg11[%get3A] {strides = array<i32>} : memref<5120xi32, #tpu.memory_space<vmem>>, vector<16xi32>,
          %get3A_148 = vector.shape_cast %get3A_147 : vector<16xi32> to vector<16xi32>
          %sub3A = vector.broadcast %select_n3A_135 : i32 to vector<16xi32>
          %sub3A_149 = arith.subi %get3A_148, %sub3A : vector<16xi32>
          %ge3A = arith.constant 1536000 : i32
          %ge3A_150 = vector.broadcast %ge3A : i32 to vector<16xi32>
          %ge3A_151 = arith.cmpi sge, %sub3A_149, %ge3A_150 : vector<16xi32>
          %sub3A_152 = arith.constant 1536000 : i32
          %sub3A_153 = vector.broadcast %sub3A_152 : i32 to vector<16xi32>
          %sub3A_154 = arith.subi %sub3A_149, %sub3A_153 : vector<16xi32>
          %and3A = arith.constant 8191 : i32
          %and3A_155 = vector.broadcast %and3A : i32 to vector<16xi32>
          %and3A_156 = arith.andi %sub3A_149, %and3A_155 : vector<16xi32>
          %add3A_157 = arith.constant 1536000 : i32
          %add3A_158 = vector.broadcast %add3A_157 : i32 to vector<16xi32>
          %add3A_159 = arith.addi %add3A_158, %and3A_156 : vector<16xi32>
          %select_n3A_160 = arith.select %ge3A_151, %sub3A_154, %add3A_159 : vector<16xi1>, vector<16xi32>
          %swap3A = arith.index_cast %add3A_146 : i32 to index
          %swap3A_161 = tpu.vector_load %arg13[%swap3A] {strides = array<i32>} : memref<5120xi32, #tpu.memory_space<vmem>>, vector<16xi32>,
          %swap3A_162 = vector.shape_cast %swap3A_161 : vector<16xi32> to vector<16xi32>
          %swap3A_163 = vector.shape_cast %select_n3A_160 : vector<16xi32> to vector<16xi32>
          tpu.vector_store %arg13[%swap3A], %swap3A_163 {strides = array<i32>} : memref<5120xi32, #tpu.memory_space<vmem>>, vector<16xi32>,
          %mul3A_164 = arith.constant 256 : i32
          %mul3A_165 = arith.muli %scan3A_142, %mul3A_164 : i32
          %add3A_166 = arith.constant 16 : i32
          %add3A_167 = arith.addi %mul3A_165, %add3A_166 : i32
          %get3A_168 = arith.index_cast %add3A_167 : i32 to index
          %get3A_169 = tpu.vector_load %arg11[%get3A_168] {strides = array<i32>} : memref<5120xi32, #tpu.memory_space<vmem>>, vector<16xi32>,
          %get3A_170 = vector.shape_cast %get3A_169 : vector<16xi32> to vector<16xi32>
          %sub3A_171 = vector.broadcast %select_n3A_135 : i32 to vector<16xi32>
          %sub3A_172 = arith.subi %get3A_170, %sub3A_171 : vector<16xi32>
          %ge3A_173 = arith.constant 1536000 : i32
          %ge3A_174 = vector.broadcast %ge3A_173 : i32 to vector<16xi32>
          %ge3A_175 = arith.cmpi sge, %sub3A_172, %ge3A_174 : vector<16xi32>
          %sub3A_176 = arith.constant 1536000 : i32
          %sub3A_177 = vector.broadcast %sub3A_176 : i32 to vector<16xi32>
          %sub3A_178 = arith.subi %sub3A_172, %sub3A_177 : vector<16xi32>
          %and3A_179 = arith.constant 8191 : i32
          %and3A_180 = vector.broadcast %and3A_179 : i32 to vector<16xi32>
          %and3A_181 = arith.andi %sub3A_172, %and3A_180 : vector<16xi32>
          %add3A_182 = arith.constant 1536000 : i32
          %add3A_183 = vector.broadcast %add3A_182 : i32 to vector<16xi32>
          %add3A_184 = arith.addi %add3A_183, %and3A_181 : vector<16xi32>
          %select_n3A_185 = arith.select %ge3A_175, %sub3A_178, %add3A_184 : vector<16xi1>, vector<16xi32>
          %swap3A_186 = arith.index_cast %add3A_167 : i32 to index
          %swap3A_187 = tpu.vector_load %arg13[%swap3A_186] {strides = array<i32>} : memref<5120xi32, #tpu.memory_space<vmem>>, vector<16xi32>,
          %swap3A_188 = vector.shape_cast %swap3A_187 : vector<16xi32> to vector<16xi32>
          %swap3A_189 = vector.shape_cast %select_n3A_185 : vector<16xi32> to vector<16xi32>
          tpu.vector_store %arg13[%swap3A_186], %swap3A_189 {strides = array<i32>} : memref<5120xi32, #tpu.memory_space<vmem>>, vector<16xi32>,
          %mul3A_190 = arith.constant 256 : i32
          %mul3A_191 = arith.muli %scan3A_142, %mul3A_190 : i32
          %add3A_192 = arith.constant 32 : i32
          %add3A_193 = arith.addi %mul3A_191, %add3A_192 : i32
          %get3A_194 = arith.index_cast %add3A_193 : i32 to index
          %get3A_195 = tpu.vector_load %arg11[%get3A_194] {strides = array<i32>} : memref<5120xi32, #tpu.memory_space<vmem>>, vector<16xi32>,
          %get3A_196 = vector.shape_cast %get3A_195 : vector<16xi32> to vector<16xi32>
          %sub3A_197 = vector.broadcast %select_n3A_135 : i32 to vector<16xi32>
          %sub3A_198 = arith.subi %get3A_196, %sub3A_197 : vector<16xi32>
          %ge3A_199 = arith.constant 1536000 : i32
          %ge3A_200 = vector.broadcast %ge3A_199 : i32 to vector<16xi32>
          %ge3A_201 = arith.cmpi sge, %sub3A_198, %ge3A_200 : vector<16xi32>
          %sub3A_202 = arith.constant 1536000 : i32
          %sub3A_203 = vector.broadcast %sub3A_202 : i32 to vector<16xi32>
          %sub3A_204 = arith.subi %sub3A_198, %sub3A_203 : vector<16xi32>
          %and3A_205 = arith.constant 8191 : i32
          %and3A_206 = vector.broadcast %and3A_205 : i32 to vector<16xi32>
          %and3A_207 = arith.andi %sub3A_198, %and3A_206 : vector<16xi32>
          %add3A_208 = arith.constant 1536000 : i32
          %add3A_209 = vector.broadcast %add3A_208 : i32 to vector<16xi32>
          %add3A_210 = arith.addi %add3A_209, %and3A_207 : vector<16xi32>
          %select_n3A_211 = arith.select %ge3A_201, %sub3A_204, %add3A_210 : vector<16xi1>, vector<16xi32>
          %swap3A_212 = arith.index_cast %add3A_193 : i32 to index
          %swap3A_213 = tpu.vector_load %arg13[%swap3A_212] {strides = array<i32>} : memref<5120xi32, #tpu.memory_space<vmem>>, vector<16xi32>,
          %swap3A_214 = vector.shape_cast %swap3A_213 : vector<16xi32> to vector<16xi32>
          %swap3A_215 = vector.shape_cast %select_n3A_211 : vector<16xi32> to vector<16xi32>
          tpu.vector_store %arg13[%swap3A_212], %swap3A_215 {strides = array<i32>} : memref<5120xi32, #tpu.memory_space<vmem>>, vector<16xi32>,
          %mul3A_216 = arith.constant 256 : i32
          %mul3A_217 = arith.muli %scan3A_142, %mul3A_216 : i32
          %add3A_218 = arith.constant 48 : i32
          %add3A_219 = arith.addi %mul3A_217, %add3A_218 : i32
          %get3A_220 = arith.index_cast %add3A_219 : i32 to index
          %get3A_221 = tpu.vector_load %arg11[%get3A_220] {strides = array<i32>} : memref<5120xi32, #tpu.memory_space<vmem>>, vector<16xi32>,
          %get3A_222 = vector.shape_cast %get3A_221 : vector<16xi32> to vector<16xi32>
          %sub3A_223 = vector.broadcast %select_n3A_135 : i32 to vector<16xi32>
          %sub3A_224 = arith.subi %get3A_222, %sub3A_223 : vector<16xi32>
          %ge3A_225 = arith.constant 1536000 : i32
          %ge3A_226 = vector.broadcast %ge3A_225 : i32 to vector<16xi32>
          %ge3A_227 = arith.cmpi sge, %sub3A_224, %ge3A_226 : vector<16xi32>
          %sub3A_228 = arith.constant 1536000 : i32
          %sub3A_229 = vector.broadcast %sub3A_228 : i32 to vector<16xi32>
          %sub3A_230 = arith.subi %sub3A_224, %sub3A_229 : vector<16xi32>
          %and3A_231 = arith.constant 8191 : i32
          %and3A_232 = vector.broadcast %and3A_231 : i32 to vector<16xi32>
          %and3A_233 = arith.andi %sub3A_224, %and3A_232 : vector<16xi32>
          %add3A_234 = arith.constant 1536000 : i32
          %add3A_235 = vector.broadcast %add3A_234 : i32 to vector<16xi32>
          %add3A_236 = arith.addi %add3A_235, %and3A_233 : vector<16xi32>
          %select_n3A_237 = arith.select %ge3A_227, %sub3A_230, %add3A_236 : vector<16xi1>, vector<16xi32>
          %swap3A_238 = arith.index_cast %add3A_219 : i32 to index
          %swap3A_239 = tpu.vector_load %arg13[%swap3A_238] {strides = array<i32>} : memref<5120xi32, #tpu.memory_space<vmem>>, vector<16xi32>,
          %swap3A_240 = vector.shape_cast %swap3A_239 : vector<16xi32> to vector<16xi32>
          %swap3A_241 = vector.shape_cast %select_n3A_237 : vector<16xi32> to vector<16xi32>
          tpu.vector_store %arg13[%swap3A_238], %swap3A_241 {strides = array<i32>} : memref<5120xi32, #tpu.memory_space<vmem>>, vector<16xi32>,
          %mul3A_242 = arith.constant 256 : i32
          %mul3A_243 = arith.muli %scan3A_142, %mul3A_242 : i32
          %add3A_244 = arith.constant 64 : i32
          %add3A_245 = arith.addi %mul3A_243, %add3A_244 : i32
          %get3A_246 = arith.index_cast %add3A_245 : i32 to index
          %get3A_247 = tpu.vector_load %arg11[%get3A_246] {strides = array<i32>} : memref<5120xi32, #tpu.memory_space<vmem>>, vector<16xi32>,
          %get3A_248 = vector.shape_cast %get3A_247 : vector<16xi32> to vector<16xi32>
          %sub3A_249 = vector.broadcast %select_n3A_135 : i32 to vector<16xi32>
          %sub3A_250 = arith.subi %get3A_248, %sub3A_249 : vector<16xi32>
          %ge3A_251 = arith.constant 1536000 : i32
          %ge3A_252 = vector.broadcast %ge3A_251 : i32 to vector<16xi32>
          %ge3A_253 = arith.cmpi sge, %sub3A_250, %ge3A_252 : vector<16xi32>
          %sub3A_254 = arith.constant 1536000 : i32
          %sub3A_255 = vector.broadcast %sub3A_254 : i32 to vector<16xi32>
          %sub3A_256 = arith.subi %sub3A_250, %sub3A_255 : vector<16xi32>
          %and3A_257 = arith.constant 8191 : i32
          %and3A_258 = vector.broadcast %and3A_257 : i32 to vector<16xi32>
          %and3A_259 = arith.andi %sub3A_250, %and3A_258 : vector<16xi32>
          %add3A_260 = arith.constant 1536000 : i32
          %add3A_261 = vector.broadcast %add3A_260 : i32 to vector<16xi32>
          %add3A_262 = arith.addi %add3A_261, %and3A_259 : vector<16xi32>
          %select_n3A_263 = arith.select %ge3A_253, %sub3A_256, %add3A_262 : vector<16xi1>, vector<16xi32>
          %swap3A_264 = arith.index_cast %add3A_245 : i32 to index
          %swap3A_265 = tpu.vector_load %arg13[%swap3A_264] {strides = array<i32>} : memref<5120xi32, #tpu.memory_space<vmem>>, vector<16xi32>,
          %swap3A_266 = vector.shape_cast %swap3A_265 : vector<16xi32> to vector<16xi32>
          %swap3A_267 = vector.shape_cast %select_n3A_263 : vector<16xi32> to vector<16xi32>
          tpu.vector_store %arg13[%swap3A_264], %swap3A_267 {strides = array<i32>} : memref<5120xi32, #tpu.memory_space<vmem>>, vector<16xi32>,
          %mul3A_268 = arith.constant 256 : i32
          %mul3A_269 = arith.muli %scan3A_142, %mul3A_268 : i32
          %add3A_270 = arith.constant 80 : i32
          %add3A_271 = arith.addi %mul3A_269, %add3A_270 : i32
          %get3A_272 = arith.index_cast %add3A_271 : i32 to index
          %get3A_273 = tpu.vector_load %arg11[%get3A_272] {strides = array<i32>} : memref<5120xi32, #tpu.memory_space<vmem>>, vector<16xi32>,
          %get3A_274 = vector.shape_cast %get3A_273 : vector<16xi32> to vector<16xi32>
          %sub3A_275 = vector.broadcast %select_n3A_135 : i32 to vector<16xi32>
          %sub3A_276 = arith.subi %get3A_274, %sub3A_275 : vector<16xi32>
          %ge3A_277 = arith.constant 1536000 : i32
          %ge3A_278 = vector.broadcast %ge3A_277 : i32 to vector<16xi32>
          %ge3A_279 = arith.cmpi sge, %sub3A_276, %ge3A_278 : vector<16xi32>
          %sub3A_280 = arith.constant 1536000 : i32
          %sub3A_281 = vector.broadcast %sub3A_280 : i32 to vector<16xi32>
          %sub3A_282 = arith.subi %sub3A_276, %sub3A_281 : vector<16xi32>
          %and3A_283 = arith.constant 8191 : i32
          %and3A_284 = vector.broadcast %and3A_283 : i32 to vector<16xi32>
          %and3A_285 = arith.andi %sub3A_276, %and3A_284 : vector<16xi32>
          %add3A_286 = arith.constant 1536000 : i32
          %add3A_287 = vector.broadcast %add3A_286 : i32 to vector<16xi32>
          %add3A_288 = arith.addi %add3A_287, %and3A_285 : vector<16xi32>
          %select_n3A_289 = arith.select %ge3A_279, %sub3A_282, %add3A_288 : vector<16xi1>, vector<16xi32>
          %swap3A_290 = arith.index_cast %add3A_271 : i32 to index
          %swap3A_291 = tpu.vector_load %arg13[%swap3A_290] {strides = array<i32>} : memref<5120xi32, #tpu.memory_space<vmem>>, vector<16xi32>,
          %swap3A_292 = vector.shape_cast %swap3A_291 : vector<16xi32> to vector<16xi32>
          %swap3A_293 = vector.shape_cast %select_n3A_289 : vector<16xi32> to vector<16xi32>
          tpu.vector_store %arg13[%swap3A_290], %swap3A_293 {strides = array<i32>} : memref<5120xi32, #tpu.memory_space<vmem>>, vector<16xi32>,
          %mul3A_294 = arith.constant 256 : i32
          %mul3A_295 = arith.muli %scan3A_142, %mul3A_294 : i32
          %add3A_296 = arith.constant 96 : i32
          %add3A_297 = arith.addi %mul3A_295, %add3A_296 : i32
          %get3A_298 = arith.index_cast %add3A_297 : i32 to index
          %get3A_299 = tpu.vector_load %arg11[%get3A_298] {strides = array<i32>} : memref<5120xi32, #tpu.memory_space<vmem>>, vector<16xi32>,
          %get3A_300 = vector.shape_cast %get3A_299 : vector<16xi32> to vector<16xi32>
          %sub3A_301 = vector.broadcast %select_n3A_135 : i32 to vector<16xi32>
          %sub3A_302 = arith.subi %get3A_300, %sub3A_301 : vector<16xi32>
          %ge3A_303 = arith.constant 1536000 : i32
          %ge3A_304 = vector.broadcast %ge3A_303 : i32 to vector<16xi32>
          %ge3A_305 = arith.cmpi sge, %sub3A_302, %ge3A_304 : vector<16xi32>
          %sub3A_306 = arith.constant 1536000 : i32
          %sub3A_307 = vector.broadcast %sub3A_306 : i32 to vector<16xi32>
          %sub3A_308 = arith.subi %sub3A_302, %sub3A_307 : vector<16xi32>
          %and3A_309 = arith.constant 8191 : i32
          %and3A_310 = vector.broadcast %and3A_309 : i32 to vector<16xi32>
          %and3A_311 = arith.andi %sub3A_302, %and3A_310 : vector<16xi32>
          %add3A_312 = arith.constant 1536000 : i32
          %add3A_313 = vector.broadcast %add3A_312 : i32 to vector<16xi32>
          %add3A_314 = arith.addi %add3A_313, %and3A_311 : vector<16xi32>
          %select_n3A_315 = arith.select %ge3A_305, %sub3A_308, %add3A_314 : vector<16xi1>, vector<16xi32>
          %swap3A_316 = arith.index_cast %add3A_297 : i32 to index
          %swap3A_317 = tpu.vector_load %arg13[%swap3A_316] {strides = array<i32>} : memref<5120xi32, #tpu.memory_space<vmem>>, vector<16xi32>,
          %swap3A_318 = vector.shape_cast %swap3A_317 : vector<16xi32> to vector<16xi32>
          %swap3A_319 = vector.shape_cast %select_n3A_315 : vector<16xi32> to vector<16xi32>
          tpu.vector_store %arg13[%swap3A_316], %swap3A_319 {strides = array<i32>} : memref<5120xi32, #tpu.memory_space<vmem>>, vector<16xi32>,
          %mul3A_320 = arith.constant 256 : i32
          %mul3A_321 = arith.muli %scan3A_142, %mul3A_320 : i32
          %add3A_322 = arith.constant 112 : i32
          %add3A_323 = arith.addi %mul3A_321, %add3A_322 : i32
          %get3A_324 = arith.index_cast %add3A_323 : i32 to index
          %get3A_325 = tpu.vector_load %arg11[%get3A_324] {strides = array<i32>} : memref<5120xi32, #tpu.memory_space<vmem>>, vector<16xi32>,
          %get3A_326 = vector.shape_cast %get3A_325 : vector<16xi32> to vector<16xi32>
          %sub3A_327 = vector.broadcast %select_n3A_135 : i32 to vector<16xi32>
          %sub3A_328 = arith.subi %get3A_326, %sub3A_327 : vector<16xi32>
          %ge3A_329 = arith.constant 1536000 : i32
          %ge3A_330 = vector.broadcast %ge3A_329 : i32 to vector<16xi32>
          %ge3A_331 = arith.cmpi sge, %sub3A_328, %ge3A_330 : vector<16xi32>
          %sub3A_332 = arith.constant 1536000 : i32
          %sub3A_333 = vector.broadcast %sub3A_332 : i32 to vector<16xi32>
          %sub3A_334 = arith.subi %sub3A_328, %sub3A_333 : vector<16xi32>
          %and3A_335 = arith.constant 8191 : i32
          %and3A_336 = vector.broadcast %and3A_335 : i32 to vector<16xi32>
          %and3A_337 = arith.andi %sub3A_328, %and3A_336 : vector<16xi32>
          %add3A_338 = arith.constant 1536000 : i32
          %add3A_339 = vector.broadcast %add3A_338 : i32 to vector<16xi32>
          %add3A_340 = arith.addi %add3A_339, %and3A_337 : vector<16xi32>
          %select_n3A_341 = arith.select %ge3A_331, %sub3A_334, %add3A_340 : vector<16xi1>, vector<16xi32>
          %swap3A_342 = arith.index_cast %add3A_323 : i32 to index
          %swap3A_343 = tpu.vector_load %arg13[%swap3A_342] {strides = array<i32>} : memref<5120xi32, #tpu.memory_space<vmem>>, vector<16xi32>,
          %swap3A_344 = vector.shape_cast %swap3A_343 : vector<16xi32> to vector<16xi32>
          %swap3A_345 = vector.shape_cast %select_n3A_341 : vector<16xi32> to vector<16xi32>
          tpu.vector_store %arg13[%swap3A_342], %swap3A_345 {strides = array<i32>} : memref<5120xi32, #tpu.memory_space<vmem>>, vector<16xi32>,
          %mul3A_346 = arith.constant 256 : i32
          %mul3A_347 = arith.muli %scan3A_142, %mul3A_346 : i32
          %add3A_348 = arith.constant 128 : i32
          %add3A_349 = arith.addi %mul3A_347, %add3A_348 : i32
          %get3A_350 = arith.index_cast %add3A_349 : i32 to index
          %get3A_351 = tpu.vector_load %arg11[%get3A_350] {strides = array<i32>} : memref<5120xi32, #tpu.memory_space<vmem>>, vector<16xi32>,
          %get3A_352 = vector.shape_cast %get3A_351 : vector<16xi32> to vector<16xi32>
          %sub3A_353 = vector.broadcast %select_n3A_135 : i32 to vector<16xi32>
          %sub3A_354 = arith.subi %get3A_352, %sub3A_353 : vector<16xi32>
          %ge3A_355 = arith.constant 1536000 : i32
          %ge3A_356 = vector.broadcast %ge3A_355 : i32 to vector<16xi32>
          %ge3A_357 = arith.cmpi sge, %sub3A_354, %ge3A_356 : vector<16xi32>
          %sub3A_358 = arith.constant 1536000 : i32
          %sub3A_359 = vector.broadcast %sub3A_358 : i32 to vector<16xi32>
          %sub3A_360 = arith.subi %sub3A_354, %sub3A_359 : vector<16xi32>
          %and3A_361 = arith.constant 8191 : i32
          %and3A_362 = vector.broadcast %and3A_361 : i32 to vector<16xi32>
          %and3A_363 = arith.andi %sub3A_354, %and3A_362 : vector<16xi32>
          %add3A_364 = arith.constant 1536000 : i32
          %add3A_365 = vector.broadcast %add3A_364 : i32 to vector<16xi32>
          %add3A_366 = arith.addi %add3A_365, %and3A_363 : vector<16xi32>
          %select_n3A_367 = arith.select %ge3A_357, %sub3A_360, %add3A_366 : vector<16xi1>, vector<16xi32>
          %swap3A_368 = arith.index_cast %add3A_349 : i32 to index
          %swap3A_369 = tpu.vector_load %arg13[%swap3A_368] {strides = array<i32>} : memref<5120xi32, #tpu.memory_space<vmem>>, vector<16xi32>,
          %swap3A_370 = vector.shape_cast %swap3A_369 : vector<16xi32> to vector<16xi32>
          %swap3A_371 = vector.shape_cast %select_n3A_367 : vector<16xi32> to vector<16xi32>
          tpu.vector_store %arg13[%swap3A_368], %swap3A_371 {strides = array<i32>} : memref<5120xi32, #tpu.memory_space<vmem>>, vector<16xi32>,
          %mul3A_372 = arith.constant 256 : i32
          %mul3A_373 = arith.muli %scan3A_142, %mul3A_372 : i32
          %add3A_374 = arith.constant 144 : i32
          %add3A_375 = arith.addi %mul3A_373, %add3A_374 : i32
          %get3A_376 = arith.index_cast %add3A_375 : i32 to index
          %get3A_377 = tpu.vector_load %arg11[%get3A_376] {strides = array<i32>} : memref<5120xi32, #tpu.memory_space<vmem>>, vector<16xi32>,
          %get3A_378 = vector.shape_cast %get3A_377 : vector<16xi32> to vector<16xi32>
          %sub3A_379 = vector.broadcast %select_n3A_135 : i32 to vector<16xi32>
          %sub3A_380 = arith.subi %get3A_378, %sub3A_379 : vector<16xi32>
          %ge3A_381 = arith.constant 1536000 : i32
          %ge3A_382 = vector.broadcast %ge3A_381 : i32 to vector<16xi32>
          %ge3A_383 = arith.cmpi sge, %sub3A_380, %ge3A_382 : vector<16xi32>
          %sub3A_384 = arith.constant 1536000 : i32
          %sub3A_385 = vector.broadcast %sub3A_384 : i32 to vector<16xi32>
          %sub3A_386 = arith.subi %sub3A_380, %sub3A_385 : vector<16xi32>
          %and3A_387 = arith.constant 8191 : i32
          %and3A_388 = vector.broadcast %and3A_387 : i32 to vector<16xi32>
          %and3A_389 = arith.andi %sub3A_380, %and3A_388 : vector<16xi32>
          %add3A_390 = arith.constant 1536000 : i32
          %add3A_391 = vector.broadcast %add3A_390 : i32 to vector<16xi32>
          %add3A_392 = arith.addi %add3A_391, %and3A_389 : vector<16xi32>
          %select_n3A_393 = arith.select %ge3A_383, %sub3A_386, %add3A_392 : vector<16xi1>, vector<16xi32>
          %swap3A_394 = arith.index_cast %add3A_375 : i32 to index
          %swap3A_395 = tpu.vector_load %arg13[%swap3A_394] {strides = array<i32>} : memref<5120xi32, #tpu.memory_space<vmem>>, vector<16xi32>,
          %swap3A_396 = vector.shape_cast %swap3A_395 : vector<16xi32> to vector<16xi32>
          %swap3A_397 = vector.shape_cast %select_n3A_393 : vector<16xi32> to vector<16xi32>
          tpu.vector_store %arg13[%swap3A_394], %swap3A_397 {strides = array<i32>} : memref<5120xi32, #tpu.memory_space<vmem>>, vector<16xi32>,
          %mul3A_398 = arith.constant 256 : i32
          %mul3A_399 = arith.muli %scan3A_142, %mul3A_398 : i32
          %add3A_400 = arith.constant 160 : i32
          %add3A_401 = arith.addi %mul3A_399, %add3A_400 : i32
          %get3A_402 = arith.index_cast %add3A_401 : i32 to index
          %get3A_403 = tpu.vector_load %arg11[%get3A_402] {strides = array<i32>} : memref<5120xi32, #tpu.memory_space<vmem>>, vector<16xi32>,
          %get3A_404 = vector.shape_cast %get3A_403 : vector<16xi32> to vector<16xi32>
          %sub3A_405 = vector.broadcast %select_n3A_135 : i32 to vector<16xi32>
          %sub3A_406 = arith.subi %get3A_404, %sub3A_405 : vector<16xi32>
          %ge3A_407 = arith.constant 1536000 : i32
          %ge3A_408 = vector.broadcast %ge3A_407 : i32 to vector<16xi32>
          %ge3A_409 = arith.cmpi sge, %sub3A_406, %ge3A_408 : vector<16xi32>
          %sub3A_410 = arith.constant 1536000 : i32
          %sub3A_411 = vector.broadcast %sub3A_410 : i32 to vector<16xi32>
          %sub3A_412 = arith.subi %sub3A_406, %sub3A_411 : vector<16xi32>
          %and3A_413 = arith.constant 8191 : i32
          %and3A_414 = vector.broadcast %and3A_413 : i32 to vector<16xi32>
          %and3A_415 = arith.andi %sub3A_406, %and3A_414 : vector<16xi32>
          %add3A_416 = arith.constant 1536000 : i32
          %add3A_417 = vector.broadcast %add3A_416 : i32 to vector<16xi32>
          %add3A_418 = arith.addi %add3A_417, %and3A_415 : vector<16xi32>
          %select_n3A_419 = arith.select %ge3A_409, %sub3A_412, %add3A_418 : vector<16xi1>, vector<16xi32>
          %swap3A_420 = arith.index_cast %add3A_401 : i32 to index
          %swap3A_421 = tpu.vector_load %arg13[%swap3A_420] {strides = array<i32>} : memref<5120xi32, #tpu.memory_space<vmem>>, vector<16xi32>,
          %swap3A_422 = vector.shape_cast %swap3A_421 : vector<16xi32> to vector<16xi32>
          %swap3A_423 = vector.shape_cast %select_n3A_419 : vector<16xi32> to vector<16xi32>
          tpu.vector_store %arg13[%swap3A_420], %swap3A_423 {strides = array<i32>} : memref<5120xi32, #tpu.memory_space<vmem>>, vector<16xi32>,
          %mul3A_424 = arith.constant 256 : i32
          %mul3A_425 = arith.muli %scan3A_142, %mul3A_424 : i32
          %add3A_426 = arith.constant 176 : i32
          %add3A_427 = arith.addi %mul3A_425, %add3A_426 : i32
          %get3A_428 = arith.index_cast %add3A_427 : i32 to index
          %get3A_429 = tpu.vector_load %arg11[%get3A_428] {strides = array<i32>} : memref<5120xi32, #tpu.memory_space<vmem>>, vector<16xi32>,
          %get3A_430 = vector.shape_cast %get3A_429 : vector<16xi32> to vector<16xi32>
          %sub3A_431 = vector.broadcast %select_n3A_135 : i32 to vector<16xi32>
          %sub3A_432 = arith.subi %get3A_430, %sub3A_431 : vector<16xi32>
          %ge3A_433 = arith.constant 1536000 : i32
          %ge3A_434 = vector.broadcast %ge3A_433 : i32 to vector<16xi32>
          %ge3A_435 = arith.cmpi sge, %sub3A_432, %ge3A_434 : vector<16xi32>
          %sub3A_436 = arith.constant 1536000 : i32
          %sub3A_437 = vector.broadcast %sub3A_436 : i32 to vector<16xi32>
          %sub3A_438 = arith.subi %sub3A_432, %sub3A_437 : vector<16xi32>
          %and3A_439 = arith.constant 8191 : i32
          %and3A_440 = vector.broadcast %and3A_439 : i32 to vector<16xi32>
          %and3A_441 = arith.andi %sub3A_432, %and3A_440 : vector<16xi32>
          %add3A_442 = arith.constant 1536000 : i32
          %add3A_443 = vector.broadcast %add3A_442 : i32 to vector<16xi32>
          %add3A_444 = arith.addi %add3A_443, %and3A_441 : vector<16xi32>
          %select_n3A_445 = arith.select %ge3A_435, %sub3A_438, %add3A_444 : vector<16xi1>, vector<16xi32>
          %swap3A_446 = arith.index_cast %add3A_427 : i32 to index
          %swap3A_447 = tpu.vector_load %arg13[%swap3A_446] {strides = array<i32>} : memref<5120xi32, #tpu.memory_space<vmem>>, vector<16xi32>,
          %swap3A_448 = vector.shape_cast %swap3A_447 : vector<16xi32> to vector<16xi32>
          %swap3A_449 = vector.shape_cast %select_n3A_445 : vector<16xi32> to vector<16xi32>
          tpu.vector_store %arg13[%swap3A_446], %swap3A_449 {strides = array<i32>} : memref<5120xi32, #tpu.memory_space<vmem>>, vector<16xi32>,
          %mul3A_450 = arith.constant 256 : i32
          %mul3A_451 = arith.muli %scan3A_142, %mul3A_450 : i32
          %add3A_452 = arith.constant 192 : i32
          %add3A_453 = arith.addi %mul3A_451, %add3A_452 : i32
          %get3A_454 = arith.index_cast %add3A_453 : i32 to index
          %get3A_455 = tpu.vector_load %arg11[%get3A_454] {strides = array<i32>} : memref<5120xi32, #tpu.memory_space<vmem>>, vector<16xi32>,
          %get3A_456 = vector.shape_cast %get3A_455 : vector<16xi32> to vector<16xi32>
          %sub3A_457 = vector.broadcast %select_n3A_135 : i32 to vector<16xi32>
          %sub3A_458 = arith.subi %get3A_456, %sub3A_457 : vector<16xi32>
          %ge3A_459 = arith.constant 1536000 : i32
          %ge3A_460 = vector.broadcast %ge3A_459 : i32 to vector<16xi32>
          %ge3A_461 = arith.cmpi sge, %sub3A_458, %ge3A_460 : vector<16xi32>
          %sub3A_462 = arith.constant 1536000 : i32
          %sub3A_463 = vector.broadcast %sub3A_462 : i32 to vector<16xi32>
          %sub3A_464 = arith.subi %sub3A_458, %sub3A_463 : vector<16xi32>
          %and3A_465 = arith.constant 8191 : i32
          %and3A_466 = vector.broadcast %and3A_465 : i32 to vector<16xi32>
          %and3A_467 = arith.andi %sub3A_458, %and3A_466 : vector<16xi32>
          %add3A_468 = arith.constant 1536000 : i32
          %add3A_469 = vector.broadcast %add3A_468 : i32 to vector<16xi32>
          %add3A_470 = arith.addi %add3A_469, %and3A_467 : vector<16xi32>
          %select_n3A_471 = arith.select %ge3A_461, %sub3A_464, %add3A_470 : vector<16xi1>, vector<16xi32>
          %swap3A_472 = arith.index_cast %add3A_453 : i32 to index
          %swap3A_473 = tpu.vector_load %arg13[%swap3A_472] {strides = array<i32>} : memref<5120xi32, #tpu.memory_space<vmem>>, vector<16xi32>,
          %swap3A_474 = vector.shape_cast %swap3A_473 : vector<16xi32> to vector<16xi32>
          %swap3A_475 = vector.shape_cast %select_n3A_471 : vector<16xi32> to vector<16xi32>
          tpu.vector_store %arg13[%swap3A_472], %swap3A_475 {strides = array<i32>} : memref<5120xi32, #tpu.memory_space<vmem>>, vector<16xi32>,
          %mul3A_476 = arith.constant 256 : i32
          %mul3A_477 = arith.muli %scan3A_142, %mul3A_476 : i32
          %add3A_478 = arith.constant 208 : i32
          %add3A_479 = arith.addi %mul3A_477, %add3A_478 : i32
          %get3A_480 = arith.index_cast %add3A_479 : i32 to index
          %get3A_481 = tpu.vector_load %arg11[%get3A_480] {strides = array<i32>} : memref<5120xi32, #tpu.memory_space<vmem>>, vector<16xi32>,
          %get3A_482 = vector.shape_cast %get3A_481 : vector<16xi32> to vector<16xi32>
          %sub3A_483 = vector.broadcast %select_n3A_135 : i32 to vector<16xi32>
          %sub3A_484 = arith.subi %get3A_482, %sub3A_483 : vector<16xi32>
          %ge3A_485 = arith.constant 1536000 : i32
          %ge3A_486 = vector.broadcast %ge3A_485 : i32 to vector<16xi32>
          %ge3A_487 = arith.cmpi sge, %sub3A_484, %ge3A_486 : vector<16xi32>
          %sub3A_488 = arith.constant 1536000 : i32
          %sub3A_489 = vector.broadcast %sub3A_488 : i32 to vector<16xi32>
          %sub3A_490 = arith.subi %sub3A_484, %sub3A_489 : vector<16xi32>
          %and3A_491 = arith.constant 8191 : i32
          %and3A_492 = vector.broadcast %and3A_491 : i32 to vector<16xi32>
          %and3A_493 = arith.andi %sub3A_484, %and3A_492 : vector<16xi32>
          %add3A_494 = arith.constant 1536000 : i32
          %add3A_495 = vector.broadcast %add3A_494 : i32 to vector<16xi32>
          %add3A_496 = arith.addi %add3A_495, %and3A_493 : vector<16xi32>
          %select_n3A_497 = arith.select %ge3A_487, %sub3A_490, %add3A_496 : vector<16xi1>, vector<16xi32>
          %swap3A_498 = arith.index_cast %add3A_479 : i32 to index
          %swap3A_499 = tpu.vector_load %arg13[%swap3A_498] {strides = array<i32>} : memref<5120xi32, #tpu.memory_space<vmem>>, vector<16xi32>,
          %swap3A_500 = vector.shape_cast %swap3A_499 : vector<16xi32> to vector<16xi32>
          %swap3A_501 = vector.shape_cast %select_n3A_497 : vector<16xi32> to vector<16xi32>
          tpu.vector_store %arg13[%swap3A_498], %swap3A_501 {strides = array<i32>} : memref<5120xi32, #tpu.memory_space<vmem>>, vector<16xi32>,
          %mul3A_502 = arith.constant 256 : i32
          %mul3A_503 = arith.muli %scan3A_142, %mul3A_502 : i32
          %add3A_504 = arith.constant 224 : i32
          %add3A_505 = arith.addi %mul3A_503, %add3A_504 : i32
          %get3A_506 = arith.index_cast %add3A_505 : i32 to index
          %get3A_507 = tpu.vector_load %arg11[%get3A_506] {strides = array<i32>} : memref<5120xi32, #tpu.memory_space<vmem>>, vector<16xi32>,
          %get3A_508 = vector.shape_cast %get3A_507 : vector<16xi32> to vector<16xi32>
          %sub3A_509 = vector.broadcast %select_n3A_135 : i32 to vector<16xi32>
          %sub3A_510 = arith.subi %get3A_508, %sub3A_509 : vector<16xi32>
          %ge3A_511 = arith.constant 1536000 : i32
          %ge3A_512 = vector.broadcast %ge3A_511 : i32 to vector<16xi32>
          %ge3A_513 = arith.cmpi sge, %sub3A_510, %ge3A_512 : vector<16xi32>
          %sub3A_514 = arith.constant 1536000 : i32
          %sub3A_515 = vector.broadcast %sub3A_514 : i32 to vector<16xi32>
          %sub3A_516 = arith.subi %sub3A_510, %sub3A_515 : vector<16xi32>
          %and3A_517 = arith.constant 8191 : i32
          %and3A_518 = vector.broadcast %and3A_517 : i32 to vector<16xi32>
          %and3A_519 = arith.andi %sub3A_510, %and3A_518 : vector<16xi32>
          %add3A_520 = arith.constant 1536000 : i32
          %add3A_521 = vector.broadcast %add3A_520 : i32 to vector<16xi32>
          %add3A_522 = arith.addi %add3A_521, %and3A_519 : vector<16xi32>
          %select_n3A_523 = arith.select %ge3A_513, %sub3A_516, %add3A_522 : vector<16xi1>, vector<16xi32>
          %swap3A_524 = arith.index_cast %add3A_505 : i32 to index
          %swap3A_525 = tpu.vector_load %arg13[%swap3A_524] {strides = array<i32>} : memref<5120xi32, #tpu.memory_space<vmem>>, vector<16xi32>,
          %swap3A_526 = vector.shape_cast %swap3A_525 : vector<16xi32> to vector<16xi32>
          %swap3A_527 = vector.shape_cast %select_n3A_523 : vector<16xi32> to vector<16xi32>
          tpu.vector_store %arg13[%swap3A_524], %swap3A_527 {strides = array<i32>} : memref<5120xi32, #tpu.memory_space<vmem>>, vector<16xi32>,
          %mul3A_528 = arith.constant 256 : i32
          %mul3A_529 = arith.muli %scan3A_142, %mul3A_528 : i32
          %add3A_530 = arith.constant 240 : i32
          %add3A_531 = arith.addi %mul3A_529, %add3A_530 : i32
          %get3A_532 = arith.index_cast %add3A_531 : i32 to index
          %get3A_533 = tpu.vector_load %arg11[%get3A_532] {strides = array<i32>} : memref<5120xi32, #tpu.memory_space<vmem>>, vector<16xi32>,
          %get3A_534 = vector.shape_cast %get3A_533 : vector<16xi32> to vector<16xi32>
          %sub3A_535 = vector.broadcast %select_n3A_135 : i32 to vector<16xi32>
          %sub3A_536 = arith.subi %get3A_534, %sub3A_535 : vector<16xi32>
          %ge3A_537 = arith.constant 1536000 : i32
          %ge3A_538 = vector.broadcast %ge3A_537 : i32 to vector<16xi32>
          %ge3A_539 = arith.cmpi sge, %sub3A_536, %ge3A_538 : vector<16xi32>
          %sub3A_540 = arith.constant 1536000 : i32
          %sub3A_541 = vector.broadcast %sub3A_540 : i32 to vector<16xi32>
          %sub3A_542 = arith.subi %sub3A_536, %sub3A_541 : vector<16xi32>
          %and3A_543 = arith.constant 8191 : i32
          %and3A_544 = vector.broadcast %and3A_543 : i32 to vector<16xi32>
          %and3A_545 = arith.andi %sub3A_536, %and3A_544 : vector<16xi32>
          %add3A_546 = arith.constant 1536000 : i32
          %add3A_547 = vector.broadcast %add3A_546 : i32 to vector<16xi32>
          %add3A_548 = arith.addi %add3A_547, %and3A_545 : vector<16xi32>
          %select_n3A_549 = arith.select %ge3A_539, %sub3A_542, %add3A_548 : vector<16xi1>, vector<16xi32>
          %swap3A_550 = arith.index_cast %add3A_531 : i32 to index
          %swap3A_551 = tpu.vector_load %arg13[%swap3A_550] {strides = array<i32>} : memref<5120xi32, #tpu.memory_space<vmem>>, vector<16xi32>,
          %swap3A_552 = vector.shape_cast %swap3A_551 : vector<16xi32> to vector<16xi32>
          %swap3A_553 = vector.shape_cast %select_n3A_549 : vector<16xi32> to vector<16xi32>
          tpu.vector_store %arg13[%swap3A_550], %swap3A_553 {strides = array<i32>} : memref<5120xi32, #tpu.memory_space<vmem>>, vector<16xi32>,
        }
        %scan3A_141 = arith.constant 20 : i32
        "tpu.region"() ({
          %run_scoped3A = tpu.sem_alloc : memref<!tpu.dma_semaphore, #tpu.memory_space<semaphore_mem>>
          %dma_start3A_142 = arith.constant 0 : i32
          %dma_start3A_143 = tpu.memref_slice %arg8[%dma_start3A_142] : memref<1544192xf32, #tpu.memory_space<vmem_shared>> -> memref<1544192xf32, #tpu.memory_space<vmem_shared>>
          tpu.enqueue_indirect_dma source(%arg12 : memref<5120xf32, #tpu.memory_space<vmem>>) target(%dma_start3A_143 : memref<1544192xf32, #tpu.memory_space<vmem_shared>>) offsets(%arg13 : memref<5120xi32, #tpu.memory_space<vmem>>) semaphore(%run_scoped3A : memref<!tpu.dma_semaphore, #tpu.memory_space<semaphore_mem>>) {add = true}
          %dma_wait3A_144 = arith.constant 0 : i32
          %dma_wait3A_145 = tpu.memref_slice %arg8[%dma_wait3A_144] : memref<1544192xf32, #tpu.memory_space<vmem_shared>> -> memref<1544192xf32, #tpu.memory_space<vmem_shared>>
          tpu.wait_indirect_dma semaphore(%run_scoped3A : memref<!tpu.dma_semaphore, #tpu.memory_space<semaphore_mem>>) src(%arg12 : memref<5120xf32, #tpu.memory_space<vmem>>) dst(%dma_wait3A_145 : memref<1544192xf32, #tpu.memory_space<vmem_shared>>)
          tpu.yield
        }) : () -> ()
      }
      %scan3A_73 = arith.constant 20 : i32
    } else {
    }
    %eq3A_36 = arith.constant 1 : i32
    %eq3A_37 = arith.cmpi eq, %arg0, %eq3A_36 : i32
    %convert_element_type3A_38 = arith.extui %eq3A_37 : i1 to i32
    %cond3A_39 = arith.constant 0 : i32
    %cond3A_40 = arith.cmpi ne, %convert_element_type3A_38, %cond3A_39 : i32
    scf.if %cond3A_40 {
      %gt3A = arith.constant 0 : i32
      %gt3A_58 = arith.cmpi sgt, %select_n3A, %gt3A : i32
      %add3A_59 = arith.constant 0 : i32
      %add3A_60 = arith.addi %add3A, %add3A_59 : i32
      %jit3A_61 = arith.constant 0 : i32
      %select_n3A_62 = arith.select %gt3A_58, %add3A_60, %jit3A_61 : i32
      %mul3A_63 = arith.constant 5120 : i32
      %mul3A_64 = arith.muli %select_n3A_62, %mul3A_63 : i32
      %dma_start3A = tpu.memref_slice %arg3[%mul3A_64] : memref<3200000xi32, #tpu.memory_space<hbm>> -> memref<5120xi32, #tpu.memory_space<hbm>>
      %dma_start3A_65 = tpu.memref_slice %arg3[%mul3A_64] : memref<3200000xi32, #tpu.memory_space<hbm>> -> memref<5120xi32, #tpu.memory_space<hbm>>
      tpu.enqueue_dma source(%dma_start3A_65 : memref<5120xi32, #tpu.memory_space<hbm>>) target(%arg9 : memref<5120xi32, #tpu.memory_space<vmem>>) target_semaphore(%arg15 : memref<!tpu.dma_semaphore, #tpu.memory_space<semaphore_mem>>)
      %dma_start3A_66 = tpu.memref_slice %arg4[%mul3A_64] : memref<3200000xf32, #tpu.memory_space<hbm>> -> memref<5120xf32, #tpu.memory_space<hbm>>
      %dma_start3A_67 = tpu.memref_slice %arg4[%mul3A_64] : memref<3200000xf32, #tpu.memory_space<hbm>> -> memref<5120xf32, #tpu.memory_space<hbm>>
      tpu.enqueue_dma source(%dma_start3A_67 : memref<5120xf32, #tpu.memory_space<hbm>>) target(%arg10 : memref<5120xf32, #tpu.memory_space<vmem>>) target_semaphore(%arg15 : memref<!tpu.dma_semaphore, #tpu.memory_space<semaphore_mem>>)
      %scan3A_68 = arith.constant 0 : i32
      %scan3A_69 = arith.constant 0 : i32
      %scan3A_70 = arith.constant 20 : i32
      %scan3A_71 = arith.addi %scan3A_69, %scan3A_70 : i32
      %scan3A_72 = arith.constant 1 : i32
      scf.for %scan3A_74 = %scan3A_69 to %scan3A_71 step %scan3A_72  : i32 {
        %mul3A_75 = arith.constant 2 : i32
        %mul3A_76 = arith.muli %mul3A_75, %scan3A_74 : i32
        %add3A_77 = arith.constant 1 : i32
        %add3A_78 = arith.addi %mul3A_76, %add3A_77 : i32
        %lt3A_79 = arith.cmpi slt, %add3A_78, %select_n3A : i32
        %add3A_80 = arith.addi %add3A, %add3A_78 : i32
        %jit3A_81 = arith.constant 0 : i32
        %select_n3A_82 = arith.select %lt3A_79, %add3A_80, %jit3A_81 : i32
        %mul3A_83 = arith.constant 5120 : i32
        %mul3A_84 = arith.muli %select_n3A_82, %mul3A_83 : i32
        %dma_start3A_85 = tpu.memref_slice %arg3[%mul3A_84] : memref<3200000xi32, #tpu.memory_space<hbm>> -> memref<5120xi32, #tpu.memory_space<hbm>>
        %dma_start3A_86 = tpu.memref_slice %arg3[%mul3A_84] : memref<3200000xi32, #tpu.memory_space<hbm>> -> memref<5120xi32, #tpu.memory_space<hbm>>
        tpu.enqueue_dma source(%dma_start3A_86 : memref<5120xi32, #tpu.memory_space<hbm>>) target(%arg11 : memref<5120xi32, #tpu.memory_space<vmem>>) target_semaphore(%arg16 : memref<!tpu.dma_semaphore, #tpu.memory_space<semaphore_mem>>)
        %dma_start3A_87 = tpu.memref_slice %arg4[%mul3A_84] : memref<3200000xf32, #tpu.memory_space<hbm>> -> memref<5120xf32, #tpu.memory_space<hbm>>
        %dma_start3A_88 = tpu.memref_slice %arg4[%mul3A_84] : memref<3200000xf32, #tpu.memory_space<hbm>> -> memref<5120xf32, #tpu.memory_space<hbm>>
        tpu.enqueue_dma source(%dma_start3A_88 : memref<5120xf32, #tpu.memory_space<hbm>>) target(%arg12 : memref<5120xf32, #tpu.memory_space<vmem>>) target_semaphore(%arg16 : memref<!tpu.dma_semaphore, #tpu.memory_space<semaphore_mem>>)
        %dma_wait3A_89 = arith.constant 0 : i32
        %dma_wait3A_90 = tpu.memref_slice %arg3[%dma_wait3A_89] : memref<3200000xi32, #tpu.memory_space<hbm>> -> memref<5120xi32, #tpu.memory_space<hbm>>
        %dma_wait3A_91 = arith.constant 0 : i32
        %dma_wait3A_92 = tpu.memref_slice %arg3[%dma_wait3A_91] : memref<3200000xi32, #tpu.memory_space<hbm>> -> memref<5120xi32, #tpu.memory_space<hbm>>
        tpu.wait_dma2 semaphore(%arg15 : memref<!tpu.dma_semaphore, #tpu.memory_space<semaphore_mem>>) src(%dma_wait3A_92 : memref<5120xi32, #tpu.memory_space<hbm>>) dst(%arg9 : memref<5120xi32, #tpu.memory_space<vmem>>)
        %dma_wait3A_93 = arith.constant 0 : i32
        %dma_wait3A_94 = tpu.memref_slice %arg4[%dma_wait3A_93] : memref<3200000xf32, #tpu.memory_space<hbm>> -> memref<5120xf32, #tpu.memory_space<hbm>>
        %dma_wait3A_95 = arith.constant 0 : i32
        %dma_wait3A_96 = tpu.memref_slice %arg4[%dma_wait3A_95] : memref<3200000xf32, #tpu.memory_space<hbm>> -> memref<5120xf32, #tpu.memory_space<hbm>>
        tpu.wait_dma2 semaphore(%arg15 : memref<!tpu.dma_semaphore, #tpu.memory_space<semaphore_mem>>) src(%dma_wait3A_96 : memref<5120xf32, #tpu.memory_space<hbm>>) dst(%arg10 : memref<5120xf32, #tpu.memory_space<vmem>>)
        %lt3A_97 = arith.cmpi slt, %mul3A_76, %select_n3A : i32
        %add3A_98 = arith.addi %add3A, %mul3A_76 : i32
        %jit3A_99 = arith.constant 0 : i32
        %select_n3A_100 = arith.select %lt3A_97, %add3A_98, %jit3A_99 : i32
        %mul3A_101 = arith.constant 5120 : i32
        %mul3A_102 = arith.muli %select_n3A_100, %mul3A_101 : i32
        %jit3A_103 = arith.constant 0 : i32
        %jit3A_104 = arith.constant 16777216 : i32
        %select_n3A_105 = arith.select %lt3A_97, %jit3A_103, %jit3A_104 : i32
        %scan3A_106 = arith.constant 0 : i32
        %scan3A_107 = arith.constant 0 : i32
        %scan3A_108 = arith.constant 20 : i32
        %scan3A_109 = arith.addi %scan3A_107, %scan3A_108 : i32
        %scan3A_110 = arith.constant 1 : i32
        scf.for %scan3A_142 = %scan3A_107 to %scan3A_109 step %scan3A_110  : i32 {
          %mul3A_143 = arith.constant 256 : i32
          %mul3A_144 = arith.muli %scan3A_142, %mul3A_143 : i32
          %add3A_145 = arith.constant 0 : i32
          %add3A_146 = arith.addi %mul3A_144, %add3A_145 : i32
          %get3A = arith.index_cast %add3A_146 : i32 to index
          %get3A_147 = tpu.vector_load %arg9[%get3A] {strides = array<i32>} : memref<5120xi32, #tpu.memory_space<vmem>>, vector<16xi32>,
          %get3A_148 = vector.shape_cast %get3A_147 : vector<16xi32> to vector<16xi32>
          %sub3A = vector.broadcast %select_n3A_105 : i32 to vector<16xi32>
          %sub3A_149 = arith.subi %get3A_148, %sub3A : vector<16xi32>
          %ge3A = arith.constant 1536000 : i32
          %ge3A_150 = vector.broadcast %ge3A : i32 to vector<16xi32>
          %ge3A_151 = arith.cmpi sge, %sub3A_149, %ge3A_150 : vector<16xi32>
          %sub3A_152 = arith.constant 1536000 : i32
          %sub3A_153 = vector.broadcast %sub3A_152 : i32 to vector<16xi32>
          %sub3A_154 = arith.subi %sub3A_149, %sub3A_153 : vector<16xi32>
          %and3A = arith.constant 8191 : i32
          %and3A_155 = vector.broadcast %and3A : i32 to vector<16xi32>
          %and3A_156 = arith.andi %sub3A_149, %and3A_155 : vector<16xi32>
          %add3A_157 = arith.constant 1536000 : i32
          %add3A_158 = vector.broadcast %add3A_157 : i32 to vector<16xi32>
          %add3A_159 = arith.addi %add3A_158, %and3A_156 : vector<16xi32>
          %select_n3A_160 = arith.select %ge3A_151, %sub3A_154, %add3A_159 : vector<16xi1>, vector<16xi32>
          %swap3A = arith.index_cast %add3A_146 : i32 to index
          %swap3A_161 = tpu.vector_load %arg13[%swap3A] {strides = array<i32>} : memref<5120xi32, #tpu.memory_space<vmem>>, vector<16xi32>,
          %swap3A_162 = vector.shape_cast %swap3A_161 : vector<16xi32> to vector<16xi32>
          %swap3A_163 = vector.shape_cast %select_n3A_160 : vector<16xi32> to vector<16xi32>
          tpu.vector_store %arg13[%swap3A], %swap3A_163 {strides = array<i32>} : memref<5120xi32, #tpu.memory_space<vmem>>, vector<16xi32>,
          %mul3A_164 = arith.constant 256 : i32
          %mul3A_165 = arith.muli %scan3A_142, %mul3A_164 : i32
          %add3A_166 = arith.constant 16 : i32
          %add3A_167 = arith.addi %mul3A_165, %add3A_166 : i32
          %get3A_168 = arith.index_cast %add3A_167 : i32 to index
          %get3A_169 = tpu.vector_load %arg9[%get3A_168] {strides = array<i32>} : memref<5120xi32, #tpu.memory_space<vmem>>, vector<16xi32>,
          %get3A_170 = vector.shape_cast %get3A_169 : vector<16xi32> to vector<16xi32>
          %sub3A_171 = vector.broadcast %select_n3A_105 : i32 to vector<16xi32>
          %sub3A_172 = arith.subi %get3A_170, %sub3A_171 : vector<16xi32>
          %ge3A_173 = arith.constant 1536000 : i32
          %ge3A_174 = vector.broadcast %ge3A_173 : i32 to vector<16xi32>
          %ge3A_175 = arith.cmpi sge, %sub3A_172, %ge3A_174 : vector<16xi32>
          %sub3A_176 = arith.constant 1536000 : i32
          %sub3A_177 = vector.broadcast %sub3A_176 : i32 to vector<16xi32>
          %sub3A_178 = arith.subi %sub3A_172, %sub3A_177 : vector<16xi32>
          %and3A_179 = arith.constant 8191 : i32
          %and3A_180 = vector.broadcast %and3A_179 : i32 to vector<16xi32>
          %and3A_181 = arith.andi %sub3A_172, %and3A_180 : vector<16xi32>
          %add3A_182 = arith.constant 1536000 : i32
          %add3A_183 = vector.broadcast %add3A_182 : i32 to vector<16xi32>
          %add3A_184 = arith.addi %add3A_183, %and3A_181 : vector<16xi32>
          %select_n3A_185 = arith.select %ge3A_175, %sub3A_178, %add3A_184 : vector<16xi1>, vector<16xi32>
          %swap3A_186 = arith.index_cast %add3A_167 : i32 to index
          %swap3A_187 = tpu.vector_load %arg13[%swap3A_186] {strides = array<i32>} : memref<5120xi32, #tpu.memory_space<vmem>>, vector<16xi32>,
          %swap3A_188 = vector.shape_cast %swap3A_187 : vector<16xi32> to vector<16xi32>
          %swap3A_189 = vector.shape_cast %select_n3A_185 : vector<16xi32> to vector<16xi32>
          tpu.vector_store %arg13[%swap3A_186], %swap3A_189 {strides = array<i32>} : memref<5120xi32, #tpu.memory_space<vmem>>, vector<16xi32>,
          %mul3A_190 = arith.constant 256 : i32
          %mul3A_191 = arith.muli %scan3A_142, %mul3A_190 : i32
          %add3A_192 = arith.constant 32 : i32
          %add3A_193 = arith.addi %mul3A_191, %add3A_192 : i32
          %get3A_194 = arith.index_cast %add3A_193 : i32 to index
          %get3A_195 = tpu.vector_load %arg9[%get3A_194] {strides = array<i32>} : memref<5120xi32, #tpu.memory_space<vmem>>, vector<16xi32>,
          %get3A_196 = vector.shape_cast %get3A_195 : vector<16xi32> to vector<16xi32>
          %sub3A_197 = vector.broadcast %select_n3A_105 : i32 to vector<16xi32>
          %sub3A_198 = arith.subi %get3A_196, %sub3A_197 : vector<16xi32>
          %ge3A_199 = arith.constant 1536000 : i32
          %ge3A_200 = vector.broadcast %ge3A_199 : i32 to vector<16xi32>
          %ge3A_201 = arith.cmpi sge, %sub3A_198, %ge3A_200 : vector<16xi32>
          %sub3A_202 = arith.constant 1536000 : i32
          %sub3A_203 = vector.broadcast %sub3A_202 : i32 to vector<16xi32>
          %sub3A_204 = arith.subi %sub3A_198, %sub3A_203 : vector<16xi32>
          %and3A_205 = arith.constant 8191 : i32
          %and3A_206 = vector.broadcast %and3A_205 : i32 to vector<16xi32>
          %and3A_207 = arith.andi %sub3A_198, %and3A_206 : vector<16xi32>
          %add3A_208 = arith.constant 1536000 : i32
          %add3A_209 = vector.broadcast %add3A_208 : i32 to vector<16xi32>
          %add3A_210 = arith.addi %add3A_209, %and3A_207 : vector<16xi32>
          %select_n3A_211 = arith.select %ge3A_201, %sub3A_204, %add3A_210 : vector<16xi1>, vector<16xi32>
          %swap3A_212 = arith.index_cast %add3A_193 : i32 to index
          %swap3A_213 = tpu.vector_load %arg13[%swap3A_212] {strides = array<i32>} : memref<5120xi32, #tpu.memory_space<vmem>>, vector<16xi32>,
          %swap3A_214 = vector.shape_cast %swap3A_213 : vector<16xi32> to vector<16xi32>
          %swap3A_215 = vector.shape_cast %select_n3A_211 : vector<16xi32> to vector<16xi32>
          tpu.vector_store %arg13[%swap3A_212], %swap3A_215 {strides = array<i32>} : memref<5120xi32, #tpu.memory_space<vmem>>, vector<16xi32>,
          %mul3A_216 = arith.constant 256 : i32
          %mul3A_217 = arith.muli %scan3A_142, %mul3A_216 : i32
          %add3A_218 = arith.constant 48 : i32
          %add3A_219 = arith.addi %mul3A_217, %add3A_218 : i32
          %get3A_220 = arith.index_cast %add3A_219 : i32 to index
          %get3A_221 = tpu.vector_load %arg9[%get3A_220] {strides = array<i32>} : memref<5120xi32, #tpu.memory_space<vmem>>, vector<16xi32>,
          %get3A_222 = vector.shape_cast %get3A_221 : vector<16xi32> to vector<16xi32>
          %sub3A_223 = vector.broadcast %select_n3A_105 : i32 to vector<16xi32>
          %sub3A_224 = arith.subi %get3A_222, %sub3A_223 : vector<16xi32>
          %ge3A_225 = arith.constant 1536000 : i32
          %ge3A_226 = vector.broadcast %ge3A_225 : i32 to vector<16xi32>
          %ge3A_227 = arith.cmpi sge, %sub3A_224, %ge3A_226 : vector<16xi32>
          %sub3A_228 = arith.constant 1536000 : i32
          %sub3A_229 = vector.broadcast %sub3A_228 : i32 to vector<16xi32>
          %sub3A_230 = arith.subi %sub3A_224, %sub3A_229 : vector<16xi32>
          %and3A_231 = arith.constant 8191 : i32
          %and3A_232 = vector.broadcast %and3A_231 : i32 to vector<16xi32>
          %and3A_233 = arith.andi %sub3A_224, %and3A_232 : vector<16xi32>
          %add3A_234 = arith.constant 1536000 : i32
          %add3A_235 = vector.broadcast %add3A_234 : i32 to vector<16xi32>
          %add3A_236 = arith.addi %add3A_235, %and3A_233 : vector<16xi32>
          %select_n3A_237 = arith.select %ge3A_227, %sub3A_230, %add3A_236 : vector<16xi1>, vector<16xi32>
          %swap3A_238 = arith.index_cast %add3A_219 : i32 to index
          %swap3A_239 = tpu.vector_load %arg13[%swap3A_238] {strides = array<i32>} : memref<5120xi32, #tpu.memory_space<vmem>>, vector<16xi32>,
          %swap3A_240 = vector.shape_cast %swap3A_239 : vector<16xi32> to vector<16xi32>
          %swap3A_241 = vector.shape_cast %select_n3A_237 : vector<16xi32> to vector<16xi32>
          tpu.vector_store %arg13[%swap3A_238], %swap3A_241 {strides = array<i32>} : memref<5120xi32, #tpu.memory_space<vmem>>, vector<16xi32>,
          %mul3A_242 = arith.constant 256 : i32
          %mul3A_243 = arith.muli %scan3A_142, %mul3A_242 : i32
          %add3A_244 = arith.constant 64 : i32
          %add3A_245 = arith.addi %mul3A_243, %add3A_244 : i32
          %get3A_246 = arith.index_cast %add3A_245 : i32 to index
          %get3A_247 = tpu.vector_load %arg9[%get3A_246] {strides = array<i32>} : memref<5120xi32, #tpu.memory_space<vmem>>, vector<16xi32>,
          %get3A_248 = vector.shape_cast %get3A_247 : vector<16xi32> to vector<16xi32>
          %sub3A_249 = vector.broadcast %select_n3A_105 : i32 to vector<16xi32>
          %sub3A_250 = arith.subi %get3A_248, %sub3A_249 : vector<16xi32>
          %ge3A_251 = arith.constant 1536000 : i32
          %ge3A_252 = vector.broadcast %ge3A_251 : i32 to vector<16xi32>
          %ge3A_253 = arith.cmpi sge, %sub3A_250, %ge3A_252 : vector<16xi32>
          %sub3A_254 = arith.constant 1536000 : i32
          %sub3A_255 = vector.broadcast %sub3A_254 : i32 to vector<16xi32>
          %sub3A_256 = arith.subi %sub3A_250, %sub3A_255 : vector<16xi32>
          %and3A_257 = arith.constant 8191 : i32
          %and3A_258 = vector.broadcast %and3A_257 : i32 to vector<16xi32>
          %and3A_259 = arith.andi %sub3A_250, %and3A_258 : vector<16xi32>
          %add3A_260 = arith.constant 1536000 : i32
          %add3A_261 = vector.broadcast %add3A_260 : i32 to vector<16xi32>
          %add3A_262 = arith.addi %add3A_261, %and3A_259 : vector<16xi32>
          %select_n3A_263 = arith.select %ge3A_253, %sub3A_256, %add3A_262 : vector<16xi1>, vector<16xi32>
          %swap3A_264 = arith.index_cast %add3A_245 : i32 to index
          %swap3A_265 = tpu.vector_load %arg13[%swap3A_264] {strides = array<i32>} : memref<5120xi32, #tpu.memory_space<vmem>>, vector<16xi32>,
          %swap3A_266 = vector.shape_cast %swap3A_265 : vector<16xi32> to vector<16xi32>
          %swap3A_267 = vector.shape_cast %select_n3A_263 : vector<16xi32> to vector<16xi32>
          tpu.vector_store %arg13[%swap3A_264], %swap3A_267 {strides = array<i32>} : memref<5120xi32, #tpu.memory_space<vmem>>, vector<16xi32>,
          %mul3A_268 = arith.constant 256 : i32
          %mul3A_269 = arith.muli %scan3A_142, %mul3A_268 : i32
          %add3A_270 = arith.constant 80 : i32
          %add3A_271 = arith.addi %mul3A_269, %add3A_270 : i32
          %get3A_272 = arith.index_cast %add3A_271 : i32 to index
          %get3A_273 = tpu.vector_load %arg9[%get3A_272] {strides = array<i32>} : memref<5120xi32, #tpu.memory_space<vmem>>, vector<16xi32>,
          %get3A_274 = vector.shape_cast %get3A_273 : vector<16xi32> to vector<16xi32>
          %sub3A_275 = vector.broadcast %select_n3A_105 : i32 to vector<16xi32>
          %sub3A_276 = arith.subi %get3A_274, %sub3A_275 : vector<16xi32>
          %ge3A_277 = arith.constant 1536000 : i32
          %ge3A_278 = vector.broadcast %ge3A_277 : i32 to vector<16xi32>
          %ge3A_279 = arith.cmpi sge, %sub3A_276, %ge3A_278 : vector<16xi32>
          %sub3A_280 = arith.constant 1536000 : i32
          %sub3A_281 = vector.broadcast %sub3A_280 : i32 to vector<16xi32>
          %sub3A_282 = arith.subi %sub3A_276, %sub3A_281 : vector<16xi32>
          %and3A_283 = arith.constant 8191 : i32
          %and3A_284 = vector.broadcast %and3A_283 : i32 to vector<16xi32>
          %and3A_285 = arith.andi %sub3A_276, %and3A_284 : vector<16xi32>
          %add3A_286 = arith.constant 1536000 : i32
          %add3A_287 = vector.broadcast %add3A_286 : i32 to vector<16xi32>
          %add3A_288 = arith.addi %add3A_287, %and3A_285 : vector<16xi32>
          %select_n3A_289 = arith.select %ge3A_279, %sub3A_282, %add3A_288 : vector<16xi1>, vector<16xi32>
          %swap3A_290 = arith.index_cast %add3A_271 : i32 to index
          %swap3A_291 = tpu.vector_load %arg13[%swap3A_290] {strides = array<i32>} : memref<5120xi32, #tpu.memory_space<vmem>>, vector<16xi32>,
          %swap3A_292 = vector.shape_cast %swap3A_291 : vector<16xi32> to vector<16xi32>
          %swap3A_293 = vector.shape_cast %select_n3A_289 : vector<16xi32> to vector<16xi32>
          tpu.vector_store %arg13[%swap3A_290], %swap3A_293 {strides = array<i32>} : memref<5120xi32, #tpu.memory_space<vmem>>, vector<16xi32>,
          %mul3A_294 = arith.constant 256 : i32
          %mul3A_295 = arith.muli %scan3A_142, %mul3A_294 : i32
          %add3A_296 = arith.constant 96 : i32
          %add3A_297 = arith.addi %mul3A_295, %add3A_296 : i32
          %get3A_298 = arith.index_cast %add3A_297 : i32 to index
          %get3A_299 = tpu.vector_load %arg9[%get3A_298] {strides = array<i32>} : memref<5120xi32, #tpu.memory_space<vmem>>, vector<16xi32>,
          %get3A_300 = vector.shape_cast %get3A_299 : vector<16xi32> to vector<16xi32>
          %sub3A_301 = vector.broadcast %select_n3A_105 : i32 to vector<16xi32>
          %sub3A_302 = arith.subi %get3A_300, %sub3A_301 : vector<16xi32>
          %ge3A_303 = arith.constant 1536000 : i32
          %ge3A_304 = vector.broadcast %ge3A_303 : i32 to vector<16xi32>
          %ge3A_305 = arith.cmpi sge, %sub3A_302, %ge3A_304 : vector<16xi32>
          %sub3A_306 = arith.constant 1536000 : i32
          %sub3A_307 = vector.broadcast %sub3A_306 : i32 to vector<16xi32>
          %sub3A_308 = arith.subi %sub3A_302, %sub3A_307 : vector<16xi32>
          %and3A_309 = arith.constant 8191 : i32
          %and3A_310 = vector.broadcast %and3A_309 : i32 to vector<16xi32>
          %and3A_311 = arith.andi %sub3A_302, %and3A_310 : vector<16xi32>
          %add3A_312 = arith.constant 1536000 : i32
          %add3A_313 = vector.broadcast %add3A_312 : i32 to vector<16xi32>
          %add3A_314 = arith.addi %add3A_313, %and3A_311 : vector<16xi32>
          %select_n3A_315 = arith.select %ge3A_305, %sub3A_308, %add3A_314 : vector<16xi1>, vector<16xi32>
          %swap3A_316 = arith.index_cast %add3A_297 : i32 to index
          %swap3A_317 = tpu.vector_load %arg13[%swap3A_316] {strides = array<i32>} : memref<5120xi32, #tpu.memory_space<vmem>>, vector<16xi32>,
          %swap3A_318 = vector.shape_cast %swap3A_317 : vector<16xi32> to vector<16xi32>
          %swap3A_319 = vector.shape_cast %select_n3A_315 : vector<16xi32> to vector<16xi32>
          tpu.vector_store %arg13[%swap3A_316], %swap3A_319 {strides = array<i32>} : memref<5120xi32, #tpu.memory_space<vmem>>, vector<16xi32>,
          %mul3A_320 = arith.constant 256 : i32
          %mul3A_321 = arith.muli %scan3A_142, %mul3A_320 : i32
          %add3A_322 = arith.constant 112 : i32
          %add3A_323 = arith.addi %mul3A_321, %add3A_322 : i32
          %get3A_324 = arith.index_cast %add3A_323 : i32 to index
          %get3A_325 = tpu.vector_load %arg9[%get3A_324] {strides = array<i32>} : memref<5120xi32, #tpu.memory_space<vmem>>, vector<16xi32>,
          %get3A_326 = vector.shape_cast %get3A_325 : vector<16xi32> to vector<16xi32>
          %sub3A_327 = vector.broadcast %select_n3A_105 : i32 to vector<16xi32>
          %sub3A_328 = arith.subi %get3A_326, %sub3A_327 : vector<16xi32>
          %ge3A_329 = arith.constant 1536000 : i32
          %ge3A_330 = vector.broadcast %ge3A_329 : i32 to vector<16xi32>
          %ge3A_331 = arith.cmpi sge, %sub3A_328, %ge3A_330 : vector<16xi32>
          %sub3A_332 = arith.constant 1536000 : i32
          %sub3A_333 = vector.broadcast %sub3A_332 : i32 to vector<16xi32>
          %sub3A_334 = arith.subi %sub3A_328, %sub3A_333 : vector<16xi32>
          %and3A_335 = arith.constant 8191 : i32
          %and3A_336 = vector.broadcast %and3A_335 : i32 to vector<16xi32>
          %and3A_337 = arith.andi %sub3A_328, %and3A_336 : vector<16xi32>
          %add3A_338 = arith.constant 1536000 : i32
          %add3A_339 = vector.broadcast %add3A_338 : i32 to vector<16xi32>
          %add3A_340 = arith.addi %add3A_339, %and3A_337 : vector<16xi32>
          %select_n3A_341 = arith.select %ge3A_331, %sub3A_334, %add3A_340 : vector<16xi1>, vector<16xi32>
          %swap3A_342 = arith.index_cast %add3A_323 : i32 to index
          %swap3A_343 = tpu.vector_load %arg13[%swap3A_342] {strides = array<i32>} : memref<5120xi32, #tpu.memory_space<vmem>>, vector<16xi32>,
          %swap3A_344 = vector.shape_cast %swap3A_343 : vector<16xi32> to vector<16xi32>
          %swap3A_345 = vector.shape_cast %select_n3A_341 : vector<16xi32> to vector<16xi32>
          tpu.vector_store %arg13[%swap3A_342], %swap3A_345 {strides = array<i32>} : memref<5120xi32, #tpu.memory_space<vmem>>, vector<16xi32>,
          %mul3A_346 = arith.constant 256 : i32
          %mul3A_347 = arith.muli %scan3A_142, %mul3A_346 : i32
          %add3A_348 = arith.constant 128 : i32
          %add3A_349 = arith.addi %mul3A_347, %add3A_348 : i32
          %get3A_350 = arith.index_cast %add3A_349 : i32 to index
          %get3A_351 = tpu.vector_load %arg9[%get3A_350] {strides = array<i32>} : memref<5120xi32, #tpu.memory_space<vmem>>, vector<16xi32>,
          %get3A_352 = vector.shape_cast %get3A_351 : vector<16xi32> to vector<16xi32>
          %sub3A_353 = vector.broadcast %select_n3A_105 : i32 to vector<16xi32>
          %sub3A_354 = arith.subi %get3A_352, %sub3A_353 : vector<16xi32>
          %ge3A_355 = arith.constant 1536000 : i32
          %ge3A_356 = vector.broadcast %ge3A_355 : i32 to vector<16xi32>
          %ge3A_357 = arith.cmpi sge, %sub3A_354, %ge3A_356 : vector<16xi32>
          %sub3A_358 = arith.constant 1536000 : i32
          %sub3A_359 = vector.broadcast %sub3A_358 : i32 to vector<16xi32>
          %sub3A_360 = arith.subi %sub3A_354, %sub3A_359 : vector<16xi32>
          %and3A_361 = arith.constant 8191 : i32
          %and3A_362 = vector.broadcast %and3A_361 : i32 to vector<16xi32>
          %and3A_363 = arith.andi %sub3A_354, %and3A_362 : vector<16xi32>
          %add3A_364 = arith.constant 1536000 : i32
          %add3A_365 = vector.broadcast %add3A_364 : i32 to vector<16xi32>
          %add3A_366 = arith.addi %add3A_365, %and3A_363 : vector<16xi32>
          %select_n3A_367 = arith.select %ge3A_357, %sub3A_360, %add3A_366 : vector<16xi1>, vector<16xi32>
          %swap3A_368 = arith.index_cast %add3A_349 : i32 to index
          %swap3A_369 = tpu.vector_load %arg13[%swap3A_368] {strides = array<i32>} : memref<5120xi32, #tpu.memory_space<vmem>>, vector<16xi32>,
          %swap3A_370 = vector.shape_cast %swap3A_369 : vector<16xi32> to vector<16xi32>
          %swap3A_371 = vector.shape_cast %select_n3A_367 : vector<16xi32> to vector<16xi32>
          tpu.vector_store %arg13[%swap3A_368], %swap3A_371 {strides = array<i32>} : memref<5120xi32, #tpu.memory_space<vmem>>, vector<16xi32>,
          %mul3A_372 = arith.constant 256 : i32
          %mul3A_373 = arith.muli %scan3A_142, %mul3A_372 : i32
          %add3A_374 = arith.constant 144 : i32
          %add3A_375 = arith.addi %mul3A_373, %add3A_374 : i32
          %get3A_376 = arith.index_cast %add3A_375 : i32 to index
          %get3A_377 = tpu.vector_load %arg9[%get3A_376] {strides = array<i32>} : memref<5120xi32, #tpu.memory_space<vmem>>, vector<16xi32>,
          %get3A_378 = vector.shape_cast %get3A_377 : vector<16xi32> to vector<16xi32>
          %sub3A_379 = vector.broadcast %select_n3A_105 : i32 to vector<16xi32>
          %sub3A_380 = arith.subi %get3A_378, %sub3A_379 : vector<16xi32>
          %ge3A_381 = arith.constant 1536000 : i32
          %ge3A_382 = vector.broadcast %ge3A_381 : i32 to vector<16xi32>
          %ge3A_383 = arith.cmpi sge, %sub3A_380, %ge3A_382 : vector<16xi32>
          %sub3A_384 = arith.constant 1536000 : i32
          %sub3A_385 = vector.broadcast %sub3A_384 : i32 to vector<16xi32>
          %sub3A_386 = arith.subi %sub3A_380, %sub3A_385 : vector<16xi32>
          %and3A_387 = arith.constant 8191 : i32
          %and3A_388 = vector.broadcast %and3A_387 : i32 to vector<16xi32>
          %and3A_389 = arith.andi %sub3A_380, %and3A_388 : vector<16xi32>
          %add3A_390 = arith.constant 1536000 : i32
          %add3A_391 = vector.broadcast %add3A_390 : i32 to vector<16xi32>
          %add3A_392 = arith.addi %add3A_391, %and3A_389 : vector<16xi32>
          %select_n3A_393 = arith.select %ge3A_383, %sub3A_386, %add3A_392 : vector<16xi1>, vector<16xi32>
          %swap3A_394 = arith.index_cast %add3A_375 : i32 to index
          %swap3A_395 = tpu.vector_load %arg13[%swap3A_394] {strides = array<i32>} : memref<5120xi32, #tpu.memory_space<vmem>>, vector<16xi32>,
          %swap3A_396 = vector.shape_cast %swap3A_395 : vector<16xi32> to vector<16xi32>
          %swap3A_397 = vector.shape_cast %select_n3A_393 : vector<16xi32> to vector<16xi32>
          tpu.vector_store %arg13[%swap3A_394], %swap3A_397 {strides = array<i32>} : memref<5120xi32, #tpu.memory_space<vmem>>, vector<16xi32>,
          %mul3A_398 = arith.constant 256 : i32
          %mul3A_399 = arith.muli %scan3A_142, %mul3A_398 : i32
          %add3A_400 = arith.constant 160 : i32
          %add3A_401 = arith.addi %mul3A_399, %add3A_400 : i32
          %get3A_402 = arith.index_cast %add3A_401 : i32 to index
          %get3A_403 = tpu.vector_load %arg9[%get3A_402] {strides = array<i32>} : memref<5120xi32, #tpu.memory_space<vmem>>, vector<16xi32>,
          %get3A_404 = vector.shape_cast %get3A_403 : vector<16xi32> to vector<16xi32>
          %sub3A_405 = vector.broadcast %select_n3A_105 : i32 to vector<16xi32>
          %sub3A_406 = arith.subi %get3A_404, %sub3A_405 : vector<16xi32>
          %ge3A_407 = arith.constant 1536000 : i32
          %ge3A_408 = vector.broadcast %ge3A_407 : i32 to vector<16xi32>
          %ge3A_409 = arith.cmpi sge, %sub3A_406, %ge3A_408 : vector<16xi32>
          %sub3A_410 = arith.constant 1536000 : i32
          %sub3A_411 = vector.broadcast %sub3A_410 : i32 to vector<16xi32>
          %sub3A_412 = arith.subi %sub3A_406, %sub3A_411 : vector<16xi32>
          %and3A_413 = arith.constant 8191 : i32
          %and3A_414 = vector.broadcast %and3A_413 : i32 to vector<16xi32>
          %and3A_415 = arith.andi %sub3A_406, %and3A_414 : vector<16xi32>
          %add3A_416 = arith.constant 1536000 : i32
          %add3A_417 = vector.broadcast %add3A_416 : i32 to vector<16xi32>
          %add3A_418 = arith.addi %add3A_417, %and3A_415 : vector<16xi32>
          %select_n3A_419 = arith.select %ge3A_409, %sub3A_412, %add3A_418 : vector<16xi1>, vector<16xi32>
          %swap3A_420 = arith.index_cast %add3A_401 : i32 to index
          %swap3A_421 = tpu.vector_load %arg13[%swap3A_420] {strides = array<i32>} : memref<5120xi32, #tpu.memory_space<vmem>>, vector<16xi32>,
          %swap3A_422 = vector.shape_cast %swap3A_421 : vector<16xi32> to vector<16xi32>
          %swap3A_423 = vector.shape_cast %select_n3A_419 : vector<16xi32> to vector<16xi32>
          tpu.vector_store %arg13[%swap3A_420], %swap3A_423 {strides = array<i32>} : memref<5120xi32, #tpu.memory_space<vmem>>, vector<16xi32>,
          %mul3A_424 = arith.constant 256 : i32
          %mul3A_425 = arith.muli %scan3A_142, %mul3A_424 : i32
          %add3A_426 = arith.constant 176 : i32
          %add3A_427 = arith.addi %mul3A_425, %add3A_426 : i32
          %get3A_428 = arith.index_cast %add3A_427 : i32 to index
          %get3A_429 = tpu.vector_load %arg9[%get3A_428] {strides = array<i32>} : memref<5120xi32, #tpu.memory_space<vmem>>, vector<16xi32>,
          %get3A_430 = vector.shape_cast %get3A_429 : vector<16xi32> to vector<16xi32>
          %sub3A_431 = vector.broadcast %select_n3A_105 : i32 to vector<16xi32>
          %sub3A_432 = arith.subi %get3A_430, %sub3A_431 : vector<16xi32>
          %ge3A_433 = arith.constant 1536000 : i32
          %ge3A_434 = vector.broadcast %ge3A_433 : i32 to vector<16xi32>
          %ge3A_435 = arith.cmpi sge, %sub3A_432, %ge3A_434 : vector<16xi32>
          %sub3A_436 = arith.constant 1536000 : i32
          %sub3A_437 = vector.broadcast %sub3A_436 : i32 to vector<16xi32>
          %sub3A_438 = arith.subi %sub3A_432, %sub3A_437 : vector<16xi32>
          %and3A_439 = arith.constant 8191 : i32
          %and3A_440 = vector.broadcast %and3A_439 : i32 to vector<16xi32>
          %and3A_441 = arith.andi %sub3A_432, %and3A_440 : vector<16xi32>
          %add3A_442 = arith.constant 1536000 : i32
          %add3A_443 = vector.broadcast %add3A_442 : i32 to vector<16xi32>
          %add3A_444 = arith.addi %add3A_443, %and3A_441 : vector<16xi32>
          %select_n3A_445 = arith.select %ge3A_435, %sub3A_438, %add3A_444 : vector<16xi1>, vector<16xi32>
          %swap3A_446 = arith.index_cast %add3A_427 : i32 to index
          %swap3A_447 = tpu.vector_load %arg13[%swap3A_446] {strides = array<i32>} : memref<5120xi32, #tpu.memory_space<vmem>>, vector<16xi32>,
          %swap3A_448 = vector.shape_cast %swap3A_447 : vector<16xi32> to vector<16xi32>
          %swap3A_449 = vector.shape_cast %select_n3A_445 : vector<16xi32> to vector<16xi32>
          tpu.vector_store %arg13[%swap3A_446], %swap3A_449 {strides = array<i32>} : memref<5120xi32, #tpu.memory_space<vmem>>, vector<16xi32>,
          %mul3A_450 = arith.constant 256 : i32
          %mul3A_451 = arith.muli %scan3A_142, %mul3A_450 : i32
          %add3A_452 = arith.constant 192 : i32
          %add3A_453 = arith.addi %mul3A_451, %add3A_452 : i32
          %get3A_454 = arith.index_cast %add3A_453 : i32 to index
          %get3A_455 = tpu.vector_load %arg9[%get3A_454] {strides = array<i32>} : memref<5120xi32, #tpu.memory_space<vmem>>, vector<16xi32>,
          %get3A_456 = vector.shape_cast %get3A_455 : vector<16xi32> to vector<16xi32>
          %sub3A_457 = vector.broadcast %select_n3A_105 : i32 to vector<16xi32>
          %sub3A_458 = arith.subi %get3A_456, %sub3A_457 : vector<16xi32>
          %ge3A_459 = arith.constant 1536000 : i32
          %ge3A_460 = vector.broadcast %ge3A_459 : i32 to vector<16xi32>
          %ge3A_461 = arith.cmpi sge, %sub3A_458, %ge3A_460 : vector<16xi32>
          %sub3A_462 = arith.constant 1536000 : i32
          %sub3A_463 = vector.broadcast %sub3A_462 : i32 to vector<16xi32>
          %sub3A_464 = arith.subi %sub3A_458, %sub3A_463 : vector<16xi32>
          %and3A_465 = arith.constant 8191 : i32
          %and3A_466 = vector.broadcast %and3A_465 : i32 to vector<16xi32>
          %and3A_467 = arith.andi %sub3A_458, %and3A_466 : vector<16xi32>
          %add3A_468 = arith.constant 1536000 : i32
          %add3A_469 = vector.broadcast %add3A_468 : i32 to vector<16xi32>
          %add3A_470 = arith.addi %add3A_469, %and3A_467 : vector<16xi32>
          %select_n3A_471 = arith.select %ge3A_461, %sub3A_464, %add3A_470 : vector<16xi1>, vector<16xi32>
          %swap3A_472 = arith.index_cast %add3A_453 : i32 to index
          %swap3A_473 = tpu.vector_load %arg13[%swap3A_472] {strides = array<i32>} : memref<5120xi32, #tpu.memory_space<vmem>>, vector<16xi32>,
          %swap3A_474 = vector.shape_cast %swap3A_473 : vector<16xi32> to vector<16xi32>
          %swap3A_475 = vector.shape_cast %select_n3A_471 : vector<16xi32> to vector<16xi32>
          tpu.vector_store %arg13[%swap3A_472], %swap3A_475 {strides = array<i32>} : memref<5120xi32, #tpu.memory_space<vmem>>, vector<16xi32>,
          %mul3A_476 = arith.constant 256 : i32
          %mul3A_477 = arith.muli %scan3A_142, %mul3A_476 : i32
          %add3A_478 = arith.constant 208 : i32
          %add3A_479 = arith.addi %mul3A_477, %add3A_478 : i32
          %get3A_480 = arith.index_cast %add3A_479 : i32 to index
          %get3A_481 = tpu.vector_load %arg9[%get3A_480] {strides = array<i32>} : memref<5120xi32, #tpu.memory_space<vmem>>, vector<16xi32>,
          %get3A_482 = vector.shape_cast %get3A_481 : vector<16xi32> to vector<16xi32>
          %sub3A_483 = vector.broadcast %select_n3A_105 : i32 to vector<16xi32>
          %sub3A_484 = arith.subi %get3A_482, %sub3A_483 : vector<16xi32>
          %ge3A_485 = arith.constant 1536000 : i32
          %ge3A_486 = vector.broadcast %ge3A_485 : i32 to vector<16xi32>
          %ge3A_487 = arith.cmpi sge, %sub3A_484, %ge3A_486 : vector<16xi32>
          %sub3A_488 = arith.constant 1536000 : i32
          %sub3A_489 = vector.broadcast %sub3A_488 : i32 to vector<16xi32>
          %sub3A_490 = arith.subi %sub3A_484, %sub3A_489 : vector<16xi32>
          %and3A_491 = arith.constant 8191 : i32
          %and3A_492 = vector.broadcast %and3A_491 : i32 to vector<16xi32>
          %and3A_493 = arith.andi %sub3A_484, %and3A_492 : vector<16xi32>
          %add3A_494 = arith.constant 1536000 : i32
          %add3A_495 = vector.broadcast %add3A_494 : i32 to vector<16xi32>
          %add3A_496 = arith.addi %add3A_495, %and3A_493 : vector<16xi32>
          %select_n3A_497 = arith.select %ge3A_487, %sub3A_490, %add3A_496 : vector<16xi1>, vector<16xi32>
          %swap3A_498 = arith.index_cast %add3A_479 : i32 to index
          %swap3A_499 = tpu.vector_load %arg13[%swap3A_498] {strides = array<i32>} : memref<5120xi32, #tpu.memory_space<vmem>>, vector<16xi32>,
          %swap3A_500 = vector.shape_cast %swap3A_499 : vector<16xi32> to vector<16xi32>
          %swap3A_501 = vector.shape_cast %select_n3A_497 : vector<16xi32> to vector<16xi32>
          tpu.vector_store %arg13[%swap3A_498], %swap3A_501 {strides = array<i32>} : memref<5120xi32, #tpu.memory_space<vmem>>, vector<16xi32>,
          %mul3A_502 = arith.constant 256 : i32
          %mul3A_503 = arith.muli %scan3A_142, %mul3A_502 : i32
          %add3A_504 = arith.constant 224 : i32
          %add3A_505 = arith.addi %mul3A_503, %add3A_504 : i32
          %get3A_506 = arith.index_cast %add3A_505 : i32 to index
          %get3A_507 = tpu.vector_load %arg9[%get3A_506] {strides = array<i32>} : memref<5120xi32, #tpu.memory_space<vmem>>, vector<16xi32>,
          %get3A_508 = vector.shape_cast %get3A_507 : vector<16xi32> to vector<16xi32>
          %sub3A_509 = vector.broadcast %select_n3A_105 : i32 to vector<16xi32>
          %sub3A_510 = arith.subi %get3A_508, %sub3A_509 : vector<16xi32>
          %ge3A_511 = arith.constant 1536000 : i32
          %ge3A_512 = vector.broadcast %ge3A_511 : i32 to vector<16xi32>
          %ge3A_513 = arith.cmpi sge, %sub3A_510, %ge3A_512 : vector<16xi32>
          %sub3A_514 = arith.constant 1536000 : i32
          %sub3A_515 = vector.broadcast %sub3A_514 : i32 to vector<16xi32>
          %sub3A_516 = arith.subi %sub3A_510, %sub3A_515 : vector<16xi32>
          %and3A_517 = arith.constant 8191 : i32
          %and3A_518 = vector.broadcast %and3A_517 : i32 to vector<16xi32>
          %and3A_519 = arith.andi %sub3A_510, %and3A_518 : vector<16xi32>
          %add3A_520 = arith.constant 1536000 : i32
          %add3A_521 = vector.broadcast %add3A_520 : i32 to vector<16xi32>
          %add3A_522 = arith.addi %add3A_521, %and3A_519 : vector<16xi32>
          %select_n3A_523 = arith.select %ge3A_513, %sub3A_516, %add3A_522 : vector<16xi1>, vector<16xi32>
          %swap3A_524 = arith.index_cast %add3A_505 : i32 to index
          %swap3A_525 = tpu.vector_load %arg13[%swap3A_524] {strides = array<i32>} : memref<5120xi32, #tpu.memory_space<vmem>>, vector<16xi32>,
          %swap3A_526 = vector.shape_cast %swap3A_525 : vector<16xi32> to vector<16xi32>
          %swap3A_527 = vector.shape_cast %select_n3A_523 : vector<16xi32> to vector<16xi32>
          tpu.vector_store %arg13[%swap3A_524], %swap3A_527 {strides = array<i32>} : memref<5120xi32, #tpu.memory_space<vmem>>, vector<16xi32>,
          %mul3A_528 = arith.constant 256 : i32
          %mul3A_529 = arith.muli %scan3A_142, %mul3A_528 : i32
          %add3A_530 = arith.constant 240 : i32
          %add3A_531 = arith.addi %mul3A_529, %add3A_530 : i32
          %get3A_532 = arith.index_cast %add3A_531 : i32 to index
          %get3A_533 = tpu.vector_load %arg9[%get3A_532] {strides = array<i32>} : memref<5120xi32, #tpu.memory_space<vmem>>, vector<16xi32>,
          %get3A_534 = vector.shape_cast %get3A_533 : vector<16xi32> to vector<16xi32>
          %sub3A_535 = vector.broadcast %select_n3A_105 : i32 to vector<16xi32>
          %sub3A_536 = arith.subi %get3A_534, %sub3A_535 : vector<16xi32>
          %ge3A_537 = arith.constant 1536000 : i32
          %ge3A_538 = vector.broadcast %ge3A_537 : i32 to vector<16xi32>
          %ge3A_539 = arith.cmpi sge, %sub3A_536, %ge3A_538 : vector<16xi32>
          %sub3A_540 = arith.constant 1536000 : i32
          %sub3A_541 = vector.broadcast %sub3A_540 : i32 to vector<16xi32>
          %sub3A_542 = arith.subi %sub3A_536, %sub3A_541 : vector<16xi32>
          %and3A_543 = arith.constant 8191 : i32
          %and3A_544 = vector.broadcast %and3A_543 : i32 to vector<16xi32>
          %and3A_545 = arith.andi %sub3A_536, %and3A_544 : vector<16xi32>
          %add3A_546 = arith.constant 1536000 : i32
          %add3A_547 = vector.broadcast %add3A_546 : i32 to vector<16xi32>
          %add3A_548 = arith.addi %add3A_547, %and3A_545 : vector<16xi32>
          %select_n3A_549 = arith.select %ge3A_539, %sub3A_542, %add3A_548 : vector<16xi1>, vector<16xi32>
          %swap3A_550 = arith.index_cast %add3A_531 : i32 to index
          %swap3A_551 = tpu.vector_load %arg13[%swap3A_550] {strides = array<i32>} : memref<5120xi32, #tpu.memory_space<vmem>>, vector<16xi32>,
          %swap3A_552 = vector.shape_cast %swap3A_551 : vector<16xi32> to vector<16xi32>
          %swap3A_553 = vector.shape_cast %select_n3A_549 : vector<16xi32> to vector<16xi32>
          tpu.vector_store %arg13[%swap3A_550], %swap3A_553 {strides = array<i32>} : memref<5120xi32, #tpu.memory_space<vmem>>, vector<16xi32>,
        }
        %scan3A_111 = arith.constant 20 : i32
        "tpu.region"() ({
          %run_scoped3A = tpu.sem_alloc : memref<!tpu.dma_semaphore, #tpu.memory_space<semaphore_mem>>
          %dma_start3A_142 = arith.constant 0 : i32
          %dma_start3A_143 = tpu.memref_slice %arg8[%dma_start3A_142] : memref<1544192xf32, #tpu.memory_space<vmem_shared>> -> memref<1544192xf32, #tpu.memory_space<vmem_shared>>
          tpu.enqueue_indirect_dma source(%arg10 : memref<5120xf32, #tpu.memory_space<vmem>>) target(%dma_start3A_143 : memref<1544192xf32, #tpu.memory_space<vmem_shared>>) offsets(%arg13 : memref<5120xi32, #tpu.memory_space<vmem>>) semaphore(%run_scoped3A : memref<!tpu.dma_semaphore, #tpu.memory_space<semaphore_mem>>) {add = true}
          %dma_wait3A_144 = arith.constant 0 : i32
          %dma_wait3A_145 = tpu.memref_slice %arg8[%dma_wait3A_144] : memref<1544192xf32, #tpu.memory_space<vmem_shared>> -> memref<1544192xf32, #tpu.memory_space<vmem_shared>>
          tpu.wait_indirect_dma semaphore(%run_scoped3A : memref<!tpu.dma_semaphore, #tpu.memory_space<semaphore_mem>>) src(%arg10 : memref<5120xf32, #tpu.memory_space<vmem>>) dst(%dma_wait3A_145 : memref<1544192xf32, #tpu.memory_space<vmem_shared>>)
          tpu.yield
        }) : () -> ()
        %lt3A_112 = arith.constant 19 : i32
        %lt3A_113 = arith.cmpi slt, %scan3A_74, %lt3A_112 : i32
        %convert_element_type3A_114 = arith.extui %lt3A_113 : i1 to i32
        %cond3A_115 = arith.constant 0 : i32
        %cond3A_116 = arith.cmpi ne, %convert_element_type3A_114, %cond3A_115 : i32
        scf.if %cond3A_116 {
          %add3A_142 = arith.constant 2 : i32
          %add3A_143 = arith.addi %mul3A_76, %add3A_142 : i32
          %lt3A_144 = arith.cmpi slt, %add3A_143, %select_n3A : i32
          %add3A_145 = arith.addi %add3A, %add3A_143 : i32
          %jit3A_146 = arith.constant 0 : i32
          %select_n3A_147 = arith.select %lt3A_144, %add3A_145, %jit3A_146 : i32
          %mul3A_148 = arith.constant 5120 : i32
          %mul3A_149 = arith.muli %select_n3A_147, %mul3A_148 : i32
          %dma_start3A_150 = tpu.memref_slice %arg3[%mul3A_149] : memref<3200000xi32, #tpu.memory_space<hbm>> -> memref<5120xi32, #tpu.memory_space<hbm>>
          %dma_start3A_151 = tpu.memref_slice %arg3[%mul3A_149] : memref<3200000xi32, #tpu.memory_space<hbm>> -> memref<5120xi32, #tpu.memory_space<hbm>>
          tpu.enqueue_dma source(%dma_start3A_151 : memref<5120xi32, #tpu.memory_space<hbm>>) target(%arg9 : memref<5120xi32, #tpu.memory_space<vmem>>) target_semaphore(%arg15 : memref<!tpu.dma_semaphore, #tpu.memory_space<semaphore_mem>>)
          %dma_start3A_152 = tpu.memref_slice %arg4[%mul3A_149] : memref<3200000xf32, #tpu.memory_space<hbm>> -> memref<5120xf32, #tpu.memory_space<hbm>>
          %dma_start3A_153 = tpu.memref_slice %arg4[%mul3A_149] : memref<3200000xf32, #tpu.memory_space<hbm>> -> memref<5120xf32, #tpu.memory_space<hbm>>
          tpu.enqueue_dma source(%dma_start3A_153 : memref<5120xf32, #tpu.memory_space<hbm>>) target(%arg10 : memref<5120xf32, #tpu.memory_space<vmem>>) target_semaphore(%arg15 : memref<!tpu.dma_semaphore, #tpu.memory_space<semaphore_mem>>)
        } else {
        }
        %add3A_117 = arith.constant 1 : i32
        %add3A_118 = arith.addi %mul3A_76, %add3A_117 : i32
        %dma_wait3A_119 = arith.constant 0 : i32
        %dma_wait3A_120 = tpu.memref_slice %arg3[%dma_wait3A_119] : memref<3200000xi32, #tpu.memory_space<hbm>> -> memref<5120xi32, #tpu.memory_space<hbm>>
        %dma_wait3A_121 = arith.constant 0 : i32
        %dma_wait3A_122 = tpu.memref_slice %arg3[%dma_wait3A_121] : memref<3200000xi32, #tpu.memory_space<hbm>> -> memref<5120xi32, #tpu.memory_space<hbm>>
        tpu.wait_dma2 semaphore(%arg16 : memref<!tpu.dma_semaphore, #tpu.memory_space<semaphore_mem>>) src(%dma_wait3A_122 : memref<5120xi32, #tpu.memory_space<hbm>>) dst(%arg11 : memref<5120xi32, #tpu.memory_space<vmem>>)
        %dma_wait3A_123 = arith.constant 0 : i32
        %dma_wait3A_124 = tpu.memref_slice %arg4[%dma_wait3A_123] : memref<3200000xf32, #tpu.memory_space<hbm>> -> memref<5120xf32, #tpu.memory_space<hbm>>
        %dma_wait3A_125 = arith.constant 0 : i32
        %dma_wait3A_126 = tpu.memref_slice %arg4[%dma_wait3A_125] : memref<3200000xf32, #tpu.memory_space<hbm>> -> memref<5120xf32, #tpu.memory_space<hbm>>
        tpu.wait_dma2 semaphore(%arg16 : memref<!tpu.dma_semaphore, #tpu.memory_space<semaphore_mem>>) src(%dma_wait3A_126 : memref<5120xf32, #tpu.memory_space<hbm>>) dst(%arg12 : memref<5120xf32, #tpu.memory_space<vmem>>)
        %lt3A_127 = arith.cmpi slt, %add3A_118, %select_n3A : i32
        %add3A_128 = arith.addi %add3A, %add3A_118 : i32
        %jit3A_129 = arith.constant 0 : i32
        %select_n3A_130 = arith.select %lt3A_127, %add3A_128, %jit3A_129 : i32
        %mul3A_131 = arith.constant 5120 : i32
        %mul3A_132 = arith.muli %select_n3A_130, %mul3A_131 : i32
        %jit3A_133 = arith.constant 0 : i32
        %jit3A_134 = arith.constant 16777216 : i32
        %select_n3A_135 = arith.select %lt3A_127, %jit3A_133, %jit3A_134 : i32
        %scan3A_136 = arith.constant 0 : i32
        %scan3A_137 = arith.constant 0 : i32
        %scan3A_138 = arith.constant 20 : i32
        %scan3A_139 = arith.addi %scan3A_137, %scan3A_138 : i32
        %scan3A_140 = arith.constant 1 : i32
        scf.for %scan3A_142 = %scan3A_137 to %scan3A_139 step %scan3A_140  : i32 {
          %mul3A_143 = arith.constant 256 : i32
          %mul3A_144 = arith.muli %scan3A_142, %mul3A_143 : i32
          %add3A_145 = arith.constant 0 : i32
          %add3A_146 = arith.addi %mul3A_144, %add3A_145 : i32
          %get3A = arith.index_cast %add3A_146 : i32 to index
          %get3A_147 = tpu.vector_load %arg11[%get3A] {strides = array<i32>} : memref<5120xi32, #tpu.memory_space<vmem>>, vector<16xi32>,
          %get3A_148 = vector.shape_cast %get3A_147 : vector<16xi32> to vector<16xi32>
          %sub3A = vector.broadcast %select_n3A_135 : i32 to vector<16xi32>
          %sub3A_149 = arith.subi %get3A_148, %sub3A : vector<16xi32>
          %ge3A = arith.constant 1536000 : i32
          %ge3A_150 = vector.broadcast %ge3A : i32 to vector<16xi32>
          %ge3A_151 = arith.cmpi sge, %sub3A_149, %ge3A_150 : vector<16xi32>
          %sub3A_152 = arith.constant 1536000 : i32
          %sub3A_153 = vector.broadcast %sub3A_152 : i32 to vector<16xi32>
          %sub3A_154 = arith.subi %sub3A_149, %sub3A_153 : vector<16xi32>
          %and3A = arith.constant 8191 : i32
          %and3A_155 = vector.broadcast %and3A : i32 to vector<16xi32>
          %and3A_156 = arith.andi %sub3A_149, %and3A_155 : vector<16xi32>
          %add3A_157 = arith.constant 1536000 : i32
          %add3A_158 = vector.broadcast %add3A_157 : i32 to vector<16xi32>
          %add3A_159 = arith.addi %add3A_158, %and3A_156 : vector<16xi32>
          %select_n3A_160 = arith.select %ge3A_151, %sub3A_154, %add3A_159 : vector<16xi1>, vector<16xi32>
          %swap3A = arith.index_cast %add3A_146 : i32 to index
          %swap3A_161 = tpu.vector_load %arg13[%swap3A] {strides = array<i32>} : memref<5120xi32, #tpu.memory_space<vmem>>, vector<16xi32>,
          %swap3A_162 = vector.shape_cast %swap3A_161 : vector<16xi32> to vector<16xi32>
          %swap3A_163 = vector.shape_cast %select_n3A_160 : vector<16xi32> to vector<16xi32>
          tpu.vector_store %arg13[%swap3A], %swap3A_163 {strides = array<i32>} : memref<5120xi32, #tpu.memory_space<vmem>>, vector<16xi32>,
          %mul3A_164 = arith.constant 256 : i32
          %mul3A_165 = arith.muli %scan3A_142, %mul3A_164 : i32
          %add3A_166 = arith.constant 16 : i32
          %add3A_167 = arith.addi %mul3A_165, %add3A_166 : i32
          %get3A_168 = arith.index_cast %add3A_167 : i32 to index
          %get3A_169 = tpu.vector_load %arg11[%get3A_168] {strides = array<i32>} : memref<5120xi32, #tpu.memory_space<vmem>>, vector<16xi32>,
          %get3A_170 = vector.shape_cast %get3A_169 : vector<16xi32> to vector<16xi32>
          %sub3A_171 = vector.broadcast %select_n3A_135 : i32 to vector<16xi32>
          %sub3A_172 = arith.subi %get3A_170, %sub3A_171 : vector<16xi32>
          %ge3A_173 = arith.constant 1536000 : i32
          %ge3A_174 = vector.broadcast %ge3A_173 : i32 to vector<16xi32>
          %ge3A_175 = arith.cmpi sge, %sub3A_172, %ge3A_174 : vector<16xi32>
          %sub3A_176 = arith.constant 1536000 : i32
          %sub3A_177 = vector.broadcast %sub3A_176 : i32 to vector<16xi32>
          %sub3A_178 = arith.subi %sub3A_172, %sub3A_177 : vector<16xi32>
          %and3A_179 = arith.constant 8191 : i32
          %and3A_180 = vector.broadcast %and3A_179 : i32 to vector<16xi32>
          %and3A_181 = arith.andi %sub3A_172, %and3A_180 : vector<16xi32>
          %add3A_182 = arith.constant 1536000 : i32
          %add3A_183 = vector.broadcast %add3A_182 : i32 to vector<16xi32>
          %add3A_184 = arith.addi %add3A_183, %and3A_181 : vector<16xi32>
          %select_n3A_185 = arith.select %ge3A_175, %sub3A_178, %add3A_184 : vector<16xi1>, vector<16xi32>
          %swap3A_186 = arith.index_cast %add3A_167 : i32 to index
          %swap3A_187 = tpu.vector_load %arg13[%swap3A_186] {strides = array<i32>} : memref<5120xi32, #tpu.memory_space<vmem>>, vector<16xi32>,
          %swap3A_188 = vector.shape_cast %swap3A_187 : vector<16xi32> to vector<16xi32>
          %swap3A_189 = vector.shape_cast %select_n3A_185 : vector<16xi32> to vector<16xi32>
          tpu.vector_store %arg13[%swap3A_186], %swap3A_189 {strides = array<i32>} : memref<5120xi32, #tpu.memory_space<vmem>>, vector<16xi32>,
          %mul3A_190 = arith.constant 256 : i32
          %mul3A_191 = arith.muli %scan3A_142, %mul3A_190 : i32
          %add3A_192 = arith.constant 32 : i32
          %add3A_193 = arith.addi %mul3A_191, %add3A_192 : i32
          %get3A_194 = arith.index_cast %add3A_193 : i32 to index
          %get3A_195 = tpu.vector_load %arg11[%get3A_194] {strides = array<i32>} : memref<5120xi32, #tpu.memory_space<vmem>>, vector<16xi32>,
          %get3A_196 = vector.shape_cast %get3A_195 : vector<16xi32> to vector<16xi32>
          %sub3A_197 = vector.broadcast %select_n3A_135 : i32 to vector<16xi32>
          %sub3A_198 = arith.subi %get3A_196, %sub3A_197 : vector<16xi32>
          %ge3A_199 = arith.constant 1536000 : i32
          %ge3A_200 = vector.broadcast %ge3A_199 : i32 to vector<16xi32>
          %ge3A_201 = arith.cmpi sge, %sub3A_198, %ge3A_200 : vector<16xi32>
          %sub3A_202 = arith.constant 1536000 : i32
          %sub3A_203 = vector.broadcast %sub3A_202 : i32 to vector<16xi32>
          %sub3A_204 = arith.subi %sub3A_198, %sub3A_203 : vector<16xi32>
          %and3A_205 = arith.constant 8191 : i32
          %and3A_206 = vector.broadcast %and3A_205 : i32 to vector<16xi32>
          %and3A_207 = arith.andi %sub3A_198, %and3A_206 : vector<16xi32>
          %add3A_208 = arith.constant 1536000 : i32
          %add3A_209 = vector.broadcast %add3A_208 : i32 to vector<16xi32>
          %add3A_210 = arith.addi %add3A_209, %and3A_207 : vector<16xi32>
          %select_n3A_211 = arith.select %ge3A_201, %sub3A_204, %add3A_210 : vector<16xi1>, vector<16xi32>
          %swap3A_212 = arith.index_cast %add3A_193 : i32 to index
          %swap3A_213 = tpu.vector_load %arg13[%swap3A_212] {strides = array<i32>} : memref<5120xi32, #tpu.memory_space<vmem>>, vector<16xi32>,
          %swap3A_214 = vector.shape_cast %swap3A_213 : vector<16xi32> to vector<16xi32>
          %swap3A_215 = vector.shape_cast %select_n3A_211 : vector<16xi32> to vector<16xi32>
          tpu.vector_store %arg13[%swap3A_212], %swap3A_215 {strides = array<i32>} : memref<5120xi32, #tpu.memory_space<vmem>>, vector<16xi32>,
          %mul3A_216 = arith.constant 256 : i32
          %mul3A_217 = arith.muli %scan3A_142, %mul3A_216 : i32
          %add3A_218 = arith.constant 48 : i32
          %add3A_219 = arith.addi %mul3A_217, %add3A_218 : i32
          %get3A_220 = arith.index_cast %add3A_219 : i32 to index
          %get3A_221 = tpu.vector_load %arg11[%get3A_220] {strides = array<i32>} : memref<5120xi32, #tpu.memory_space<vmem>>, vector<16xi32>,
          %get3A_222 = vector.shape_cast %get3A_221 : vector<16xi32> to vector<16xi32>
          %sub3A_223 = vector.broadcast %select_n3A_135 : i32 to vector<16xi32>
          %sub3A_224 = arith.subi %get3A_222, %sub3A_223 : vector<16xi32>
          %ge3A_225 = arith.constant 1536000 : i32
          %ge3A_226 = vector.broadcast %ge3A_225 : i32 to vector<16xi32>
          %ge3A_227 = arith.cmpi sge, %sub3A_224, %ge3A_226 : vector<16xi32>
          %sub3A_228 = arith.constant 1536000 : i32
          %sub3A_229 = vector.broadcast %sub3A_228 : i32 to vector<16xi32>
          %sub3A_230 = arith.subi %sub3A_224, %sub3A_229 : vector<16xi32>
          %and3A_231 = arith.constant 8191 : i32
          %and3A_232 = vector.broadcast %and3A_231 : i32 to vector<16xi32>
          %and3A_233 = arith.andi %sub3A_224, %and3A_232 : vector<16xi32>
          %add3A_234 = arith.constant 1536000 : i32
          %add3A_235 = vector.broadcast %add3A_234 : i32 to vector<16xi32>
          %add3A_236 = arith.addi %add3A_235, %and3A_233 : vector<16xi32>
          %select_n3A_237 = arith.select %ge3A_227, %sub3A_230, %add3A_236 : vector<16xi1>, vector<16xi32>
          %swap3A_238 = arith.index_cast %add3A_219 : i32 to index
          %swap3A_239 = tpu.vector_load %arg13[%swap3A_238] {strides = array<i32>} : memref<5120xi32, #tpu.memory_space<vmem>>, vector<16xi32>,
          %swap3A_240 = vector.shape_cast %swap3A_239 : vector<16xi32> to vector<16xi32>
          %swap3A_241 = vector.shape_cast %select_n3A_237 : vector<16xi32> to vector<16xi32>
          tpu.vector_store %arg13[%swap3A_238], %swap3A_241 {strides = array<i32>} : memref<5120xi32, #tpu.memory_space<vmem>>, vector<16xi32>,
          %mul3A_242 = arith.constant 256 : i32
          %mul3A_243 = arith.muli %scan3A_142, %mul3A_242 : i32
          %add3A_244 = arith.constant 64 : i32
          %add3A_245 = arith.addi %mul3A_243, %add3A_244 : i32
          %get3A_246 = arith.index_cast %add3A_245 : i32 to index
          %get3A_247 = tpu.vector_load %arg11[%get3A_246] {strides = array<i32>} : memref<5120xi32, #tpu.memory_space<vmem>>, vector<16xi32>,
          %get3A_248 = vector.shape_cast %get3A_247 : vector<16xi32> to vector<16xi32>
          %sub3A_249 = vector.broadcast %select_n3A_135 : i32 to vector<16xi32>
          %sub3A_250 = arith.subi %get3A_248, %sub3A_249 : vector<16xi32>
          %ge3A_251 = arith.constant 1536000 : i32
          %ge3A_252 = vector.broadcast %ge3A_251 : i32 to vector<16xi32>
          %ge3A_253 = arith.cmpi sge, %sub3A_250, %ge3A_252 : vector<16xi32>
          %sub3A_254 = arith.constant 1536000 : i32
          %sub3A_255 = vector.broadcast %sub3A_254 : i32 to vector<16xi32>
          %sub3A_256 = arith.subi %sub3A_250, %sub3A_255 : vector<16xi32>
          %and3A_257 = arith.constant 8191 : i32
          %and3A_258 = vector.broadcast %and3A_257 : i32 to vector<16xi32>
          %and3A_259 = arith.andi %sub3A_250, %and3A_258 : vector<16xi32>
          %add3A_260 = arith.constant 1536000 : i32
          %add3A_261 = vector.broadcast %add3A_260 : i32 to vector<16xi32>
          %add3A_262 = arith.addi %add3A_261, %and3A_259 : vector<16xi32>
          %select_n3A_263 = arith.select %ge3A_253, %sub3A_256, %add3A_262 : vector<16xi1>, vector<16xi32>
          %swap3A_264 = arith.index_cast %add3A_245 : i32 to index
          %swap3A_265 = tpu.vector_load %arg13[%swap3A_264] {strides = array<i32>} : memref<5120xi32, #tpu.memory_space<vmem>>, vector<16xi32>,
          %swap3A_266 = vector.shape_cast %swap3A_265 : vector<16xi32> to vector<16xi32>
          %swap3A_267 = vector.shape_cast %select_n3A_263 : vector<16xi32> to vector<16xi32>
          tpu.vector_store %arg13[%swap3A_264], %swap3A_267 {strides = array<i32>} : memref<5120xi32, #tpu.memory_space<vmem>>, vector<16xi32>,
          %mul3A_268 = arith.constant 256 : i32
          %mul3A_269 = arith.muli %scan3A_142, %mul3A_268 : i32
          %add3A_270 = arith.constant 80 : i32
          %add3A_271 = arith.addi %mul3A_269, %add3A_270 : i32
          %get3A_272 = arith.index_cast %add3A_271 : i32 to index
          %get3A_273 = tpu.vector_load %arg11[%get3A_272] {strides = array<i32>} : memref<5120xi32, #tpu.memory_space<vmem>>, vector<16xi32>,
          %get3A_274 = vector.shape_cast %get3A_273 : vector<16xi32> to vector<16xi32>
          %sub3A_275 = vector.broadcast %select_n3A_135 : i32 to vector<16xi32>
          %sub3A_276 = arith.subi %get3A_274, %sub3A_275 : vector<16xi32>
          %ge3A_277 = arith.constant 1536000 : i32
          %ge3A_278 = vector.broadcast %ge3A_277 : i32 to vector<16xi32>
          %ge3A_279 = arith.cmpi sge, %sub3A_276, %ge3A_278 : vector<16xi32>
          %sub3A_280 = arith.constant 1536000 : i32
          %sub3A_281 = vector.broadcast %sub3A_280 : i32 to vector<16xi32>
          %sub3A_282 = arith.subi %sub3A_276, %sub3A_281 : vector<16xi32>
          %and3A_283 = arith.constant 8191 : i32
          %and3A_284 = vector.broadcast %and3A_283 : i32 to vector<16xi32>
          %and3A_285 = arith.andi %sub3A_276, %and3A_284 : vector<16xi32>
          %add3A_286 = arith.constant 1536000 : i32
          %add3A_287 = vector.broadcast %add3A_286 : i32 to vector<16xi32>
          %add3A_288 = arith.addi %add3A_287, %and3A_285 : vector<16xi32>
          %select_n3A_289 = arith.select %ge3A_279, %sub3A_282, %add3A_288 : vector<16xi1>, vector<16xi32>
          %swap3A_290 = arith.index_cast %add3A_271 : i32 to index
          %swap3A_291 = tpu.vector_load %arg13[%swap3A_290] {strides = array<i32>} : memref<5120xi32, #tpu.memory_space<vmem>>, vector<16xi32>,
          %swap3A_292 = vector.shape_cast %swap3A_291 : vector<16xi32> to vector<16xi32>
          %swap3A_293 = vector.shape_cast %select_n3A_289 : vector<16xi32> to vector<16xi32>
          tpu.vector_store %arg13[%swap3A_290], %swap3A_293 {strides = array<i32>} : memref<5120xi32, #tpu.memory_space<vmem>>, vector<16xi32>,
          %mul3A_294 = arith.constant 256 : i32
          %mul3A_295 = arith.muli %scan3A_142, %mul3A_294 : i32
          %add3A_296 = arith.constant 96 : i32
          %add3A_297 = arith.addi %mul3A_295, %add3A_296 : i32
          %get3A_298 = arith.index_cast %add3A_297 : i32 to index
          %get3A_299 = tpu.vector_load %arg11[%get3A_298] {strides = array<i32>} : memref<5120xi32, #tpu.memory_space<vmem>>, vector<16xi32>,
          %get3A_300 = vector.shape_cast %get3A_299 : vector<16xi32> to vector<16xi32>
          %sub3A_301 = vector.broadcast %select_n3A_135 : i32 to vector<16xi32>
          %sub3A_302 = arith.subi %get3A_300, %sub3A_301 : vector<16xi32>
          %ge3A_303 = arith.constant 1536000 : i32
          %ge3A_304 = vector.broadcast %ge3A_303 : i32 to vector<16xi32>
          %ge3A_305 = arith.cmpi sge, %sub3A_302, %ge3A_304 : vector<16xi32>
          %sub3A_306 = arith.constant 1536000 : i32
          %sub3A_307 = vector.broadcast %sub3A_306 : i32 to vector<16xi32>
          %sub3A_308 = arith.subi %sub3A_302, %sub3A_307 : vector<16xi32>
          %and3A_309 = arith.constant 8191 : i32
          %and3A_310 = vector.broadcast %and3A_309 : i32 to vector<16xi32>
          %and3A_311 = arith.andi %sub3A_302, %and3A_310 : vector<16xi32>
          %add3A_312 = arith.constant 1536000 : i32
          %add3A_313 = vector.broadcast %add3A_312 : i32 to vector<16xi32>
          %add3A_314 = arith.addi %add3A_313, %and3A_311 : vector<16xi32>
          %select_n3A_315 = arith.select %ge3A_305, %sub3A_308, %add3A_314 : vector<16xi1>, vector<16xi32>
          %swap3A_316 = arith.index_cast %add3A_297 : i32 to index
          %swap3A_317 = tpu.vector_load %arg13[%swap3A_316] {strides = array<i32>} : memref<5120xi32, #tpu.memory_space<vmem>>, vector<16xi32>,
          %swap3A_318 = vector.shape_cast %swap3A_317 : vector<16xi32> to vector<16xi32>
          %swap3A_319 = vector.shape_cast %select_n3A_315 : vector<16xi32> to vector<16xi32>
          tpu.vector_store %arg13[%swap3A_316], %swap3A_319 {strides = array<i32>} : memref<5120xi32, #tpu.memory_space<vmem>>, vector<16xi32>,
          %mul3A_320 = arith.constant 256 : i32
          %mul3A_321 = arith.muli %scan3A_142, %mul3A_320 : i32
          %add3A_322 = arith.constant 112 : i32
          %add3A_323 = arith.addi %mul3A_321, %add3A_322 : i32
          %get3A_324 = arith.index_cast %add3A_323 : i32 to index
          %get3A_325 = tpu.vector_load %arg11[%get3A_324] {strides = array<i32>} : memref<5120xi32, #tpu.memory_space<vmem>>, vector<16xi32>,
          %get3A_326 = vector.shape_cast %get3A_325 : vector<16xi32> to vector<16xi32>
          %sub3A_327 = vector.broadcast %select_n3A_135 : i32 to vector<16xi32>
          %sub3A_328 = arith.subi %get3A_326, %sub3A_327 : vector<16xi32>
          %ge3A_329 = arith.constant 1536000 : i32
          %ge3A_330 = vector.broadcast %ge3A_329 : i32 to vector<16xi32>
          %ge3A_331 = arith.cmpi sge, %sub3A_328, %ge3A_330 : vector<16xi32>
          %sub3A_332 = arith.constant 1536000 : i32
          %sub3A_333 = vector.broadcast %sub3A_332 : i32 to vector<16xi32>
          %sub3A_334 = arith.subi %sub3A_328, %sub3A_333 : vector<16xi32>
          %and3A_335 = arith.constant 8191 : i32
          %and3A_336 = vector.broadcast %and3A_335 : i32 to vector<16xi32>
          %and3A_337 = arith.andi %sub3A_328, %and3A_336 : vector<16xi32>
          %add3A_338 = arith.constant 1536000 : i32
          %add3A_339 = vector.broadcast %add3A_338 : i32 to vector<16xi32>
          %add3A_340 = arith.addi %add3A_339, %and3A_337 : vector<16xi32>
          %select_n3A_341 = arith.select %ge3A_331, %sub3A_334, %add3A_340 : vector<16xi1>, vector<16xi32>
          %swap3A_342 = arith.index_cast %add3A_323 : i32 to index
          %swap3A_343 = tpu.vector_load %arg13[%swap3A_342] {strides = array<i32>} : memref<5120xi32, #tpu.memory_space<vmem>>, vector<16xi32>,
          %swap3A_344 = vector.shape_cast %swap3A_343 : vector<16xi32> to vector<16xi32>
          %swap3A_345 = vector.shape_cast %select_n3A_341 : vector<16xi32> to vector<16xi32>
          tpu.vector_store %arg13[%swap3A_342], %swap3A_345 {strides = array<i32>} : memref<5120xi32, #tpu.memory_space<vmem>>, vector<16xi32>,
          %mul3A_346 = arith.constant 256 : i32
          %mul3A_347 = arith.muli %scan3A_142, %mul3A_346 : i32
          %add3A_348 = arith.constant 128 : i32
          %add3A_349 = arith.addi %mul3A_347, %add3A_348 : i32
          %get3A_350 = arith.index_cast %add3A_349 : i32 to index
          %get3A_351 = tpu.vector_load %arg11[%get3A_350] {strides = array<i32>} : memref<5120xi32, #tpu.memory_space<vmem>>, vector<16xi32>,
          %get3A_352 = vector.shape_cast %get3A_351 : vector<16xi32> to vector<16xi32>
          %sub3A_353 = vector.broadcast %select_n3A_135 : i32 to vector<16xi32>
          %sub3A_354 = arith.subi %get3A_352, %sub3A_353 : vector<16xi32>
          %ge3A_355 = arith.constant 1536000 : i32
          %ge3A_356 = vector.broadcast %ge3A_355 : i32 to vector<16xi32>
          %ge3A_357 = arith.cmpi sge, %sub3A_354, %ge3A_356 : vector<16xi32>
          %sub3A_358 = arith.constant 1536000 : i32
          %sub3A_359 = vector.broadcast %sub3A_358 : i32 to vector<16xi32>
          %sub3A_360 = arith.subi %sub3A_354, %sub3A_359 : vector<16xi32>
          %and3A_361 = arith.constant 8191 : i32
          %and3A_362 = vector.broadcast %and3A_361 : i32 to vector<16xi32>
          %and3A_363 = arith.andi %sub3A_354, %and3A_362 : vector<16xi32>
          %add3A_364 = arith.constant 1536000 : i32
          %add3A_365 = vector.broadcast %add3A_364 : i32 to vector<16xi32>
          %add3A_366 = arith.addi %add3A_365, %and3A_363 : vector<16xi32>
          %select_n3A_367 = arith.select %ge3A_357, %sub3A_360, %add3A_366 : vector<16xi1>, vector<16xi32>
          %swap3A_368 = arith.index_cast %add3A_349 : i32 to index
          %swap3A_369 = tpu.vector_load %arg13[%swap3A_368] {strides = array<i32>} : memref<5120xi32, #tpu.memory_space<vmem>>, vector<16xi32>,
          %swap3A_370 = vector.shape_cast %swap3A_369 : vector<16xi32> to vector<16xi32>
          %swap3A_371 = vector.shape_cast %select_n3A_367 : vector<16xi32> to vector<16xi32>
          tpu.vector_store %arg13[%swap3A_368], %swap3A_371 {strides = array<i32>} : memref<5120xi32, #tpu.memory_space<vmem>>, vector<16xi32>,
          %mul3A_372 = arith.constant 256 : i32
          %mul3A_373 = arith.muli %scan3A_142, %mul3A_372 : i32
          %add3A_374 = arith.constant 144 : i32
          %add3A_375 = arith.addi %mul3A_373, %add3A_374 : i32
          %get3A_376 = arith.index_cast %add3A_375 : i32 to index
          %get3A_377 = tpu.vector_load %arg11[%get3A_376] {strides = array<i32>} : memref<5120xi32, #tpu.memory_space<vmem>>, vector<16xi32>,
          %get3A_378 = vector.shape_cast %get3A_377 : vector<16xi32> to vector<16xi32>
          %sub3A_379 = vector.broadcast %select_n3A_135 : i32 to vector<16xi32>
          %sub3A_380 = arith.subi %get3A_378, %sub3A_379 : vector<16xi32>
          %ge3A_381 = arith.constant 1536000 : i32
          %ge3A_382 = vector.broadcast %ge3A_381 : i32 to vector<16xi32>
          %ge3A_383 = arith.cmpi sge, %sub3A_380, %ge3A_382 : vector<16xi32>
          %sub3A_384 = arith.constant 1536000 : i32
          %sub3A_385 = vector.broadcast %sub3A_384 : i32 to vector<16xi32>
          %sub3A_386 = arith.subi %sub3A_380, %sub3A_385 : vector<16xi32>
          %and3A_387 = arith.constant 8191 : i32
          %and3A_388 = vector.broadcast %and3A_387 : i32 to vector<16xi32>
          %and3A_389 = arith.andi %sub3A_380, %and3A_388 : vector<16xi32>
          %add3A_390 = arith.constant 1536000 : i32
          %add3A_391 = vector.broadcast %add3A_390 : i32 to vector<16xi32>
          %add3A_392 = arith.addi %add3A_391, %and3A_389 : vector<16xi32>
          %select_n3A_393 = arith.select %ge3A_383, %sub3A_386, %add3A_392 : vector<16xi1>, vector<16xi32>
          %swap3A_394 = arith.index_cast %add3A_375 : i32 to index
          %swap3A_395 = tpu.vector_load %arg13[%swap3A_394] {strides = array<i32>} : memref<5120xi32, #tpu.memory_space<vmem>>, vector<16xi32>,
          %swap3A_396 = vector.shape_cast %swap3A_395 : vector<16xi32> to vector<16xi32>
          %swap3A_397 = vector.shape_cast %select_n3A_393 : vector<16xi32> to vector<16xi32>
          tpu.vector_store %arg13[%swap3A_394], %swap3A_397 {strides = array<i32>} : memref<5120xi32, #tpu.memory_space<vmem>>, vector<16xi32>,
          %mul3A_398 = arith.constant 256 : i32
          %mul3A_399 = arith.muli %scan3A_142, %mul3A_398 : i32
          %add3A_400 = arith.constant 160 : i32
          %add3A_401 = arith.addi %mul3A_399, %add3A_400 : i32
          %get3A_402 = arith.index_cast %add3A_401 : i32 to index
          %get3A_403 = tpu.vector_load %arg11[%get3A_402] {strides = array<i32>} : memref<5120xi32, #tpu.memory_space<vmem>>, vector<16xi32>,
          %get3A_404 = vector.shape_cast %get3A_403 : vector<16xi32> to vector<16xi32>
          %sub3A_405 = vector.broadcast %select_n3A_135 : i32 to vector<16xi32>
          %sub3A_406 = arith.subi %get3A_404, %sub3A_405 : vector<16xi32>
          %ge3A_407 = arith.constant 1536000 : i32
          %ge3A_408 = vector.broadcast %ge3A_407 : i32 to vector<16xi32>
          %ge3A_409 = arith.cmpi sge, %sub3A_406, %ge3A_408 : vector<16xi32>
          %sub3A_410 = arith.constant 1536000 : i32
          %sub3A_411 = vector.broadcast %sub3A_410 : i32 to vector<16xi32>
          %sub3A_412 = arith.subi %sub3A_406, %sub3A_411 : vector<16xi32>
          %and3A_413 = arith.constant 8191 : i32
          %and3A_414 = vector.broadcast %and3A_413 : i32 to vector<16xi32>
          %and3A_415 = arith.andi %sub3A_406, %and3A_414 : vector<16xi32>
          %add3A_416 = arith.constant 1536000 : i32
          %add3A_417 = vector.broadcast %add3A_416 : i32 to vector<16xi32>
          %add3A_418 = arith.addi %add3A_417, %and3A_415 : vector<16xi32>
          %select_n3A_419 = arith.select %ge3A_409, %sub3A_412, %add3A_418 : vector<16xi1>, vector<16xi32>
          %swap3A_420 = arith.index_cast %add3A_401 : i32 to index
          %swap3A_421 = tpu.vector_load %arg13[%swap3A_420] {strides = array<i32>} : memref<5120xi32, #tpu.memory_space<vmem>>, vector<16xi32>,
          %swap3A_422 = vector.shape_cast %swap3A_421 : vector<16xi32> to vector<16xi32>
          %swap3A_423 = vector.shape_cast %select_n3A_419 : vector<16xi32> to vector<16xi32>
          tpu.vector_store %arg13[%swap3A_420], %swap3A_423 {strides = array<i32>} : memref<5120xi32, #tpu.memory_space<vmem>>, vector<16xi32>,
          %mul3A_424 = arith.constant 256 : i32
          %mul3A_425 = arith.muli %scan3A_142, %mul3A_424 : i32
          %add3A_426 = arith.constant 176 : i32
          %add3A_427 = arith.addi %mul3A_425, %add3A_426 : i32
          %get3A_428 = arith.index_cast %add3A_427 : i32 to index
          %get3A_429 = tpu.vector_load %arg11[%get3A_428] {strides = array<i32>} : memref<5120xi32, #tpu.memory_space<vmem>>, vector<16xi32>,
          %get3A_430 = vector.shape_cast %get3A_429 : vector<16xi32> to vector<16xi32>
          %sub3A_431 = vector.broadcast %select_n3A_135 : i32 to vector<16xi32>
          %sub3A_432 = arith.subi %get3A_430, %sub3A_431 : vector<16xi32>
          %ge3A_433 = arith.constant 1536000 : i32
          %ge3A_434 = vector.broadcast %ge3A_433 : i32 to vector<16xi32>
          %ge3A_435 = arith.cmpi sge, %sub3A_432, %ge3A_434 : vector<16xi32>
          %sub3A_436 = arith.constant 1536000 : i32
          %sub3A_437 = vector.broadcast %sub3A_436 : i32 to vector<16xi32>
          %sub3A_438 = arith.subi %sub3A_432, %sub3A_437 : vector<16xi32>
          %and3A_439 = arith.constant 8191 : i32
          %and3A_440 = vector.broadcast %and3A_439 : i32 to vector<16xi32>
          %and3A_441 = arith.andi %sub3A_432, %and3A_440 : vector<16xi32>
          %add3A_442 = arith.constant 1536000 : i32
          %add3A_443 = vector.broadcast %add3A_442 : i32 to vector<16xi32>
          %add3A_444 = arith.addi %add3A_443, %and3A_441 : vector<16xi32>
          %select_n3A_445 = arith.select %ge3A_435, %sub3A_438, %add3A_444 : vector<16xi1>, vector<16xi32>
          %swap3A_446 = arith.index_cast %add3A_427 : i32 to index
          %swap3A_447 = tpu.vector_load %arg13[%swap3A_446] {strides = array<i32>} : memref<5120xi32, #tpu.memory_space<vmem>>, vector<16xi32>,
          %swap3A_448 = vector.shape_cast %swap3A_447 : vector<16xi32> to vector<16xi32>
          %swap3A_449 = vector.shape_cast %select_n3A_445 : vector<16xi32> to vector<16xi32>
          tpu.vector_store %arg13[%swap3A_446], %swap3A_449 {strides = array<i32>} : memref<5120xi32, #tpu.memory_space<vmem>>, vector<16xi32>,
          %mul3A_450 = arith.constant 256 : i32
          %mul3A_451 = arith.muli %scan3A_142, %mul3A_450 : i32
          %add3A_452 = arith.constant 192 : i32
          %add3A_453 = arith.addi %mul3A_451, %add3A_452 : i32
          %get3A_454 = arith.index_cast %add3A_453 : i32 to index
          %get3A_455 = tpu.vector_load %arg11[%get3A_454] {strides = array<i32>} : memref<5120xi32, #tpu.memory_space<vmem>>, vector<16xi32>,
          %get3A_456 = vector.shape_cast %get3A_455 : vector<16xi32> to vector<16xi32>
          %sub3A_457 = vector.broadcast %select_n3A_135 : i32 to vector<16xi32>
          %sub3A_458 = arith.subi %get3A_456, %sub3A_457 : vector<16xi32>
          %ge3A_459 = arith.constant 1536000 : i32
          %ge3A_460 = vector.broadcast %ge3A_459 : i32 to vector<16xi32>
          %ge3A_461 = arith.cmpi sge, %sub3A_458, %ge3A_460 : vector<16xi32>
          %sub3A_462 = arith.constant 1536000 : i32
          %sub3A_463 = vector.broadcast %sub3A_462 : i32 to vector<16xi32>
          %sub3A_464 = arith.subi %sub3A_458, %sub3A_463 : vector<16xi32>
          %and3A_465 = arith.constant 8191 : i32
          %and3A_466 = vector.broadcast %and3A_465 : i32 to vector<16xi32>
          %and3A_467 = arith.andi %sub3A_458, %and3A_466 : vector<16xi32>
          %add3A_468 = arith.constant 1536000 : i32
          %add3A_469 = vector.broadcast %add3A_468 : i32 to vector<16xi32>
          %add3A_470 = arith.addi %add3A_469, %and3A_467 : vector<16xi32>
          %select_n3A_471 = arith.select %ge3A_461, %sub3A_464, %add3A_470 : vector<16xi1>, vector<16xi32>
          %swap3A_472 = arith.index_cast %add3A_453 : i32 to index
          %swap3A_473 = tpu.vector_load %arg13[%swap3A_472] {strides = array<i32>} : memref<5120xi32, #tpu.memory_space<vmem>>, vector<16xi32>,
          %swap3A_474 = vector.shape_cast %swap3A_473 : vector<16xi32> to vector<16xi32>
          %swap3A_475 = vector.shape_cast %select_n3A_471 : vector<16xi32> to vector<16xi32>
          tpu.vector_store %arg13[%swap3A_472], %swap3A_475 {strides = array<i32>} : memref<5120xi32, #tpu.memory_space<vmem>>, vector<16xi32>,
          %mul3A_476 = arith.constant 256 : i32
          %mul3A_477 = arith.muli %scan3A_142, %mul3A_476 : i32
          %add3A_478 = arith.constant 208 : i32
          %add3A_479 = arith.addi %mul3A_477, %add3A_478 : i32
          %get3A_480 = arith.index_cast %add3A_479 : i32 to index
          %get3A_481 = tpu.vector_load %arg11[%get3A_480] {strides = array<i32>} : memref<5120xi32, #tpu.memory_space<vmem>>, vector<16xi32>,
          %get3A_482 = vector.shape_cast %get3A_481 : vector<16xi32> to vector<16xi32>
          %sub3A_483 = vector.broadcast %select_n3A_135 : i32 to vector<16xi32>
          %sub3A_484 = arith.subi %get3A_482, %sub3A_483 : vector<16xi32>
          %ge3A_485 = arith.constant 1536000 : i32
          %ge3A_486 = vector.broadcast %ge3A_485 : i32 to vector<16xi32>
          %ge3A_487 = arith.cmpi sge, %sub3A_484, %ge3A_486 : vector<16xi32>
          %sub3A_488 = arith.constant 1536000 : i32
          %sub3A_489 = vector.broadcast %sub3A_488 : i32 to vector<16xi32>
          %sub3A_490 = arith.subi %sub3A_484, %sub3A_489 : vector<16xi32>
          %and3A_491 = arith.constant 8191 : i32
          %and3A_492 = vector.broadcast %and3A_491 : i32 to vector<16xi32>
          %and3A_493 = arith.andi %sub3A_484, %and3A_492 : vector<16xi32>
          %add3A_494 = arith.constant 1536000 : i32
          %add3A_495 = vector.broadcast %add3A_494 : i32 to vector<16xi32>
          %add3A_496 = arith.addi %add3A_495, %and3A_493 : vector<16xi32>
          %select_n3A_497 = arith.select %ge3A_487, %sub3A_490, %add3A_496 : vector<16xi1>, vector<16xi32>
          %swap3A_498 = arith.index_cast %add3A_479 : i32 to index
          %swap3A_499 = tpu.vector_load %arg13[%swap3A_498] {strides = array<i32>} : memref<5120xi32, #tpu.memory_space<vmem>>, vector<16xi32>,
          %swap3A_500 = vector.shape_cast %swap3A_499 : vector<16xi32> to vector<16xi32>
          %swap3A_501 = vector.shape_cast %select_n3A_497 : vector<16xi32> to vector<16xi32>
          tpu.vector_store %arg13[%swap3A_498], %swap3A_501 {strides = array<i32>} : memref<5120xi32, #tpu.memory_space<vmem>>, vector<16xi32>,
          %mul3A_502 = arith.constant 256 : i32
          %mul3A_503 = arith.muli %scan3A_142, %mul3A_502 : i32
          %add3A_504 = arith.constant 224 : i32
          %add3A_505 = arith.addi %mul3A_503, %add3A_504 : i32
          %get3A_506 = arith.index_cast %add3A_505 : i32 to index
          %get3A_507 = tpu.vector_load %arg11[%get3A_506] {strides = array<i32>} : memref<5120xi32, #tpu.memory_space<vmem>>, vector<16xi32>,
          %get3A_508 = vector.shape_cast %get3A_507 : vector<16xi32> to vector<16xi32>
          %sub3A_509 = vector.broadcast %select_n3A_135 : i32 to vector<16xi32>
          %sub3A_510 = arith.subi %get3A_508, %sub3A_509 : vector<16xi32>
          %ge3A_511 = arith.constant 1536000 : i32
          %ge3A_512 = vector.broadcast %ge3A_511 : i32 to vector<16xi32>
          %ge3A_513 = arith.cmpi sge, %sub3A_510, %ge3A_512 : vector<16xi32>
          %sub3A_514 = arith.constant 1536000 : i32
          %sub3A_515 = vector.broadcast %sub3A_514 : i32 to vector<16xi32>
          %sub3A_516 = arith.subi %sub3A_510, %sub3A_515 : vector<16xi32>
          %and3A_517 = arith.constant 8191 : i32
          %and3A_518 = vector.broadcast %and3A_517 : i32 to vector<16xi32>
          %and3A_519 = arith.andi %sub3A_510, %and3A_518 : vector<16xi32>
          %add3A_520 = arith.constant 1536000 : i32
          %add3A_521 = vector.broadcast %add3A_520 : i32 to vector<16xi32>
          %add3A_522 = arith.addi %add3A_521, %and3A_519 : vector<16xi32>
          %select_n3A_523 = arith.select %ge3A_513, %sub3A_516, %add3A_522 : vector<16xi1>, vector<16xi32>
          %swap3A_524 = arith.index_cast %add3A_505 : i32 to index
          %swap3A_525 = tpu.vector_load %arg13[%swap3A_524] {strides = array<i32>} : memref<5120xi32, #tpu.memory_space<vmem>>, vector<16xi32>,
          %swap3A_526 = vector.shape_cast %swap3A_525 : vector<16xi32> to vector<16xi32>
          %swap3A_527 = vector.shape_cast %select_n3A_523 : vector<16xi32> to vector<16xi32>
          tpu.vector_store %arg13[%swap3A_524], %swap3A_527 {strides = array<i32>} : memref<5120xi32, #tpu.memory_space<vmem>>, vector<16xi32>,
          %mul3A_528 = arith.constant 256 : i32
          %mul3A_529 = arith.muli %scan3A_142, %mul3A_528 : i32
          %add3A_530 = arith.constant 240 : i32
          %add3A_531 = arith.addi %mul3A_529, %add3A_530 : i32
          %get3A_532 = arith.index_cast %add3A_531 : i32 to index
          %get3A_533 = tpu.vector_load %arg11[%get3A_532] {strides = array<i32>} : memref<5120xi32, #tpu.memory_space<vmem>>, vector<16xi32>,
          %get3A_534 = vector.shape_cast %get3A_533 : vector<16xi32> to vector<16xi32>
          %sub3A_535 = vector.broadcast %select_n3A_135 : i32 to vector<16xi32>
          %sub3A_536 = arith.subi %get3A_534, %sub3A_535 : vector<16xi32>
          %ge3A_537 = arith.constant 1536000 : i32
          %ge3A_538 = vector.broadcast %ge3A_537 : i32 to vector<16xi32>
          %ge3A_539 = arith.cmpi sge, %sub3A_536, %ge3A_538 : vector<16xi32>
          %sub3A_540 = arith.constant 1536000 : i32
          %sub3A_541 = vector.broadcast %sub3A_540 : i32 to vector<16xi32>
          %sub3A_542 = arith.subi %sub3A_536, %sub3A_541 : vector<16xi32>
          %and3A_543 = arith.constant 8191 : i32
          %and3A_544 = vector.broadcast %and3A_543 : i32 to vector<16xi32>
          %and3A_545 = arith.andi %sub3A_536, %and3A_544 : vector<16xi32>
          %add3A_546 = arith.constant 1536000 : i32
          %add3A_547 = vector.broadcast %add3A_546 : i32 to vector<16xi32>
          %add3A_548 = arith.addi %add3A_547, %and3A_545 : vector<16xi32>
          %select_n3A_549 = arith.select %ge3A_539, %sub3A_542, %add3A_548 : vector<16xi1>, vector<16xi32>
          %swap3A_550 = arith.index_cast %add3A_531 : i32 to index
          %swap3A_551 = tpu.vector_load %arg13[%swap3A_550] {strides = array<i32>} : memref<5120xi32, #tpu.memory_space<vmem>>, vector<16xi32>,
          %swap3A_552 = vector.shape_cast %swap3A_551 : vector<16xi32> to vector<16xi32>
          %swap3A_553 = vector.shape_cast %select_n3A_549 : vector<16xi32> to vector<16xi32>
          tpu.vector_store %arg13[%swap3A_550], %swap3A_553 {strides = array<i32>} : memref<5120xi32, #tpu.memory_space<vmem>>, vector<16xi32>,
        }
        %scan3A_141 = arith.constant 20 : i32
        "tpu.region"() ({
          %run_scoped3A = tpu.sem_alloc : memref<!tpu.dma_semaphore, #tpu.memory_space<semaphore_mem>>
          %dma_start3A_142 = arith.constant 0 : i32
          %dma_start3A_143 = tpu.memref_slice %arg8[%dma_start3A_142] : memref<1544192xf32, #tpu.memory_space<vmem_shared>> -> memref<1544192xf32, #tpu.memory_space<vmem_shared>>
          tpu.enqueue_indirect_dma source(%arg12 : memref<5120xf32, #tpu.memory_space<vmem>>) target(%dma_start3A_143 : memref<1544192xf32, #tpu.memory_space<vmem_shared>>) offsets(%arg13 : memref<5120xi32, #tpu.memory_space<vmem>>) semaphore(%run_scoped3A : memref<!tpu.dma_semaphore, #tpu.memory_space<semaphore_mem>>) {add = true}
          %dma_wait3A_144 = arith.constant 0 : i32
          %dma_wait3A_145 = tpu.memref_slice %arg8[%dma_wait3A_144] : memref<1544192xf32, #tpu.memory_space<vmem_shared>> -> memref<1544192xf32, #tpu.memory_space<vmem_shared>>
          tpu.wait_indirect_dma semaphore(%run_scoped3A : memref<!tpu.dma_semaphore, #tpu.memory_space<semaphore_mem>>) src(%arg12 : memref<5120xf32, #tpu.memory_space<vmem>>) dst(%dma_wait3A_145 : memref<1544192xf32, #tpu.memory_space<vmem_shared>>)
          tpu.yield
        }) : () -> ()
      }
      %scan3A_73 = arith.constant 20 : i32
    } else {
    }
    %barrier3A_41 = arith.constant 0 : index
    tpu.barrier barrier_id(%barrier3A_41)
    %mul3A_42 = arith.constant 750 : i32
    %mul3A_43 = arith.muli %arg1, %mul3A_42 : i32
    %add3A_44 = arith.constant 12000 : i32
    %add3A_45 = arith.addi %add3A_44, %mul3A_43 : i32
    %scan3A_46 = arith.constant 0 : i32
    %scan3A_47 = arith.constant 0 : i32
    %scan3A_48 = arith.constant 750 : i32
    %scan3A_49 = arith.addi %scan3A_47, %scan3A_48 : i32
    %scan3A_50 = arith.constant 1 : i32
    scf.for %scan3A_58 = %scan3A_47 to %scan3A_49 step %scan3A_50  : i32 {
      %mul3A_59 = arith.constant 96000 : i32
      %mul3A_60 = arith.muli %arg1, %mul3A_59 : i32
      %mul3A_61 = arith.constant 128 : i32
      %mul3A_62 = arith.muli %scan3A_58, %mul3A_61 : i32
      %add3A_63 = arith.addi %mul3A_60, %mul3A_62 : i32
      %add3A_64 = arith.addi %add3A_45, %scan3A_58 : i32
      %dma_start3A = arith.constant 0 : i32
      %dma_start3A_65 = tpu.memref_slice %arg7[%add3A_64, %arg0, %dma_start3A] : memref<24000x2x128xf32, #tpu.memory_space<hbm>> -> memref<1x1x128xf32, #tpu.memory_space<hbm>>
      %dma_start3A_66 = tpu.memref_squeeze %dma_start3A_65 : memref<1x1x128xf32, #tpu.memory_space<hbm>> -> memref<128xf32, #tpu.memory_space<hbm>>
      %dma_start3A_67 = tpu.memref_slice %arg8[%add3A_63] : memref<1544192xf32, #tpu.memory_space<vmem_shared>> -> memref<128xf32, #tpu.memory_space<vmem_shared>>
      tpu.enqueue_dma source(%dma_start3A_67 : memref<128xf32, #tpu.memory_space<vmem_shared>>) target(%dma_start3A_66 : memref<128xf32, #tpu.memory_space<hbm>>) target_semaphore(%arg14 : memref<!tpu.dma_semaphore, #tpu.memory_space<semaphore_mem>>)
    }
    %scan3A_51 = arith.constant 750 : i32
    %mul3A_52 = arith.constant 96000 : i32
    %mul3A_53 = arith.muli %arg1, %mul3A_52 : i32
    %dma_wait3A_54 = tpu.memref_slice %arg8[%mul3A_53] : memref<1544192xf32, #tpu.memory_space<vmem_shared>> -> memref<96000xf32, #tpu.memory_space<vmem_shared>>
    %dma_wait3A_55 = arith.constant 0 : i32
    %dma_wait3A_56 = tpu.memref_slice %arg4[%dma_wait3A_55] : memref<3200000xf32, #tpu.memory_space<hbm>> -> memref<96000xf32, #tpu.memory_space<hbm>>
    tpu.wait_dma2 semaphore(%arg14 : memref<!tpu.dma_semaphore, #tpu.memory_space<semaphore_mem>>) src(%dma_wait3A_56 : memref<96000xf32, #tpu.memory_space<hbm>>) dst(%dma_wait3A_54 : memref<96000xf32, #tpu.memory_space<vmem_shared>>)
    %barrier3A_57 = arith.constant 0 : index
    tpu.barrier barrier_id(%barrier3A_57)
    return
  }
}

module attributes {stable_mosaic.version = 14 : i64} {
  func.func @_data_body(%arg0: i32, %arg1: memref<5x1xf32, #tpu.memory_space<vmem>>, %arg2: memref<5x64000xf32, #tpu.memory_space<vmem>>, %arg3: memref<1x1x64000xf32, #tpu.memory_space<vmem>>, %arg4: memref<1x1x64000xf32, #tpu.memory_space<vmem>>) attributes {dimension_semantics = [#tpu.dimension_semantics<arbitrary>], iteration_bounds = array<i64: 50>, scalar_prefetch = 0 : i64, scratch_operands = 0 : i64, tpu.core_type = #tpu.core_type<tc>, window_params = [{pipeline_mode = #tpu.pipeline_mode<synchronous>, transform_indices = @transform_0, window_bounds = array<i64: 5, 1>}, {transform_indices = @transform_1, window_bounds = array<i64: 5, 64000>}, {transform_indices = @transform_2, window_bounds = array<i64: 1, 1, 64000>}, {transform_indices = @transform_3, window_bounds = array<i64: 1, 1, 64000>}]} {
    %get3A = arith.constant 0 : index
    %get3A_0 = arith.constant 0 : index
    %get3A_1 = vector.load %arg2[%get3A, %get3A_0] : memref<5x64000xf32, #tpu.memory_space<vmem>>, vector<5x64000xf32>
    %get3A_2 = arith.constant 0 : index
    %get3A_3 = arith.constant 0 : index
    %get3A_4 = vector.load %arg1[%get3A_2, %get3A_3] : memref<5x1xf32, #tpu.memory_space<vmem>>, vector<5x1xf32>
    %mul3A = vector.broadcast %get3A_4 : vector<5x1xf32> to vector<5x64000xf32>
    %mul3A_5 = arith.mulf %get3A_1, %mul3A : vector<5x64000xf32>
    %reduce_sum3A = arith.constant dense<0.000000e+00> : vector<64000xf32>
    %reduce_sum3A_6 = vector.multi_reduction <add>, %mul3A_5, %reduce_sum3A [0] : vector<5x64000xf32> to vector<64000xf32>
    %broadcast_in_dim3A = vector.shape_cast %reduce_sum3A_6 : vector<64000xf32> to vector<1x64000xf32>
    %get3A_7 = arith.constant 0 : index
    %get3A_8 = arith.constant 0 : index
    %get3A_9 = arith.constant 0 : index
    %get3A_10 = vector.load %arg3[%get3A_7, %get3A_8, %get3A_9] : memref<1x1x64000xf32, #tpu.memory_space<vmem>>, vector<1x1x64000xf32>
    %get3A_11 = vector.shape_cast %get3A_10 : vector<1x1x64000xf32> to vector<1x64000xf32>
    %mul3A_12 = arith.mulf %broadcast_in_dim3A, %get3A_11 : vector<1x64000xf32>
    %swap3A = arith.constant 0 : index
    %swap3A_13 = arith.constant 0 : index
    %swap3A_14 = arith.constant 0 : index
    %swap3A_15 = vector.load %arg4[%swap3A, %swap3A_13, %swap3A_14] : memref<1x1x64000xf32, #tpu.memory_space<vmem>>, vector<1x1x64000xf32>
    %swap3A_16 = vector.shape_cast %swap3A_15 : vector<1x1x64000xf32> to vector<1x64000xf32>
    %swap3A_17 = vector.shape_cast %mul3A_12 : vector<1x64000xf32> to vector<1x1x64000xf32>
    tpu.vector_store %arg4[%swap3A, %swap3A_13, %swap3A_14], %swap3A_17 {strides = array<i32>} : memref<1x1x64000xf32, #tpu.memory_space<vmem>>, vector<1x1x64000xf32>,
    return
  }
  func.func @transform_0(%arg0: i32) -> (i32, i32) {
    %c0_i32 = arith.constant 0 : i32
    %c0_i32_0 = arith.constant 0 : i32
    %c0_i32_1 = arith.constant 0 : i32
    return %c0_i32, %c0_i32_0 : i32, i32
  }
  func.func @transform_1(%arg0: i32) -> (i32, i32) {
    %c0_i32 = arith.constant 0 : i32
    %c0_i32_0 = arith.constant 0 : i32
    return %c0_i32, %arg0 : i32, i32
  }
  func.func @transform_2(%arg0: i32) -> (i32, i32, i32) {
    %c0_i32 = arith.constant 0 : i32
    %c0_i32_0 = arith.constant 0 : i32
    %c0_i32_1 = arith.constant 0 : i32
    return %arg0, %c0_i32, %c0_i32_0 : i32, i32, i32
  }
  func.func @transform_3(%arg0: i32) -> (i32, i32, i32) {
    %c0_i32 = arith.constant 0 : i32
    %c0_i32_0 = arith.constant 0 : i32
    %c0_i32_1 = arith.constant 0 : i32
    return %arg0, %c0_i32, %c0_i32_0 : i32, i32, i32
  }
}

</mosaic_0001>

<sc_bundles>
// kernel: kernel.4.cloned.1.call-start
scs
__scs_entry_jumppad:
0x0: {  	(pc) =	sbr.rel $0x88, $3  }
0x1: {  	(tag) =	ssettag $0x0;
	lr =	simm.s32 $0x1  }
0x2: {  	[smem:$0x3F9C] =	sst lr;
	_ =	strace $0xD0000000  }
0x3: {  	_ = 	snop  }
0x4: {  	_ = 	snop  }
0x5: {  	_ = 	snop  }
0x6: {  	_ = 	snop  }
0x7: {  	_ = 	snop  }
__scs_overlays_trampoline_lowered:
0x8: {  	[smem:$0x3FAB] =	sst s0  }
0x9: {  	[smem:$0x3FAC] =	sst s1  }
0xa: {  	[smem:$0x3FAD] =	sst s2  }
0xb: {  	[smem:$0x3FAE] =	sst s3  }
0xc: {  	[smem:$0x3FAF] =	sst s4  }
0xd: {  	[smem:$0x3FB0] =	sst s5  }
0xe: {  	[smem:$0x3FB1] =	sst s6  }
0xf: {  	[smem:$0x3FB2] =	sst s7  }
0x10: {  	[smem:$0x3FB3] =	sst s8  }
0x11: {  	[smem:$0x3FB4] =	sst s9;
	s0 =	simm.s32 @!p0 $0x0  }
0x12: {  	s1 =	sld [smem:$0x3F9A];
	s0 =	simm.s32 @p0 $0x1  }
0x13: {  	[smem:$0x3FB5] =	sst s0;
	s0 =	simm.s32 @!p1 $0x0  }
0x14: {  	s2 =	sld [smem:$0x3F99];
	s0 =	simm.s32 @p1 $0x1  }
0x15: {  	[smem:$0x3FB6] =	sst s0;
	s0 =	simm.s32 @!p2 $0x0  }
0x16: {  	s3 =	sld [smem:$0x3FDB];
	s0 =	simm.s32 @p2 $0x1  }
0x17: {  	s4 =	simm.s32 $0x1BF5;
	[smem:$0x3FB8] =	sst s0  }
0x18: {  	s0 =	sld [smem:$0x3F9B];
	_ =	swait.ge [sflag:s4], $0x0  }
0x19: {  	s7 =	sld [smem:$0x3F9C]  }
0x1a: {  	s8 =	sadd.s32 $0xFFFFE003, lr  }
0x1b: {  	s9 =	sadd.s32 $0xFFFFFEF7, lr;
	s5 =	simm.s32 $0xFFFFFFFF;
	p2 =	slt.u32 s8, $0xFFFFF086  }
0x1c: {  	p1 =	slt.u32 s9, $0xF7A;
	s5 =	simm.s32 @!p2 $0x0  }
0x1d: {  	s5 =	simm.s32 @p1 $0x1;
	p0 =	seq.s32 s7, s2  }
0x1e: {  	s7 =	smul.u32 @!p0 $0xF7A, s2;
	p2 =	seq.s32 @!p0 s5, $0x0  }
0x1f: {  	s9 =	smul.u32 $0xF7A, s1;
	s8 =	simm.s32 @!p0 $0x1BF5;
	p2 =	por !p2, p0  }
0x20: {  	[sflag:s8] =	ssyncset.s32 @!p0 $0xFFFFF086;
	s6 =	sadd.s32 @!p0 s3, s7;
	s7 =	simm.s32 @!p0 $0x108  }
0x21: {  	s3 =	sadd.s32 s3, s9;
	s6 =	sadd.s32 @!p0 $0x88, s6;
	s7 =	simm.s32 @p2 $0x1082  }
0x22: {  	[simem:s7], [sflag:s8] =	dma.local @!p0 [hbm:s6], $0xF7A  }
0x23: {  	s9 =	sor.u32 $0xD0000000, s2;
	s6 =	simm.s32 $0x108;
	_ =	swait.ge @!p0 [sflag:s8], $0x0  }
0x24: {  	s3 =	sadd.s32 $0x88, s3;
	s6 =	simm.s32 @!p1 $0x1082;
	[sflag:s4] =	ssyncset.s32 $0xFFFFF086  }
0x25: {  	[simem:s6], [sflag:s4] =	dma.local [hbm:s3], $0xF7A  }
0x26: {  	[smem:$0x3F9C] =	sst s1;
	(tag) =	ssettag s2;
	_ =	strace s9  }
0x27: {  	s1 =	sld [smem:$0x3FAC]  }
0x28: {  	s2 =	sld [smem:$0x3FAD]  }
0x29: {  	s4 =	sld [smem:$0x3FAF]  }
0x2a: {  	p0 =	seq.s32 s5, $0x0;
	s5 =	sld [smem:$0x3FB0]  }
0x2b: {  	s6 =	sld [smem:$0x3FB1]  }
0x2c: {  	s7 =	sld [smem:$0x3FB2]  }
0x2d: {  	s3 =	simm.s32 $0x108;
	s8 =	sld [smem:$0x3FB3]  }
0x2e: {  	s3 =	simm.s32 @!p0 $0x1082;
	s9 =	sld [smem:$0x3FB4]  }
0x2f: {  	lr =	sadd.s32 s0, s3;
	s0 =	sld [smem:$0x3FAB]  }
0x30: {  	s3 =	sld [smem:$0x3FAE]  }
0x31: {  	[smem:$0x3FB7] =	sst s10  }
0x32: {  	s10 =	sld [smem:$0x3FB5];
	_ =	sdelay $0x3  }
0x33: {  	p0 =	seq.s32 s10, $0x1;
	s10 =	sld [smem:$0x3FB7];
	_ =	sdelay $0x3  }
0x34: {  	[smem:$0x3FB7] =	sst s10  }
0x35: {  	s10 =	sld [smem:$0x3FB6];
	_ =	sdelay $0x3  }
0x36: {  	p1 =	seq.s32 s10, $0x1;
	s10 =	sld [smem:$0x3FB7];
	_ =	sdelay $0x3  }
0x37: {  	[smem:$0x3FB7] =	sst s10  }
0x38: {  	s10 =	sld [smem:$0x3FB8]  }
0x39: {  	_ = 	snop;
	(pc) =	sbr.ind lr, $3  }
0x3a: {  	_ = 	snop  }
0x3b: {  	_ = 	snop  }
0x3c: {  	p2 =	seq.s32 s10, $0x1;
	s10 =	sld [smem:$0x3FB7]  }
0x3d: {  	_ =	shalt  }
0x3e: {  	_ =	shalt  }
0x3f: {  	_ =	shalt  }
0x40: {  	_ =	shalt  }
0x41: {  	_ =	shalt  }
0x42: {  	_ =	shalt  }
0x43: {  	_ =	shalt  }
0x44: {  	_ =	shalt  }
0x45: {  	_ =	shalt  }
0x46: {  	_ =	shalt  }
0x47: {  	_ =	shalt  }
0x48: {  	_ =	shalt  }
0x49: {  	_ =	shalt  }
0x4a: {  	_ =	shalt  }
0x4b: {  	_ =	shalt  }
0x4c: {  	_ =	shalt  }
0x4d: {  	_ =	shalt  }
0x4e: {  	_ =	shalt  }
0x4f: {  	_ =	shalt  }
0x50: {  	_ =	shalt  }
0x51: {  	_ =	shalt  }
0x52: {  	_ =	shalt  }
0x53: {  	_ =	shalt  }
0x54: {  	_ =	shalt  }
0x55: {  	_ =	shalt  }
0x56: {  	_ =	shalt  }
0x57: {  	_ =	shalt  }
0x58: {  	_ =	shalt  }
0x59: {  	_ =	shalt  }
0x5a: {  	_ =	shalt  }
0x5b: {  	_ =	shalt  }
0x5c: {  	_ =	shalt  }
0x5d: {  	_ =	shalt  }
0x5e: {  	_ =	shalt  }
0x5f: {  	_ =	shalt  }
0x60: {  	_ =	shalt  }
0x61: {  	_ =	shalt  }
0x62: {  	_ =	shalt  }
0x63: {  	_ =	shalt  }
0x64: {  	_ =	shalt  }
0x65: {  	_ =	shalt  }
0x66: {  	_ =	shalt  }
0x67: {  	_ =	shalt  }
0x68: {  	_ =	shalt  }
0x69: {  	_ =	shalt  }
0x6a: {  	_ =	shalt  }
0x6b: {  	_ =	shalt  }
0x6c: {  	_ =	shalt  }
0x6d: {  	_ =	shalt  }
0x6e: {  	_ =	shalt  }
0x6f: {  	_ =	shalt  }
0x70: {  	_ =	shalt  }
0x71: {  	_ =	shalt  }
0x72: {  	_ =	shalt  }
0x73: {  	_ =	shalt  }
0x74: {  	_ =	shalt  }
0x75: {  	_ =	shalt  }
0x76: {  	_ =	shalt  }
0x77: {  	_ =	shalt  }
0x78: {  	_ =	shalt  }
0x79: {  	_ =	shalt  }
0x7a: {  	_ =	shalt  }
0x7b: {  	_ =	shalt  }
0x7c: {  	_ =	shalt  }
0x7d: {  	_ =	shalt  }
0x7e: {  	_ =	shalt  }
0x7f: {  	_ =	shalt  }
0x80: {  	_ =	shalt  }
0x81: {  	_ =	shalt  }
0x82: {  	_ =	shalt  }
0x83: {  	_ =	shalt  }
0x84: {  	_ =	shalt  }
0x85: {  	_ =	shalt  }
0x86: {  	_ =	shalt  }
0x87: {  	_ =	shalt  }
.Lfunc_end0:
.L_simem_size_0:
called_computation_lowered:
.L_overlay_start_0:
0x88: {  	s2 =	sld [smem:$0x3FD9]  }
0x89: {  	s3 =	sld [smem:$0x3FFE];
	_ =	sdelay $0x1  }
0x8a: {  	s1 =	srdreg.scid  }
0x8b: {  	s0 =	sand.u32 $0x1, s1  }
0x8c: {  	s14 =	sshll.u32 s0, $0xA;
	s2 =	sadd.s32 s3, s2  }
0x8d: {  	s2 =	sadd.s32 s2, s14  }
0x8e: {  	[smem:$0x3FC3] =	sst s2  }
0x8f: {  	_ = 	snop  }
0x90: {  	s2 =	sld [smem:$0x3FD0];
	_ =	sdelay $0x1  }
0x91: {  	s15 =	sld [smem:$0x3FC7]  }
0x92: {  	s5 =	simm.s32 $0xA;
	s6 =	simm.s32 $0x10;
	s4 =	sld [smem:$0x3FC6]  }
0x93: {  	[smem:s6], [sflag:s5] =	dma.local [hbm:s2], $0x1  }
0x94: {  	_ =	swait.eq [sflag:s5], $0x1  }
0x95: {  	s16 =	sld [smem:$0x10];
	[sflag:s5] =	ssyncset.done $0x0  }
0x96: {  	s17 =	sld [smem:$0x11];
	[sflag:s5] =	ssyncadd.s32 $0xFFFFFFFF  }
0x97: {  	s18 =	sld [smem:$0x12];
	(tm) =	ssettm $0x1  }
0x98: {  	s7 =	sld [smem:$0x3FFB];
	_ =	sdelay $0x3  }
0x99: {  	_ =	strace s7  }
0x9a: {  	s7 =	sld [smem:$0x3FFC];
	_ =	sdelay $0x3  }
0x9b: {  	_ =	strace s7  }
0x9c: {  	s7 =	sld [smem:$0x3FFD];
	_ =	sdelay $0x3  }
0x9d: {  	_ =	strace s7  }
0x9e: {  	_ =	strace $0x8FFFFFFF  }
0x9f: {  	s19 =	sld [smem:$0x3FDB];
	_ =	sdelay $0x1  }
0xa0: {  	s8 =	simm.s32 $_scs_section_size  }
0xa1: {  	s9 =	simm.s32 $_size__tile_overlayer_lowered;
	s10 =	simm.s32 $_tile_overlayer_lowered  }
0xa2: {  	s22 =	simm.s32 $0x1BFF;
	s21 =	sshll.u32 s10, $0x1;
	s7 =	sadd.s32 s8, s19  }
0xa3: {  	s11 =	simm.s32 $0x0;
	s20 =	sshll.u32 s9, $0x1;
	s9 =	sadd.s32 s21, s7  }
0xa4: {  	[timem:s11], [sflag:s22] =	dma.local [hbm:s9], s20  }
0xa5: {  	_ =	swait.ge [sflag:s22], s20  }
0xa6: {  	s8 =	ssub.s32 $0x0, s20;
	[sflag:s22] =	ssyncset.done $0x0  }
0xa7: {  	[sflag:s22] =	ssyncadd.s32 s8;
	_ =	sdelay $0x1  }
0xa8: {  	s23 =	simm.s32 $0x1B8B  }
0xa9: {  	_ =	swait.ge [sflag:s23], $0x1  }
0xaa: {  	[sflag:s23] =	ssyncset.done $0x0  }
0xab: {  	s25 =	simm.s32 $0x1B8E;
	s24 =	sld [smem:$0x3FFE];
	[sflag:s23] =	ssyncadd.s32 $0xFFFFFFFF  }
0xac: {  	s26 =	simm.s32 $execute0_lowered;
	[smem:$0x3FD2] =	sst s25  }
0xad: {  	s9 =	sshll.u32 s26, $0x1;
	_ =	strace $0x80000046;
	[dreg:$0x1] =	wrdreg $0xFFFFFFFF  }
0xae: {  	s28 =	simm.s32 $_size_execute0_lowered;
	s7 =	sadd.s32 s7, s9;
	[dreg:$0x0] =	wrdreg $0x0  }
0xaf: {  	s9 =	sshll.u32 s28, $0x1;
	[dreg:$0x2] =	wrdreg s7  }
0xb0: {  	[dreg:$0x3] =	wrdreg s9  }
0xb1: {  	[dreg:$0x4] =	wrdreg $0xC0  }
0xb2: {  	_ =	task [dreg:s11], $0x5FFFF  }
0xb3: {  	[dreg:$0x1] =	wrdreg $0xFFFFFFFF  }
0xb4: {  	[dreg:$0x0] =	wrdreg $0x60  }
0xb5: {  	[dreg:$0x2] =	wrdreg s15  }
0xb6: {  	[dreg:$0x3] =	wrdreg s4  }
0xb7: {  	[dreg:$0x4] =	wrdreg s17  }
0xb8: {  	[dreg:$0x5] =	wrdreg s18  }
0xb9: {  	[dreg:$0x6] =	wrdreg s16  }
0xba: {  	[dreg:$0x7] =	wrdreg s24  }
0xbb: {  	[dreg:$0x8] =	wrdreg $0x0  }
0xbc: {  	[dreg:$0x9] =	wrdreg $0x9  }
0xbd: {  	_ =	task.clear_ibuf [dreg:s11], $0xAFFFF;
	_ =	strace $0x90000046  }
0xbe: {  	s29 =	simm.s32 $0x9;
	_ =	strace $0x80000048  }
0xbf: {  	_ =	swait.ge [sflag:s29], $0x1  }
0xc0: {  	[sflag:s29] =	ssyncadd.s32 $0xFFFFFFFF  }
0xc1: {  	_ =	strace $0x90000048  }
0xc2: {  	_ =	sfence  }
0xc3: {  	s30 =	sld [smem:$0x0];
	_ =	sdelay $0x2  }
0xc4: {  	s31 =	sshll.u32 s1, $0xD;
	s1 =	sshrl.u32 s1, $0x2  }
0xc5: {  	s3 =	sand.u32 $0x4000, s31;
	s1 =	sadd.s32 s1, s30  }
0xc6: {  	s0 =	sor.u32 s3, s0;
	s1 =	sshll.u32 s1, $0x11  }
0xc7: {  	s0 =	sor.u32 s1, s0  }
0xc8: {  	s0 =	sadd.s32 $0x8F2B, s0  }
0xc9: {  	[sflag:s0] =	ssyncadd.remote.s32 $0x1  }
0xca: {  	_ =	sfence.sel $0xFFFF  }
0xcb: {  	[dreg:$0x0] =	wrdreg $0xFFFFFFFF;
	(pc) =	sbr.abs _section_cstart, $3  }
0xcc: {  	[dreg:$0x1] =	wrdreg $0xFFFFFFFF  }
0xcd: {  	_ =	task.clear_ibuf [dreg:s11], $0x2FFFF;
	_ =	strace $0x9FFFFFFF  }
0xce: {  	(tm) =	ssettm $0x7FFFFFFF  }
0xcf: {  	_ =	shalt  }
tec
execute0_lowered:
.L_overlay_start_1:
0x0: {  	(tag) =	ssettag $0x1  }
0x1: {  	s0 =	rddreg [dreg:$0x0]  }
0x2: {  	s1 =	rddreg [dreg:$0x1]  }
0x3: {  	s3 =	rddreg [dreg:$0x2]  }
0x4: {  	s21 =	rddreg [dreg:$0x3]  }
0x5: {  	s5 =	rddreg [dreg:$0x4]  }
0x6: {  	s2 =	rddreg [dreg:$0x5]  }
0x7: {  	s6 =	rddreg [dreg:$0x6];
	s4 =	srdreg.scid  }
0x8: {  	s7 =	simm.s32 $0x0;
	s9 =	stileid.u32;
	s12 =	simm.s32 $0x1  }
0x9: {  	s28 =	simm.s32 $0x2;
	s29 =	simm.s32 $0x80;
	s30 =	simm.s32 $0x100  }
0xa: {  	s31 =	simm.s32 $0x1400;
	s4 =	sand.u32 $0x1, s4;
	s8 =	smul.u32 $0x5DC0, s9  }
0xb: {  	[smem:$0x7FF] =	sst s7;
	p1 =	seq.s32 s9, $0x0;
	s19 =	smul.u32 $0x27, s9  }
0xc: {  	p0 =	sne.s32 s9, $0x0;
	s13 =	smul.u32 $0x5E400, s9;
	s14 =	sshll.u32 s9, $0x6  }
0xd: {  	s9 =	smul.u32 $0x5DC00, s9;
	s15 =	sadd.s32 $0x10, s5;
	s10 =	ssub.s32 $0x2, s4  }
0xe: {  	_ =	strace $0x80000047;
	s12 =	simm.s32 @!p0 $0x0;
	[dreg:$0x8] =	wrdreg s14  }
0xf: {  	s14 =	sor.u32 $0x1C04, s14;
	s25 =	sshll.u32 s4, $0x4;
	s11 =	sshrl.u32 s10, $0x1  }
0x10: {  	s2 =	sadd.s32 s8, s2;
	s8 =	simm.s32 $0x28;
	s20 =	sshrl.u32 s13, $0x2  }
0x11: {  	[dreg:$0x9] =	wrdreg s14;
	s9 =	sshrl.u32 s9, $0x2;
	s11 =	ssub.s32 s10, s11  }
0x12: {  	s8 =	simm.s32 @!p1 $0x27;
	s10 =	sadd.s32 s12, s19;
	s12 =	sadd.s32 s20, s6  }
0x13: {  	s9 =	sadd.s32 s9, s6;
	s2 =	sadd.s32 s25, s2;
	p1 =	sne.s32 s4, $0x0  }
0x14: {  	s25 =	simm.s32 $0x1A100;
	s4 =	simm.s32 $0x3;
	s22 =	smul.u32 $0x280, s10  }
0x15: {  	s11 =	smax.u32 s11, $0x1;
	[dreg:$0xe] =	wrdreg s9;
	s19 =	sadd.s32 $0xA00, s2  }
0x16: {  	s20 =	sadd.s32 $0x5E600, s2;
	s26 =	sshrl.u32 s12, $0x3;
	[dreg:$0xd] =	wrdreg s11  }
0x17: {  	s2 =	simm.s32 $0x1C900;
	[dreg:$0xf] =	wrdreg s26;
	s23 =	sadd.s32 s1, s22  }
0x18: {  	s26 =	simm.s32 $0x1B500;
	s24 =	sadd.s32 s3, s22;
	[dreg:$0xa] =	wrdreg s23  }
0x19: {  	s13 =	sadd.s32 s0, s22;
	s22 =	simm.s32 $0x4;
	[dreg:$0xb] =	wrdreg s24  }
0x1a: {  	[dreg:$0xc] =	wrdreg s13;
	s23 =	simm.s32 $0x17900;
	s24 =	simm.s32 $0x18D00  }
.LBB2_1:
0x1b: {  	s9 =	rddreg [dreg:$0x9]  }
0x1c: {  	s11 =	rddreg [dreg:$0xf]  }
0x1d: {  	[spmem:s11], [sflag:s9] =	dma.local [hbm:s21], $0x2F20  }
.Ltmp0:
0x1e: {  	_ =	swait.ge [sflag:s22], $0x2F20;
	(pc) =	sbr.rel @p1 .LBB2_8-.Ltmp0, $4  }
0x1f: {  	[sflag:s22] =	ssyncset.done $0x0  }
0x20: {  	[sflag:s22] =	ssyncadd.s32 $0xFFFFD0E0  }
0x21: {  	[bflag:$0x0] =	sbarrier.arrive $0xFFFF  }
0x22: {  	s11 =	simm.s32 $0x0  }
0x23: {  	s9 =	rddreg [dreg:$0xc]  }
0x24: {  	[tilespmem:s23], [sflag:$0x2] =	stream.linear.gather [hbm4b:s9+s11], $0x1400, $0x38;
	[tilespmem:$0x1DD00] =	vst v63  }
0x25: {  	s18 =	rddreg [dreg:$0xb];
	s13 =	simm.s32 $0x0  }
0x26: {  	[tilespmem:s24], [sflag:$0x2] =	stream.linear.gather [hbm4b:s18+s11], $0x1400, $0x38;
	[tilespmem:$0x1DD00] =	vst v63  }
.LBB2_3:
0x27: {  	s9 =	sshllo.u32 s13, $0x1  }
0x28: {  	s12 =	sadd.s32 s10, s9  }
0x29: {  	s12 =	smul.u32 $0x28, s12  }
0x2a: {  	p2 =	slt.u32 s9, s8  }
0x2b: {  	s12 =	simm.s32 @!p2 $0x0  }
0x2c: {  	s17 =	sshll.u32 s12, $0x4  }
0x2d: {  	s14 =	sadd.s32 s0, s17  }
0x2e: {  	[tilespmem:s25], [sflag:$0x3] =	stream.linear.gather [hbm4b:s14+s11], $0x1400, $0x38;
	[tilespmem:$0x1DD00] =	vst v63  }
0x2f: {  	s9 =	sadd.s32 s3, s17  }
0x30: {  	[tilespmem:s26], [sflag:$0x3] =	stream.linear.gather [hbm4b:s9+s11], $0x1400, $0x38;
	[tilespmem:$0x1DD00] =	vst v63  }
0x31: {  	s16 =	sshll.u32 s13, $0x1;
	_ =	swait.ge [sflag:s28], $0x1400  }
0x32: {  	s18 =	sadd.s32 s10, s16;
	[sflag:s28] =	ssyncset.done $0x0  }
0x33: {  	s9 =	smul.u32 $0x500, s18;
	[sflag:s28] =	ssyncadd.s32 $0xFFFFEC00  }
0x34: {  	p3 =	slt.u32 s16, s8;
	_ =	swait.ge [sflag:s28], $0x1400  }
0x35: {  	s9 =	simm.s32 @!p3 $0x0;
	[sflag:s28] =	ssyncset.done $0x0  }
0x36: {  	s9 =	sadd.s32 s5, s9;
	[sflag:s28] =	ssyncadd.s32 $0xFFFFEC00  }
0x37: {  	[hbm4b:s9+s29] =	stream.strided.scatter [tilespmem:s23], [sflag:$0x4], $0x1400, s30, s29, $0x38;
	[tilespmem:$0x1DD00] =	vst v63  }
0x38: {  	_ =	swait.ge [sflag:s22], $0x1400  }
0x39: {  	[sflag:s22] =	ssyncset.done $0x0  }
0x3a: {  	s14 =	simm.s32 $0x0;
	[sflag:s22] =	ssyncadd.s32 $0xFFFFEC00  }
0x3b: {  	v1 =	vld [tilespmem:s14+$0x179F0]  }
0x3c: {  	v2 =	vld [tilespmem:s14+$0x17900]  }
0x3d: {  	v3 =	vld [tilespmem:s14+$0x17910]  }
0x3e: {  	v4 =	vld [tilespmem:s14+$0x17920]  }
0x3f: {  	v5 =	vld [tilespmem:s14+$0x17930]  }
0x40: {  	v6 =	vld [tilespmem:s14+$0x17940]  }
0x41: {  	v9 =	vld [tilespmem:s14+$0x17950]  }
0x42: {  	v11 =	vld [tilespmem:s14+$0x17960]  }
0x43: {  	v12 =	vld [tilespmem:s14+$0x17970]  }
0x44: {  	v16 =	vld [tilespmem:s14+$0x17980]  }
0x45: {  	v19 =	vld [tilespmem:s14+$0x17990]  }
0x46: {  	s9 =	simm.s32 $0x0;
	v20 =	vld [tilespmem:s14+$0x179A0]  }
0x47: {  	s9 =	simm.s32 @!p3 $0x1000000;
	v23 =	vld [tilespmem:s14+$0x179B0]  }
0x48: {  	v0 =	vmov s9;
	v24 =	vld [tilespmem:s14+$0x179C0]  }
0x49: {  	v27 =	vld [tilespmem:s14+$0x179D0];
	v7 =	vadd.s32 v0, v1;
	v8 =	vand.u32 $0x1FFF, v1  }
0x4a: {  	v28 =	vld [tilespmem:s14+$0x179E0];
	v1 =	vadd.s32 v0, v2;
	v10 =	vand.u32 $0x1FFF, v2;
	v2 =	vadd.s32 v0, v3  }
0x4b: {  	v14 =	vand.u32 $0x1FFF, v4;
	v15 =	vand.u32 $0x1FFF, v5;
	v17 =	vand.u32 $0x1FFF, v6  }
0x4c: {  	v21 =	vand.u32 $0x1FFF, v9;
	v22 =	vand.u32 $0x1FFF, v11;
	v25 =	vand.u32 $0x1FFF, v12  }
0x4d: {  	v26 =	vand.u32 $0x1FFF, v16;
	v29 =	vand.u32 $0x1FFF, v19;
	v30 =	vand.u32 $0x1FFF, v20  }
0x4e: {  	v31 =	vand.u32 $0x1FFF, v23;
	v32 =	vand.u32 $0x1FFF, v24;
	v33 =	vand.u32 $0x1FFF, v27  }
0x4f: {  	v34 =	vand.u32 $0x1FFF, v28;
	vm0 =	vlt.s32 v7, $0x177000;
	v8 =	vadd.s32 $0x177000, v8  }
0x50: {  	v10 =	vadd.s32 $0x177000, v10;
	vm1 =	vlt.s32 v2, $0x177000;
	v18 =	vadd.s32 $0x177000, v14  }
0x51: {  	v14 =	vadd.s32 v0, v23;
	v23 =	vadd.s32 $0x177000, v29;
	v29 =	vadd.s32 $0x177000, v33  }
0x52: {  	v7 =	vsel vm0, v7, v8;
	v8 =	vand.u32 $0x1FFF, v3;
	v3 =	vadd.s32 v0, v4  }
0x53: {  	vm0 =	vlt.s32 v1, $0x177000;
	v4 =	vadd.s32 v0, v5;
	v5 =	vadd.s32 v0, v6  }
0x54: {  	v6 =	vadd.s32 v0, v9;
	v9 =	vadd.s32 v0, v16;
	v16 =	vadd.s32 v0, v27  }
0x55: {  	vm10 =	vlt.s32 v14, $0x177000;
	v27 =	vadd.s32 $0x177000, v32;
	v13 =	vadd.s32 $0x177000, v8  }
0x56: {  	[tilespmem:s14+$0x1C9F0] =	vst v7;
	v8 =	vadd.s32 v0, v11;
	vm2 =	vlt.s32 v3, $0x177000;
	v7 =	vadd.s32 v0, v12  }
0x57: {  	vm3 =	vlt.s32 v4, $0x177000;
	v11 =	vadd.s32 v0, v19;
	v19 =	vadd.s32 $0x177000, v15  }
0x58: {  	v12 =	vadd.s32 v0, v20;
	vm4 =	vlt.s32 v5, $0x177000;
	v20 =	vadd.s32 $0x177000, v17  }
0x59: {  	v15 =	vadd.s32 v0, v24;
	vm5 =	vlt.s32 v6, $0x177000;
	v24 =	vadd.s32 $0x177000, v21  }
0x5a: {  	v17 =	vadd.s32 v0, v28;
	v28 =	vadd.s32 $0x177000, v22;
	v21 =	vadd.s32 $0x177000, v25  }
0x5b: {  	vm7 =	vlt.s32 v9, $0x177000;
	v22 =	vadd.s32 $0x177000, v26;
	v25 =	vadd.s32 $0x177000, v30  }
0x5c: {  	v26 =	vadd.s32 $0x177000, v31;
	vm13 =	vlt.s32 v16, $0x177000;
	v30 =	vadd.s32 $0x177000, v34  }
0x5d: {  	vm12 =	vlt.s32 v8, $0x177000;
	vm6 =	vlt.s32 v7, $0x177000;
	vm8 =	vlt.s32 v11, $0x177000  }
0x5e: {  	s17 =	simm.s32 $0x100;
	s9 =	simm.s32 $0x800;
	vm9 =	vlt.s32 v12, $0x177000;
	vm11 =	vlt.s32 v15, $0x177000;
	vm14 =	vlt.s32 v17, $0x177000  }
.LBB2_4:
0x5f: {  	p3 =	sne.s32 s9, $0x4C00;
	v31 =	vld [tilespmem:s17+$0x179F0];
	v1 =	vsel vm0, v1, v10;
	v2 =	vsel vm1, v2, v13;
	v3 =	vsel vm2, v3, v18  }
0x60: {  	v10 =	vld [tilespmem:s17+$0x17900];
	[tilespmem:s14+$0x1C900] =	vst v1;
	v1 =	vsel vm3, v4, v19;
	v4 =	vsel vm4, v5, v20;
	v5 =	vsel vm5, v6, v24  }
0x61: {  	v8 =	vsel vm12, v8, v28;
	v7 =	vsel vm6, v7, v21;
	v9 =	vsel vm7, v9, v22;
	v6 =	vld [tilespmem:s17+$0x17910];
	[tilespmem:s14+$0x1C910] =	vst v2  }
0x62: {  	v11 =	vsel vm8, v11, v23;
	v12 =	vsel vm9, v12, v25;
	v14 =	vsel vm10, v14, v26;
	v13 =	vld [tilespmem:s17+$0x17920];
	[tilespmem:s14+$0x1C920] =	vst v3  }
0x63: {  	v15 =	vsel vm11, v15, v27;
	v16 =	vsel vm13, v16, v29;
	v17 =	vsel vm14, v17, v30;
	v18 =	vld [tilespmem:s17+$0x17930];
	[tilespmem:s14+$0x1C930] =	vst v1  }
0x64: {  	v19 =	vld [tilespmem:s17+$0x17940];
	v3 =	vadd.s32 v0, v31;
	v2 =	vand.u32 $0x1FFF, v31;
	[tilespmem:s14+$0x1C940] =	vst v4  }
0x65: {  	v1 =	vadd.s32 v0, v10;
	v20 =	vld [tilespmem:s17+$0x17950];
	vm0 =	vlt.s32 v3, $0x177000;
	v4 =	vadd.s32 $0x177000, v2;
	[tilespmem:s14+$0x1C950] =	vst v5  }
0x66: {  	v5 =	vand.u32 $0x1FFF, v10;
	v2 =	vadd.s32 v0, v6;
	v21 =	vld [tilespmem:s17+$0x17960];
	v4 =	vsel vm0, v3, v4;
	[tilespmem:s14+$0x1C960] =	vst v8  }
0x67: {  	v8 =	vand.u32 $0x1FFF, v6;
	v3 =	vadd.s32 v0, v13;
	v22 =	vand.u32 $0x1FFF, v13;
	v23 =	vld [tilespmem:s17+$0x17970];
	[tilespmem:s17+$0x1C9F0] =	vst v4  }
0x68: {  	vm0 =	vlt.s32 v1, $0x177000;
	v4 =	vadd.s32 v0, v18;
	v24 =	vand.u32 $0x1FFF, v18;
	v25 =	vld [tilespmem:s17+$0x17980];
	[tilespmem:s14+$0x1C970] =	vst v7  }
0x69: {  	v10 =	vadd.s32 $0x177000, v5;
	v5 =	vadd.s32 v0, v19;
	v26 =	vand.u32 $0x1FFF, v19;
	v19 =	vld [tilespmem:s17+$0x17990];
	[tilespmem:s14+$0x1C980] =	vst v9  }
0x6a: {  	vm1 =	vlt.s32 v2, $0x177000;
	v6 =	vadd.s32 v0, v20;
	v27 =	vand.u32 $0x1FFF, v20;
	v20 =	vld [tilespmem:s17+$0x179A0];
	[tilespmem:s14+$0x1C990] =	vst v11  }
0x6b: {  	v13 =	vadd.s32 $0x177000, v8;
	v8 =	vadd.s32 v0, v21;
	v21 =	vand.u32 $0x1FFF, v21;
	v28 =	vld [tilespmem:s17+$0x179B0];
	[tilespmem:s14+$0x1C9A0] =	vst v12  }
0x6c: {  	vm2 =	vlt.s32 v3, $0x177000;
	v7 =	vadd.s32 v0, v23;
	v23 =	vand.u32 $0x1FFF, v23;
	v29 =	vld [tilespmem:s17+$0x179C0];
	[tilespmem:s14+$0x1C9B0] =	vst v14  }
0x6d: {  	v18 =	vadd.s32 $0x177000, v22;
	v9 =	vadd.s32 v0, v25;
	v22 =	vand.u32 $0x1FFF, v25;
	v25 =	vld [tilespmem:s17+$0x179D0];
	[tilespmem:s14+$0x1C9C0] =	vst v15  }
0x6e: {  	vm3 =	vlt.s32 v4, $0x177000;
	v11 =	vadd.s32 v0, v19;
	v30 =	vand.u32 $0x1FFF, v19;
	v31 =	vld [tilespmem:s17+$0x179E0];
	[tilespmem:s14+$0x1C9D0] =	vst v16  }
0x6f: {  	v19 =	vadd.s32 $0x177000, v24;
	v12 =	vadd.s32 v0, v20;
	v32 =	vand.u32 $0x1FFF, v20;
	[tilespmem:s14+$0x1C9E0] =	vst v17;
	s14 =	smov.u32 s17  }
0x70: {  	vm4 =	vlt.s32 v5, $0x177000;
	v14 =	vadd.s32 v0, v28;
	v33 =	vand.u32 $0x1FFF, v28  }
0x71: {  	v20 =	vadd.s32 $0x177000, v26;
	v15 =	vadd.s32 v0, v29;
	v29 =	vand.u32 $0x1FFF, v29  }
0x72: {  	vm5 =	vlt.s32 v6, $0x177000;
	v16 =	vadd.s32 v0, v25;
	v34 =	vand.u32 $0x1FFF, v25  }
0x73: {  	v24 =	vadd.s32 $0x177000, v27;
	v17 =	vadd.s32 v0, v31;
	v31 =	vand.u32 $0x1FFF, v31  }
0x74: {  	vm12 =	vlt.s32 v8, $0x177000;
	vm6 =	vlt.s32 v7, $0x177000;
	v28 =	vadd.s32 $0x177000, v21  }
.Ltmp1:
0x75: {  	vm7 =	vlt.s32 v9, $0x177000;
	v22 =	vadd.s32 $0x177000, v22;
	v21 =	vadd.s32 $0x177000, v23;
	(pc) =	sbr.rel @p3 .LBB2_4-.Ltmp1, $4  }
0x76: {  	vm8 =	vlt.s32 v11, $0x177000;
	v23 =	vadd.s32 $0x177000, v30;
	vm9 =	vlt.s32 v12, $0x177000  }
0x77: {  	vm10 =	vlt.s32 v14, $0x177000;
	v26 =	vadd.s32 $0x177000, v33;
	v25 =	vadd.s32 $0x177000, v32  }
0x78: {  	vm11 =	vlt.s32 v15, $0x177000;
	v27 =	vadd.s32 $0x177000, v29;
	vm13 =	vlt.s32 v16, $0x177000  }
0x79: {  	s17 =	sshra.s32 s9, $0x2;
	s9 =	sadd.s32 $0x400, s9;
	v29 =	vadd.s32 $0x177000, v34;
	vm14 =	vlt.s32 v17, $0x177000;
	v30 =	vadd.s32 $0x177000, v31  }
0x7a: {  	v31 =	vld [tilespmem:s17+$0x179F0];
	v1 =	vsel vm0, v1, v10  }
0x7b: {  	v10 =	vld [tilespmem:s17+$0x17900];
	[tilespmem:s14+$0x1C900] =	vst v1;
	v1 =	vsel vm1, v2, v13  }
0x7c: {  	v2 =	vld [tilespmem:s17+$0x17910];
	[tilespmem:s14+$0x1C910] =	vst v1;
	v1 =	vsel vm2, v3, v18  }
0x7d: {  	v3 =	vld [tilespmem:s17+$0x17920];
	[tilespmem:s14+$0x1C920] =	vst v1;
	v1 =	vsel vm3, v4, v19  }
0x7e: {  	v4 =	vld [tilespmem:s17+$0x17930];
	[tilespmem:s14+$0x1C930] =	vst v1;
	v1 =	vsel vm4, v5, v20  }
0x7f: {  	v9 =	vsel vm7, v9, v22;
	v5 =	vld [tilespmem:s17+$0x17940];
	[tilespmem:s14+$0x1C940] =	vst v1;
	v1 =	vsel vm5, v6, v24  }
0x80: {  	v13 =	vand.u32 $0x1FFF, v31;
	v6 =	vld [tilespmem:s17+$0x17950];
	[tilespmem:s14+$0x1C950] =	vst v1;
	v1 =	vsel vm12, v8, v28;
	v8 =	vadd.s32 v0, v31  }
0x81: {  	v11 =	vsel vm8, v11, v23;
	v13 =	vadd.s32 $0x177000, v13;
	vm0 =	vlt.s32 v8, $0x177000  }
0x82: {  	v12 =	vsel vm9, v12, v25;
	v18 =	vld [tilespmem:s17+$0x17960];
	[tilespmem:s14+$0x1C960] =	vst v1;
	v1 =	vsel vm0, v8, v13;
	v13 =	vsel vm11, v15, v27  }
0x83: {  	v19 =	vadd.s32 v0, v3;
	v3 =	vand.u32 $0x1FFF, v3;
	[tilespmem:s17+$0x1C9F0] =	vst v1;
	v1 =	vsel vm6, v7, v21  }
0x84: {  	v8 =	vld [tilespmem:s17+$0x17970];
	v21 =	vadd.s32 v0, v4;
	v4 =	vand.u32 $0x1FFF, v4;
	vm2 =	vlt.s32 v19, $0x177000  }
0x85: {  	v7 =	vld [tilespmem:s17+$0x17980];
	v3 =	vadd.s32 $0x177000, v3;
	[tilespmem:s14+$0x1C970] =	vst v1;
	v1 =	vsel vm10, v14, v26;
	v14 =	vsel vm13, v16, v29  }
0x86: {  	v16 =	vsel vm14, v17, v30;
	v17 =	vadd.s32 v0, v10;
	v10 =	vand.u32 $0x1FFF, v10  }
0x87: {  	vm3 =	vlt.s32 v21, $0x177000;
	v4 =	vadd.s32 $0x177000, v4;
	v3 =	vsel vm2, v19, v3  }
0x88: {  	v15 =	vld [tilespmem:s17+$0x17990];
	[tilespmem:s14+$0x1C980] =	vst v9;
	v9 =	vadd.s32 v0, v2;
	v2 =	vand.u32 $0x1FFF, v2;
	vm0 =	vlt.s32 v17, $0x177000  }
0x89: {  	v10 =	vadd.s32 $0x177000, v10;
	v23 =	vadd.s32 v0, v6;
	v6 =	vand.u32 $0x1FFF, v6  }
0x8a: {  	v4 =	vsel vm3, v21, v4;
	v20 =	vld [tilespmem:s17+$0x179A0];
	[tilespmem:s14+$0x1C990] =	vst v11;
	v11 =	vadd.s32 v0, v5;
	v5 =	vand.u32 $0x1FFF, v5  }
0x8b: {  	vm1 =	vlt.s32 v9, $0x177000;
	v2 =	vadd.s32 $0x177000, v2;
	v10 =	vsel vm0, v17, v10;
	v22 =	vld [tilespmem:s17+$0x179B0];
	[tilespmem:s14+$0x1C9A0] =	vst v12  }
0x8c: {  	vm0 =	vlt.s32 v23, $0x177000;
	v6 =	vadd.s32 $0x177000, v6;
	v12 =	vadd.s32 v0, v18;
	v24 =	vld [tilespmem:s17+$0x179C0];
	[tilespmem:s14+$0x1C9B0] =	vst v1  }
0x8d: {  	v18 =	vand.u32 $0x1FFF, v18;
	v25 =	vadd.s32 v0, v8;
	vm4 =	vlt.s32 v11, $0x177000;
	v26 =	vld [tilespmem:s17+$0x179D0];
	[tilespmem:s14+$0x1C9C0] =	vst v13  }
0x8e: {  	v5 =	vadd.s32 $0x177000, v5;
	v2 =	vsel vm1, v9, v2;
	v6 =	vsel vm0, v23, v6;
	v27 =	vld [tilespmem:s17+$0x179E0];
	[tilespmem:s14+$0x1C9D0] =	vst v14  }
0x8f: {  	v1 =	vand.u32 $0x1FFF, v8;
	v8 =	vadd.s32 v0, v7;
	v7 =	vand.u32 $0x1FFF, v7;
	[tilespmem:s14+$0x1C9E0] =	vst v16  }
0x90: {  	v5 =	vsel vm4, v11, v5;
	vm1 =	vlt.s32 v12, $0x177000;
	vm0 =	vlt.s32 v25, $0x177000;
	[tilespmem:s17+$0x1C900] =	vst v10  }
0x91: {  	v1 =	vadd.s32 $0x177000, v1;
	v13 =	vadd.s32 v0, v15;
	v15 =	vand.u32 $0x1FFF, v15;
	[tilespmem:s17+$0x1C910] =	vst v2  }
0x92: {  	v1 =	vsel vm0, v25, v1;
	v28 =	vadd.s32 v0, v20;
	v14 =	vand.u32 $0x1FFF, v20;
	[tilespmem:s17+$0x1C930] =	vst v4  }
0x93: {  	v4 =	vadd.s32 $0x177000, v18;
	[tilespmem:s17+$0x1C940] =	vst v5;
	v5 =	vadd.s32 $0x177000, v7;
	vm0 =	vlt.s32 v13, $0x177000  }
0x94: {  	[tilespmem:s17+$0x1C920] =	vst v3;
	v20 =	vadd.s32 v0, v22;
	v16 =	vand.u32 $0x1FFF, v22;
	v4 =	vsel vm1, v12, v4  }
0x95: {  	[tilespmem:s17+$0x1C970] =	vst v1;
	vm1 =	vlt.s32 v8, $0x177000;
	v1 =	vadd.s32 $0x177000, v14;
	v17 =	vadd.s32 v0, v24  }
0x96: {  	v22 =	vand.u32 $0x1FFF, v24;
	[tilespmem:s17+$0x1C960] =	vst v4;
	v4 =	vadd.s32 $0x177000, v15;
	v5 =	vsel vm1, v8, v5  }
0x97: {  	[tilespmem:s17+$0x1C950] =	vst v6;
	vm1 =	vlt.s32 v28, $0x177000;
	v9 =	vadd.s32 v0, v26;
	v2 =	vand.u32 $0x1FFF, v26  }
0x98: {  	v4 =	vsel vm0, v13, v4;
	[tilespmem:s17+$0x1C980] =	vst v5;
	vm0 =	vlt.s32 v20, $0x177000;
	v5 =	vadd.s32 $0x177000, v16  }
0x99: {  	v1 =	vsel vm1, v28, v1;
	vm1 =	vlt.s32 v17, $0x177000;
	v0 =	vadd.s32 v0, v27;
	[tilespmem:s17+$0x1C990] =	vst v4  }
0x9a: {  	v3 =	vand.u32 $0x1FFF, v27;
	v4 =	vadd.s32 $0x177000, v22;
	v5 =	vsel vm0, v20, v5;
	[tilespmem:s17+$0x1C9A0] =	vst v1  }
0x9b: {  	p3 =	seq.s32 s13, $0x13;
	vm0 =	vlt.s32 v9, $0x177000;
	v1 =	vadd.s32 $0x177000, v2;
	v2 =	vsel vm1, v17, v4;
	[tilespmem:s17+$0x1C9B0] =	vst v5  }
0x9c: {  	s9 =	sadd.s32 @!p3 $0x2, s16;
	vm1 =	vlt.s32 v0, $0x177000;
	v3 =	vadd.s32 $0x177000, v3;
	v1 =	vsel vm0, v9, v1;
	[tilespmem:s17+$0x1C9C0] =	vst v2  }
0x9d: {  	s14 =	sadd.s32 @!p3 s10, s9;
	v0 =	vsel vm1, v0, v3;
	[tilespmem:s17+$0x1C9D0] =	vst v1  }
0x9e: {  	p4 =	slt.u32 @!p3 s9, s8;
	s9 =	smul.u32 @!p3 $0x280, s14;
	[tilespmem:s17+$0x1C9E0] =	vst v0  }
0x9f: {  	[spmem:s6] =	stream.indirect.scatter.add.f32 [tilespmem:s24], [sflag:$0x4], $0x1, s2, s31, $0xb8;
	[tilespmem:$0x1DD00] =	vst v63  }
0xa0: {  	p4 =	por !p4, p3;
	_ =	swait.ge [sflag:s22], $0x1400  }
0xa1: {  	s16 =	simm.s32 @!p3 $0x0;
	s9 =	simm.s32 @p4 $0x0;
	[sflag:s22] =	ssyncset.done $0x0  }
0xa2: {  	s14 =	sadd.s32 @!p3 s0, s9;
	s17 =	simm.s32 @!p3 $0x17900;
	[sflag:s22] =	ssyncadd.s32 $0xFFFFEC00  }
0xa3: {  	[tilespmem:s17], [sflag:$0x2] =	stream.linear.gather @!p3 [hbm4b:s14+s16], $0x1400, $0x38;
	[tilespmem:$0x1DD00] =	vst v63  }
0xa4: {  	s9 =	sadd.s32 @!p3 s3, s9;
	s14 =	simm.s32 @!p3 $0x18D00  }
0xa5: {  	[tilespmem:s14], [sflag:$0x2] =	stream.linear.gather @!p3 [hbm4b:s9+s16], $0x1400, $0x38;
	[tilespmem:$0x1DD00] =	vst v63  }
0xa6: {  	_ =	swait.ge [sflag:s4], $0x1400  }
0xa7: {  	[sflag:s4] =	ssyncset.done $0x0  }
0xa8: {  	[sflag:s4] =	ssyncadd.s32 $0xFFFFEC00  }
0xa9: {  	s18 =	sshll.u32 s12, $0x5;
	_ =	swait.ge [sflag:s4], $0x1400  }
0xaa: {  	s9 =	sand.u32 $0x1FFFFF00, s18;
	[sflag:s4] =	ssyncset.done $0x0  }
0xab: {  	s9 =	sadd.s32 s5, s9;
	[sflag:s4] =	ssyncadd.s32 $0xFFFFEC00  }
0xac: {  	[hbm4b:s9+s29] =	stream.strided.scatter [tilespmem:s25], [sflag:$0x4], $0x1400, s30, s29, $0x38;
	[tilespmem:$0x1DD00] =	vst v63  }
0xad: {  	_ =	swait.ge [sflag:s22], $0x1400  }
0xae: {  	[sflag:s22] =	ssyncset.done $0x0  }
0xaf: {  	s12 =	simm.s32 $0x0;
	[sflag:s22] =	ssyncadd.s32 $0xFFFFEC00  }
0xb0: {  	v1 =	vld [tilespmem:s12+$0x1A1F0]  }
0xb1: {  	v2 =	vld [tilespmem:s12+$0x1A100]  }
0xb2: {  	v3 =	vld [tilespmem:s12+$0x1A110]  }
0xb3: {  	v4 =	vld [tilespmem:s12+$0x1A120]  }
0xb4: {  	v5 =	vld [tilespmem:s12+$0x1A130]  }
0xb5: {  	v6 =	vld [tilespmem:s12+$0x1A140]  }
0xb6: {  	v9 =	vld [tilespmem:s12+$0x1A150]  }
0xb7: {  	v11 =	vld [tilespmem:s12+$0x1A160]  }
0xb8: {  	v12 =	vld [tilespmem:s12+$0x1A170]  }
0xb9: {  	v16 =	vld [tilespmem:s12+$0x1A180]  }
0xba: {  	v19 =	vld [tilespmem:s12+$0x1A190]  }
0xbb: {  	s9 =	simm.s32 $0x0;
	v20 =	vld [tilespmem:s12+$0x1A1A0]  }
0xbc: {  	s9 =	simm.s32 @!p2 $0x1000000;
	v23 =	vld [tilespmem:s12+$0x1A1B0]  }
0xbd: {  	v0 =	vmov s9;
	v24 =	vld [tilespmem:s12+$0x1A1C0]  }
0xbe: {  	v27 =	vld [tilespmem:s12+$0x1A1D0];
	v7 =	vadd.s32 v0, v1;
	v8 =	vand.u32 $0x1FFF, v1  }
0xbf: {  	v28 =	vld [tilespmem:s12+$0x1A1E0];
	v1 =	vadd.s32 v0, v2;
	v10 =	vand.u32 $0x1FFF, v2;
	v2 =	vadd.s32 v0, v3  }
0xc0: {  	v14 =	vand.u32 $0x1FFF, v4;
	v15 =	vand.u32 $0x1FFF, v5;
	v17 =	vand.u32 $0x1FFF, v6  }
0xc1: {  	v21 =	vand.u32 $0x1FFF, v9;
	v22 =	vand.u32 $0x1FFF, v11;
	v25 =	vand.u32 $0x1FFF, v12  }
0xc2: {  	v26 =	vand.u32 $0x1FFF, v16;
	v29 =	vand.u32 $0x1FFF, v19;
	v30 =	vand.u32 $0x1FFF, v20  }
0xc3: {  	v31 =	vand.u32 $0x1FFF, v23;
	v32 =	vand.u32 $0x1FFF, v24;
	v33 =	vand.u32 $0x1FFF, v27  }
0xc4: {  	v34 =	vand.u32 $0x1FFF, v28;
	vm0 =	vlt.s32 v7, $0x177000;
	v8 =	vadd.s32 $0x177000, v8  }
0xc5: {  	v10 =	vadd.s32 $0x177000, v10;
	vm1 =	vlt.s32 v2, $0x177000;
	v18 =	vadd.s32 $0x177000, v14  }
0xc6: {  	v14 =	vadd.s32 v0, v23;
	v23 =	vadd.s32 $0x177000, v29;
	v29 =	vadd.s32 $0x177000, v33  }
0xc7: {  	v7 =	vsel vm0, v7, v8;
	v8 =	vand.u32 $0x1FFF, v3;
	v3 =	vadd.s32 v0, v4  }
0xc8: {  	vm0 =	vlt.s32 v1, $0x177000;
	v4 =	vadd.s32 v0, v5;
	v5 =	vadd.s32 v0, v6  }
0xc9: {  	v6 =	vadd.s32 v0, v9;
	v9 =	vadd.s32 v0, v16;
	v16 =	vadd.s32 v0, v27  }
0xca: {  	vm10 =	vlt.s32 v14, $0x177000;
	v27 =	vadd.s32 $0x177000, v32;
	v13 =	vadd.s32 $0x177000, v8  }
0xcb: {  	[tilespmem:s12+$0x1C9F0] =	vst v7;
	v8 =	vadd.s32 v0, v11;
	vm2 =	vlt.s32 v3, $0x177000;
	v7 =	vadd.s32 v0, v12  }
0xcc: {  	vm3 =	vlt.s32 v4, $0x177000;
	v11 =	vadd.s32 v0, v19;
	v19 =	vadd.s32 $0x177000, v15  }
0xcd: {  	v12 =	vadd.s32 v0, v20;
	vm4 =	vlt.s32 v5, $0x177000;
	v20 =	vadd.s32 $0x177000, v17  }
0xce: {  	v15 =	vadd.s32 v0, v24;
	vm5 =	vlt.s32 v6, $0x177000;
	v24 =	vadd.s32 $0x177000, v21  }
0xcf: {  	v17 =	vadd.s32 v0, v28;
	v28 =	vadd.s32 $0x177000, v22;
	v21 =	vadd.s32 $0x177000, v25  }
0xd0: {  	vm7 =	vlt.s32 v9, $0x177000;
	v22 =	vadd.s32 $0x177000, v26;
	v25 =	vadd.s32 $0x177000, v30  }
0xd1: {  	v26 =	vadd.s32 $0x177000, v31;
	vm13 =	vlt.s32 v16, $0x177000;
	v30 =	vadd.s32 $0x177000, v34  }
0xd2: {  	vm12 =	vlt.s32 v8, $0x177000;
	vm6 =	vlt.s32 v7, $0x177000;
	vm8 =	vlt.s32 v11, $0x177000  }
0xd3: {  	s14 =	simm.s32 $0x100;
	s9 =	simm.s32 $0x800;
	vm9 =	vlt.s32 v12, $0x177000;
	vm11 =	vlt.s32 v15, $0x177000;
	vm14 =	vlt.s32 v17, $0x177000  }
.LBB2_6:
0xd4: {  	p2 =	sne.s32 s9, $0x4C00;
	v31 =	vld [tilespmem:s14+$0x1A1F0];
	v1 =	vsel vm0, v1, v10;
	v2 =	vsel vm1, v2, v13;
	v3 =	vsel vm2, v3, v18  }
0xd5: {  	v10 =	vld [tilespmem:s14+$0x1A100];
	[tilespmem:s12+$0x1C900] =	vst v1;
	v1 =	vsel vm3, v4, v19;
	v4 =	vsel vm4, v5, v20;
	v5 =	vsel vm5, v6, v24  }
0xd6: {  	v8 =	vsel vm12, v8, v28;
	v7 =	vsel vm6, v7, v21;
	v9 =	vsel vm7, v9, v22;
	v6 =	vld [tilespmem:s14+$0x1A110];
	[tilespmem:s12+$0x1C910] =	vst v2  }
0xd7: {  	v11 =	vsel vm8, v11, v23;
	v12 =	vsel vm9, v12, v25;
	v14 =	vsel vm10, v14, v26;
	v13 =	vld [tilespmem:s14+$0x1A120];
	[tilespmem:s12+$0x1C920] =	vst v3  }
0xd8: {  	v15 =	vsel vm11, v15, v27;
	v16 =	vsel vm13, v16, v29;
	v17 =	vsel vm14, v17, v30;
	v18 =	vld [tilespmem:s14+$0x1A130];
	[tilespmem:s12+$0x1C930] =	vst v1  }
0xd9: {  	v19 =	vld [tilespmem:s14+$0x1A140];
	v3 =	vadd.s32 v0, v31;
	v2 =	vand.u32 $0x1FFF, v31;
	[tilespmem:s12+$0x1C940] =	vst v4  }
0xda: {  	v1 =	vadd.s32 v0, v10;
	v20 =	vld [tilespmem:s14+$0x1A150];
	vm0 =	vlt.s32 v3, $0x177000;
	v4 =	vadd.s32 $0x177000, v2;
	[tilespmem:s12+$0x1C950] =	vst v5  }
0xdb: {  	v5 =	vand.u32 $0x1FFF, v10;
	v2 =	vadd.s32 v0, v6;
	v21 =	vld [tilespmem:s14+$0x1A160];
	v4 =	vsel vm0, v3, v4;
	[tilespmem:s12+$0x1C960] =	vst v8  }
0xdc: {  	v8 =	vand.u32 $0x1FFF, v6;
	v3 =	vadd.s32 v0, v13;
	v22 =	vand.u32 $0x1FFF, v13;
	v23 =	vld [tilespmem:s14+$0x1A170];
	[tilespmem:s14+$0x1C9F0] =	vst v4  }
0xdd: {  	vm0 =	vlt.s32 v1, $0x177000;
	v4 =	vadd.s32 v0, v18;
	v24 =	vand.u32 $0x1FFF, v18;
	v25 =	vld [tilespmem:s14+$0x1A180];
	[tilespmem:s12+$0x1C970] =	vst v7  }
0xde: {  	v10 =	vadd.s32 $0x177000, v5;
	v5 =	vadd.s32 v0, v19;
	v26 =	vand.u32 $0x1FFF, v19;
	v19 =	vld [tilespmem:s14+$0x1A190];
	[tilespmem:s12+$0x1C980] =	vst v9  }
0xdf: {  	vm1 =	vlt.s32 v2, $0x177000;
	v6 =	vadd.s32 v0, v20;
	v27 =	vand.u32 $0x1FFF, v20;
	v20 =	vld [tilespmem:s14+$0x1A1A0];
	[tilespmem:s12+$0x1C990] =	vst v11  }
0xe0: {  	v13 =	vadd.s32 $0x177000, v8;
	v8 =	vadd.s32 v0, v21;
	v21 =	vand.u32 $0x1FFF, v21;
	v28 =	vld [tilespmem:s14+$0x1A1B0];
	[tilespmem:s12+$0x1C9A0] =	vst v12  }
0xe1: {  	vm2 =	vlt.s32 v3, $0x177000;
	v7 =	vadd.s32 v0, v23;
	v23 =	vand.u32 $0x1FFF, v23;
	v29 =	vld [tilespmem:s14+$0x1A1C0];
	[tilespmem:s12+$0x1C9B0] =	vst v14  }
0xe2: {  	v18 =	vadd.s32 $0x177000, v22;
	v9 =	vadd.s32 v0, v25;
	v22 =	vand.u32 $0x1FFF, v25;
	v25 =	vld [tilespmem:s14+$0x1A1D0];
	[tilespmem:s12+$0x1C9C0] =	vst v15  }
0xe3: {  	vm3 =	vlt.s32 v4, $0x177000;
	v11 =	vadd.s32 v0, v19;
	v30 =	vand.u32 $0x1FFF, v19;
	v31 =	vld [tilespmem:s14+$0x1A1E0];
	[tilespmem:s12+$0x1C9D0] =	vst v16  }
0xe4: {  	v19 =	vadd.s32 $0x177000, v24;
	v12 =	vadd.s32 v0, v20;
	v32 =	vand.u32 $0x1FFF, v20;
	[tilespmem:s12+$0x1C9E0] =	vst v17;
	s12 =	smov.u32 s14  }
0xe5: {  	vm4 =	vlt.s32 v5, $0x177000;
	v14 =	vadd.s32 v0, v28;
	v33 =	vand.u32 $0x1FFF, v28  }
0xe6: {  	v20 =	vadd.s32 $0x177000, v26;
	v15 =	vadd.s32 v0, v29;
	v29 =	vand.u32 $0x1FFF, v29  }
0xe7: {  	vm5 =	vlt.s32 v6, $0x177000;
	v16 =	vadd.s32 v0, v25;
	v34 =	vand.u32 $0x1FFF, v25  }
0xe8: {  	v24 =	vadd.s32 $0x177000, v27;
	v17 =	vadd.s32 v0, v31;
	v31 =	vand.u32 $0x1FFF, v31  }
0xe9: {  	vm12 =	vlt.s32 v8, $0x177000;
	vm6 =	vlt.s32 v7, $0x177000;
	v28 =	vadd.s32 $0x177000, v21  }
.Ltmp2:
0xea: {  	vm7 =	vlt.s32 v9, $0x177000;
	v22 =	vadd.s32 $0x177000, v22;
	v21 =	vadd.s32 $0x177000, v23;
	(pc) =	sbr.rel @p2 .LBB2_6-.Ltmp2, $4  }
0xeb: {  	vm8 =	vlt.s32 v11, $0x177000;
	v23 =	vadd.s32 $0x177000, v30;
	vm9 =	vlt.s32 v12, $0x177000  }
0xec: {  	vm10 =	vlt.s32 v14, $0x177000;
	v26 =	vadd.s32 $0x177000, v33;
	v25 =	vadd.s32 $0x177000, v32  }
0xed: {  	vm11 =	vlt.s32 v15, $0x177000;
	v27 =	vadd.s32 $0x177000, v29;
	vm13 =	vlt.s32 v16, $0x177000  }
0xee: {  	s14 =	sshra.s32 s9, $0x2;
	s9 =	sadd.s32 $0x400, s9;
	v29 =	vadd.s32 $0x177000, v34;
	vm14 =	vlt.s32 v17, $0x177000;
	v30 =	vadd.s32 $0x177000, v31  }
0xef: {  	v31 =	vld [tilespmem:s14+$0x1A1F0];
	v1 =	vsel vm0, v1, v10  }
0xf0: {  	v38 =	vld [tilespmem:s14+$0x1A100];
	v39 =	vsel vm1, v2, v13;
	v41 =	vsel vm2, v3, v18;
	v43 =	vsel vm3, v4, v19  }
0xf1: {  	v45 =	vsel vm4, v5, v20;
	v47 =	vsel vm5, v6, v24;
	v49 =	vsel vm12, v8, v28;
	[tilespmem:s12+$0x1C900] =	vst v1  }
0xf2: {  	v55 =	vsel vm6, v7, v21;
	v9 =	vsel vm7, v9, v22;
	v11 =	vsel vm8, v11, v23;
	v40 =	vld [tilespmem:s14+$0x1A110];
	[tilespmem:s12+$0x1C910] =	vst v39  }
0xf3: {  	v12 =	vsel vm9, v12, v25;
	v57 =	vsel vm10, v14, v26;
	v58 =	vsel vm11, v15, v27;
	v42 =	vld [tilespmem:s14+$0x1A120]  }
0xf4: {  	v59 =	vsel vm13, v16, v29;
	v61 =	vsel vm14, v17, v30;
	[tilespmem:s12+$0x1C920] =	vst v41;
	v50 =	vadd.s32 v0, v31  }
0xf5: {  	v44 =	vld [tilespmem:s14+$0x1A130];
	[tilespmem:s12+$0x1C930] =	vst v43;
	v51 =	vand.u32 $0x1FFF, v31;
	v62 =	vadd.s32 v0, v38;
	v10 =	vand.u32 $0x1FFF, v38  }
0xf6: {  	v46 =	vld [tilespmem:s14+$0x1A140];
	[tilespmem:s12+$0x1C940] =	vst v45;
	vm5 =	vlt.s32 v50, $0x177000;
	v13 =	vadd.s32 $0x177000, v51;
	vm11 =	vlt.s32 v62, $0x177000  }
0xf7: {  	v48 =	vld [tilespmem:s14+$0x1A150];
	[tilespmem:s12+$0x1C950] =	vst v47;
	v10 =	vadd.s32 $0x177000, v10;
	v53 =	vsel vm5, v50, v13;
	v63 =	vadd.s32 v0, v40  }
0xf8: {  	v52 =	vld [tilespmem:s14+$0x1A160];
	[tilespmem:s12+$0x1C960] =	vst v49;
	v2 =	vand.u32 $0x1FFF, v40;
	v10 =	vsel vm11, v62, v10;
	v32 =	vadd.s32 v0, v42  }
0xf9: {  	v54 =	vld [tilespmem:s14+$0x1A170];
	[tilespmem:s14+$0x1C9F0] =	vst v53;
	v3 =	vand.u32 $0x1FFF, v42;
	vm12 =	vlt.s32 v63, $0x177000;
	v2 =	vadd.s32 $0x177000, v2  }
0xfa: {  	v56 =	vld [tilespmem:s14+$0x1A180];
	[tilespmem:s12+$0x1C970] =	vst v55;
	v34 =	vadd.s32 v0, v44;
	v4 =	vand.u32 $0x1FFF, v44;
	vm13 =	vlt.s32 v32, $0x177000  }
0xfb: {  	v3 =	vadd.s32 $0x177000, v3;
	v2 =	vsel vm12, v63, v2;
	v60 =	vld [tilespmem:s14+$0x1A190];
	[tilespmem:s12+$0x1C980] =	vst v9;
	v35 =	vadd.s32 v0, v46  }
0xfc: {  	v5 =	vand.u32 $0x1FFF, v46;
	vm14 =	vlt.s32 v34, $0x177000;
	v4 =	vadd.s32 $0x177000, v4;
	v33 =	vld [tilespmem:s14+$0x1A1A0];
	[tilespmem:s12+$0x1C990] =	vst v11  }
0xfd: {  	v3 =	vsel vm13, v32, v3;
	v37 =	vadd.s32 v0, v48;
	v6 =	vand.u32 $0x1FFF, v48;
	v36 =	vld [tilespmem:s14+$0x1A1B0];
	[tilespmem:s12+$0x1C9A0] =	vst v12  }
0xfe: {  	vm15 =	vlt.s32 v35, $0x177000;
	v5 =	vadd.s32 $0x177000, v5;
	v4 =	vsel vm14, v34, v4;
	v39 =	vld [tilespmem:s14+$0x1A1C0];
	[tilespmem:s12+$0x1C9B0] =	vst v57  }
0xff: {  	v38 =	vadd.s32 v0, v52;
	v18 =	vand.u32 $0x1FFF, v52;
	vm6 =	vlt.s32 v37, $0x177000;
	v43 =	vld [tilespmem:s14+$0x1A1D0];
	[tilespmem:s12+$0x1C9C0] =	vst v58  }
0x100: {  	v6 =	vadd.s32 $0x177000, v6;
	v5 =	vsel vm15, v35, v5;
	v40 =	vadd.s32 v0, v54;
	v45 =	vld [tilespmem:s14+$0x1A1E0];
	[tilespmem:s12+$0x1C9D0] =	vst v59  }
0x101: {  	v41 =	vand.u32 $0x1FFF, v54;
	v42 =	vadd.s32 v0, v56;
	v7 =	vand.u32 $0x1FFF, v56;
	[tilespmem:s12+$0x1C9E0] =	vst v61  }
0x102: {  	vm7 =	vlt.s32 v38, $0x177000;
	v56 =	vadd.s32 $0x177000, v18;
	v6 =	vsel vm6, v37, v6;
	[tilespmem:s14+$0x1C900] =	vst v10  }
0x103: {  	vm8 =	vlt.s32 v40, $0x177000;
	v1 =	vadd.s32 $0x177000, v41;
	vm9 =	vlt.s32 v42, $0x177000;
	[tilespmem:s14+$0x1C910] =	vst v2  }
0x104: {  	v57 =	vadd.s32 $0x177000, v7;
	v44 =	vadd.s32 v0, v60;
	v15 =	vand.u32 $0x1FFF, v60;
	[tilespmem:s14+$0x1C920] =	vst v3  }
0x105: {  	v1 =	vsel vm8, v40, v1;
	v46 =	vadd.s32 v0, v33;
	v47 =	vand.u32 $0x1FFF, v33;
	[tilespmem:s14+$0x1C930] =	vst v4  }
0x106: {  	[tilespmem:s14+$0x1C940] =	vst v5;
	v4 =	vsel vm7, v38, v56;
	vm10 =	vlt.s32 v44, $0x177000;
	v58 =	vadd.s32 $0x177000, v15  }
0x107: {  	[tilespmem:s14+$0x1C950] =	vst v6;
	v5 =	vsel vm9, v42, v57;
	v48 =	vadd.s32 v0, v36;
	v49 =	vand.u32 $0x1FFF, v36  }
0x108: {  	[tilespmem:s14+$0x1C960] =	vst v4;
	vm11 =	vlt.s32 v46, $0x177000;
	v59 =	vadd.s32 $0x177000, v47;
	v4 =	vsel vm10, v44, v58  }
0x109: {  	[tilespmem:s14+$0x1C970] =	vst v1;
	v50 =	vadd.s32 v0, v39;
	v51 =	vand.u32 $0x1FFF, v39;
	vm12 =	vlt.s32 v48, $0x177000  }
0x10a: {  	[tilespmem:s14+$0x1C980] =	vst v5;
	v60 =	vadd.s32 $0x177000, v49;
	v1 =	vsel vm11, v46, v59;
	v52 =	vadd.s32 v0, v43  }
0x10b: {  	[tilespmem:s14+$0x1C990] =	vst v4;
	v53 =	vand.u32 $0x1FFF, v43;
	vm13 =	vlt.s32 v50, $0x177000;
	v61 =	vadd.s32 $0x177000, v51  }
0x10c: {  	v5 =	vsel vm12, v48, v60;
	[tilespmem:s14+$0x1C9A0] =	vst v1;
	v54 =	vadd.s32 v0, v45;
	v55 =	vand.u32 $0x1FFF, v45  }
0x10d: {  	vm14 =	vlt.s32 v52, $0x177000;
	v62 =	vadd.s32 $0x177000, v53;
	v63 =	vsel vm13, v50, v61;
	[tilespmem:s14+$0x1C9B0] =	vst v5  }
0x10e: {  	vm15 =	vlt.s32 v54, $0x177000;
	v3 =	vadd.s32 $0x177000, v55;
	v1 =	vsel vm14, v52, v62;
	[tilespmem:s14+$0x1C9C0] =	vst v63  }
0x10f: {  	s13 =	sadd.s32 $0x1, s13;
	v0 =	vsel vm15, v54, v3;
	[tilespmem:s14+$0x1C9D0] =	vst v1  }
0x110: {  	p2 =	seq.s32 s13, $0x14;
	[tilespmem:s14+$0x1C9E0] =	vst v0  }
0x111: {  	[spmem:s6] =	stream.indirect.scatter.add.f32 [tilespmem:s26], [sflag:$0x4], $0x1, s2, s31, $0xb8;
	[tilespmem:$0x1DD00] =	vst v63  }
.Ltmp3:
0x112: {  	_ = 	snop;
	(pc) =	sbr.rel @!p2 .LBB2_3-.Ltmp3, $4  }
.Ltmp4:
0x113: {  	_ = 	snop;
	(pc) =	sbr.rel @p2 .LBB2_14-.Ltmp4, $4  }
0x114: {  	_ =	swait.ge [sflag:s22], $0x1400  }
0x115: {  	[sflag:s22] =	ssyncset.done $0x0  }
0x116: {  	[sflag:s22] =	ssyncadd.s32 $0xFFFFEC00  }
0x117: {  	_ = 	snop  }
.LBB2_8:
0x118: {  	s9 =	rddreg [dreg:$0xa]  }
0x119: {  	[tilespmem:s23], [sflag:$0x2] =	stream.linear.gather [hbm4b:s9+s11], $0x1400, $0x38;
	[tilespmem:$0x1DD00] =	vst v63  }
0x11a: {  	s18 =	rddreg [dreg:$0xb];
	s13 =	simm.s32 $0x0  }
0x11b: {  	[tilespmem:s24], [sflag:$0x2] =	stream.linear.gather [hbm4b:s18+s11], $0x1400, $0x38;
	[tilespmem:$0x1DD00] =	vst v63  }
.LBB2_9:
0x11c: {  	s9 =	sshllo.u32 s13, $0x1  }
0x11d: {  	s12 =	sadd.s32 s10, s9  }
0x11e: {  	s12 =	smul.u32 $0x28, s12  }
0x11f: {  	p2 =	slt.u32 s9, s8  }
0x120: {  	s12 =	simm.s32 @!p2 $0x0  }
0x121: {  	s17 =	sshll.u32 s12, $0x4  }
0x122: {  	s14 =	sadd.s32 s1, s17  }
0x123: {  	[tilespmem:s25], [sflag:$0x3] =	stream.linear.gather [hbm4b:s14+s11], $0x1400, $0x38;
	[tilespmem:$0x1DD00] =	vst v63  }
0x124: {  	s16 =	sshll.u32 s13, $0x1;
	s9 =	sadd.s32 s3, s17  }
0x125: {  	[tilespmem:s26], [sflag:$0x3] =	stream.linear.gather [hbm4b:s9+s11], $0x1400, $0x38;
	[tilespmem:$0x1DD00] =	vst v63  }
0x126: {  	s18 =	sadd.s32 s10, s16;
	_ =	swait.ge [sflag:s28], $0x1400  }
0x127: {  	s9 =	smul.u32 $0x500, s18;
	[sflag:s28] =	ssyncset.done $0x0  }
0x128: {  	[sflag:s28] =	ssyncadd.s32 $0xFFFFEC00  }
0x129: {  	p3 =	slt.u32 s16, s8;
	s9 =	sor.u32 $0x10, s9;
	_ =	swait.ge [sflag:s28], $0x1400  }
0x12a: {  	s9 =	simm.s32 @!p3 $0x10;
	[sflag:s28] =	ssyncset.done $0x0  }
0x12b: {  	s9 =	sadd.s32 s5, s9;
	[sflag:s28] =	ssyncadd.s32 $0xFFFFEC00  }
0x12c: {  	[hbm4b:s9+s29] =	stream.strided.scatter [tilespmem:s23], [sflag:$0x4], $0x1400, s30, s29, $0x38;
	[tilespmem:$0x1DD00] =	vst v63  }
0x12d: {  	_ =	swait.ge [sflag:s22], $0x1400  }
0x12e: {  	[sflag:s22] =	ssyncset.done $0x0  }
0x12f: {  	s14 =	simm.s32 $0x0;
	[sflag:s22] =	ssyncadd.s32 $0xFFFFEC00  }
0x130: {  	v1 =	vld [tilespmem:s14+$0x179F0]  }
0x131: {  	v2 =	vld [tilespmem:s14+$0x17900]  }
0x132: {  	v3 =	vld [tilespmem:s14+$0x17910]  }
0x133: {  	v4 =	vld [tilespmem:s14+$0x17920]  }
0x134: {  	v5 =	vld [tilespmem:s14+$0x17930]  }
0x135: {  	v6 =	vld [tilespmem:s14+$0x17940]  }
0x136: {  	v9 =	vld [tilespmem:s14+$0x17950]  }
0x137: {  	v11 =	vld [tilespmem:s14+$0x17960]  }
0x138: {  	v12 =	vld [tilespmem:s14+$0x17970]  }
0x139: {  	v16 =	vld [tilespmem:s14+$0x17980]  }
0x13a: {  	v19 =	vld [tilespmem:s14+$0x17990]  }
0x13b: {  	s9 =	simm.s32 $0x0;
	v20 =	vld [tilespmem:s14+$0x179A0]  }
0x13c: {  	s9 =	simm.s32 @!p3 $0x1000000;
	v23 =	vld [tilespmem:s14+$0x179B0]  }
0x13d: {  	v0 =	vmov s9;
	v24 =	vld [tilespmem:s14+$0x179C0]  }
0x13e: {  	v27 =	vld [tilespmem:s14+$0x179D0];
	v7 =	vadd.s32 v0, v1;
	v8 =	vand.u32 $0x1FFF, v1  }
0x13f: {  	v28 =	vld [tilespmem:s14+$0x179E0];
	v1 =	vadd.s32 v0, v2;
	v10 =	vand.u32 $0x1FFF, v2;
	v2 =	vadd.s32 v0, v3  }
0x140: {  	v14 =	vand.u32 $0x1FFF, v4;
	v15 =	vand.u32 $0x1FFF, v5;
	v17 =	vand.u32 $0x1FFF, v6  }
0x141: {  	v21 =	vand.u32 $0x1FFF, v9;
	v22 =	vand.u32 $0x1FFF, v11;
	v25 =	vand.u32 $0x1FFF, v12  }
0x142: {  	v26 =	vand.u32 $0x1FFF, v16;
	v29 =	vand.u32 $0x1FFF, v19;
	v30 =	vand.u32 $0x1FFF, v20  }
0x143: {  	v31 =	vand.u32 $0x1FFF, v23;
	v32 =	vand.u32 $0x1FFF, v24;
	v33 =	vand.u32 $0x1FFF, v27  }
0x144: {  	v34 =	vand.u32 $0x1FFF, v28;
	vm0 =	vlt.s32 v7, $0x177000;
	v8 =	vadd.s32 $0x177000, v8  }
0x145: {  	v10 =	vadd.s32 $0x177000, v10;
	vm1 =	vlt.s32 v2, $0x177000;
	v18 =	vadd.s32 $0x177000, v14  }
0x146: {  	v14 =	vadd.s32 v0, v23;
	v23 =	vadd.s32 $0x177000, v29;
	v29 =	vadd.s32 $0x177000, v33  }
0x147: {  	v7 =	vsel vm0, v7, v8;
	v8 =	vand.u32 $0x1FFF, v3;
	v3 =	vadd.s32 v0, v4  }
0x148: {  	vm0 =	vlt.s32 v1, $0x177000;
	v4 =	vadd.s32 v0, v5;
	v5 =	vadd.s32 v0, v6  }
0x149: {  	v6 =	vadd.s32 v0, v9;
	v9 =	vadd.s32 v0, v16;
	v16 =	vadd.s32 v0, v27  }
0x14a: {  	vm10 =	vlt.s32 v14, $0x177000;
	v27 =	vadd.s32 $0x177000, v32;
	v13 =	vadd.s32 $0x177000, v8  }
0x14b: {  	[tilespmem:s14+$0x1C9F0] =	vst v7;
	v8 =	vadd.s32 v0, v11;
	vm2 =	vlt.s32 v3, $0x177000;
	v7 =	vadd.s32 v0, v12  }
0x14c: {  	vm3 =	vlt.s32 v4, $0x177000;
	v11 =	vadd.s32 v0, v19;
	v19 =	vadd.s32 $0x177000, v15  }
0x14d: {  	v12 =	vadd.s32 v0, v20;
	vm4 =	vlt.s32 v5, $0x177000;
	v20 =	vadd.s32 $0x177000, v17  }
0x14e: {  	v15 =	vadd.s32 v0, v24;
	vm5 =	vlt.s32 v6, $0x177000;
	v24 =	vadd.s32 $0x177000, v21  }
0x14f: {  	v17 =	vadd.s32 v0, v28;
	v28 =	vadd.s32 $0x177000, v22;
	v21 =	vadd.s32 $0x177000, v25  }
0x150: {  	vm7 =	vlt.s32 v9, $0x177000;
	v22 =	vadd.s32 $0x177000, v26;
	v25 =	vadd.s32 $0x177000, v30  }
0x151: {  	v26 =	vadd.s32 $0x177000, v31;
	vm13 =	vlt.s32 v16, $0x177000;
	v30 =	vadd.s32 $0x177000, v34  }
0x152: {  	vm12 =	vlt.s32 v8, $0x177000;
	vm6 =	vlt.s32 v7, $0x177000;
	vm8 =	vlt.s32 v11, $0x177000  }
0x153: {  	s17 =	simm.s32 $0x100;
	s9 =	simm.s32 $0x800;
	vm9 =	vlt.s32 v12, $0x177000;
	vm11 =	vlt.s32 v15, $0x177000;
	vm14 =	vlt.s32 v17, $0x177000  }
.LBB2_10:
0x154: {  	p3 =	sne.s32 s9, $0x4C00;
	v31 =	vld [tilespmem:s17+$0x179F0];
	v1 =	vsel vm0, v1, v10;
	v2 =	vsel vm1, v2, v13;
	v3 =	vsel vm2, v3, v18  }
0x155: {  	v10 =	vld [tilespmem:s17+$0x17900];
	[tilespmem:s14+$0x1C900] =	vst v1;
	v1 =	vsel vm3, v4, v19;
	v4 =	vsel vm4, v5, v20;
	v5 =	vsel vm5, v6, v24  }
0x156: {  	v8 =	vsel vm12, v8, v28;
	v7 =	vsel vm6, v7, v21;
	v9 =	vsel vm7, v9, v22;
	v6 =	vld [tilespmem:s17+$0x17910];
	[tilespmem:s14+$0x1C910] =	vst v2  }
0x157: {  	v11 =	vsel vm8, v11, v23;
	v12 =	vsel vm9, v12, v25;
	v14 =	vsel vm10, v14, v26;
	v13 =	vld [tilespmem:s17+$0x17920];
	[tilespmem:s14+$0x1C920] =	vst v3  }
0x158: {  	v15 =	vsel vm11, v15, v27;
	v16 =	vsel vm13, v16, v29;
	v17 =	vsel vm14, v17, v30;
	v18 =	vld [tilespmem:s17+$0x17930];
	[tilespmem:s14+$0x1C930] =	vst v1  }
0x159: {  	v19 =	vld [tilespmem:s17+$0x17940];
	v3 =	vadd.s32 v0, v31;
	v2 =	vand.u32 $0x1FFF, v31;
	[tilespmem:s14+$0x1C940] =	vst v4  }
0x15a: {  	v1 =	vadd.s32 v0, v10;
	v20 =	vld [tilespmem:s17+$0x17950];
	vm0 =	vlt.s32 v3, $0x177000;
	v4 =	vadd.s32 $0x177000, v2;
	[tilespmem:s14+$0x1C950] =	vst v5  }
0x15b: {  	v5 =	vand.u32 $0x1FFF, v10;
	v2 =	vadd.s32 v0, v6;
	v21 =	vld [tilespmem:s17+$0x17960];
	v4 =	vsel vm0, v3, v4;
	[tilespmem:s14+$0x1C960] =	vst v8  }
0x15c: {  	v8 =	vand.u32 $0x1FFF, v6;
	v3 =	vadd.s32 v0, v13;
	v22 =	vand.u32 $0x1FFF, v13;
	v23 =	vld [tilespmem:s17+$0x17970];
	[tilespmem:s17+$0x1C9F0] =	vst v4  }
0x15d: {  	vm0 =	vlt.s32 v1, $0x177000;
	v4 =	vadd.s32 v0, v18;
	v24 =	vand.u32 $0x1FFF, v18;
	v25 =	vld [tilespmem:s17+$0x17980];
	[tilespmem:s14+$0x1C970] =	vst v7  }
0x15e: {  	v10 =	vadd.s32 $0x177000, v5;
	v5 =	vadd.s32 v0, v19;
	v26 =	vand.u32 $0x1FFF, v19;
	v19 =	vld [tilespmem:s17+$0x17990];
	[tilespmem:s14+$0x1C980] =	vst v9  }
0x15f: {  	vm1 =	vlt.s32 v2, $0x177000;
	v6 =	vadd.s32 v0, v20;
	v27 =	vand.u32 $0x1FFF, v20;
	v20 =	vld [tilespmem:s17+$0x179A0];
	[tilespmem:s14+$0x1C990] =	vst v11  }
0x160: {  	v13 =	vadd.s32 $0x177000, v8;
	v8 =	vadd.s32 v0, v21;
	v21 =	vand.u32 $0x1FFF, v21;
	v28 =	vld [tilespmem:s17+$0x179B0];
	[tilespmem:s14+$0x1C9A0] =	vst v12  }
0x161: {  	vm2 =	vlt.s32 v3, $0x177000;
	v7 =	vadd.s32 v0, v23;
	v23 =	vand.u32 $0x1FFF, v23;
	v29 =	vld [tilespmem:s17+$0x179C0];
	[tilespmem:s14+$0x1C9B0] =	vst v14  }
0x162: {  	v18 =	vadd.s32 $0x177000, v22;
	v9 =	vadd.s32 v0, v25;
	v22 =	vand.u32 $0x1FFF, v25;
	v25 =	vld [tilespmem:s17+$0x179D0];
	[tilespmem:s14+$0x1C9C0] =	vst v15  }
0x163: {  	vm3 =	vlt.s32 v4, $0x177000;
	v11 =	vadd.s32 v0, v19;
	v30 =	vand.u32 $0x1FFF, v19;
	v31 =	vld [tilespmem:s17+$0x179E0];
	[tilespmem:s14+$0x1C9D0] =	vst v16  }
0x164: {  	v19 =	vadd.s32 $0x177000, v24;
	v12 =	vadd.s32 v0, v20;
	v32 =	vand.u32 $0x1FFF, v20;
	[tilespmem:s14+$0x1C9E0] =	vst v17;
	s14 =	smov.u32 s17  }
0x165: {  	vm4 =	vlt.s32 v5, $0x177000;
	v14 =	vadd.s32 v0, v28;
	v33 =	vand.u32 $0x1FFF, v28  }
0x166: {  	v20 =	vadd.s32 $0x177000, v26;
	v15 =	vadd.s32 v0, v29;
	v29 =	vand.u32 $0x1FFF, v29  }
0x167: {  	vm5 =	vlt.s32 v6, $0x177000;
	v16 =	vadd.s32 v0, v25;
	v34 =	vand.u32 $0x1FFF, v25  }
0x168: {  	v24 =	vadd.s32 $0x177000, v27;
	v17 =	vadd.s32 v0, v31;
	v31 =	vand.u32 $0x1FFF, v31  }
0x169: {  	vm12 =	vlt.s32 v8, $0x177000;
	vm6 =	vlt.s32 v7, $0x177000;
	v28 =	vadd.s32 $0x177000, v21  }
.Ltmp5:
0x16a: {  	vm7 =	vlt.s32 v9, $0x177000;
	v22 =	vadd.s32 $0x177000, v22;
	v21 =	vadd.s32 $0x177000, v23;
	(pc) =	sbr.rel @p3 .LBB2_10-.Ltmp5, $4  }
0x16b: {  	vm8 =	vlt.s32 v11, $0x177000;
	v23 =	vadd.s32 $0x177000, v30;
	vm9 =	vlt.s32 v12, $0x177000  }
0x16c: {  	vm10 =	vlt.s32 v14, $0x177000;
	v26 =	vadd.s32 $0x177000, v33;
	v25 =	vadd.s32 $0x177000, v32  }
0x16d: {  	vm11 =	vlt.s32 v15, $0x177000;
	v27 =	vadd.s32 $0x177000, v29;
	vm13 =	vlt.s32 v16, $0x177000  }
0x16e: {  	s17 =	sshra.s32 s9, $0x2;
	s9 =	sadd.s32 $0x400, s9;
	v29 =	vadd.s32 $0x177000, v34;
	vm14 =	vlt.s32 v17, $0x177000;
	v30 =	vadd.s32 $0x177000, v31  }
0x16f: {  	v31 =	vld [tilespmem:s17+$0x179F0];
	v1 =	vsel vm0, v1, v10  }
0x170: {  	v10 =	vld [tilespmem:s17+$0x17900];
	[tilespmem:s14+$0x1C900] =	vst v1;
	v1 =	vsel vm1, v2, v13  }
0x171: {  	v2 =	vld [tilespmem:s17+$0x17910];
	[tilespmem:s14+$0x1C910] =	vst v1;
	v1 =	vsel vm2, v3, v18  }
0x172: {  	v3 =	vld [tilespmem:s17+$0x17920];
	[tilespmem:s14+$0x1C920] =	vst v1;
	v1 =	vsel vm3, v4, v19  }
0x173: {  	v4 =	vld [tilespmem:s17+$0x17930];
	[tilespmem:s14+$0x1C930] =	vst v1;
	v1 =	vsel vm4, v5, v20  }
0x174: {  	v9 =	vsel vm7, v9, v22;
	v5 =	vld [tilespmem:s17+$0x17940];
	[tilespmem:s14+$0x1C940] =	vst v1;
	v1 =	vsel vm5, v6, v24  }
0x175: {  	v13 =	vand.u32 $0x1FFF, v31;
	v6 =	vld [tilespmem:s17+$0x17950];
	[tilespmem:s14+$0x1C950] =	vst v1;
	v1 =	vsel vm12, v8, v28;
	v8 =	vadd.s32 v0, v31  }
0x176: {  	v11 =	vsel vm8, v11, v23;
	v13 =	vadd.s32 $0x177000, v13;
	vm0 =	vlt.s32 v8, $0x177000  }
0x177: {  	v12 =	vsel vm9, v12, v25;
	v18 =	vld [tilespmem:s17+$0x17960];
	[tilespmem:s14+$0x1C960] =	vst v1;
	v1 =	vsel vm0, v8, v13;
	v13 =	vsel vm11, v15, v27  }
0x178: {  	v19 =	vadd.s32 v0, v3;
	v3 =	vand.u32 $0x1FFF, v3;
	[tilespmem:s17+$0x1C9F0] =	vst v1;
	v1 =	vsel vm6, v7, v21  }
0x179: {  	v8 =	vld [tilespmem:s17+$0x17970];
	v21 =	vadd.s32 v0, v4;
	v4 =	vand.u32 $0x1FFF, v4;
	vm2 =	vlt.s32 v19, $0x177000  }
0x17a: {  	v7 =	vld [tilespmem:s17+$0x17980];
	v3 =	vadd.s32 $0x177000, v3;
	[tilespmem:s14+$0x1C970] =	vst v1;
	v1 =	vsel vm10, v14, v26;
	v14 =	vsel vm13, v16, v29  }
0x17b: {  	v16 =	vsel vm14, v17, v30;
	v17 =	vadd.s32 v0, v10;
	v10 =	vand.u32 $0x1FFF, v10  }
0x17c: {  	vm3 =	vlt.s32 v21, $0x177000;
	v4 =	vadd.s32 $0x177000, v4;
	v3 =	vsel vm2, v19, v3  }
0x17d: {  	v15 =	vld [tilespmem:s17+$0x17990];
	[tilespmem:s14+$0x1C980] =	vst v9;
	v9 =	vadd.s32 v0, v2;
	v2 =	vand.u32 $0x1FFF, v2;
	vm0 =	vlt.s32 v17, $0x177000  }
0x17e: {  	v10 =	vadd.s32 $0x177000, v10;
	v23 =	vadd.s32 v0, v6;
	v6 =	vand.u32 $0x1FFF, v6  }
0x17f: {  	v4 =	vsel vm3, v21, v4;
	v20 =	vld [tilespmem:s17+$0x179A0];
	[tilespmem:s14+$0x1C990] =	vst v11;
	v11 =	vadd.s32 v0, v5;
	v5 =	vand.u32 $0x1FFF, v5  }
0x180: {  	vm1 =	vlt.s32 v9, $0x177000;
	v2 =	vadd.s32 $0x177000, v2;
	v10 =	vsel vm0, v17, v10;
	v22 =	vld [tilespmem:s17+$0x179B0];
	[tilespmem:s14+$0x1C9A0] =	vst v12  }
0x181: {  	vm0 =	vlt.s32 v23, $0x177000;
	v6 =	vadd.s32 $0x177000, v6;
	v12 =	vadd.s32 v0, v18;
	v24 =	vld [tilespmem:s17+$0x179C0];
	[tilespmem:s14+$0x1C9B0] =	vst v1  }
0x182: {  	v18 =	vand.u32 $0x1FFF, v18;
	v25 =	vadd.s32 v0, v8;
	vm4 =	vlt.s32 v11, $0x177000;
	v26 =	vld [tilespmem:s17+$0x179D0];
	[tilespmem:s14+$0x1C9C0] =	vst v13  }
0x183: {  	v5 =	vadd.s32 $0x177000, v5;
	v2 =	vsel vm1, v9, v2;
	v6 =	vsel vm0, v23, v6;
	v27 =	vld [tilespmem:s17+$0x179E0];
	[tilespmem:s14+$0x1C9D0] =	vst v14  }
0x184: {  	v1 =	vand.u32 $0x1FFF, v8;
	v8 =	vadd.s32 v0, v7;
	v7 =	vand.u32 $0x1FFF, v7;
	[tilespmem:s14+$0x1C9E0] =	vst v16  }
0x185: {  	v5 =	vsel vm4, v11, v5;
	vm1 =	vlt.s32 v12, $0x177000;
	vm0 =	vlt.s32 v25, $0x177000;
	[tilespmem:s17+$0x1C900] =	vst v10  }
0x186: {  	v1 =	vadd.s32 $0x177000, v1;
	v13 =	vadd.s32 v0, v15;
	v15 =	vand.u32 $0x1FFF, v15;
	[tilespmem:s17+$0x1C910] =	vst v2  }
0x187: {  	v1 =	vsel vm0, v25, v1;
	v28 =	vadd.s32 v0, v20;
	v14 =	vand.u32 $0x1FFF, v20;
	[tilespmem:s17+$0x1C930] =	vst v4  }
0x188: {  	v4 =	vadd.s32 $0x177000, v18;
	[tilespmem:s17+$0x1C940] =	vst v5;
	v5 =	vadd.s32 $0x177000, v7;
	vm0 =	vlt.s32 v13, $0x177000  }
0x189: {  	[tilespmem:s17+$0x1C920] =	vst v3;
	v20 =	vadd.s32 v0, v22;
	v16 =	vand.u32 $0x1FFF, v22;
	v4 =	vsel vm1, v12, v4  }
0x18a: {  	[tilespmem:s17+$0x1C970] =	vst v1;
	vm1 =	vlt.s32 v8, $0x177000;
	v1 =	vadd.s32 $0x177000, v14;
	v17 =	vadd.s32 v0, v24  }
0x18b: {  	v22 =	vand.u32 $0x1FFF, v24;
	[tilespmem:s17+$0x1C960] =	vst v4;
	v4 =	vadd.s32 $0x177000, v15;
	v5 =	vsel vm1, v8, v5  }
0x18c: {  	[tilespmem:s17+$0x1C950] =	vst v6;
	vm1 =	vlt.s32 v28, $0x177000;
	v9 =	vadd.s32 v0, v26;
	v2 =	vand.u32 $0x1FFF, v26  }
0x18d: {  	v4 =	vsel vm0, v13, v4;
	[tilespmem:s17+$0x1C980] =	vst v5;
	vm0 =	vlt.s32 v20, $0x177000;
	v5 =	vadd.s32 $0x177000, v16  }
0x18e: {  	v1 =	vsel vm1, v28, v1;
	vm1 =	vlt.s32 v17, $0x177000;
	v0 =	vadd.s32 v0, v27;
	[tilespmem:s17+$0x1C990] =	vst v4  }
0x18f: {  	v3 =	vand.u32 $0x1FFF, v27;
	v4 =	vadd.s32 $0x177000, v22;
	v5 =	vsel vm0, v20, v5;
	[tilespmem:s17+$0x1C9A0] =	vst v1  }
0x190: {  	p3 =	seq.s32 s13, $0x13;
	vm0 =	vlt.s32 v9, $0x177000;
	v1 =	vadd.s32 $0x177000, v2;
	v2 =	vsel vm1, v17, v4;
	[tilespmem:s17+$0x1C9B0] =	vst v5  }
0x191: {  	s9 =	sadd.s32 @!p3 $0x2, s16;
	vm1 =	vlt.s32 v0, $0x177000;
	v3 =	vadd.s32 $0x177000, v3;
	v1 =	vsel vm0, v9, v1;
	[tilespmem:s17+$0x1C9C0] =	vst v2  }
0x192: {  	s14 =	sadd.s32 @!p3 s10, s9;
	v0 =	vsel vm1, v0, v3;
	[tilespmem:s17+$0x1C9D0] =	vst v1  }
0x193: {  	p4 =	slt.u32 @!p3 s9, s8;
	s9 =	smul.u32 @!p3 $0x280, s14;
	[tilespmem:s17+$0x1C9E0] =	vst v0  }
0x194: {  	[spmem:s6] =	stream.indirect.scatter.add.f32 [tilespmem:s24], [sflag:$0x4], $0x1, s2, s31, $0xb8;
	[tilespmem:$0x1DD00] =	vst v63  }
0x195: {  	p4 =	por !p4, p3;
	_ =	swait.ge [sflag:s22], $0x1400  }
0x196: {  	s16 =	simm.s32 @!p3 $0x0;
	s9 =	simm.s32 @p4 $0x0;
	[sflag:s22] =	ssyncset.done $0x0  }
0x197: {  	s14 =	sadd.s32 @!p3 s1, s9;
	s17 =	simm.s32 @!p3 $0x17900;
	[sflag:s22] =	ssyncadd.s32 $0xFFFFEC00  }
0x198: {  	[tilespmem:s17], [sflag:$0x2] =	stream.linear.gather @!p3 [hbm4b:s14+s16], $0x1400, $0x38;
	[tilespmem:$0x1DD00] =	vst v63  }
0x199: {  	s9 =	sadd.s32 @!p3 s3, s9;
	s14 =	simm.s32 @!p3 $0x18D00  }
0x19a: {  	[tilespmem:s14], [sflag:$0x2] =	stream.linear.gather @!p3 [hbm4b:s9+s16], $0x1400, $0x38;
	[tilespmem:$0x1DD00] =	vst v63  }
0x19b: {  	_ =	swait.ge [sflag:s4], $0x1400  }
0x19c: {  	[sflag:s4] =	ssyncset.done $0x0  }
0x19d: {  	[sflag:s4] =	ssyncadd.s32 $0xFFFFEC00  }
0x19e: {  	s18 =	sshll.u32 s12, $0x5;
	_ =	swait.ge [sflag:s4], $0x1400  }
0x19f: {  	s9 =	sand.u32 $0x1FFFFF00, s18;
	[sflag:s4] =	ssyncset.done $0x0  }
0x1a0: {  	s9 =	sadd.s32 s9, s15;
	[sflag:s4] =	ssyncadd.s32 $0xFFFFEC00  }
0x1a1: {  	[hbm4b:s9+s29] =	stream.strided.scatter [tilespmem:s25], [sflag:$0x4], $0x1400, s30, s29, $0x38;
	[tilespmem:$0x1DD00] =	vst v63  }
0x1a2: {  	_ =	swait.ge [sflag:s22], $0x1400  }
0x1a3: {  	[sflag:s22] =	ssyncset.done $0x0  }
0x1a4: {  	s12 =	simm.s32 $0x0;
	[sflag:s22] =	ssyncadd.s32 $0xFFFFEC00  }
0x1a5: {  	v1 =	vld [tilespmem:s12+$0x1A1F0]  }
0x1a6: {  	v2 =	vld [tilespmem:s12+$0x1A100]  }
0x1a7: {  	v3 =	vld [tilespmem:s12+$0x1A110]  }
0x1a8: {  	v4 =	vld [tilespmem:s12+$0x1A120]  }
0x1a9: {  	v5 =	vld [tilespmem:s12+$0x1A130]  }
0x1aa: {  	v6 =	vld [tilespmem:s12+$0x1A140]  }
0x1ab: {  	v9 =	vld [tilespmem:s12+$0x1A150]  }
0x1ac: {  	v11 =	vld [tilespmem:s12+$0x1A160]  }
0x1ad: {  	v12 =	vld [tilespmem:s12+$0x1A170]  }
0x1ae: {  	v16 =	vld [tilespmem:s12+$0x1A180]  }
0x1af: {  	v19 =	vld [tilespmem:s12+$0x1A190]  }
0x1b0: {  	s9 =	simm.s32 $0x0;
	v20 =	vld [tilespmem:s12+$0x1A1A0]  }
0x1b1: {  	s9 =	simm.s32 @!p2 $0x1000000;
	v23 =	vld [tilespmem:s12+$0x1A1B0]  }
0x1b2: {  	v0 =	vmov s9;
	v24 =	vld [tilespmem:s12+$0x1A1C0]  }
0x1b3: {  	v27 =	vld [tilespmem:s12+$0x1A1D0];
	v7 =	vadd.s32 v0, v1;
	v8 =	vand.u32 $0x1FFF, v1  }
0x1b4: {  	v28 =	vld [tilespmem:s12+$0x1A1E0];
	v1 =	vadd.s32 v0, v2;
	v10 =	vand.u32 $0x1FFF, v2;
	v2 =	vadd.s32 v0, v3  }
0x1b5: {  	v14 =	vand.u32 $0x1FFF, v4;
	v15 =	vand.u32 $0x1FFF, v5;
	v17 =	vand.u32 $0x1FFF, v6  }
0x1b6: {  	v21 =	vand.u32 $0x1FFF, v9;
	v22 =	vand.u32 $0x1FFF, v11;
	v25 =	vand.u32 $0x1FFF, v12  }
0x1b7: {  	v26 =	vand.u32 $0x1FFF, v16;
	v29 =	vand.u32 $0x1FFF, v19;
	v30 =	vand.u32 $0x1FFF, v20  }
0x1b8: {  	v31 =	vand.u32 $0x1FFF, v23;
	v32 =	vand.u32 $0x1FFF, v24;
	v33 =	vand.u32 $0x1FFF, v27  }
0x1b9: {  	v34 =	vand.u32 $0x1FFF, v28;
	vm0 =	vlt.s32 v7, $0x177000;
	v8 =	vadd.s32 $0x177000, v8  }
0x1ba: {  	v10 =	vadd.s32 $0x177000, v10;
	vm1 =	vlt.s32 v2, $0x177000;
	v18 =	vadd.s32 $0x177000, v14  }
0x1bb: {  	v14 =	vadd.s32 v0, v23;
	v23 =	vadd.s32 $0x177000, v29;
	v29 =	vadd.s32 $0x177000, v33  }
0x1bc: {  	v7 =	vsel vm0, v7, v8;
	v8 =	vand.u32 $0x1FFF, v3;
	v3 =	vadd.s32 v0, v4  }
0x1bd: {  	vm0 =	vlt.s32 v1, $0x177000;
	v4 =	vadd.s32 v0, v5;
	v5 =	vadd.s32 v0, v6  }
0x1be: {  	v6 =	vadd.s32 v0, v9;
	v9 =	vadd.s32 v0, v16;
	v16 =	vadd.s32 v0, v27  }
0x1bf: {  	vm10 =	vlt.s32 v14, $0x177000;
	v27 =	vadd.s32 $0x177000, v32;
	v13 =	vadd.s32 $0x177000, v8  }
0x1c0: {  	[tilespmem:s12+$0x1C9F0] =	vst v7;
	v8 =	vadd.s32 v0, v11;
	vm2 =	vlt.s32 v3, $0x177000;
	v7 =	vadd.s32 v0, v12  }
0x1c1: {  	vm3 =	vlt.s32 v4, $0x177000;
	v11 =	vadd.s32 v0, v19;
	v19 =	vadd.s32 $0x177000, v15  }
0x1c2: {  	v12 =	vadd.s32 v0, v20;
	vm4 =	vlt.s32 v5, $0x177000;
	v20 =	vadd.s32 $0x177000, v17  }
0x1c3: {  	v15 =	vadd.s32 v0, v24;
	vm5 =	vlt.s32 v6, $0x177000;
	v24 =	vadd.s32 $0x177000, v21  }
0x1c4: {  	v17 =	vadd.s32 v0, v28;
	v28 =	vadd.s32 $0x177000, v22;
	v21 =	vadd.s32 $0x177000, v25  }
0x1c5: {  	vm7 =	vlt.s32 v9, $0x177000;
	v22 =	vadd.s32 $0x177000, v26;
	v25 =	vadd.s32 $0x177000, v30  }
0x1c6: {  	v26 =	vadd.s32 $0x177000, v31;
	vm13 =	vlt.s32 v16, $0x177000;
	v30 =	vadd.s32 $0x177000, v34  }
0x1c7: {  	vm12 =	vlt.s32 v8, $0x177000;
	vm6 =	vlt.s32 v7, $0x177000;
	vm8 =	vlt.s32 v11, $0x177000  }
0x1c8: {  	s14 =	simm.s32 $0x100;
	s9 =	simm.s32 $0x800;
	vm9 =	vlt.s32 v12, $0x177000;
	vm11 =	vlt.s32 v15, $0x177000;
	vm14 =	vlt.s32 v17, $0x177000  }
.LBB2_12:
0x1c9: {  	p2 =	sne.s32 s9, $0x4C00;
	v31 =	vld [tilespmem:s14+$0x1A1F0];
	v1 =	vsel vm0, v1, v10;
	v2 =	vsel vm1, v2, v13;
	v3 =	vsel vm2, v3, v18  }
0x1ca: {  	v10 =	vld [tilespmem:s14+$0x1A100];
	[tilespmem:s12+$0x1C900] =	vst v1;
	v1 =	vsel vm3, v4, v19;
	v4 =	vsel vm4, v5, v20;
	v5 =	vsel vm5, v6, v24  }
0x1cb: {  	v8 =	vsel vm12, v8, v28;
	v7 =	vsel vm6, v7, v21;
	v9 =	vsel vm7, v9, v22;
	v6 =	vld [tilespmem:s14+$0x1A110];
	[tilespmem:s12+$0x1C910] =	vst v2  }
0x1cc: {  	v11 =	vsel vm8, v11, v23;
	v12 =	vsel vm9, v12, v25;
	v14 =	vsel vm10, v14, v26;
	v13 =	vld [tilespmem:s14+$0x1A120];
	[tilespmem:s12+$0x1C920] =	vst v3  }
0x1cd: {  	v15 =	vsel vm11, v15, v27;
	v16 =	vsel vm13, v16, v29;
	v17 =	vsel vm14, v17, v30;
	v18 =	vld [tilespmem:s14+$0x1A130];
	[tilespmem:s12+$0x1C930] =	vst v1  }
0x1ce: {  	v19 =	vld [tilespmem:s14+$0x1A140];
	v3 =	vadd.s32 v0, v31;
	v2 =	vand.u32 $0x1FFF, v31;
	[tilespmem:s12+$0x1C940] =	vst v4  }
0x1cf: {  	v1 =	vadd.s32 v0, v10;
	v20 =	vld [tilespmem:s14+$0x1A150];
	vm0 =	vlt.s32 v3, $0x177000;
	v4 =	vadd.s32 $0x177000, v2;
	[tilespmem:s12+$0x1C950] =	vst v5  }
0x1d0: {  	v5 =	vand.u32 $0x1FFF, v10;
	v2 =	vadd.s32 v0, v6;
	v21 =	vld [tilespmem:s14+$0x1A160];
	v4 =	vsel vm0, v3, v4;
	[tilespmem:s12+$0x1C960] =	vst v8  }
0x1d1: {  	v8 =	vand.u32 $0x1FFF, v6;
	v3 =	vadd.s32 v0, v13;
	v22 =	vand.u32 $0x1FFF, v13;
	v23 =	vld [tilespmem:s14+$0x1A170];
	[tilespmem:s14+$0x1C9F0] =	vst v4  }
0x1d2: {  	vm0 =	vlt.s32 v1, $0x177000;
	v4 =	vadd.s32 v0, v18;
	v24 =	vand.u32 $0x1FFF, v18;
	v25 =	vld [tilespmem:s14+$0x1A180];
	[tilespmem:s12+$0x1C970] =	vst v7  }
0x1d3: {  	v10 =	vadd.s32 $0x177000, v5;
	v5 =	vadd.s32 v0, v19;
	v26 =	vand.u32 $0x1FFF, v19;
	v19 =	vld [tilespmem:s14+$0x1A190];
	[tilespmem:s12+$0x1C980] =	vst v9  }
0x1d4: {  	vm1 =	vlt.s32 v2, $0x177000;
	v6 =	vadd.s32 v0, v20;
	v27 =	vand.u32 $0x1FFF, v20;
	v20 =	vld [tilespmem:s14+$0x1A1A0];
	[tilespmem:s12+$0x1C990] =	vst v11  }
0x1d5: {  	v13 =	vadd.s32 $0x177000, v8;
	v8 =	vadd.s32 v0, v21;
	v21 =	vand.u32 $0x1FFF, v21;
	v28 =	vld [tilespmem:s14+$0x1A1B0];
	[tilespmem:s12+$0x1C9A0] =	vst v12  }
0x1d6: {  	vm2 =	vlt.s32 v3, $0x177000;
	v7 =	vadd.s32 v0, v23;
	v23 =	vand.u32 $0x1FFF, v23;
	v29 =	vld [tilespmem:s14+$0x1A1C0];
	[tilespmem:s12+$0x1C9B0] =	vst v14  }
0x1d7: {  	v18 =	vadd.s32 $0x177000, v22;
	v9 =	vadd.s32 v0, v25;
	v22 =	vand.u32 $0x1FFF, v25;
	v25 =	vld [tilespmem:s14+$0x1A1D0];
	[tilespmem:s12+$0x1C9C0] =	vst v15  }
0x1d8: {  	vm3 =	vlt.s32 v4, $0x177000;
	v11 =	vadd.s32 v0, v19;
	v30 =	vand.u32 $0x1FFF, v19;
	v31 =	vld [tilespmem:s14+$0x1A1E0];
	[tilespmem:s12+$0x1C9D0] =	vst v16  }
0x1d9: {  	v19 =	vadd.s32 $0x177000, v24;
	v12 =	vadd.s32 v0, v20;
	v32 =	vand.u32 $0x1FFF, v20;
	[tilespmem:s12+$0x1C9E0] =	vst v17;
	s12 =	smov.u32 s14  }
0x1da: {  	vm4 =	vlt.s32 v5, $0x177000;
	v14 =	vadd.s32 v0, v28;
	v33 =	vand.u32 $0x1FFF, v28  }
0x1db: {  	v20 =	vadd.s32 $0x177000, v26;
	v15 =	vadd.s32 v0, v29;
	v29 =	vand.u32 $0x1FFF, v29  }
0x1dc: {  	vm5 =	vlt.s32 v6, $0x177000;
	v16 =	vadd.s32 v0, v25;
	v34 =	vand.u32 $0x1FFF, v25  }
0x1dd: {  	v24 =	vadd.s32 $0x177000, v27;
	v17 =	vadd.s32 v0, v31;
	v31 =	vand.u32 $0x1FFF, v31  }
0x1de: {  	vm12 =	vlt.s32 v8, $0x177000;
	vm6 =	vlt.s32 v7, $0x177000;
	v28 =	vadd.s32 $0x177000, v21  }
.Ltmp6:
0x1df: {  	vm7 =	vlt.s32 v9, $0x177000;
	v22 =	vadd.s32 $0x177000, v22;
	v21 =	vadd.s32 $0x177000, v23;
	(pc) =	sbr.rel @p2 .LBB2_12-.Ltmp6, $4  }
0x1e0: {  	vm8 =	vlt.s32 v11, $0x177000;
	v23 =	vadd.s32 $0x177000, v30;
	vm9 =	vlt.s32 v12, $0x177000  }
0x1e1: {  	vm10 =	vlt.s32 v14, $0x177000;
	v26 =	vadd.s32 $0x177000, v33;
	v25 =	vadd.s32 $0x177000, v32  }
0x1e2: {  	vm11 =	vlt.s32 v15, $0x177000;
	v27 =	vadd.s32 $0x177000, v29;
	vm13 =	vlt.s32 v16, $0x177000  }
0x1e3: {  	s14 =	sshra.s32 s9, $0x2;
	s9 =	sadd.s32 $0x400, s9;
	v29 =	vadd.s32 $0x177000, v34;
	vm14 =	vlt.s32 v17, $0x177000;
	v30 =	vadd.s32 $0x177000, v31  }
0x1e4: {  	v31 =	vld [tilespmem:s14+$0x1A1F0];
	v1 =	vsel vm0, v1, v10  }
0x1e5: {  	v38 =	vld [tilespmem:s14+$0x1A100];
	v39 =	vsel vm1, v2, v13;
	v41 =	vsel vm2, v3, v18;
	v43 =	vsel vm3, v4, v19  }
0x1e6: {  	v45 =	vsel vm4, v5, v20;
	v47 =	vsel vm5, v6, v24;
	v49 =	vsel vm12, v8, v28;
	[tilespmem:s12+$0x1C900] =	vst v1  }
0x1e7: {  	v55 =	vsel vm6, v7, v21;
	v9 =	vsel vm7, v9, v22;
	v11 =	vsel vm8, v11, v23;
	v40 =	vld [tilespmem:s14+$0x1A110];
	[tilespmem:s12+$0x1C910] =	vst v39  }
0x1e8: {  	v12 =	vsel vm9, v12, v25;
	v57 =	vsel vm10, v14, v26;
	v58 =	vsel vm11, v15, v27;
	v42 =	vld [tilespmem:s14+$0x1A120]  }
0x1e9: {  	v59 =	vsel vm13, v16, v29;
	v61 =	vsel vm14, v17, v30;
	[tilespmem:s12+$0x1C920] =	vst v41;
	v50 =	vadd.s32 v0, v31  }
0x1ea: {  	v44 =	vld [tilespmem:s14+$0x1A130];
	[tilespmem:s12+$0x1C930] =	vst v43;
	v51 =	vand.u32 $0x1FFF, v31;
	v62 =	vadd.s32 v0, v38;
	v10 =	vand.u32 $0x1FFF, v38  }
0x1eb: {  	v46 =	vld [tilespmem:s14+$0x1A140];
	[tilespmem:s12+$0x1C940] =	vst v45;
	vm5 =	vlt.s32 v50, $0x177000;
	v13 =	vadd.s32 $0x177000, v51;
	vm11 =	vlt.s32 v62, $0x177000  }
0x1ec: {  	v48 =	vld [tilespmem:s14+$0x1A150];
	[tilespmem:s12+$0x1C950] =	vst v47;
	v10 =	vadd.s32 $0x177000, v10;
	v53 =	vsel vm5, v50, v13;
	v63 =	vadd.s32 v0, v40  }
0x1ed: {  	v52 =	vld [tilespmem:s14+$0x1A160];
	[tilespmem:s12+$0x1C960] =	vst v49;
	v2 =	vand.u32 $0x1FFF, v40;
	v10 =	vsel vm11, v62, v10;
	v32 =	vadd.s32 v0, v42  }
0x1ee: {  	v54 =	vld [tilespmem:s14+$0x1A170];
	[tilespmem:s14+$0x1C9F0] =	vst v53;
	v3 =	vand.u32 $0x1FFF, v42;
	vm12 =	vlt.s32 v63, $0x177000;
	v2 =	vadd.s32 $0x177000, v2  }
0x1ef: {  	v56 =	vld [tilespmem:s14+$0x1A180];
	[tilespmem:s12+$0x1C970] =	vst v55;
	v34 =	vadd.s32 v0, v44;
	v4 =	vand.u32 $0x1FFF, v44;
	vm13 =	vlt.s32 v32, $0x177000  }
0x1f0: {  	v3 =	vadd.s32 $0x177000, v3;
	v2 =	vsel vm12, v63, v2;
	v60 =	vld [tilespmem:s14+$0x1A190];
	[tilespmem:s12+$0x1C980] =	vst v9;
	v35 =	vadd.s32 v0, v46  }
0x1f1: {  	v5 =	vand.u32 $0x1FFF, v46;
	vm14 =	vlt.s32 v34, $0x177000;
	v4 =	vadd.s32 $0x177000, v4;
	v33 =	vld [tilespmem:s14+$0x1A1A0];
	[tilespmem:s12+$0x1C990] =	vst v11  }
0x1f2: {  	v3 =	vsel vm13, v32, v3;
	v37 =	vadd.s32 v0, v48;
	v6 =	vand.u32 $0x1FFF, v48;
	v36 =	vld [tilespmem:s14+$0x1A1B0];
	[tilespmem:s12+$0x1C9A0] =	vst v12  }
0x1f3: {  	vm15 =	vlt.s32 v35, $0x177000;
	v5 =	vadd.s32 $0x177000, v5;
	v4 =	vsel vm14, v34, v4;
	v39 =	vld [tilespmem:s14+$0x1A1C0];
	[tilespmem:s12+$0x1C9B0] =	vst v57  }
0x1f4: {  	v38 =	vadd.s32 v0, v52;
	v18 =	vand.u32 $0x1FFF, v52;
	vm6 =	vlt.s32 v37, $0x177000;
	v43 =	vld [tilespmem:s14+$0x1A1D0];
	[tilespmem:s12+$0x1C9C0] =	vst v58  }
0x1f5: {  	v6 =	vadd.s32 $0x177000, v6;
	v5 =	vsel vm15, v35, v5;
	v40 =	vadd.s32 v0, v54;
	v45 =	vld [tilespmem:s14+$0x1A1E0];
	[tilespmem:s12+$0x1C9D0] =	vst v59  }
0x1f6: {  	v41 =	vand.u32 $0x1FFF, v54;
	v42 =	vadd.s32 v0, v56;
	v7 =	vand.u32 $0x1FFF, v56;
	[tilespmem:s12+$0x1C9E0] =	vst v61  }
0x1f7: {  	vm7 =	vlt.s32 v38, $0x177000;
	v56 =	vadd.s32 $0x177000, v18;
	v6 =	vsel vm6, v37, v6;
	[tilespmem:s14+$0x1C900] =	vst v10  }
0x1f8: {  	vm8 =	vlt.s32 v40, $0x177000;
	v1 =	vadd.s32 $0x177000, v41;
	vm9 =	vlt.s32 v42, $0x177000;
	[tilespmem:s14+$0x1C910] =	vst v2  }
0x1f9: {  	v57 =	vadd.s32 $0x177000, v7;
	v44 =	vadd.s32 v0, v60;
	v15 =	vand.u32 $0x1FFF, v60;
	[tilespmem:s14+$0x1C920] =	vst v3  }
0x1fa: {  	v1 =	vsel vm8, v40, v1;
	v46 =	vadd.s32 v0, v33;
	v47 =	vand.u32 $0x1FFF, v33;
	[tilespmem:s14+$0x1C930] =	vst v4  }
0x1fb: {  	[tilespmem:s14+$0x1C940] =	vst v5;
	v4 =	vsel vm7, v38, v56;
	vm10 =	vlt.s32 v44, $0x177000;
	v58 =	vadd.s32 $0x177000, v15  }
0x1fc: {  	[tilespmem:s14+$0x1C950] =	vst v6;
	v5 =	vsel vm9, v42, v57;
	v48 =	vadd.s32 v0, v36;
	v49 =	vand.u32 $0x1FFF, v36  }
0x1fd: {  	[tilespmem:s14+$0x1C960] =	vst v4;
	vm11 =	vlt.s32 v46, $0x177000;
	v59 =	vadd.s32 $0x177000, v47;
	v4 =	vsel vm10, v44, v58  }
0x1fe: {  	[tilespmem:s14+$0x1C970] =	vst v1;
	v50 =	vadd.s32 v0, v39;
	v51 =	vand.u32 $0x1FFF, v39;
	vm12 =	vlt.s32 v48, $0x177000  }
0x1ff: {  	[tilespmem:s14+$0x1C980] =	vst v5;
	v60 =	vadd.s32 $0x177000, v49;
	v1 =	vsel vm11, v46, v59;
	v52 =	vadd.s32 v0, v43  }
0x200: {  	[tilespmem:s14+$0x1C990] =	vst v4;
	v53 =	vand.u32 $0x1FFF, v43;
	vm13 =	vlt.s32 v50, $0x177000;
	v61 =	vadd.s32 $0x177000, v51  }
0x201: {  	v5 =	vsel vm12, v48, v60;
	[tilespmem:s14+$0x1C9A0] =	vst v1;
	v54 =	vadd.s32 v0, v45;
	v55 =	vand.u32 $0x1FFF, v45  }
0x202: {  	vm14 =	vlt.s32 v52, $0x177000;
	v62 =	vadd.s32 $0x177000, v53;
	v63 =	vsel vm13, v50, v61;
	[tilespmem:s14+$0x1C9B0] =	vst v5  }
0x203: {  	s13 =	sadd.s32 $0x1, s13;
	vm15 =	vlt.s32 v54, $0x177000;
	v3 =	vadd.s32 $0x177000, v55;
	v1 =	vsel vm14, v52, v62;
	[tilespmem:s14+$0x1C9C0] =	vst v63  }
0x204: {  	p2 =	sne.s32 s13, $0x14;
	v0 =	vsel vm15, v54, v3;
	[tilespmem:s14+$0x1C9D0] =	vst v1  }
.Ltmp7:
0x205: {  	[tilespmem:s14+$0x1C9E0] =	vst v0;
	(pc) =	sbr.rel @p2 .LBB2_9-.Ltmp7, $4  }
0x206: {  	[spmem:s6] =	stream.indirect.scatter.add.f32 [tilespmem:s26], [sflag:$0x4], $0x1, s2, s31, $0xb8;
	[tilespmem:$0x1DD00] =	vst v63  }
0x207: {  	_ =	swait.ge [sflag:s22], $0x1400  }
0x208: {  	[sflag:s22] =	ssyncset.done $0x0  }
0x209: {  	[sflag:s22] =	ssyncadd.s32 $0xFFFFEC00  }
.LBB2_14:
0x20a: {  	[bflag:$0x0] =	sbarrier.arrive $0xFFFF  }
0x20b: {  	s11 =	rddreg [dreg:$0x8]  }
0x20c: {  	s13 =	sor.u32 $0x1C01, s11;
	s11 =	rddreg [dreg:$0xe]  }
0x20d: {  	s9 =	sadd.s32 $0x0, s19;
	s16 =	sshrl.u32 s11, $0x3  }
0x20e: {  	[hbm:s9], [sflag:s13] =	dma.local [spmem:s16], $0x10  }
0x20f: {  	s9 =	simm.s32 $0x20  }
.LBB2_15:
0x210: {  	p2 =	sne.s32 s9, $0x5DA0  }
.Ltmp8:
0x211: {  	_ = 	snop;
	(pc) =	sbr.rel @p2 .LBB2_15-.Ltmp8, $4  }
0x212: {  	_ = 	snop  }
0x213: {  	s12 =	sadd.s32 s9, s19;
	s11 =	sadd.s32 $0x80, s11  }
0x214: {  	s9 =	sadd.s32 $0x20, s9;
	s14 =	sshrl.u32 s11, $0x3  }
0x215: {  	[hbm:s12], [sflag:s13] =	dma.local [spmem:s14], $0x10  }
0x216: {  	s9 =	simm.s32 $0x1  }
0x217: {  	_ =	swait.ge [sflag:s9], $0x2EE0  }
0x218: {  	[sflag:s9] =	ssyncset.done $0x0  }
0x219: {  	[sflag:s9] =	ssyncadd.s32 $0xFFFFD120  }
0x21a: {  	[bflag:$0x0] =	sbarrier.arrive $0xFFFF  }
0x21b: {  	s17 =	rddreg [dreg:$0x9]  }
0x21c: {  	s11 =	rddreg [dreg:$0xf]  }
0x21d: {  	[spmem:s11], [sflag:s17] =	dma.local [hbm:s21], $0x2F20  }
.Ltmp9:
0x21e: {  	_ =	swait.ge [sflag:s22], $0x2F20;
	(pc) =	sbr.rel @p1 .LBB2_23-.Ltmp9, $4  }
0x21f: {  	[sflag:s22] =	ssyncset.done $0x0  }
0x220: {  	[sflag:s22] =	ssyncadd.s32 $0xFFFFD0E0  }
0x221: {  	[bflag:$0x0] =	sbarrier.arrive $0xFFFF  }
0x222: {  	s18 =	smov.u32 s21;
	s17 =	simm.s32 $0x0  }
0x223: {  	s9 =	rddreg [dreg:$0xc]  }
0x224: {  	[tilespmem:s23], [sflag:$0x2] =	stream.linear.gather [hbm4b:s9+s17], $0x1400, $0x38;
	[tilespmem:$0x1DD00] =	vst v63  }
0x225: {  	s21 =	rddreg [dreg:$0xb];
	s11 =	simm.s32 $0x0  }
0x226: {  	[tilespmem:s24], [sflag:$0x2] =	stream.linear.gather [hbm4b:s21+s17], $0x1400, $0x38;
	[tilespmem:$0x1DD00] =	vst v63  }
.LBB2_18:
0x227: {  	s9 =	sshllo.u32 s11, $0x1  }
0x228: {  	s12 =	sadd.s32 s10, s9  }
0x229: {  	s12 =	smul.u32 $0x280, s12  }
0x22a: {  	p2 =	slt.u32 s9, s8  }
0x22b: {  	s12 =	simm.s32 @!p2 $0x0  }
0x22c: {  	s14 =	sadd.s32 s0, s12  }
0x22d: {  	[tilespmem:s25], [sflag:$0x3] =	stream.linear.gather [hbm4b:s14+s17], $0x1400, $0x38;
	[tilespmem:$0x1DD00] =	vst v63  }
0x22e: {  	s21 =	sadd.s32 s3, s12  }
0x22f: {  	[tilespmem:s26], [sflag:$0x3] =	stream.linear.gather [hbm4b:s21+s17], $0x1400, $0x38;
	[tilespmem:$0x1DD00] =	vst v63  }
0x230: {  	_ =	swait.ge [sflag:s28], $0x1400  }
0x231: {  	[sflag:s28] =	ssyncset.done $0x0  }
0x232: {  	[sflag:s28] =	ssyncadd.s32 $0xFFFFEC00  }
0x233: {  	_ =	swait.ge [sflag:s28], $0x1400  }
0x234: {  	[sflag:s28] =	ssyncset.done $0x0  }
0x235: {  	s14 =	simm.s32 $0x0;
	[sflag:s28] =	ssyncadd.s32 $0xFFFFEC00  }
0x236: {  	v1 =	vld [tilespmem:s14+$0x179F0]  }
0x237: {  	v2 =	vld [tilespmem:s14+$0x17900]  }
0x238: {  	v3 =	vld [tilespmem:s14+$0x17910]  }
0x239: {  	v4 =	vld [tilespmem:s14+$0x17920]  }
0x23a: {  	s12 =	sshll.u32 s11, $0x1;
	v5 =	vld [tilespmem:s14+$0x17930]  }
0x23b: {  	s9 =	simm.s32 $0x0;
	p3 =	slt.u32 s12, s8;
	v6 =	vld [tilespmem:s14+$0x17940]  }
0x23c: {  	s9 =	simm.s32 @!p3 $0x1000000;
	v8 =	vld [tilespmem:s14+$0x17950]  }
0x23d: {  	v0 =	vmov s9;
	v9 =	vld [tilespmem:s14+$0x17960]  }
0x23e: {  	v21 =	vld [tilespmem:s14+$0x179C0];
	v7 =	vsub.s32 v1, v0;
	v1 =	vand.u32 $0x1FFF, v1  }
0x23f: {  	v10 =	vsub.s32 v2, v0;
	v2 =	vand.u32 $0x1FFF, v2;
	v11 =	vsub.s32 v3, v0  }
0x240: {  	v12 =	vand.u32 $0x1FFF, v3;
	v13 =	vsub.s32 v4, v0;
	v14 =	vand.u32 $0x1FFF, v4  }
0x241: {  	v15 =	vsub.s32 v5, v0;
	v16 =	vand.u32 $0x1FFF, v5;
	v17 =	vsub.s32 v6, v0  }
0x242: {  	v18 =	vand.u32 $0x1FFF, v6;
	v19 =	vand.u32 $0x1FFF, v8;
	v20 =	vsub.s32 v9, v0  }
0x243: {  	v9 =	vand.u32 $0x1FFF, v9;
	v32 =	vsub.s32 v21, v0;
	v33 =	vand.u32 $0x1FFF, v21  }
0x244: {  	v4 =	vld [tilespmem:s14+$0x17980];
	vm0 =	vgt.s32 v7, $0x176FFF;
	v7 =	vadd.s32 $0xFFE89000, v7;
	v1 =	vadd.s32 $0x177000, v1  }
0x245: {  	v5 =	vld [tilespmem:s14+$0x17990];
	v2 =	vadd.s32 $0x177000, v2;
	vm1 =	vgt.s32 v11, $0x176FFF;
	v3 =	vadd.s32 $0xFFE89000, v11  }
0x246: {  	v6 =	vld [tilespmem:s14+$0x179A0];
	vm2 =	vgt.s32 v13, $0x176FFF;
	vm3 =	vgt.s32 v15, $0x176FFF;
	vm6 =	vgt.s32 v17, $0x176FFF  }
0x247: {  	v11 =	vld [tilespmem:s14+$0x179D0];
	vm9 =	vgt.s32 v20, $0x176FFF;
	v21 =	vadd.s32 $0x177000, v9;
	v1 =	vsel vm0, v7, v1  }
0x248: {  	vm0 =	vgt.s32 v10, $0x176FFF;
	[tilespmem:s14+$0x1C9F0] =	vst v1;
	v1 =	vadd.s32 $0xFFE89000, v10;
	v10 =	vsub.s32 v8, v0  }
0x249: {  	vm12 =	vgt.s32 v32, $0x176FFF;
	vm7 =	vgt.s32 v10, $0x176FFF;
	v24 =	vsub.s32 v4, v0  }
0x24a: {  	v25 =	vand.u32 $0x1FFF, v4;
	v4 =	vadd.s32 $0x177000, v12;
	v26 =	vsub.s32 v5, v0  }
0x24b: {  	v7 =	vld [tilespmem:s14+$0x17970];
	v27 =	vand.u32 $0x1FFF, v5;
	v28 =	vsub.s32 v6, v0;
	v29 =	vand.u32 $0x1FFF, v6  }
0x24c: {  	v8 =	vld [tilespmem:s14+$0x179B0];
	v5 =	vadd.s32 $0xFFE89000, v13;
	v13 =	vadd.s32 $0xFFE89000, v10;
	v34 =	vsub.s32 v11, v0  }
0x24d: {  	v35 =	vand.u32 $0x1FFF, v11;
	v11 =	vadd.s32 $0x177000, v16;
	vm4 =	vgt.s32 v24, $0x176FFF  }
0x24e: {  	v9 =	vadd.s32 $0xFFE89000, v24;
	vm8 =	vgt.s32 v26, $0x176FFF;
	v16 =	vadd.s32 $0xFFE89000, v26  }
0x24f: {  	vm10 =	vgt.s32 v28, $0x176FFF;
	v24 =	vadd.s32 $0x177000, v29;
	v26 =	vadd.s32 $0xFFE89000, v32  }
0x250: {  	v12 =	vld [tilespmem:s14+$0x179E0];
	v22 =	vsub.s32 v7, v0;
	v23 =	vand.u32 $0x1FFF, v7;
	v7 =	vadd.s32 $0x177000, v14  }
0x251: {  	v14 =	vadd.s32 $0x177000, v25;
	vm13 =	vgt.s32 v34, $0x176FFF;
	v30 =	vsub.s32 v8, v0  }
0x252: {  	v31 =	vand.u32 $0x1FFF, v8;
	v8 =	vadd.s32 $0xFFE89000, v15;
	vm5 =	vgt.s32 v22, $0x176FFF  }
0x253: {  	v10 =	vadd.s32 $0xFFE89000, v22;
	v15 =	vadd.s32 $0x177000, v23;
	v22 =	vadd.s32 $0xFFE89000, v28  }
0x254: {  	v28 =	vadd.s32 $0xFFE89000, v34;
	vm11 =	vgt.s32 v30, $0x176FFF;
	v23 =	vadd.s32 $0xFFE89000, v30  }
0x255: {  	v25 =	vadd.s32 $0x177000, v31;
	v30 =	vadd.s32 $0x177000, v35;
	v36 =	vsub.s32 v12, v0  }
0x256: {  	v6 =	vand.u32 $0x1FFF, v12;
	v12 =	vadd.s32 $0xFFE89000, v17;
	v17 =	vadd.s32 $0x177000, v18  }
0x257: {  	v18 =	vadd.s32 $0x177000, v19;
	v19 =	vadd.s32 $0xFFE89000, v20;
	v20 =	vadd.s32 $0x177000, v27  }
0x258: {  	s21 =	simm.s32 $0x100;
	s9 =	simm.s32 $0x800;
	v27 =	vadd.s32 $0x177000, v33;
	vm14 =	vgt.s32 v36, $0x176FFF;
	v29 =	vadd.s32 $0xFFE89000, v36  }
.LBB2_19:
0x259: {  	p3 =	sne.s32 s9, $0x4C00;
	v31 =	vld [tilespmem:s21+$0x179F0];
	v1 =	vsel vm0, v1, v2;
	v2 =	vsel vm1, v3, v4;
	v3 =	vadd.s32 $0x177000, v6  }
0x25a: {  	v6 =	vsel vm6, v12, v17;
	v4 =	vld [tilespmem:s21+$0x17900];
	[tilespmem:s14+$0x1C900] =	vst v1;
	v1 =	vsel vm2, v5, v7;
	v5 =	vsel vm3, v8, v11  }
0x25b: {  	v10 =	vsel vm5, v10, v15;
	v8 =	vsel vm9, v19, v21;
	v7 =	vld [tilespmem:s21+$0x17910];
	[tilespmem:s14+$0x1C910] =	vst v2;
	v2 =	vsel vm7, v13, v18  }
0x25c: {  	v12 =	vsel vm10, v22, v24;
	v11 =	vld [tilespmem:s21+$0x17920];
	[tilespmem:s14+$0x1C920] =	vst v1;
	v1 =	vsel vm4, v9, v14;
	v9 =	vsel vm8, v16, v20  }
0x25d: {  	v15 =	vsel vm13, v28, v30;
	v14 =	vsel vm12, v26, v27;
	v13 =	vld [tilespmem:s21+$0x17930];
	[tilespmem:s14+$0x1C930] =	vst v5;
	v5 =	vsel vm11, v23, v25  }
0x25e: {  	v16 =	vld [tilespmem:s21+$0x17940];
	v17 =	vsub.s32 v31, v0;
	v18 =	vand.u32 $0x1FFF, v31;
	[tilespmem:s14+$0x1C940] =	vst v6;
	v6 =	vsel vm14, v29, v3  }
0x25f: {  	v3 =	vld [tilespmem:s21+$0x17950];
	vm0 =	vgt.s32 v17, $0x176FFF;
	v17 =	vadd.s32 $0xFFE89000, v17;
	v18 =	vadd.s32 $0x177000, v18;
	[tilespmem:s14+$0x1C950] =	vst v2  }
0x260: {  	v2 =	vsub.s32 v4, v0;
	v4 =	vand.u32 $0x1FFF, v4;
	v19 =	vld [tilespmem:s21+$0x17960];
	v17 =	vsel vm0, v17, v18;
	[tilespmem:s14+$0x1C960] =	vst v8  }
0x261: {  	v8 =	vsub.s32 v7, v0;
	v7 =	vand.u32 $0x1FFF, v7;
	v18 =	vsub.s32 v11, v0;
	v20 =	vld [tilespmem:s21+$0x17970];
	[tilespmem:s21+$0x1C9F0] =	vst v17  }
0x262: {  	v11 =	vand.u32 $0x1FFF, v11;
	v17 =	vsub.s32 v13, v0;
	v13 =	vand.u32 $0x1FFF, v13;
	v21 =	vld [tilespmem:s21+$0x17980];
	[tilespmem:s14+$0x1C970] =	vst v10  }
0x263: {  	vm0 =	vgt.s32 v2, $0x176FFF;
	v10 =	vsub.s32 v16, v0;
	v16 =	vand.u32 $0x1FFF, v16;
	v22 =	vld [tilespmem:s21+$0x17990];
	[tilespmem:s14+$0x1C980] =	vst v1  }
0x264: {  	v1 =	vadd.s32 $0xFFE89000, v2;
	v23 =	vsub.s32 v3, v0;
	v24 =	vand.u32 $0x1FFF, v3;
	v25 =	vld [tilespmem:s21+$0x179A0];
	[tilespmem:s14+$0x1C990] =	vst v9  }
0x265: {  	v2 =	vadd.s32 $0x177000, v4;
	v9 =	vsub.s32 v19, v0;
	v26 =	vand.u32 $0x1FFF, v19;
	v19 =	vld [tilespmem:s21+$0x179B0];
	[tilespmem:s14+$0x1C9A0] =	vst v12  }
0x266: {  	vm1 =	vgt.s32 v8, $0x176FFF;
	v27 =	vsub.s32 v20, v0;
	v20 =	vand.u32 $0x1FFF, v20;
	v12 =	vld [tilespmem:s21+$0x179C0];
	[tilespmem:s14+$0x1C9B0] =	vst v5  }
0x267: {  	v3 =	vadd.s32 $0xFFE89000, v8;
	v28 =	vsub.s32 v21, v0;
	v29 =	vand.u32 $0x1FFF, v21;
	v8 =	vld [tilespmem:s21+$0x179D0];
	[tilespmem:s14+$0x1C9C0] =	vst v14  }
0x268: {  	v4 =	vadd.s32 $0x177000, v7;
	v30 =	vsub.s32 v22, v0;
	v22 =	vand.u32 $0x1FFF, v22;
	v14 =	vld [tilespmem:s21+$0x179E0];
	[tilespmem:s14+$0x1C9D0] =	vst v15  }
0x269: {  	vm2 =	vgt.s32 v18, $0x176FFF;
	v31 =	vsub.s32 v25, v0;
	v25 =	vand.u32 $0x1FFF, v25;
	[tilespmem:s14+$0x1C9E0] =	vst v6;
	s14 =	smov.u32 s21  }
0x26a: {  	v5 =	vadd.s32 $0xFFE89000, v18;
	v32 =	vsub.s32 v19, v0;
	v33 =	vand.u32 $0x1FFF, v19  }
0x26b: {  	v7 =	vadd.s32 $0x177000, v11;
	v34 =	vsub.s32 v12, v0;
	v35 =	vand.u32 $0x1FFF, v12  }
0x26c: {  	vm3 =	vgt.s32 v17, $0x176FFF;
	v36 =	vsub.s32 v8, v0;
	v37 =	vand.u32 $0x1FFF, v8  }
0x26d: {  	v8 =	vadd.s32 $0xFFE89000, v17;
	v38 =	vsub.s32 v14, v0;
	v6 =	vand.u32 $0x1FFF, v14  }
0x26e: {  	v11 =	vadd.s32 $0x177000, v13;
	vm6 =	vgt.s32 v10, $0x176FFF;
	v12 =	vadd.s32 $0xFFE89000, v10  }
0x26f: {  	vm7 =	vgt.s32 v23, $0x176FFF;
	v13 =	vadd.s32 $0xFFE89000, v23;
	v17 =	vadd.s32 $0x177000, v16  }
0x270: {  	v18 =	vadd.s32 $0x177000, v24;
	vm9 =	vgt.s32 v9, $0x176FFF;
	v19 =	vadd.s32 $0xFFE89000, v9  }
0x271: {  	v21 =	vadd.s32 $0x177000, v26;
	vm5 =	vgt.s32 v27, $0x176FFF;
	v10 =	vadd.s32 $0xFFE89000, v27  }
0x272: {  	v15 =	vadd.s32 $0x177000, v20;
	vm4 =	vgt.s32 v28, $0x176FFF;
	v9 =	vadd.s32 $0xFFE89000, v28  }
0x273: {  	vm8 =	vgt.s32 v30, $0x176FFF;
	v16 =	vadd.s32 $0xFFE89000, v30;
	v14 =	vadd.s32 $0x177000, v29  }
.Ltmp10:
0x274: {  	v20 =	vadd.s32 $0x177000, v22;
	vm10 =	vgt.s32 v31, $0x176FFF;
	v22 =	vadd.s32 $0xFFE89000, v31;
	(pc) =	sbr.rel @p3 .LBB2_19-.Ltmp10, $4  }
0x275: {  	v24 =	vadd.s32 $0x177000, v25;
	vm11 =	vgt.s32 v32, $0x176FFF;
	v23 =	vadd.s32 $0xFFE89000, v32  }
0x276: {  	v25 =	vadd.s32 $0x177000, v33;
	vm12 =	vgt.s32 v34, $0x176FFF;
	v26 =	vadd.s32 $0xFFE89000, v34  }
0x277: {  	v27 =	vadd.s32 $0x177000, v35;
	vm13 =	vgt.s32 v36, $0x176FFF;
	v28 =	vadd.s32 $0xFFE89000, v36  }
0x278: {  	s21 =	sshra.s32 s9, $0x2;
	s9 =	sadd.s32 $0x400, s9;
	v30 =	vadd.s32 $0x177000, v37;
	vm14 =	vgt.s32 v38, $0x176FFF;
	v29 =	vadd.s32 $0xFFE89000, v38  }
0x279: {  	v31 =	vld [tilespmem:s21+$0x179F0];
	v1 =	vsel vm0, v1, v2  }
0x27a: {  	v2 =	vld [tilespmem:s21+$0x17900];
	[tilespmem:s14+$0x1C900] =	vst v1;
	v1 =	vsel vm1, v3, v4  }
0x27b: {  	v3 =	vld [tilespmem:s21+$0x17910];
	[tilespmem:s14+$0x1C910] =	vst v1;
	v1 =	vsel vm2, v5, v7  }
0x27c: {  	v4 =	vld [tilespmem:s21+$0x17920];
	[tilespmem:s14+$0x1C920] =	vst v1;
	v1 =	vsel vm3, v8, v11  }
0x27d: {  	v5 =	vld [tilespmem:s21+$0x17930];
	[tilespmem:s14+$0x1C930] =	vst v1;
	v1 =	vsel vm6, v12, v17  }
0x27e: {  	v7 =	vld [tilespmem:s21+$0x17940];
	[tilespmem:s14+$0x1C940] =	vst v1;
	v1 =	vsel vm7, v13, v18  }
0x27f: {  	v11 =	vsub.s32 v31, v0;
	v12 =	vand.u32 $0x1FFF, v31;
	v8 =	vld [tilespmem:s21+$0x17950];
	[tilespmem:s14+$0x1C950] =	vst v1;
	v1 =	vsel vm9, v19, v21  }
0x280: {  	vm0 =	vgt.s32 v11, $0x176FFF;
	v11 =	vadd.s32 $0xFFE89000, v11;
	v12 =	vadd.s32 $0x177000, v12  }
0x281: {  	v6 =	vadd.s32 $0x177000, v6;
	v17 =	vsel vm13, v28, v30;
	v13 =	vld [tilespmem:s21+$0x17960];
	[tilespmem:s14+$0x1C960] =	vst v1;
	v1 =	vsel vm0, v11, v12  }
0x282: {  	v12 =	vsel vm10, v22, v24;
	v19 =	vsub.s32 v3, v0;
	v3 =	vand.u32 $0x1FFF, v3  }
0x283: {  	v11 =	vld [tilespmem:s21+$0x17970];
	[tilespmem:s21+$0x1C9F0] =	vst v1;
	v1 =	vsel vm5, v10, v15;
	v15 =	vsel vm11, v23, v25;
	vm1 =	vgt.s32 v19, $0x176FFF  }
0x284: {  	v10 =	vld [tilespmem:s21+$0x17980];
	v19 =	vadd.s32 $0xFFE89000, v19;
	v3 =	vadd.s32 $0x177000, v3;
	[tilespmem:s14+$0x1C970] =	vst v1;
	v1 =	vsel vm4, v9, v14  }
0x285: {  	v9 =	vsel vm8, v16, v20;
	v16 =	vsel vm12, v26, v27;
	v20 =	vsub.s32 v4, v0  }
0x286: {  	v4 =	vand.u32 $0x1FFF, v4;
	v3 =	vsel vm1, v19, v3;
	v14 =	vld [tilespmem:s21+$0x17990];
	[tilespmem:s14+$0x1C980] =	vst v1;
	v1 =	vsel vm14, v29, v6  }
0x287: {  	v6 =	vsub.s32 v2, v0;
	v2 =	vand.u32 $0x1FFF, v2;
	v22 =	vsub.s32 v7, v0  }
0x288: {  	v7 =	vand.u32 $0x1FFF, v7;
	vm2 =	vgt.s32 v20, $0x176FFF;
	v20 =	vadd.s32 $0xFFE89000, v20  }
0x289: {  	v4 =	vadd.s32 $0x177000, v4;
	v18 =	vld [tilespmem:s21+$0x179A0];
	[tilespmem:s14+$0x1C990] =	vst v9;
	v9 =	vsub.s32 v5, v0;
	v5 =	vand.u32 $0x1FFF, v5  }
0x28a: {  	vm0 =	vgt.s32 v6, $0x176FFF;
	v6 =	vadd.s32 $0xFFE89000, v6;
	v2 =	vadd.s32 $0x177000, v2  }
0x28b: {  	vm4 =	vgt.s32 v22, $0x176FFF;
	v22 =	vadd.s32 $0xFFE89000, v22;
	v7 =	vadd.s32 $0x177000, v7  }
0x28c: {  	v4 =	vsel vm2, v20, v4;
	v21 =	vld [tilespmem:s21+$0x179B0];
	[tilespmem:s14+$0x1C9A0] =	vst v12;
	v12 =	vsub.s32 v8, v0;
	v8 =	vand.u32 $0x1FFF, v8  }
0x28d: {  	v24 =	vsub.s32 v13, v0;
	v13 =	vand.u32 $0x1FFF, v13;
	vm3 =	vgt.s32 v9, $0x176FFF  }
0x28e: {  	v9 =	vadd.s32 $0xFFE89000, v9;
	v5 =	vadd.s32 $0x177000, v5;
	v2 =	vsel vm0, v6, v2  }
0x28f: {  	v7 =	vsel vm4, v22, v7;
	v23 =	vld [tilespmem:s21+$0x179C0];
	[tilespmem:s14+$0x1C9B0] =	vst v15;
	v15 =	vsub.s32 v11, v0;
	v11 =	vand.u32 $0x1FFF, v11  }
0x290: {  	v26 =	vsub.s32 v10, v0;
	v10 =	vand.u32 $0x1FFF, v10;
	vm5 =	vgt.s32 v12, $0x176FFF;
	v25 =	vld [tilespmem:s21+$0x179D0];
	[tilespmem:s14+$0x1C9C0] =	vst v16  }
0x291: {  	v12 =	vadd.s32 $0xFFE89000, v12;
	vm6 =	vgt.s32 v24, $0x176FFF;
	v6 =	vadd.s32 $0xFFE89000, v24;
	v27 =	vld [tilespmem:s21+$0x179E0];
	[tilespmem:s14+$0x1C9D0] =	vst v17  }
0x292: {  	v5 =	vsel vm3, v9, v5;
	vm0 =	vgt.s32 v15, $0x176FFF;
	vm1 =	vgt.s32 v26, $0x176FFF;
	[tilespmem:s14+$0x1C9E0] =	vst v1  }
0x293: {  	v9 =	vadd.s32 $0x177000, v10;
	v16 =	vsub.s32 v14, v0;
	v14 =	vand.u32 $0x1FFF, v14;
	[tilespmem:s21+$0x1C900] =	vst v2  }
0x294: {  	v1 =	vadd.s32 $0x177000, v8;
	v8 =	vadd.s32 $0x177000, v13;
	v28 =	vsub.s32 v18, v0;
	[tilespmem:s21+$0x1C910] =	vst v3  }
0x295: {  	v18 =	vand.u32 $0x1FFF, v18;
	v2 =	vadd.s32 $0xFFE89000, v15;
	v3 =	vadd.s32 $0x177000, v11;
	[tilespmem:s21+$0x1C920] =	vst v4  }
0x296: {  	v4 =	vadd.s32 $0xFFE89000, v26;
	[tilespmem:s21+$0x1C930] =	vst v5;
	vm2 =	vgt.s32 v16, $0x176FFF;
	v5 =	vadd.s32 $0xFFE89000, v16  }
0x297: {  	v1 =	vsel vm5, v12, v1;
	[tilespmem:s21+$0x1C940] =	vst v7;
	v7 =	vadd.s32 $0x177000, v14;
	v6 =	vsel vm6, v6, v8  }
0x298: {  	v29 =	vsub.s32 v21, v0;
	v21 =	vand.u32 $0x1FFF, v21;
	vm3 =	vgt.s32 v28, $0x176FFF  }
0x299: {  	[tilespmem:s21+$0x1C950] =	vst v1;
	v1 =	vadd.s32 $0xFFE89000, v28;
	v8 =	vadd.s32 $0x177000, v18;
	v2 =	vsel vm0, v2, v3  }
0x29a: {  	v4 =	vsel vm1, v4, v9;
	v5 =	vsel vm2, v5, v7;
	v30 =	vsub.s32 v23, v0  }
0x29b: {  	[tilespmem:s21+$0x1C960] =	vst v6;
	v23 =	vand.u32 $0x1FFF, v23;
	vm0 =	vgt.s32 v29, $0x176FFF;
	v3 =	vadd.s32 $0xFFE89000, v29  }
0x29c: {  	[tilespmem:s21+$0x1C970] =	vst v2;
	v2 =	vadd.s32 $0x177000, v21;
	v1 =	vsel vm3, v1, v8;
	v31 =	vsub.s32 v25, v0  }
0x29d: {  	[tilespmem:s21+$0x1C980] =	vst v4;
	v25 =	vand.u32 $0x1FFF, v25;
	vm1 =	vgt.s32 v30, $0x176FFF;
	v4 =	vadd.s32 $0xFFE89000, v30  }
0x29e: {  	[tilespmem:s21+$0x1C990] =	vst v5;
	v6 =	vadd.s32 $0x177000, v23;
	v2 =	vsel vm0, v3, v2;
	v0 =	vsub.s32 v27, v0  }
0x29f: {  	[tilespmem:s21+$0x1C9A0] =	vst v1;
	v27 =	vand.u32 $0x1FFF, v27;
	vm2 =	vgt.s32 v31, $0x176FFF;
	v5 =	vadd.s32 $0xFFE89000, v31  }
0x2a0: {  	p3 =	seq.s32 s11, $0x13;
	v1 =	vadd.s32 $0x177000, v25;
	v3 =	vsel vm1, v4, v6;
	[tilespmem:s21+$0x1C9B0] =	vst v2;
	vm0 =	vgt.s32 v0, $0x176FFF  }
0x2a1: {  	s9 =	sadd.s32 @!p3 $0x2, s12;
	v0 =	vadd.s32 $0xFFE89000, v0;
	v2 =	vadd.s32 $0x177000, v27;
	v1 =	vsel vm2, v5, v1;
	[tilespmem:s21+$0x1C9C0] =	vst v3  }
0x2a2: {  	s12 =	sadd.s32 @!p3 s10, s9;
	p4 =	slt.u32 @!p3 s9, s8;
	v0 =	vsel vm0, v0, v2;
	[tilespmem:s21+$0x1C9D0] =	vst v1  }
0x2a3: {  	s9 =	smul.u32 @!p3 $0x280, s12;
	p4 =	por !p4, p3;
	[tilespmem:s21+$0x1C9E0] =	vst v0  }
0x2a4: {  	[spmem:s6] =	stream.indirect.scatter.add.f32 [tilespmem:s24], [sflag:$0x4], $0x1, s2, s31, $0xb8;
	[tilespmem:$0x1DD00] =	vst v63  }
0x2a5: {  	s9 =	simm.s32 @p4 $0x0;
	_ =	swait.ge [sflag:s22], $0x1400  }
0x2a6: {  	s12 =	sadd.s32 @!p3 s0, s9;
	[sflag:s22] =	ssyncset.done $0x0  }
0x2a7: {  	s14 =	simm.s32 @!p3 $0x0;
	s21 =	simm.s32 @!p3 $0x17900;
	[sflag:s22] =	ssyncadd.s32 $0xFFFFEC00  }
0x2a8: {  	[tilespmem:s21], [sflag:$0x2] =	stream.linear.gather @!p3 [hbm4b:s12+s14], $0x1400, $0x38;
	[tilespmem:$0x1DD00] =	vst v63  }
0x2a9: {  	s9 =	sadd.s32 @!p3 s3, s9;
	s12 =	simm.s32 @!p3 $0x18D00  }
0x2aa: {  	[tilespmem:s12], [sflag:$0x2] =	stream.linear.gather @!p3 [hbm4b:s9+s14], $0x1400, $0x38;
	[tilespmem:$0x1DD00] =	vst v63  }
0x2ab: {  	_ =	swait.ge [sflag:s4], $0x1400  }
0x2ac: {  	[sflag:s4] =	ssyncset.done $0x0  }
0x2ad: {  	[sflag:s4] =	ssyncadd.s32 $0xFFFFEC00  }
0x2ae: {  	_ =	swait.ge [sflag:s4], $0x1400  }
0x2af: {  	[sflag:s4] =	ssyncset.done $0x0  }
0x2b0: {  	s12 =	simm.s32 $0x0;
	[sflag:s4] =	ssyncadd.s32 $0xFFFFEC00  }
0x2b1: {  	v1 =	vld [tilespmem:s12+$0x1A1F0]  }
0x2b2: {  	v2 =	vld [tilespmem:s12+$0x1A100]  }
0x2b3: {  	v3 =	vld [tilespmem:s12+$0x1A110]  }
0x2b4: {  	v4 =	vld [tilespmem:s12+$0x1A120]  }
0x2b5: {  	v5 =	vld [tilespmem:s12+$0x1A130]  }
0x2b6: {  	s9 =	simm.s32 $0x0;
	v6 =	vld [tilespmem:s12+$0x1A140]  }
0x2b7: {  	s9 =	simm.s32 @!p2 $0x1000000;
	v8 =	vld [tilespmem:s12+$0x1A150]  }
0x2b8: {  	v0 =	vmov s9;
	v9 =	vld [tilespmem:s12+$0x1A160]  }
0x2b9: {  	v21 =	vld [tilespmem:s12+$0x1A1C0];
	v7 =	vsub.s32 v1, v0;
	v1 =	vand.u32 $0x1FFF, v1  }
0x2ba: {  	v10 =	vsub.s32 v2, v0;
	v2 =	vand.u32 $0x1FFF, v2;
	v11 =	vsub.s32 v3, v0  }
0x2bb: {  	v12 =	vand.u32 $0x1FFF, v3;
	v13 =	vsub.s32 v4, v0;
	v14 =	vand.u32 $0x1FFF, v4  }
0x2bc: {  	v15 =	vsub.s32 v5, v0;
	v16 =	vand.u32 $0x1FFF, v5;
	v17 =	vsub.s32 v6, v0  }
0x2bd: {  	v18 =	vand.u32 $0x1FFF, v6;
	v19 =	vand.u32 $0x1FFF, v8;
	v20 =	vsub.s32 v9, v0  }
0x2be: {  	v9 =	vand.u32 $0x1FFF, v9;
	v32 =	vsub.s32 v21, v0;
	v33 =	vand.u32 $0x1FFF, v21  }
0x2bf: {  	v4 =	vld [tilespmem:s12+$0x1A180];
	vm0 =	vgt.s32 v7, $0x176FFF;
	v7 =	vadd.s32 $0xFFE89000, v7;
	v1 =	vadd.s32 $0x177000, v1  }
0x2c0: {  	v5 =	vld [tilespmem:s12+$0x1A190];
	v2 =	vadd.s32 $0x177000, v2;
	vm1 =	vgt.s32 v11, $0x176FFF;
	v3 =	vadd.s32 $0xFFE89000, v11  }
0x2c1: {  	v6 =	vld [tilespmem:s12+$0x1A1A0];
	vm2 =	vgt.s32 v13, $0x176FFF;
	vm3 =	vgt.s32 v15, $0x176FFF;
	vm6 =	vgt.s32 v17, $0x176FFF  }
0x2c2: {  	v11 =	vld [tilespmem:s12+$0x1A1D0];
	vm9 =	vgt.s32 v20, $0x176FFF;
	v21 =	vadd.s32 $0x177000, v9;
	v1 =	vsel vm0, v7, v1  }
0x2c3: {  	vm0 =	vgt.s32 v10, $0x176FFF;
	[tilespmem:s12+$0x1C9F0] =	vst v1;
	v1 =	vadd.s32 $0xFFE89000, v10;
	v10 =	vsub.s32 v8, v0  }
0x2c4: {  	vm12 =	vgt.s32 v32, $0x176FFF;
	vm7 =	vgt.s32 v10, $0x176FFF;
	v24 =	vsub.s32 v4, v0  }
0x2c5: {  	v25 =	vand.u32 $0x1FFF, v4;
	v4 =	vadd.s32 $0x177000, v12;
	v26 =	vsub.s32 v5, v0  }
0x2c6: {  	v7 =	vld [tilespmem:s12+$0x1A170];
	v27 =	vand.u32 $0x1FFF, v5;
	v28 =	vsub.s32 v6, v0;
	v29 =	vand.u32 $0x1FFF, v6  }
0x2c7: {  	v8 =	vld [tilespmem:s12+$0x1A1B0];
	v5 =	vadd.s32 $0xFFE89000, v13;
	v13 =	vadd.s32 $0xFFE89000, v10;
	v34 =	vsub.s32 v11, v0  }
0x2c8: {  	v35 =	vand.u32 $0x1FFF, v11;
	v11 =	vadd.s32 $0x177000, v16;
	vm4 =	vgt.s32 v24, $0x176FFF  }
0x2c9: {  	v9 =	vadd.s32 $0xFFE89000, v24;
	vm8 =	vgt.s32 v26, $0x176FFF;
	v16 =	vadd.s32 $0xFFE89000, v26  }
0x2ca: {  	vm10 =	vgt.s32 v28, $0x176FFF;
	v24 =	vadd.s32 $0x177000, v29;
	v26 =	vadd.s32 $0xFFE89000, v32  }
0x2cb: {  	v12 =	vld [tilespmem:s12+$0x1A1E0];
	v22 =	vsub.s32 v7, v0;
	v23 =	vand.u32 $0x1FFF, v7;
	v7 =	vadd.s32 $0x177000, v14  }
0x2cc: {  	v14 =	vadd.s32 $0x177000, v25;
	vm13 =	vgt.s32 v34, $0x176FFF;
	v30 =	vsub.s32 v8, v0  }
0x2cd: {  	v31 =	vand.u32 $0x1FFF, v8;
	v8 =	vadd.s32 $0xFFE89000, v15;
	vm5 =	vgt.s32 v22, $0x176FFF  }
0x2ce: {  	v10 =	vadd.s32 $0xFFE89000, v22;
	v15 =	vadd.s32 $0x177000, v23;
	v22 =	vadd.s32 $0xFFE89000, v28  }
0x2cf: {  	v28 =	vadd.s32 $0xFFE89000, v34;
	vm11 =	vgt.s32 v30, $0x176FFF;
	v23 =	vadd.s32 $0xFFE89000, v30  }
0x2d0: {  	v25 =	vadd.s32 $0x177000, v31;
	v30 =	vadd.s32 $0x177000, v35;
	v36 =	vsub.s32 v12, v0  }
0x2d1: {  	v6 =	vand.u32 $0x1FFF, v12;
	v12 =	vadd.s32 $0xFFE89000, v17;
	v17 =	vadd.s32 $0x177000, v18  }
0x2d2: {  	v18 =	vadd.s32 $0x177000, v19;
	v19 =	vadd.s32 $0xFFE89000, v20;
	v20 =	vadd.s32 $0x177000, v27  }
0x2d3: {  	s14 =	simm.s32 $0x100;
	s9 =	simm.s32 $0x800;
	v27 =	vadd.s32 $0x177000, v33;
	vm14 =	vgt.s32 v36, $0x176FFF;
	v29 =	vadd.s32 $0xFFE89000, v36  }
.LBB2_21:
0x2d4: {  	p2 =	sne.s32 s9, $0x4C00;
	v31 =	vld [tilespmem:s14+$0x1A1F0];
	v1 =	vsel vm0, v1, v2;
	v2 =	vsel vm1, v3, v4;
	v3 =	vadd.s32 $0x177000, v6  }
0x2d5: {  	v6 =	vsel vm6, v12, v17;
	v4 =	vld [tilespmem:s14+$0x1A100];
	[tilespmem:s12+$0x1C900] =	vst v1;
	v1 =	vsel vm2, v5, v7;
	v5 =	vsel vm3, v8, v11  }
0x2d6: {  	v10 =	vsel vm5, v10, v15;
	v8 =	vsel vm9, v19, v21;
	v7 =	vld [tilespmem:s14+$0x1A110];
	[tilespmem:s12+$0x1C910] =	vst v2;
	v2 =	vsel vm7, v13, v18  }
0x2d7: {  	v12 =	vsel vm10, v22, v24;
	v11 =	vld [tilespmem:s14+$0x1A120];
	[tilespmem:s12+$0x1C920] =	vst v1;
	v1 =	vsel vm4, v9, v14;
	v9 =	vsel vm8, v16, v20  }
0x2d8: {  	v15 =	vsel vm13, v28, v30;
	v14 =	vsel vm12, v26, v27;
	v13 =	vld [tilespmem:s14+$0x1A130];
	[tilespmem:s12+$0x1C930] =	vst v5;
	v5 =	vsel vm11, v23, v25  }
0x2d9: {  	v16 =	vld [tilespmem:s14+$0x1A140];
	v17 =	vsub.s32 v31, v0;
	v18 =	vand.u32 $0x1FFF, v31;
	[tilespmem:s12+$0x1C940] =	vst v6;
	v6 =	vsel vm14, v29, v3  }
0x2da: {  	v3 =	vld [tilespmem:s14+$0x1A150];
	vm0 =	vgt.s32 v17, $0x176FFF;
	v17 =	vadd.s32 $0xFFE89000, v17;
	v18 =	vadd.s32 $0x177000, v18;
	[tilespmem:s12+$0x1C950] =	vst v2  }
0x2db: {  	v2 =	vsub.s32 v4, v0;
	v4 =	vand.u32 $0x1FFF, v4;
	v19 =	vld [tilespmem:s14+$0x1A160];
	v17 =	vsel vm0, v17, v18;
	[tilespmem:s12+$0x1C960] =	vst v8  }
0x2dc: {  	v8 =	vsub.s32 v7, v0;
	v7 =	vand.u32 $0x1FFF, v7;
	v18 =	vsub.s32 v11, v0;
	v20 =	vld [tilespmem:s14+$0x1A170];
	[tilespmem:s14+$0x1C9F0] =	vst v17  }
0x2dd: {  	v11 =	vand.u32 $0x1FFF, v11;
	v17 =	vsub.s32 v13, v0;
	v13 =	vand.u32 $0x1FFF, v13;
	v21 =	vld [tilespmem:s14+$0x1A180];
	[tilespmem:s12+$0x1C970] =	vst v10  }
0x2de: {  	vm0 =	vgt.s32 v2, $0x176FFF;
	v10 =	vsub.s32 v16, v0;
	v16 =	vand.u32 $0x1FFF, v16;
	v22 =	vld [tilespmem:s14+$0x1A190];
	[tilespmem:s12+$0x1C980] =	vst v1  }
0x2df: {  	v1 =	vadd.s32 $0xFFE89000, v2;
	v23 =	vsub.s32 v3, v0;
	v24 =	vand.u32 $0x1FFF, v3;
	v25 =	vld [tilespmem:s14+$0x1A1A0];
	[tilespmem:s12+$0x1C990] =	vst v9  }
0x2e0: {  	v2 =	vadd.s32 $0x177000, v4;
	v9 =	vsub.s32 v19, v0;
	v26 =	vand.u32 $0x1FFF, v19;
	v19 =	vld [tilespmem:s14+$0x1A1B0];
	[tilespmem:s12+$0x1C9A0] =	vst v12  }
0x2e1: {  	vm1 =	vgt.s32 v8, $0x176FFF;
	v27 =	vsub.s32 v20, v0;
	v20 =	vand.u32 $0x1FFF, v20;
	v12 =	vld [tilespmem:s14+$0x1A1C0];
	[tilespmem:s12+$0x1C9B0] =	vst v5  }
0x2e2: {  	v3 =	vadd.s32 $0xFFE89000, v8;
	v28 =	vsub.s32 v21, v0;
	v29 =	vand.u32 $0x1FFF, v21;
	v8 =	vld [tilespmem:s14+$0x1A1D0];
	[tilespmem:s12+$0x1C9C0] =	vst v14  }
0x2e3: {  	v4 =	vadd.s32 $0x177000, v7;
	v30 =	vsub.s32 v22, v0;
	v22 =	vand.u32 $0x1FFF, v22;
	v14 =	vld [tilespmem:s14+$0x1A1E0];
	[tilespmem:s12+$0x1C9D0] =	vst v15  }
0x2e4: {  	vm2 =	vgt.s32 v18, $0x176FFF;
	v31 =	vsub.s32 v25, v0;
	v25 =	vand.u32 $0x1FFF, v25;
	[tilespmem:s12+$0x1C9E0] =	vst v6;
	s12 =	smov.u32 s14  }
0x2e5: {  	v5 =	vadd.s32 $0xFFE89000, v18;
	v32 =	vsub.s32 v19, v0;
	v33 =	vand.u32 $0x1FFF, v19  }
0x2e6: {  	v7 =	vadd.s32 $0x177000, v11;
	v34 =	vsub.s32 v12, v0;
	v35 =	vand.u32 $0x1FFF, v12  }
0x2e7: {  	vm3 =	vgt.s32 v17, $0x176FFF;
	v36 =	vsub.s32 v8, v0;
	v37 =	vand.u32 $0x1FFF, v8  }
0x2e8: {  	v8 =	vadd.s32 $0xFFE89000, v17;
	v38 =	vsub.s32 v14, v0;
	v6 =	vand.u32 $0x1FFF, v14  }
0x2e9: {  	v11 =	vadd.s32 $0x177000, v13;
	vm6 =	vgt.s32 v10, $0x176FFF;
	v12 =	vadd.s32 $0xFFE89000, v10  }
0x2ea: {  	vm7 =	vgt.s32 v23, $0x176FFF;
	v13 =	vadd.s32 $0xFFE89000, v23;
	v17 =	vadd.s32 $0x177000, v16  }
0x2eb: {  	v18 =	vadd.s32 $0x177000, v24;
	vm9 =	vgt.s32 v9, $0x176FFF;
	v19 =	vadd.s32 $0xFFE89000, v9  }
0x2ec: {  	v21 =	vadd.s32 $0x177000, v26;
	vm5 =	vgt.s32 v27, $0x176FFF;
	v10 =	vadd.s32 $0xFFE89000, v27  }
0x2ed: {  	v15 =	vadd.s32 $0x177000, v20;
	vm4 =	vgt.s32 v28, $0x176FFF;
	v9 =	vadd.s32 $0xFFE89000, v28  }
0x2ee: {  	vm8 =	vgt.s32 v30, $0x176FFF;
	v16 =	vadd.s32 $0xFFE89000, v30;
	v14 =	vadd.s32 $0x177000, v29  }
.Ltmp11:
0x2ef: {  	v20 =	vadd.s32 $0x177000, v22;
	vm10 =	vgt.s32 v31, $0x176FFF;
	v22 =	vadd.s32 $0xFFE89000, v31;
	(pc) =	sbr.rel @p2 .LBB2_21-.Ltmp11, $4  }
0x2f0: {  	v24 =	vadd.s32 $0x177000, v25;
	vm11 =	vgt.s32 v32, $0x176FFF;
	v23 =	vadd.s32 $0xFFE89000, v32  }
0x2f1: {  	v25 =	vadd.s32 $0x177000, v33;
	vm12 =	vgt.s32 v34, $0x176FFF;
	v26 =	vadd.s32 $0xFFE89000, v34  }
0x2f2: {  	v27 =	vadd.s32 $0x177000, v35;
	vm13 =	vgt.s32 v36, $0x176FFF;
	v28 =	vadd.s32 $0xFFE89000, v36  }
0x2f3: {  	s14 =	sshra.s32 s9, $0x2;
	s9 =	sadd.s32 $0x400, s9;
	v30 =	vadd.s32 $0x177000, v37;
	vm14 =	vgt.s32 v38, $0x176FFF;
	v29 =	vadd.s32 $0xFFE89000, v38  }
0x2f4: {  	v31 =	vld [tilespmem:s14+$0x1A1F0];
	v1 =	vsel vm0, v1, v2;
	v62 =	vsel vm1, v3, v4;
	v32 =	vsel vm2, v5, v7  }
0x2f5: {  	v61 =	vld [tilespmem:s14+$0x1A100];
	v34 =	vsel vm3, v8, v11;
	v36 =	vsel vm6, v12, v17;
	v38 =	vsel vm7, v13, v18  }
0x2f6: {  	v40 =	vsel vm9, v19, v21;
	v46 =	vsel vm5, v10, v15;
	v6 =	vadd.s32 $0x177000, v6  }
0x2f7: {  	v48 =	vsel vm4, v9, v14;
	v49 =	vsel vm8, v16, v20;
	v50 =	vsel vm10, v22, v24;
	[tilespmem:s12+$0x1C900] =	vst v1  }
0x2f8: {  	v52 =	vsel vm11, v23, v25;
	v53 =	vsel vm12, v26, v27;
	v54 =	vsel vm13, v28, v30;
	v63 =	vld [tilespmem:s14+$0x1A110];
	[tilespmem:s12+$0x1C910] =	vst v62  }
0x2f9: {  	v55 =	vsel vm14, v29, v6;
	v33 =	vld [tilespmem:s14+$0x1A120];
	[tilespmem:s12+$0x1C920] =	vst v32;
	v41 =	vsub.s32 v31, v0;
	v42 =	vand.u32 $0x1FFF, v31  }
0x2fa: {  	v35 =	vld [tilespmem:s14+$0x1A130];
	v56 =	vsub.s32 v61, v0;
	v2 =	vand.u32 $0x1FFF, v61;
	vm7 =	vgt.s32 v41, $0x176FFF  }
0x2fb: {  	[tilespmem:s12+$0x1C930] =	vst v34;
	v11 =	vadd.s32 $0xFFE89000, v41;
	v12 =	vadd.s32 $0x177000, v42;
	vm9 =	vgt.s32 v56, $0x176FFF  }
0x2fc: {  	v37 =	vld [tilespmem:s14+$0x1A140];
	v6 =	vadd.s32 $0xFFE89000, v56;
	v2 =	vadd.s32 $0x177000, v2;
	v44 =	vsel vm7, v11, v12  }
0x2fd: {  	[tilespmem:s12+$0x1C940] =	vst v36;
	v58 =	vsub.s32 v63, v0;
	v3 =	vand.u32 $0x1FFF, v63;
	v2 =	vsel vm9, v6, v2  }
0x2fe: {  	v39 =	vld [tilespmem:s14+$0x1A150];
	v59 =	vsub.s32 v33, v0;
	v4 =	vand.u32 $0x1FFF, v33;
	vm10 =	vgt.s32 v58, $0x176FFF  }
0x2ff: {  	[tilespmem:s12+$0x1C950] =	vst v38;
	v19 =	vadd.s32 $0xFFE89000, v58;
	v3 =	vadd.s32 $0x177000, v3;
	v60 =	vsub.s32 v35, v0  }
0x300: {  	v43 =	vld [tilespmem:s14+$0x1A160];
	v5 =	vand.u32 $0x1FFF, v35;
	vm11 =	vgt.s32 v59, $0x176FFF;
	v20 =	vadd.s32 $0xFFE89000, v59  }
0x301: {  	[tilespmem:s12+$0x1C960] =	vst v40;
	v4 =	vadd.s32 $0x177000, v4;
	v3 =	vsel vm10, v19, v3;
	v62 =	vsub.s32 v37, v0  }
0x302: {  	v45 =	vld [tilespmem:s14+$0x1A170];
	v7 =	vand.u32 $0x1FFF, v37;
	vm12 =	vgt.s32 v60, $0x176FFF;
	v9 =	vadd.s32 $0xFFE89000, v60  }
0x303: {  	[tilespmem:s14+$0x1C9F0] =	vst v44;
	v47 =	vld [tilespmem:s14+$0x1A180];
	v5 =	vadd.s32 $0x177000, v5;
	v4 =	vsel vm11, v20, v4;
	v63 =	vsub.s32 v39, v0  }
0x304: {  	[tilespmem:s12+$0x1C970] =	vst v46;
	v8 =	vand.u32 $0x1FFF, v39;
	vm13 =	vgt.s32 v62, $0x176FFF;
	v22 =	vadd.s32 $0xFFE89000, v62  }
0x305: {  	v51 =	vld [tilespmem:s14+$0x1A190];
	[tilespmem:s12+$0x1C980] =	vst v48;
	v7 =	vadd.s32 $0x177000, v7;
	v5 =	vsel vm12, v9, v5;
	v34 =	vsub.s32 v43, v0  }
0x306: {  	v57 =	vld [tilespmem:s14+$0x1A1A0];
	[tilespmem:s12+$0x1C990] =	vst v49;
	v13 =	vand.u32 $0x1FFF, v43;
	vm14 =	vgt.s32 v63, $0x176FFF;
	v12 =	vadd.s32 $0xFFE89000, v63  }
0x307: {  	v61 =	vld [tilespmem:s14+$0x1A1B0];
	[tilespmem:s12+$0x1C9A0] =	vst v50;
	v7 =	vsel vm13, v22, v7;
	v35 =	vsub.s32 v45, v0;
	v11 =	vand.u32 $0x1FFF, v45  }
0x308: {  	v33 =	vld [tilespmem:s14+$0x1A1C0];
	[tilespmem:s12+$0x1C9B0] =	vst v52;
	v37 =	vsub.s32 v47, v0;
	v10 =	vand.u32 $0x1FFF, v47;
	v45 =	vadd.s32 $0x177000, v8  }
0x309: {  	vm15 =	vgt.s32 v34, $0x176FFF;
	v46 =	vadd.s32 $0xFFE89000, v34;
	v47 =	vadd.s32 $0x177000, v13;
	v36 =	vld [tilespmem:s14+$0x1A1D0];
	[tilespmem:s12+$0x1C9C0] =	vst v53  }
0x30a: {  	vm8 =	vgt.s32 v35, $0x176FFF;
	v48 =	vadd.s32 $0xFFE89000, v35;
	v49 =	vadd.s32 $0x177000, v11;
	v39 =	vld [tilespmem:s14+$0x1A1E0];
	[tilespmem:s12+$0x1C9D0] =	vst v54  }
0x30b: {  	vm9 =	vgt.s32 v37, $0x176FFF;
	v50 =	vadd.s32 $0xFFE89000, v37;
	v1 =	vsel vm14, v12, v45;
	[tilespmem:s12+$0x1C9E0] =	vst v55  }
0x30c: {  	v6 =	vsel vm15, v46, v47;
	v38 =	vsub.s32 v51, v0;
	v14 =	vand.u32 $0x1FFF, v51;
	[tilespmem:s14+$0x1C900] =	vst v2  }
0x30d: {  	v51 =	vadd.s32 $0x177000, v10;
	v40 =	vsub.s32 v57, v0;
	v18 =	vand.u32 $0x1FFF, v57;
	[tilespmem:s14+$0x1C910] =	vst v3  }
0x30e: {  	[tilespmem:s14+$0x1C920] =	vst v4;
	vm10 =	vgt.s32 v38, $0x176FFF;
	v52 =	vadd.s32 $0xFFE89000, v38;
	v53 =	vadd.s32 $0x177000, v14  }
0x30f: {  	[tilespmem:s14+$0x1C930] =	vst v5;
	v2 =	vsel vm8, v48, v49;
	v4 =	vsel vm9, v50, v51;
	v41 =	vsub.s32 v61, v0  }
0x310: {  	[tilespmem:s14+$0x1C940] =	vst v7;
	v21 =	vand.u32 $0x1FFF, v61;
	vm11 =	vgt.s32 v40, $0x176FFF;
	v54 =	vadd.s32 $0xFFE89000, v40  }
0x311: {  	[tilespmem:s14+$0x1C950] =	vst v1;
	v55 =	vadd.s32 $0x177000, v18;
	v5 =	vsel vm10, v52, v53;
	v42 =	vsub.s32 v33, v0  }
0x312: {  	[tilespmem:s14+$0x1C960] =	vst v6;
	v23 =	vand.u32 $0x1FFF, v33;
	vm12 =	vgt.s32 v41, $0x176FFF;
	v56 =	vadd.s32 $0xFFE89000, v41  }
0x313: {  	[tilespmem:s14+$0x1C970] =	vst v2;
	v57 =	vadd.s32 $0x177000, v21;
	v1 =	vsel vm11, v54, v55;
	v43 =	vsub.s32 v36, v0  }
0x314: {  	[tilespmem:s14+$0x1C980] =	vst v4;
	v25 =	vand.u32 $0x1FFF, v36;
	vm13 =	vgt.s32 v42, $0x176FFF;
	v58 =	vadd.s32 $0xFFE89000, v42  }
0x315: {  	[tilespmem:s14+$0x1C990] =	vst v5;
	v59 =	vadd.s32 $0x177000, v23;
	v2 =	vsel vm12, v56, v57;
	v44 =	vsub.s32 v39, v0  }
0x316: {  	[tilespmem:s14+$0x1C9A0] =	vst v1;
	v27 =	vand.u32 $0x1FFF, v39;
	vm14 =	vgt.s32 v43, $0x176FFF;
	v60 =	vadd.s32 $0xFFE89000, v43  }
0x317: {  	v61 =	vadd.s32 $0x177000, v25;
	v62 =	vsel vm13, v58, v59;
	[tilespmem:s14+$0x1C9B0] =	vst v2;
	vm15 =	vgt.s32 v44, $0x176FFF  }
0x318: {  	v0 =	vadd.s32 $0xFFE89000, v44;
	v63 =	vadd.s32 $0x177000, v27;
	v1 =	vsel vm14, v60, v61;
	[tilespmem:s14+$0x1C9C0] =	vst v62  }
0x319: {  	s11 =	sadd.s32 $0x1, s11;
	v0 =	vsel vm15, v0, v63;
	[tilespmem:s14+$0x1C9D0] =	vst v1  }
0x31a: {  	p2 =	seq.s32 s11, $0x14;
	[tilespmem:s14+$0x1C9E0] =	vst v0  }
0x31b: {  	[spmem:s6] =	stream.indirect.scatter.add.f32 [tilespmem:s26], [sflag:$0x4], $0x1, s2, s31, $0xb8;
	[tilespmem:$0x1DD00] =	vst v63  }
.Ltmp12:
0x31c: {  	_ = 	snop;
	(pc) =	sbr.rel @!p2 .LBB2_18-.Ltmp12, $4  }
.Ltmp13:
0x31d: {  	_ = 	snop;
	(pc) =	sbr.rel @p2 .LBB2_29-.Ltmp13, $4  }
0x31e: {  	_ =	swait.ge [sflag:s22], $0x1400  }
0x31f: {  	[sflag:s22] =	ssyncset.done $0x0  }
0x320: {  	[sflag:s22] =	ssyncadd.s32 $0xFFFFEC00  }
0x321: {  	_ = 	snop  }
.LBB2_23:
0x322: {  	s9 =	rddreg [dreg:$0xa]  }
0x323: {  	[tilespmem:s23], [sflag:$0x2] =	stream.linear.gather [hbm4b:s9+s17], $0x1400, $0x38;
	[tilespmem:$0x1DD00] =	vst v63  }
0x324: {  	s21 =	rddreg [dreg:$0xb];
	s11 =	simm.s32 $0x0  }
0x325: {  	[tilespmem:s24], [sflag:$0x2] =	stream.linear.gather [hbm4b:s21+s17], $0x1400, $0x38;
	[tilespmem:$0x1DD00] =	vst v63  }
.LBB2_24:
0x326: {  	s9 =	sshllo.u32 s11, $0x1  }
0x327: {  	s12 =	sadd.s32 s10, s9  }
0x328: {  	s12 =	smul.u32 $0x280, s12  }
0x329: {  	p2 =	slt.u32 s9, s8  }
0x32a: {  	s12 =	simm.s32 @!p2 $0x0  }
0x32b: {  	s14 =	sadd.s32 s1, s12  }
0x32c: {  	[tilespmem:s25], [sflag:$0x3] =	stream.linear.gather [hbm4b:s14+s17], $0x1400, $0x38;
	[tilespmem:$0x1DD00] =	vst v63  }
0x32d: {  	s21 =	sadd.s32 s3, s12  }
0x32e: {  	[tilespmem:s26], [sflag:$0x3] =	stream.linear.gather [hbm4b:s21+s17], $0x1400, $0x38;
	[tilespmem:$0x1DD00] =	vst v63  }
0x32f: {  	_ =	swait.ge [sflag:s28], $0x1400  }
0x330: {  	[sflag:s28] =	ssyncset.done $0x0  }
0x331: {  	[sflag:s28] =	ssyncadd.s32 $0xFFFFEC00  }
0x332: {  	_ =	swait.ge [sflag:s28], $0x1400  }
0x333: {  	[sflag:s28] =	ssyncset.done $0x0  }
0x334: {  	s14 =	simm.s32 $0x0;
	[sflag:s28] =	ssyncadd.s32 $0xFFFFEC00  }
0x335: {  	v1 =	vld [tilespmem:s14+$0x179F0]  }
0x336: {  	v2 =	vld [tilespmem:s14+$0x17900]  }
0x337: {  	v3 =	vld [tilespmem:s14+$0x17910]  }
0x338: {  	v4 =	vld [tilespmem:s14+$0x17920]  }
0x339: {  	s12 =	sshll.u32 s11, $0x1;
	v5 =	vld [tilespmem:s14+$0x17930]  }
0x33a: {  	s9 =	simm.s32 $0x0;
	p3 =	slt.u32 s12, s8;
	v6 =	vld [tilespmem:s14+$0x17940]  }
0x33b: {  	s9 =	simm.s32 @!p3 $0x1000000;
	v8 =	vld [tilespmem:s14+$0x17950]  }
0x33c: {  	v0 =	vmov s9;
	v9 =	vld [tilespmem:s14+$0x17960]  }
0x33d: {  	v21 =	vld [tilespmem:s14+$0x179C0];
	v7 =	vsub.s32 v1, v0;
	v1 =	vand.u32 $0x1FFF, v1  }
0x33e: {  	v10 =	vsub.s32 v2, v0;
	v2 =	vand.u32 $0x1FFF, v2;
	v11 =	vsub.s32 v3, v0  }
0x33f: {  	v12 =	vand.u32 $0x1FFF, v3;
	v13 =	vsub.s32 v4, v0;
	v14 =	vand.u32 $0x1FFF, v4  }
0x340: {  	v15 =	vsub.s32 v5, v0;
	v16 =	vand.u32 $0x1FFF, v5;
	v17 =	vsub.s32 v6, v0  }
0x341: {  	v18 =	vand.u32 $0x1FFF, v6;
	v19 =	vand.u32 $0x1FFF, v8;
	v20 =	vsub.s32 v9, v0  }
0x342: {  	v9 =	vand.u32 $0x1FFF, v9;
	v32 =	vsub.s32 v21, v0;
	v33 =	vand.u32 $0x1FFF, v21  }
0x343: {  	v4 =	vld [tilespmem:s14+$0x17980];
	vm0 =	vgt.s32 v7, $0x176FFF;
	v7 =	vadd.s32 $0xFFE89000, v7;
	v1 =	vadd.s32 $0x177000, v1  }
0x344: {  	v5 =	vld [tilespmem:s14+$0x17990];
	v2 =	vadd.s32 $0x177000, v2;
	vm1 =	vgt.s32 v11, $0x176FFF;
	v3 =	vadd.s32 $0xFFE89000, v11  }
0x345: {  	v6 =	vld [tilespmem:s14+$0x179A0];
	vm2 =	vgt.s32 v13, $0x176FFF;
	vm3 =	vgt.s32 v15, $0x176FFF;
	vm6 =	vgt.s32 v17, $0x176FFF  }
0x346: {  	v11 =	vld [tilespmem:s14+$0x179D0];
	vm9 =	vgt.s32 v20, $0x176FFF;
	v21 =	vadd.s32 $0x177000, v9;
	v1 =	vsel vm0, v7, v1  }
0x347: {  	vm0 =	vgt.s32 v10, $0x176FFF;
	[tilespmem:s14+$0x1C9F0] =	vst v1;
	v1 =	vadd.s32 $0xFFE89000, v10;
	v10 =	vsub.s32 v8, v0  }
0x348: {  	vm12 =	vgt.s32 v32, $0x176FFF;
	vm7 =	vgt.s32 v10, $0x176FFF;
	v24 =	vsub.s32 v4, v0  }
0x349: {  	v25 =	vand.u32 $0x1FFF, v4;
	v4 =	vadd.s32 $0x177000, v12;
	v26 =	vsub.s32 v5, v0  }
0x34a: {  	v7 =	vld [tilespmem:s14+$0x17970];
	v27 =	vand.u32 $0x1FFF, v5;
	v28 =	vsub.s32 v6, v0;
	v29 =	vand.u32 $0x1FFF, v6  }
0x34b: {  	v8 =	vld [tilespmem:s14+$0x179B0];
	v5 =	vadd.s32 $0xFFE89000, v13;
	v13 =	vadd.s32 $0xFFE89000, v10;
	v34 =	vsub.s32 v11, v0  }
0x34c: {  	v35 =	vand.u32 $0x1FFF, v11;
	v11 =	vadd.s32 $0x177000, v16;
	vm4 =	vgt.s32 v24, $0x176FFF  }
0x34d: {  	v9 =	vadd.s32 $0xFFE89000, v24;
	vm8 =	vgt.s32 v26, $0x176FFF;
	v16 =	vadd.s32 $0xFFE89000, v26  }
0x34e: {  	vm10 =	vgt.s32 v28, $0x176FFF;
	v24 =	vadd.s32 $0x177000, v29;
	v26 =	vadd.s32 $0xFFE89000, v32  }
0x34f: {  	v12 =	vld [tilespmem:s14+$0x179E0];
	v22 =	vsub.s32 v7, v0;
	v23 =	vand.u32 $0x1FFF, v7;
	v7 =	vadd.s32 $0x177000, v14  }
0x350: {  	v14 =	vadd.s32 $0x177000, v25;
	vm13 =	vgt.s32 v34, $0x176FFF;
	v30 =	vsub.s32 v8, v0  }
0x351: {  	v31 =	vand.u32 $0x1FFF, v8;
	v8 =	vadd.s32 $0xFFE89000, v15;
	vm5 =	vgt.s32 v22, $0x176FFF  }
0x352: {  	v10 =	vadd.s32 $0xFFE89000, v22;
	v15 =	vadd.s32 $0x177000, v23;
	v22 =	vadd.s32 $0xFFE89000, v28  }
0x353: {  	v28 =	vadd.s32 $0xFFE89000, v34;
	vm11 =	vgt.s32 v30, $0x176FFF;
	v23 =	vadd.s32 $0xFFE89000, v30  }
0x354: {  	v25 =	vadd.s32 $0x177000, v31;
	v30 =	vadd.s32 $0x177000, v35;
	v36 =	vsub.s32 v12, v0  }
0x355: {  	v6 =	vand.u32 $0x1FFF, v12;
	v12 =	vadd.s32 $0xFFE89000, v17;
	v17 =	vadd.s32 $0x177000, v18  }
0x356: {  	v18 =	vadd.s32 $0x177000, v19;
	v19 =	vadd.s32 $0xFFE89000, v20;
	v20 =	vadd.s32 $0x177000, v27  }
0x357: {  	s21 =	simm.s32 $0x100;
	s9 =	simm.s32 $0x800;
	v27 =	vadd.s32 $0x177000, v33;
	vm14 =	vgt.s32 v36, $0x176FFF;
	v29 =	vadd.s32 $0xFFE89000, v36  }
.LBB2_25:
0x358: {  	p3 =	sne.s32 s9, $0x4C00;
	v31 =	vld [tilespmem:s21+$0x179F0];
	v1 =	vsel vm0, v1, v2;
	v2 =	vsel vm1, v3, v4;
	v3 =	vadd.s32 $0x177000, v6  }
0x359: {  	v6 =	vsel vm6, v12, v17;
	v4 =	vld [tilespmem:s21+$0x17900];
	[tilespmem:s14+$0x1C900] =	vst v1;
	v1 =	vsel vm2, v5, v7;
	v5 =	vsel vm3, v8, v11  }
0x35a: {  	v10 =	vsel vm5, v10, v15;
	v8 =	vsel vm9, v19, v21;
	v7 =	vld [tilespmem:s21+$0x17910];
	[tilespmem:s14+$0x1C910] =	vst v2;
	v2 =	vsel vm7, v13, v18  }
0x35b: {  	v12 =	vsel vm10, v22, v24;
	v11 =	vld [tilespmem:s21+$0x17920];
	[tilespmem:s14+$0x1C920] =	vst v1;
	v1 =	vsel vm4, v9, v14;
	v9 =	vsel vm8, v16, v20  }
0x35c: {  	v15 =	vsel vm13, v28, v30;
	v14 =	vsel vm12, v26, v27;
	v13 =	vld [tilespmem:s21+$0x17930];
	[tilespmem:s14+$0x1C930] =	vst v5;
	v5 =	vsel vm11, v23, v25  }
0x35d: {  	v16 =	vld [tilespmem:s21+$0x17940];
	v17 =	vsub.s32 v31, v0;
	v18 =	vand.u32 $0x1FFF, v31;
	[tilespmem:s14+$0x1C940] =	vst v6;
	v6 =	vsel vm14, v29, v3  }
0x35e: {  	v3 =	vld [tilespmem:s21+$0x17950];
	vm0 =	vgt.s32 v17, $0x176FFF;
	v17 =	vadd.s32 $0xFFE89000, v17;
	v18 =	vadd.s32 $0x177000, v18;
	[tilespmem:s14+$0x1C950] =	vst v2  }
0x35f: {  	v2 =	vsub.s32 v4, v0;
	v4 =	vand.u32 $0x1FFF, v4;
	v19 =	vld [tilespmem:s21+$0x17960];
	v17 =	vsel vm0, v17, v18;
	[tilespmem:s14+$0x1C960] =	vst v8  }
0x360: {  	v8 =	vsub.s32 v7, v0;
	v7 =	vand.u32 $0x1FFF, v7;
	v18 =	vsub.s32 v11, v0;
	v20 =	vld [tilespmem:s21+$0x17970];
	[tilespmem:s21+$0x1C9F0] =	vst v17  }
0x361: {  	v11 =	vand.u32 $0x1FFF, v11;
	v17 =	vsub.s32 v13, v0;
	v13 =	vand.u32 $0x1FFF, v13;
	v21 =	vld [tilespmem:s21+$0x17980];
	[tilespmem:s14+$0x1C970] =	vst v10  }
0x362: {  	vm0 =	vgt.s32 v2, $0x176FFF;
	v10 =	vsub.s32 v16, v0;
	v16 =	vand.u32 $0x1FFF, v16;
	v22 =	vld [tilespmem:s21+$0x17990];
	[tilespmem:s14+$0x1C980] =	vst v1  }
0x363: {  	v1 =	vadd.s32 $0xFFE89000, v2;
	v23 =	vsub.s32 v3, v0;
	v24 =	vand.u32 $0x1FFF, v3;
	v25 =	vld [tilespmem:s21+$0x179A0];
	[tilespmem:s14+$0x1C990] =	vst v9  }
0x364: {  	v2 =	vadd.s32 $0x177000, v4;
	v9 =	vsub.s32 v19, v0;
	v26 =	vand.u32 $0x1FFF, v19;
	v19 =	vld [tilespmem:s21+$0x179B0];
	[tilespmem:s14+$0x1C9A0] =	vst v12  }
0x365: {  	vm1 =	vgt.s32 v8, $0x176FFF;
	v27 =	vsub.s32 v20, v0;
	v20 =	vand.u32 $0x1FFF, v20;
	v12 =	vld [tilespmem:s21+$0x179C0];
	[tilespmem:s14+$0x1C9B0] =	vst v5  }
0x366: {  	v3 =	vadd.s32 $0xFFE89000, v8;
	v28 =	vsub.s32 v21, v0;
	v29 =	vand.u32 $0x1FFF, v21;
	v8 =	vld [tilespmem:s21+$0x179D0];
	[tilespmem:s14+$0x1C9C0] =	vst v14  }
0x367: {  	v4 =	vadd.s32 $0x177000, v7;
	v30 =	vsub.s32 v22, v0;
	v22 =	vand.u32 $0x1FFF, v22;
	v14 =	vld [tilespmem:s21+$0x179E0];
	[tilespmem:s14+$0x1C9D0] =	vst v15  }
0x368: {  	vm2 =	vgt.s32 v18, $0x176FFF;
	v31 =	vsub.s32 v25, v0;
	v25 =	vand.u32 $0x1FFF, v25;
	[tilespmem:s14+$0x1C9E0] =	vst v6;
	s14 =	smov.u32 s21  }
0x369: {  	v5 =	vadd.s32 $0xFFE89000, v18;
	v32 =	vsub.s32 v19, v0;
	v33 =	vand.u32 $0x1FFF, v19  }
0x36a: {  	v7 =	vadd.s32 $0x177000, v11;
	v34 =	vsub.s32 v12, v0;
	v35 =	vand.u32 $0x1FFF, v12  }
0x36b: {  	vm3 =	vgt.s32 v17, $0x176FFF;
	v36 =	vsub.s32 v8, v0;
	v37 =	vand.u32 $0x1FFF, v8  }
0x36c: {  	v8 =	vadd.s32 $0xFFE89000, v17;
	v38 =	vsub.s32 v14, v0;
	v6 =	vand.u32 $0x1FFF, v14  }
0x36d: {  	v11 =	vadd.s32 $0x177000, v13;
	vm6 =	vgt.s32 v10, $0x176FFF;
	v12 =	vadd.s32 $0xFFE89000, v10  }
0x36e: {  	vm7 =	vgt.s32 v23, $0x176FFF;
	v13 =	vadd.s32 $0xFFE89000, v23;
	v17 =	vadd.s32 $0x177000, v16  }
0x36f: {  	v18 =	vadd.s32 $0x177000, v24;
	vm9 =	vgt.s32 v9, $0x176FFF;
	v19 =	vadd.s32 $0xFFE89000, v9  }
0x370: {  	v21 =	vadd.s32 $0x177000, v26;
	vm5 =	vgt.s32 v27, $0x176FFF;
	v10 =	vadd.s32 $0xFFE89000, v27  }
0x371: {  	v15 =	vadd.s32 $0x177000, v20;
	vm4 =	vgt.s32 v28, $0x176FFF;
	v9 =	vadd.s32 $0xFFE89000, v28  }
0x372: {  	vm8 =	vgt.s32 v30, $0x176FFF;
	v16 =	vadd.s32 $0xFFE89000, v30;
	v14 =	vadd.s32 $0x177000, v29  }
.Ltmp14:
0x373: {  	v20 =	vadd.s32 $0x177000, v22;
	vm10 =	vgt.s32 v31, $0x176FFF;
	v22 =	vadd.s32 $0xFFE89000, v31;
	(pc) =	sbr.rel @p3 .LBB2_25-.Ltmp14, $4  }
0x374: {  	v24 =	vadd.s32 $0x177000, v25;
	vm11 =	vgt.s32 v32, $0x176FFF;
	v23 =	vadd.s32 $0xFFE89000, v32  }
0x375: {  	v25 =	vadd.s32 $0x177000, v33;
	vm12 =	vgt.s32 v34, $0x176FFF;
	v26 =	vadd.s32 $0xFFE89000, v34  }
0x376: {  	v27 =	vadd.s32 $0x177000, v35;
	vm13 =	vgt.s32 v36, $0x176FFF;
	v28 =	vadd.s32 $0xFFE89000, v36  }
0x377: {  	s21 =	sshra.s32 s9, $0x2;
	s9 =	sadd.s32 $0x400, s9;
	v30 =	vadd.s32 $0x177000, v37;
	vm14 =	vgt.s32 v38, $0x176FFF;
	v29 =	vadd.s32 $0xFFE89000, v38  }
0x378: {  	v31 =	vld [tilespmem:s21+$0x179F0];
	v1 =	vsel vm0, v1, v2  }
0x379: {  	v2 =	vld [tilespmem:s21+$0x17900];
	[tilespmem:s14+$0x1C900] =	vst v1;
	v1 =	vsel vm1, v3, v4  }
0x37a: {  	v3 =	vld [tilespmem:s21+$0x17910];
	[tilespmem:s14+$0x1C910] =	vst v1;
	v1 =	vsel vm2, v5, v7  }
0x37b: {  	v4 =	vld [tilespmem:s21+$0x17920];
	[tilespmem:s14+$0x1C920] =	vst v1;
	v1 =	vsel vm3, v8, v11  }
0x37c: {  	v5 =	vld [tilespmem:s21+$0x17930];
	[tilespmem:s14+$0x1C930] =	vst v1;
	v1 =	vsel vm6, v12, v17  }
0x37d: {  	v7 =	vld [tilespmem:s21+$0x17940];
	[tilespmem:s14+$0x1C940] =	vst v1;
	v1 =	vsel vm7, v13, v18  }
0x37e: {  	v11 =	vsub.s32 v31, v0;
	v12 =	vand.u32 $0x1FFF, v31;
	v8 =	vld [tilespmem:s21+$0x17950];
	[tilespmem:s14+$0x1C950] =	vst v1;
	v1 =	vsel vm9, v19, v21  }
0x37f: {  	vm0 =	vgt.s32 v11, $0x176FFF;
	v11 =	vadd.s32 $0xFFE89000, v11;
	v12 =	vadd.s32 $0x177000, v12  }
0x380: {  	v6 =	vadd.s32 $0x177000, v6;
	v17 =	vsel vm13, v28, v30;
	v13 =	vld [tilespmem:s21+$0x17960];
	[tilespmem:s14+$0x1C960] =	vst v1;
	v1 =	vsel vm0, v11, v12  }
0x381: {  	v12 =	vsel vm10, v22, v24;
	v19 =	vsub.s32 v3, v0;
	v3 =	vand.u32 $0x1FFF, v3  }
0x382: {  	v11 =	vld [tilespmem:s21+$0x17970];
	[tilespmem:s21+$0x1C9F0] =	vst v1;
	v1 =	vsel vm5, v10, v15;
	v15 =	vsel vm11, v23, v25;
	vm1 =	vgt.s32 v19, $0x176FFF  }
0x383: {  	v10 =	vld [tilespmem:s21+$0x17980];
	v19 =	vadd.s32 $0xFFE89000, v19;
	v3 =	vadd.s32 $0x177000, v3;
	[tilespmem:s14+$0x1C970] =	vst v1;
	v1 =	vsel vm4, v9, v14  }
0x384: {  	v9 =	vsel vm8, v16, v20;
	v16 =	vsel vm12, v26, v27;
	v20 =	vsub.s32 v4, v0  }
0x385: {  	v4 =	vand.u32 $0x1FFF, v4;
	v3 =	vsel vm1, v19, v3;
	v14 =	vld [tilespmem:s21+$0x17990];
	[tilespmem:s14+$0x1C980] =	vst v1;
	v1 =	vsel vm14, v29, v6  }
0x386: {  	v6 =	vsub.s32 v2, v0;
	v2 =	vand.u32 $0x1FFF, v2;
	v22 =	vsub.s32 v7, v0  }
0x387: {  	v7 =	vand.u32 $0x1FFF, v7;
	vm2 =	vgt.s32 v20, $0x176FFF;
	v20 =	vadd.s32 $0xFFE89000, v20  }
0x388: {  	v4 =	vadd.s32 $0x177000, v4;
	v18 =	vld [tilespmem:s21+$0x179A0];
	[tilespmem:s14+$0x1C990] =	vst v9;
	v9 =	vsub.s32 v5, v0;
	v5 =	vand.u32 $0x1FFF, v5  }
0x389: {  	vm0 =	vgt.s32 v6, $0x176FFF;
	v6 =	vadd.s32 $0xFFE89000, v6;
	v2 =	vadd.s32 $0x177000, v2  }
0x38a: {  	vm4 =	vgt.s32 v22, $0x176FFF;
	v22 =	vadd.s32 $0xFFE89000, v22;
	v7 =	vadd.s32 $0x177000, v7  }
0x38b: {  	v4 =	vsel vm2, v20, v4;
	v21 =	vld [tilespmem:s21+$0x179B0];
	[tilespmem:s14+$0x1C9A0] =	vst v12;
	v12 =	vsub.s32 v8, v0;
	v8 =	vand.u32 $0x1FFF, v8  }
0x38c: {  	v24 =	vsub.s32 v13, v0;
	v13 =	vand.u32 $0x1FFF, v13;
	vm3 =	vgt.s32 v9, $0x176FFF  }
0x38d: {  	v9 =	vadd.s32 $0xFFE89000, v9;
	v5 =	vadd.s32 $0x177000, v5;
	v2 =	vsel vm0, v6, v2  }
0x38e: {  	v7 =	vsel vm4, v22, v7;
	v23 =	vld [tilespmem:s21+$0x179C0];
	[tilespmem:s14+$0x1C9B0] =	vst v15;
	v15 =	vsub.s32 v11, v0;
	v11 =	vand.u32 $0x1FFF, v11  }
0x38f: {  	v26 =	vsub.s32 v10, v0;
	v10 =	vand.u32 $0x1FFF, v10;
	vm5 =	vgt.s32 v12, $0x176FFF;
	v25 =	vld [tilespmem:s21+$0x179D0];
	[tilespmem:s14+$0x1C9C0] =	vst v16  }
0x390: {  	v12 =	vadd.s32 $0xFFE89000, v12;
	vm6 =	vgt.s32 v24, $0x176FFF;
	v6 =	vadd.s32 $0xFFE89000, v24;
	v27 =	vld [tilespmem:s21+$0x179E0];
	[tilespmem:s14+$0x1C9D0] =	vst v17  }
0x391: {  	v5 =	vsel vm3, v9, v5;
	vm0 =	vgt.s32 v15, $0x176FFF;
	vm1 =	vgt.s32 v26, $0x176FFF;
	[tilespmem:s14+$0x1C9E0] =	vst v1  }
0x392: {  	v9 =	vadd.s32 $0x177000, v10;
	v16 =	vsub.s32 v14, v0;
	v14 =	vand.u32 $0x1FFF, v14;
	[tilespmem:s21+$0x1C900] =	vst v2  }
0x393: {  	v1 =	vadd.s32 $0x177000, v8;
	v8 =	vadd.s32 $0x177000, v13;
	v28 =	vsub.s32 v18, v0;
	[tilespmem:s21+$0x1C910] =	vst v3  }
0x394: {  	v18 =	vand.u32 $0x1FFF, v18;
	v2 =	vadd.s32 $0xFFE89000, v15;
	v3 =	vadd.s32 $0x177000, v11;
	[tilespmem:s21+$0x1C920] =	vst v4  }
0x395: {  	v4 =	vadd.s32 $0xFFE89000, v26;
	[tilespmem:s21+$0x1C930] =	vst v5;
	vm2 =	vgt.s32 v16, $0x176FFF;
	v5 =	vadd.s32 $0xFFE89000, v16  }
0x396: {  	v1 =	vsel vm5, v12, v1;
	[tilespmem:s21+$0x1C940] =	vst v7;
	v7 =	vadd.s32 $0x177000, v14;
	v6 =	vsel vm6, v6, v8  }
0x397: {  	v29 =	vsub.s32 v21, v0;
	v21 =	vand.u32 $0x1FFF, v21;
	vm3 =	vgt.s32 v28, $0x176FFF  }
0x398: {  	[tilespmem:s21+$0x1C950] =	vst v1;
	v1 =	vadd.s32 $0xFFE89000, v28;
	v8 =	vadd.s32 $0x177000, v18;
	v2 =	vsel vm0, v2, v3  }
0x399: {  	v4 =	vsel vm1, v4, v9;
	v5 =	vsel vm2, v5, v7;
	v30 =	vsub.s32 v23, v0  }
0x39a: {  	[tilespmem:s21+$0x1C960] =	vst v6;
	v23 =	vand.u32 $0x1FFF, v23;
	vm0 =	vgt.s32 v29, $0x176FFF;
	v3 =	vadd.s32 $0xFFE89000, v29  }
0x39b: {  	[tilespmem:s21+$0x1C970] =	vst v2;
	v2 =	vadd.s32 $0x177000, v21;
	v1 =	vsel vm3, v1, v8;
	v31 =	vsub.s32 v25, v0  }
0x39c: {  	[tilespmem:s21+$0x1C980] =	vst v4;
	v25 =	vand.u32 $0x1FFF, v25;
	vm1 =	vgt.s32 v30, $0x176FFF;
	v4 =	vadd.s32 $0xFFE89000, v30  }
0x39d: {  	[tilespmem:s21+$0x1C990] =	vst v5;
	v6 =	vadd.s32 $0x177000, v23;
	v2 =	vsel vm0, v3, v2;
	v0 =	vsub.s32 v27, v0  }
0x39e: {  	[tilespmem:s21+$0x1C9A0] =	vst v1;
	v27 =	vand.u32 $0x1FFF, v27;
	vm2 =	vgt.s32 v31, $0x176FFF;
	v5 =	vadd.s32 $0xFFE89000, v31  }
0x39f: {  	p3 =	seq.s32 s11, $0x13;
	v1 =	vadd.s32 $0x177000, v25;
	v3 =	vsel vm1, v4, v6;
	[tilespmem:s21+$0x1C9B0] =	vst v2;
	vm0 =	vgt.s32 v0, $0x176FFF  }
0x3a0: {  	s9 =	sadd.s32 @!p3 $0x2, s12;
	v0 =	vadd.s32 $0xFFE89000, v0;
	v2 =	vadd.s32 $0x177000, v27;
	v1 =	vsel vm2, v5, v1;
	[tilespmem:s21+$0x1C9C0] =	vst v3  }
0x3a1: {  	s12 =	sadd.s32 @!p3 s10, s9;
	p4 =	slt.u32 @!p3 s9, s8;
	v0 =	vsel vm0, v0, v2;
	[tilespmem:s21+$0x1C9D0] =	vst v1  }
0x3a2: {  	s9 =	smul.u32 @!p3 $0x280, s12;
	p4 =	por !p4, p3;
	[tilespmem:s21+$0x1C9E0] =	vst v0  }
0x3a3: {  	[spmem:s6] =	stream.indirect.scatter.add.f32 [tilespmem:s24], [sflag:$0x4], $0x1, s2, s31, $0xb8;
	[tilespmem:$0x1DD00] =	vst v63  }
0x3a4: {  	s9 =	simm.s32 @p4 $0x0;
	_ =	swait.ge [sflag:s22], $0x1400  }
0x3a5: {  	s12 =	sadd.s32 @!p3 s1, s9;
	[sflag:s22] =	ssyncset.done $0x0  }
0x3a6: {  	s14 =	simm.s32 @!p3 $0x0;
	s21 =	simm.s32 @!p3 $0x17900;
	[sflag:s22] =	ssyncadd.s32 $0xFFFFEC00  }
0x3a7: {  	[tilespmem:s21], [sflag:$0x2] =	stream.linear.gather @!p3 [hbm4b:s12+s14], $0x1400, $0x38;
	[tilespmem:$0x1DD00] =	vst v63  }
0x3a8: {  	s9 =	sadd.s32 @!p3 s3, s9;
	s12 =	simm.s32 @!p3 $0x18D00  }
0x3a9: {  	[tilespmem:s12], [sflag:$0x2] =	stream.linear.gather @!p3 [hbm4b:s9+s14], $0x1400, $0x38;
	[tilespmem:$0x1DD00] =	vst v63  }
0x3aa: {  	_ =	swait.ge [sflag:s4], $0x1400  }
0x3ab: {  	[sflag:s4] =	ssyncset.done $0x0  }
0x3ac: {  	[sflag:s4] =	ssyncadd.s32 $0xFFFFEC00  }
0x3ad: {  	_ =	swait.ge [sflag:s4], $0x1400  }
0x3ae: {  	[sflag:s4] =	ssyncset.done $0x0  }
0x3af: {  	s12 =	simm.s32 $0x0;
	[sflag:s4] =	ssyncadd.s32 $0xFFFFEC00  }
0x3b0: {  	v1 =	vld [tilespmem:s12+$0x1A1F0]  }
0x3b1: {  	v2 =	vld [tilespmem:s12+$0x1A100]  }
0x3b2: {  	v3 =	vld [tilespmem:s12+$0x1A110]  }
0x3b3: {  	v4 =	vld [tilespmem:s12+$0x1A120]  }
0x3b4: {  	v5 =	vld [tilespmem:s12+$0x1A130]  }
0x3b5: {  	s9 =	simm.s32 $0x0;
	v6 =	vld [tilespmem:s12+$0x1A140]  }
0x3b6: {  	s9 =	simm.s32 @!p2 $0x1000000;
	v8 =	vld [tilespmem:s12+$0x1A150]  }
0x3b7: {  	v0 =	vmov s9;
	v9 =	vld [tilespmem:s12+$0x1A160]  }
0x3b8: {  	v21 =	vld [tilespmem:s12+$0x1A1C0];
	v7 =	vsub.s32 v1, v0;
	v1 =	vand.u32 $0x1FFF, v1  }
0x3b9: {  	v10 =	vsub.s32 v2, v0;
	v2 =	vand.u32 $0x1FFF, v2;
	v11 =	vsub.s32 v3, v0  }
0x3ba: {  	v12 =	vand.u32 $0x1FFF, v3;
	v13 =	vsub.s32 v4, v0;
	v14 =	vand.u32 $0x1FFF, v4  }
0x3bb: {  	v15 =	vsub.s32 v5, v0;
	v16 =	vand.u32 $0x1FFF, v5;
	v17 =	vsub.s32 v6, v0  }
0x3bc: {  	v18 =	vand.u32 $0x1FFF, v6;
	v19 =	vand.u32 $0x1FFF, v8;
	v20 =	vsub.s32 v9, v0  }
0x3bd: {  	v9 =	vand.u32 $0x1FFF, v9;
	v32 =	vsub.s32 v21, v0;
	v33 =	vand.u32 $0x1FFF, v21  }
0x3be: {  	v4 =	vld [tilespmem:s12+$0x1A180];
	vm0 =	vgt.s32 v7, $0x176FFF;
	v7 =	vadd.s32 $0xFFE89000, v7;
	v1 =	vadd.s32 $0x177000, v1  }
0x3bf: {  	v5 =	vld [tilespmem:s12+$0x1A190];
	v2 =	vadd.s32 $0x177000, v2;
	vm1 =	vgt.s32 v11, $0x176FFF;
	v3 =	vadd.s32 $0xFFE89000, v11  }
0x3c0: {  	v6 =	vld [tilespmem:s12+$0x1A1A0];
	vm2 =	vgt.s32 v13, $0x176FFF;
	vm3 =	vgt.s32 v15, $0x176FFF;
	vm6 =	vgt.s32 v17, $0x176FFF  }
0x3c1: {  	v11 =	vld [tilespmem:s12+$0x1A1D0];
	vm9 =	vgt.s32 v20, $0x176FFF;
	v21 =	vadd.s32 $0x177000, v9;
	v1 =	vsel vm0, v7, v1  }
0x3c2: {  	vm0 =	vgt.s32 v10, $0x176FFF;
	[tilespmem:s12+$0x1C9F0] =	vst v1;
	v1 =	vadd.s32 $0xFFE89000, v10;
	v10 =	vsub.s32 v8, v0  }
0x3c3: {  	vm12 =	vgt.s32 v32, $0x176FFF;
	vm7 =	vgt.s32 v10, $0x176FFF;
	v24 =	vsub.s32 v4, v0  }
0x3c4: {  	v25 =	vand.u32 $0x1FFF, v4;
	v4 =	vadd.s32 $0x177000, v12;
	v26 =	vsub.s32 v5, v0  }
0x3c5: {  	v7 =	vld [tilespmem:s12+$0x1A170];
	v27 =	vand.u32 $0x1FFF, v5;
	v28 =	vsub.s32 v6, v0;
	v29 =	vand.u32 $0x1FFF, v6  }
0x3c6: {  	v8 =	vld [tilespmem:s12+$0x1A1B0];
	v5 =	vadd.s32 $0xFFE89000, v13;
	v13 =	vadd.s32 $0xFFE89000, v10;
	v34 =	vsub.s32 v11, v0  }
0x3c7: {  	v35 =	vand.u32 $0x1FFF, v11;
	v11 =	vadd.s32 $0x177000, v16;
	vm4 =	vgt.s32 v24, $0x176FFF  }
0x3c8: {  	v9 =	vadd.s32 $0xFFE89000, v24;
	vm8 =	vgt.s32 v26, $0x176FFF;
	v16 =	vadd.s32 $0xFFE89000, v26  }
0x3c9: {  	vm10 =	vgt.s32 v28, $0x176FFF;
	v24 =	vadd.s32 $0x177000, v29;
	v26 =	vadd.s32 $0xFFE89000, v32  }
0x3ca: {  	v12 =	vld [tilespmem:s12+$0x1A1E0];
	v22 =	vsub.s32 v7, v0;
	v23 =	vand.u32 $0x1FFF, v7;
	v7 =	vadd.s32 $0x177000, v14  }
0x3cb: {  	v14 =	vadd.s32 $0x177000, v25;
	vm13 =	vgt.s32 v34, $0x176FFF;
	v30 =	vsub.s32 v8, v0  }
0x3cc: {  	v31 =	vand.u32 $0x1FFF, v8;
	v8 =	vadd.s32 $0xFFE89000, v15;
	vm5 =	vgt.s32 v22, $0x176FFF  }
0x3cd: {  	v10 =	vadd.s32 $0xFFE89000, v22;
	v15 =	vadd.s32 $0x177000, v23;
	v22 =	vadd.s32 $0xFFE89000, v28  }
0x3ce: {  	v28 =	vadd.s32 $0xFFE89000, v34;
	vm11 =	vgt.s32 v30, $0x176FFF;
	v23 =	vadd.s32 $0xFFE89000, v30  }
0x3cf: {  	v25 =	vadd.s32 $0x177000, v31;
	v30 =	vadd.s32 $0x177000, v35;
	v36 =	vsub.s32 v12, v0  }
0x3d0: {  	v6 =	vand.u32 $0x1FFF, v12;
	v12 =	vadd.s32 $0xFFE89000, v17;
	v17 =	vadd.s32 $0x177000, v18  }
0x3d1: {  	v18 =	vadd.s32 $0x177000, v19;
	v19 =	vadd.s32 $0xFFE89000, v20;
	v20 =	vadd.s32 $0x177000, v27  }
0x3d2: {  	s14 =	simm.s32 $0x100;
	s9 =	simm.s32 $0x800;
	v27 =	vadd.s32 $0x177000, v33;
	vm14 =	vgt.s32 v36, $0x176FFF;
	v29 =	vadd.s32 $0xFFE89000, v36  }
.LBB2_27:
0x3d3: {  	p2 =	sne.s32 s9, $0x4C00;
	v31 =	vld [tilespmem:s14+$0x1A1F0];
	v1 =	vsel vm0, v1, v2;
	v2 =	vsel vm1, v3, v4;
	v3 =	vadd.s32 $0x177000, v6  }
0x3d4: {  	v6 =	vsel vm6, v12, v17;
	v4 =	vld [tilespmem:s14+$0x1A100];
	[tilespmem:s12+$0x1C900] =	vst v1;
	v1 =	vsel vm2, v5, v7;
	v5 =	vsel vm3, v8, v11  }
0x3d5: {  	v10 =	vsel vm5, v10, v15;
	v8 =	vsel vm9, v19, v21;
	v7 =	vld [tilespmem:s14+$0x1A110];
	[tilespmem:s12+$0x1C910] =	vst v2;
	v2 =	vsel vm7, v13, v18  }
0x3d6: {  	v12 =	vsel vm10, v22, v24;
	v11 =	vld [tilespmem:s14+$0x1A120];
	[tilespmem:s12+$0x1C920] =	vst v1;
	v1 =	vsel vm4, v9, v14;
	v9 =	vsel vm8, v16, v20  }
0x3d7: {  	v15 =	vsel vm13, v28, v30;
	v14 =	vsel vm12, v26, v27;
	v13 =	vld [tilespmem:s14+$0x1A130];
	[tilespmem:s12+$0x1C930] =	vst v5;
	v5 =	vsel vm11, v23, v25  }
0x3d8: {  	v16 =	vld [tilespmem:s14+$0x1A140];
	v17 =	vsub.s32 v31, v0;
	v18 =	vand.u32 $0x1FFF, v31;
	[tilespmem:s12+$0x1C940] =	vst v6;
	v6 =	vsel vm14, v29, v3  }
0x3d9: {  	v3 =	vld [tilespmem:s14+$0x1A150];
	vm0 =	vgt.s32 v17, $0x176FFF;
	v17 =	vadd.s32 $0xFFE89000, v17;
	v18 =	vadd.s32 $0x177000, v18;
	[tilespmem:s12+$0x1C950] =	vst v2  }
0x3da: {  	v2 =	vsub.s32 v4, v0;
	v4 =	vand.u32 $0x1FFF, v4;
	v19 =	vld [tilespmem:s14+$0x1A160];
	v17 =	vsel vm0, v17, v18;
	[tilespmem:s12+$0x1C960] =	vst v8  }
0x3db: {  	v8 =	vsub.s32 v7, v0;
	v7 =	vand.u32 $0x1FFF, v7;
	v18 =	vsub.s32 v11, v0;
	v20 =	vld [tilespmem:s14+$0x1A170];
	[tilespmem:s14+$0x1C9F0] =	vst v17  }
0x3dc: {  	v11 =	vand.u32 $0x1FFF, v11;
	v17 =	vsub.s32 v13, v0;
	v13 =	vand.u32 $0x1FFF, v13;
	v21 =	vld [tilespmem:s14+$0x1A180];
	[tilespmem:s12+$0x1C970] =	vst v10  }
0x3dd: {  	vm0 =	vgt.s32 v2, $0x176FFF;
	v10 =	vsub.s32 v16, v0;
	v16 =	vand.u32 $0x1FFF, v16;
	v22 =	vld [tilespmem:s14+$0x1A190];
	[tilespmem:s12+$0x1C980] =	vst v1  }
0x3de: {  	v1 =	vadd.s32 $0xFFE89000, v2;
	v23 =	vsub.s32 v3, v0;
	v24 =	vand.u32 $0x1FFF, v3;
	v25 =	vld [tilespmem:s14+$0x1A1A0];
	[tilespmem:s12+$0x1C990] =	vst v9  }
0x3df: {  	v2 =	vadd.s32 $0x177000, v4;
	v9 =	vsub.s32 v19, v0;
	v26 =	vand.u32 $0x1FFF, v19;
	v19 =	vld [tilespmem:s14+$0x1A1B0];
	[tilespmem:s12+$0x1C9A0] =	vst v12  }
0x3e0: {  	vm1 =	vgt.s32 v8, $0x176FFF;
	v27 =	vsub.s32 v20, v0;
	v20 =	vand.u32 $0x1FFF, v20;
	v12 =	vld [tilespmem:s14+$0x1A1C0];
	[tilespmem:s12+$0x1C9B0] =	vst v5  }
0x3e1: {  	v3 =	vadd.s32 $0xFFE89000, v8;
	v28 =	vsub.s32 v21, v0;
	v29 =	vand.u32 $0x1FFF, v21;
	v8 =	vld [tilespmem:s14+$0x1A1D0];
	[tilespmem:s12+$0x1C9C0] =	vst v14  }
0x3e2: {  	v4 =	vadd.s32 $0x177000, v7;
	v30 =	vsub.s32 v22, v0;
	v22 =	vand.u32 $0x1FFF, v22;
	v14 =	vld [tilespmem:s14+$0x1A1E0];
	[tilespmem:s12+$0x1C9D0] =	vst v15  }
0x3e3: {  	vm2 =	vgt.s32 v18, $0x176FFF;
	v31 =	vsub.s32 v25, v0;
	v25 =	vand.u32 $0x1FFF, v25;
	[tilespmem:s12+$0x1C9E0] =	vst v6;
	s12 =	smov.u32 s14  }
0x3e4: {  	v5 =	vadd.s32 $0xFFE89000, v18;
	v32 =	vsub.s32 v19, v0;
	v33 =	vand.u32 $0x1FFF, v19  }
0x3e5: {  	v7 =	vadd.s32 $0x177000, v11;
	v34 =	vsub.s32 v12, v0;
	v35 =	vand.u32 $0x1FFF, v12  }
0x3e6: {  	vm3 =	vgt.s32 v17, $0x176FFF;
	v36 =	vsub.s32 v8, v0;
	v37 =	vand.u32 $0x1FFF, v8  }
0x3e7: {  	v8 =	vadd.s32 $0xFFE89000, v17;
	v38 =	vsub.s32 v14, v0;
	v6 =	vand.u32 $0x1FFF, v14  }
0x3e8: {  	v11 =	vadd.s32 $0x177000, v13;
	vm6 =	vgt.s32 v10, $0x176FFF;
	v12 =	vadd.s32 $0xFFE89000, v10  }
0x3e9: {  	vm7 =	vgt.s32 v23, $0x176FFF;
	v13 =	vadd.s32 $0xFFE89000, v23;
	v17 =	vadd.s32 $0x177000, v16  }
0x3ea: {  	v18 =	vadd.s32 $0x177000, v24;
	vm9 =	vgt.s32 v9, $0x176FFF;
	v19 =	vadd.s32 $0xFFE89000, v9  }
0x3eb: {  	v21 =	vadd.s32 $0x177000, v26;
	vm5 =	vgt.s32 v27, $0x176FFF;
	v10 =	vadd.s32 $0xFFE89000, v27  }
0x3ec: {  	v15 =	vadd.s32 $0x177000, v20;
	vm4 =	vgt.s32 v28, $0x176FFF;
	v9 =	vadd.s32 $0xFFE89000, v28  }
0x3ed: {  	vm8 =	vgt.s32 v30, $0x176FFF;
	v16 =	vadd.s32 $0xFFE89000, v30;
	v14 =	vadd.s32 $0x177000, v29  }
.Ltmp15:
0x3ee: {  	v20 =	vadd.s32 $0x177000, v22;
	vm10 =	vgt.s32 v31, $0x176FFF;
	v22 =	vadd.s32 $0xFFE89000, v31;
	(pc) =	sbr.rel @p2 .LBB2_27-.Ltmp15, $4  }
0x3ef: {  	v24 =	vadd.s32 $0x177000, v25;
	vm11 =	vgt.s32 v32, $0x176FFF;
	v23 =	vadd.s32 $0xFFE89000, v32  }
0x3f0: {  	v25 =	vadd.s32 $0x177000, v33;
	vm12 =	vgt.s32 v34, $0x176FFF;
	v26 =	vadd.s32 $0xFFE89000, v34  }
0x3f1: {  	v27 =	vadd.s32 $0x177000, v35;
	vm13 =	vgt.s32 v36, $0x176FFF;
	v28 =	vadd.s32 $0xFFE89000, v36  }
0x3f2: {  	s14 =	sshra.s32 s9, $0x2;
	s9 =	sadd.s32 $0x400, s9;
	v30 =	vadd.s32 $0x177000, v37;
	vm14 =	vgt.s32 v38, $0x176FFF;
	v29 =	vadd.s32 $0xFFE89000, v38  }
0x3f3: {  	v31 =	vld [tilespmem:s14+$0x1A1F0];
	v1 =	vsel vm0, v1, v2;
	v62 =	vsel vm1, v3, v4;
	v32 =	vsel vm2, v5, v7  }
0x3f4: {  	v61 =	vld [tilespmem:s14+$0x1A100];
	v34 =	vsel vm3, v8, v11;
	v36 =	vsel vm6, v12, v17;
	v38 =	vsel vm7, v13, v18  }
0x3f5: {  	v40 =	vsel vm9, v19, v21;
	v46 =	vsel vm5, v10, v15;
	v6 =	vadd.s32 $0x177000, v6  }
0x3f6: {  	v48 =	vsel vm4, v9, v14;
	v49 =	vsel vm8, v16, v20;
	v50 =	vsel vm10, v22, v24;
	[tilespmem:s12+$0x1C900] =	vst v1  }
0x3f7: {  	v52 =	vsel vm11, v23, v25;
	v53 =	vsel vm12, v26, v27;
	v54 =	vsel vm13, v28, v30;
	v63 =	vld [tilespmem:s14+$0x1A110];
	[tilespmem:s12+$0x1C910] =	vst v62  }
0x3f8: {  	v55 =	vsel vm14, v29, v6;
	v33 =	vld [tilespmem:s14+$0x1A120];
	[tilespmem:s12+$0x1C920] =	vst v32;
	v41 =	vsub.s32 v31, v0;
	v42 =	vand.u32 $0x1FFF, v31  }
0x3f9: {  	v35 =	vld [tilespmem:s14+$0x1A130];
	v56 =	vsub.s32 v61, v0;
	v2 =	vand.u32 $0x1FFF, v61;
	vm7 =	vgt.s32 v41, $0x176FFF  }
0x3fa: {  	[tilespmem:s12+$0x1C930] =	vst v34;
	v11 =	vadd.s32 $0xFFE89000, v41;
	v12 =	vadd.s32 $0x177000, v42;
	vm9 =	vgt.s32 v56, $0x176FFF  }
0x3fb: {  	v37 =	vld [tilespmem:s14+$0x1A140];
	v6 =	vadd.s32 $0xFFE89000, v56;
	v2 =	vadd.s32 $0x177000, v2;
	v44 =	vsel vm7, v11, v12  }
0x3fc: {  	[tilespmem:s12+$0x1C940] =	vst v36;
	v58 =	vsub.s32 v63, v0;
	v3 =	vand.u32 $0x1FFF, v63;
	v2 =	vsel vm9, v6, v2  }
0x3fd: {  	v39 =	vld [tilespmem:s14+$0x1A150];
	v59 =	vsub.s32 v33, v0;
	v4 =	vand.u32 $0x1FFF, v33;
	vm10 =	vgt.s32 v58, $0x176FFF  }
0x3fe: {  	[tilespmem:s12+$0x1C950] =	vst v38;
	v19 =	vadd.s32 $0xFFE89000, v58;
	v3 =	vadd.s32 $0x177000, v3;
	v60 =	vsub.s32 v35, v0  }
0x3ff: {  	v43 =	vld [tilespmem:s14+$0x1A160];
	v5 =	vand.u32 $0x1FFF, v35;
	vm11 =	vgt.s32 v59, $0x176FFF;
	v20 =	vadd.s32 $0xFFE89000, v59  }
0x400: {  	[tilespmem:s12+$0x1C960] =	vst v40;
	v4 =	vadd.s32 $0x177000, v4;
	v3 =	vsel vm10, v19, v3;
	v62 =	vsub.s32 v37, v0  }
0x401: {  	v45 =	vld [tilespmem:s14+$0x1A170];
	v7 =	vand.u32 $0x1FFF, v37;
	vm12 =	vgt.s32 v60, $0x176FFF;
	v9 =	vadd.s32 $0xFFE89000, v60  }
0x402: {  	[tilespmem:s14+$0x1C9F0] =	vst v44;
	v47 =	vld [tilespmem:s14+$0x1A180];
	v5 =	vadd.s32 $0x177000, v5;
	v4 =	vsel vm11, v20, v4;
	v63 =	vsub.s32 v39, v0  }
0x403: {  	[tilespmem:s12+$0x1C970] =	vst v46;
	v8 =	vand.u32 $0x1FFF, v39;
	vm13 =	vgt.s32 v62, $0x176FFF;
	v22 =	vadd.s32 $0xFFE89000, v62  }
0x404: {  	v51 =	vld [tilespmem:s14+$0x1A190];
	[tilespmem:s12+$0x1C980] =	vst v48;
	v7 =	vadd.s32 $0x177000, v7;
	v5 =	vsel vm12, v9, v5;
	v34 =	vsub.s32 v43, v0  }
0x405: {  	v57 =	vld [tilespmem:s14+$0x1A1A0];
	[tilespmem:s12+$0x1C990] =	vst v49;
	v13 =	vand.u32 $0x1FFF, v43;
	vm14 =	vgt.s32 v63, $0x176FFF;
	v12 =	vadd.s32 $0xFFE89000, v63  }
0x406: {  	v61 =	vld [tilespmem:s14+$0x1A1B0];
	[tilespmem:s12+$0x1C9A0] =	vst v50;
	v7 =	vsel vm13, v22, v7;
	v35 =	vsub.s32 v45, v0;
	v11 =	vand.u32 $0x1FFF, v45  }
0x407: {  	v33 =	vld [tilespmem:s14+$0x1A1C0];
	[tilespmem:s12+$0x1C9B0] =	vst v52;
	v37 =	vsub.s32 v47, v0;
	v10 =	vand.u32 $0x1FFF, v47;
	v45 =	vadd.s32 $0x177000, v8  }
0x408: {  	vm15 =	vgt.s32 v34, $0x176FFF;
	v46 =	vadd.s32 $0xFFE89000, v34;
	v47 =	vadd.s32 $0x177000, v13;
	v36 =	vld [tilespmem:s14+$0x1A1D0];
	[tilespmem:s12+$0x1C9C0] =	vst v53  }
0x409: {  	vm8 =	vgt.s32 v35, $0x176FFF;
	v48 =	vadd.s32 $0xFFE89000, v35;
	v49 =	vadd.s32 $0x177000, v11;
	v39 =	vld [tilespmem:s14+$0x1A1E0];
	[tilespmem:s12+$0x1C9D0] =	vst v54  }
0x40a: {  	vm9 =	vgt.s32 v37, $0x176FFF;
	v50 =	vadd.s32 $0xFFE89000, v37;
	v1 =	vsel vm14, v12, v45;
	[tilespmem:s12+$0x1C9E0] =	vst v55  }
0x40b: {  	v6 =	vsel vm15, v46, v47;
	v38 =	vsub.s32 v51, v0;
	v14 =	vand.u32 $0x1FFF, v51;
	[tilespmem:s14+$0x1C900] =	vst v2  }
0x40c: {  	v51 =	vadd.s32 $0x177000, v10;
	v40 =	vsub.s32 v57, v0;
	v18 =	vand.u32 $0x1FFF, v57;
	[tilespmem:s14+$0x1C910] =	vst v3  }
0x40d: {  	[tilespmem:s14+$0x1C920] =	vst v4;
	vm10 =	vgt.s32 v38, $0x176FFF;
	v52 =	vadd.s32 $0xFFE89000, v38;
	v53 =	vadd.s32 $0x177000, v14  }
0x40e: {  	[tilespmem:s14+$0x1C930] =	vst v5;
	v2 =	vsel vm8, v48, v49;
	v4 =	vsel vm9, v50, v51;
	v41 =	vsub.s32 v61, v0  }
0x40f: {  	[tilespmem:s14+$0x1C940] =	vst v7;
	v21 =	vand.u32 $0x1FFF, v61;
	vm11 =	vgt.s32 v40, $0x176FFF;
	v54 =	vadd.s32 $0xFFE89000, v40  }
0x410: {  	[tilespmem:s14+$0x1C950] =	vst v1;
	v55 =	vadd.s32 $0x177000, v18;
	v5 =	vsel vm10, v52, v53;
	v42 =	vsub.s32 v33, v0  }
0x411: {  	[tilespmem:s14+$0x1C960] =	vst v6;
	v23 =	vand.u32 $0x1FFF, v33;
	vm12 =	vgt.s32 v41, $0x176FFF;
	v56 =	vadd.s32 $0xFFE89000, v41  }
0x412: {  	[tilespmem:s14+$0x1C970] =	vst v2;
	v57 =	vadd.s32 $0x177000, v21;
	v1 =	vsel vm11, v54, v55;
	v43 =	vsub.s32 v36, v0  }
0x413: {  	[tilespmem:s14+$0x1C980] =	vst v4;
	v25 =	vand.u32 $0x1FFF, v36;
	vm13 =	vgt.s32 v42, $0x176FFF;
	v58 =	vadd.s32 $0xFFE89000, v42  }
0x414: {  	[tilespmem:s14+$0x1C990] =	vst v5;
	v59 =	vadd.s32 $0x177000, v23;
	v2 =	vsel vm12, v56, v57;
	v44 =	vsub.s32 v39, v0  }
0x415: {  	[tilespmem:s14+$0x1C9A0] =	vst v1;
	v27 =	vand.u32 $0x1FFF, v39;
	vm14 =	vgt.s32 v43, $0x176FFF;
	v60 =	vadd.s32 $0xFFE89000, v43  }
0x416: {  	v61 =	vadd.s32 $0x177000, v25;
	v62 =	vsel vm13, v58, v59;
	[tilespmem:s14+$0x1C9B0] =	vst v2;
	vm15 =	vgt.s32 v44, $0x176FFF  }
0x417: {  	s11 =	sadd.s32 $0x1, s11;
	v0 =	vadd.s32 $0xFFE89000, v44;
	v63 =	vadd.s32 $0x177000, v27;
	v1 =	vsel vm14, v60, v61;
	[tilespmem:s14+$0x1C9C0] =	vst v62  }
0x418: {  	p2 =	sne.s32 s11, $0x14;
	v0 =	vsel vm15, v0, v63;
	[tilespmem:s14+$0x1C9D0] =	vst v1  }
.Ltmp16:
0x419: {  	[tilespmem:s14+$0x1C9E0] =	vst v0;
	(pc) =	sbr.rel @p2 .LBB2_24-.Ltmp16, $4  }
0x41a: {  	[spmem:s6] =	stream.indirect.scatter.add.f32 [tilespmem:s26], [sflag:$0x4], $0x1, s2, s31, $0xb8;
	[tilespmem:$0x1DD00] =	vst v63  }
0x41b: {  	_ =	swait.ge [sflag:s22], $0x1400  }
0x41c: {  	[sflag:s22] =	ssyncset.done $0x0  }
0x41d: {  	[sflag:s22] =	ssyncadd.s32 $0xFFFFEC00  }
.LBB2_29:
0x41e: {  	[bflag:$0x0] =	sbarrier.arrive $0xFFFF;
	s9 =	sadd.s32 $0x0, s20  }
0x41f: {  	[hbm:s9], [sflag:s13] =	dma.local [spmem:s16], $0x10  }
0x420: {  	s9 =	simm.s32 $0x20;
	s11 =	rddreg [dreg:$0xe]  }
.LBB2_30:
0x421: {  	p2 =	sne.s32 s9, $0x5DA0  }
.Ltmp17:
0x422: {  	_ = 	snop;
	(pc) =	sbr.rel @p2 .LBB2_30-.Ltmp17, $4  }
0x423: {  	_ = 	snop  }
0x424: {  	s12 =	sadd.s32 s9, s20;
	s11 =	sadd.s32 $0x80, s11  }
0x425: {  	s9 =	sadd.s32 $0x20, s9;
	s14 =	sshrl.u32 s11, $0x3  }
0x426: {  	[hbm:s12], [sflag:s13] =	dma.local [spmem:s14], $0x10  }
0x427: {  	s9 =	simm.s32 $0x1  }
0x428: {  	_ =	swait.ge [sflag:s9], $0x2EE0  }
0x429: {  	s7 =	sadd.s32 $0x1, s7;
	s21 =	rddreg [dreg:$0xd]  }
0x42a: {  	p2 =	sne.s32 s7, s21  }
.Ltmp18:
0x42b: {  	_ = 	snop;
	(pc) =	sbr.rel @p2 .LBB2_1-.Ltmp18, $4  }
0x42c: {  	[sflag:s9] =	ssyncset.done $0x0  }
0x42d: {  	[sflag:s9] =	ssyncadd.s32 $0xFFFFD120  }
0x42e: {  	[bflag:$0x0] =	sbarrier.arrive $0xFFFF  }
0x42f: {  	s21 =	smov.u32 s18  }
0x430: {  	_ =	sfence.sel $0x180000  }
0x431: {  	[bflag:$0x0] =	sbarrier.arrive $0xFFFF  }
0x432: {  	_ =	strace $0x90000047  }
0x433: {  	[bflag:$0x2] =	sbarrier.arrive $0xFFFF  }
0x434: {  	s0 =	rddreg [dreg:$0x7]  }
0x435: {  	s0 =	sadd.s32 @!p0 $0x100000, s0  }
0x436: {  	[sflag:s0] =	ssyncadd.tile.s32 @!p0 $0x1;
	_ =	shalt  }
.Lfunc_end2:
_tile_overlayer_lowered:
.L_overlay_start_2:
0x437: {  	(tag) =	ssettag $0x2  }
0x438: {  	s0 =	rddreg [dreg:$0x0];
	s2 =	stileid.u32  }
0x439: {  	s1 =	rddreg [dreg:$0x1];
	p0 =	sne.s32 s2, $0x0  }
0x43a: {  	s3 =	rddreg [dreg:$0x2];
	[bflag:$0x3] =	sbarrier.arrive $0xFFFF;
	s2 =	simm.s32 @!p0 $0x1C04  }
0x43b: {  	[timem:s3], [sflag:s2] =	dma.local @!p0 [hbm:s0], s1  }
0x43c: {  	s0 =	simm.s32 @!p0 $0x4  }
0x43d: {  	_ =	swait.ge @!p0 [sflag:s0], s1  }
0x43e: {  	s1 =	ssub.s32 @!p0 $0x0, s1;
	[sflag:s0] =	ssyncset.done @!p0 $0x0  }
0x43f: {  	[sflag:s0] =	ssyncadd.s32 @!p0 s1  }
0x440: {  	[bflag:$0x3] =	sbarrier.arrive $0xFFFF  }
0x441: {  	_ =	shalt  }

</sc_bundles>
